<compile_context>
chip_gen: v7x
topology: tpu7x:2x2x1
jax: 0.10.2.dev20260603
libtpu: 0.0.44.dev20260713+nightly
codegen_flags: <defaults>
</compile_context>

<pallas_src>
import functools

import jax
import jax.numpy as jnp
from jax import lax
from jax.experimental import pallas as pl
from jax.experimental.pallas import tpu as pltpu
from jax.experimental.pallas import tpu_sc as plsc

_NCHUNK = 128
_NC = 2
_NS = 16
_LANES = 16


def _dist_argmin_body(kp_ref, pc_ref, sn_ref, idx_ref, nrm_ref,
                      k0_ref, k1_ref, k2_ref,
                      p0_ref, p1_ref, p2_ref,
                      s0_ref, s1_ref, s2_ref):
    n = pc_ref.shape[2]
    m = kp_ref.shape[2]
    B = kp_ref.shape[1]
    iota = lax.broadcasted_iota(jnp.int32, (m, _NCHUNK), 1)
    for b in range(B):
        kt = jnp.transpose(kp_ref[:, b, :], (1, 0))
        kc = [kt[:, c : c + 1] for c in range(3)]
        run_min = None
        run_chunk = None
        for j in range(n // _NCHUNK):
            sl = pl.ds(j * _NCHUNK, _NCHUNK)
            acc = None
            for c in range(3):
                d = kc[c] - pc_ref[c, b : b + 1, sl]
                acc = d * d if acc is None else acc + d * d
            if run_min is None:
                run_min = acc
                run_chunk = jnp.zeros((m, _NCHUNK), jnp.int32)
            else:
                mask = acc < run_min
                run_min = jnp.where(mask, acc, run_min)
                run_chunk = jnp.where(mask, j, run_chunk)
        gmin = jnp.min(run_min, axis=1, keepdims=True)
        cand = jnp.where(run_min == gmin, run_chunk * _NCHUNK + iota, n)
        idx = jnp.min(cand, axis=1)
        msl = pl.ds(b * m, m)
        nsl = pl.ds(b * n, n)
        idx_ref[0, msl] = idx + n * b
        nrm_ref[0, msl] = jnp.sqrt(gmin[:, 0])
        for c, r in enumerate((k0_ref, k1_ref, k2_ref)):
            r[0, msl] = kp_ref[c, b, :]
        for c, r in enumerate((p0_ref, p1_ref, p2_ref)):
            r[0, nsl] = pc_ref[c, b, :]
        for c, r in enumerate((s0_ref, s1_ref, s2_ref)):
            r[0, nsl] = sn_ref[c, b, :]


def _dist_argmin(kp, pc, sn):
    _, B, M = kp.shape
    N = pc.shape[2]
    m_spec = pl.BlockSpec((1, B * M), lambda: (0, 0))
    n_spec = pl.BlockSpec((1, B * N), lambda: (0, 0))
    return pl.pallas_call(
        _dist_argmin_body,
        grid=(),
        in_specs=[
            pl.BlockSpec((3, B, M), lambda: (0, 0, 0)),
            pl.BlockSpec((3, B, N), lambda: (0, 0, 0)),
            pl.BlockSpec((3, B, N), lambda: (0, 0, 0)),
        ],
        out_specs=[m_spec, m_spec, m_spec, m_spec, m_spec,
                   n_spec, n_spec, n_spec, n_spec, n_spec, n_spec],
        out_shape=[
            jax.ShapeDtypeStruct((1, B * M), jnp.int32),
            jax.ShapeDtypeStruct((1, B * M), jnp.float32),
            jax.ShapeDtypeStruct((1, B * M), jnp.float32),
            jax.ShapeDtypeStruct((1, B * M), jnp.float32),
            jax.ShapeDtypeStruct((1, B * M), jnp.float32),
            jax.ShapeDtypeStruct((1, B * N), jnp.float32),
            jax.ShapeDtypeStruct((1, B * N), jnp.float32),
            jax.ShapeDtypeStruct((1, B * N), jnp.float32),
            jax.ShapeDtypeStruct((1, B * N), jnp.float32),
            jax.ShapeDtypeStruct((1, B * N), jnp.float32),
            jax.ShapeDtypeStruct((1, B * N), jnp.float32),
        ],
    )(kp, pc, sn)


def _make_sc_gather_loss(total, wpt):
    mesh = plsc.VectorSubcoreMesh(
        core_axis_name="c", subcore_axis_name="s",
        num_cores=_NC, num_subcores=_NS,
    )

    @functools.partial(
        pl.kernel,
        out_type=jax.ShapeDtypeStruct((total,), jnp.float32),
        mesh=mesh,
        scratch_types=[
            pltpu.VMEM((wpt,), jnp.int32),
            [pltpu.VMEM((wpt,), jnp.float32) for _ in range(6)],
            [pltpu.VMEM((wpt,), jnp.float32) for _ in range(3)],
            pltpu.VMEM((wpt,), jnp.float32),
            pltpu.VMEM((wpt,), jnp.float32),
            pltpu.SemaphoreType.DMA,
            pltpu.SemaphoreType.DMA,
        ],
    )
    def sc_kernel(p0_hbm, p1_hbm, p2_hbm, s0_hbm, s1_hbm, s2_hbm,
                  k0_hbm, k1_hbm, k2_hbm, idx_hbm, nrm_hbm, out_hbm,
                  idx_v, gat_v, k_v, nrm_v, loss_v, sem, sem_idx):
        wid = lax.axis_index("s") * _NC + lax.axis_index("c")
        base = wid * wpt
        cp_idx = pltpu.async_copy(idx_hbm.at[pl.ds(base, wpt)], idx_v,
                                  sem_idx)
        copies = [pltpu.async_copy(nrm_hbm.at[pl.ds(base, wpt)], nrm_v, sem)]
        for c, src in enumerate((k0_hbm, k1_hbm, k2_hbm)):
            copies.append(pltpu.async_copy(
                src.at[pl.ds(base, wpt)], k_v[c], sem))
        cp_idx.wait()
        copies += [
            pltpu.async_copy(src.at[idx_v], gat_v[i], sem)
            for i, src in enumerate(
                (p0_hbm, p1_hbm, p2_hbm, s0_hbm, s1_hbm, s2_hbm))
        ]
        for cp in copies:
            cp.wait()
        for g in range(wpt // _LANES):
            sl = pl.ds(g * _LANES, _LANES)
            p0, p1, p2 = gat_v[0][sl], gat_v[1][sl], gat_v[2][sl]
            s0, s1, s2 = gat_v[3][sl], gat_v[4][sl], gat_v[5][sl]
            inv = 1.0 / (nrm_v[sl] + 1e-7)
            t0 = (k_v[0][sl] - p0) * inv
            t1 = (k_v[1][sl] - p1) * inv
            t2 = (k_v[2][sl] - p2) * inv
            dot = s0 * t0 + s1 * t1 + s2 * t2
            loss_v[sl] = dot * dot
        pltpu.sync_copy(loss_v, out_hbm.at[pl.ds(base, wpt)])

    return sc_kernel


def kernel(keypoint, pc, sn):
    B, _, M = keypoint.shape
    N = pc.shape[2]
    outs = _dist_argmin(jnp.transpose(keypoint, (1, 0, 2)),
                        jnp.transpose(pc, (1, 0, 2)),
                        jnp.transpose(sn, (1, 0, 2)))
    idxf, nrmf, k0, k1, k2, p0, p1, p2, s0, s1, s2 = [
        o.reshape(-1) for o in outs]
    total = B * M
    wpt = total // (_NC * _NS)
    sck = _make_sc_gather_loss(total, wpt)
    loss = sck(p0, p1, p2, s0, s1, s2, k0, k1, k2, idxf, nrmf)
    return loss.reshape(B, M, 1, 1)

# --- scband reference (transcript-rebuilt; emitter-appended) ---
"""Pipeline reference for scband-keypoint-on-pcloss-30992484008034 (READ-ONLY COPY).

The authoritative reference and input builder live on the scoring server;
editing this copy changes nothing except your own understanding.
"""

import jax, jax.numpy as jnp
import numpy as np


def setup_inputs(seed: int = 0) -> dict:
    key = jax.random.key(seed)
    k1, k2, k3 = jax.random.split(key, 3)
    B, M, N = 4, 512, 4096
    keypoint = jax.random.normal(k1, (B, 3, M), dtype=jnp.float32)
    pc = jax.random.normal(k2, (B, 3, N), dtype=jnp.float32)
    sn = jax.random.normal(k3, (B, 3, N), dtype=jnp.float32)
    return {"keypoint": keypoint, "pc": pc, "sn": sn}


def reference(keypoint, pc, sn):
    # keypoint: Bx3xM, pc: Bx3xN, sn: Bx3xN
    B, M = keypoint.shape[0], keypoint.shape[2]
    N = pc.shape[2]
    # pairwise distances B x M x N (brute-force KNN with k=1)
    diff = jnp.linalg.norm(keypoint[:, :, :, None] - pc[:, :, None, :], axis=1)
    keypoint_pc_min_I = jnp.argmin(diff, axis=2)  # B x M
    idx = keypoint_pc_min_I[:, None, :]  # B x 1 x M, broadcast over channel dim
    idx3 = jnp.broadcast_to(idx, (B, 3, M))
    pc_selected = jnp.take_along_axis(pc, idx3, axis=2)  # B x 3 x M
    sn_selected = jnp.take_along_axis(sn, idx3, axis=2)  # B x 3 x M
    keypoint_minus_pc = keypoint - pc_selected
    keypoint_minus_pc_norm = jnp.linalg.norm(keypoint_minus_pc, axis=1, keepdims=True)
    keypoint_minus_pc_normalized = keypoint_minus_pc / (keypoint_minus_pc_norm + 1e-07)
    sn_selected_t = jnp.transpose(sn_selected, (0, 2, 1))  # B x M x 3
    kmp_t = jnp.transpose(keypoint_minus_pc_normalized, (0, 2, 1))  # B x M x 3
    loss = jnp.matmul(sn_selected_t[:, :, None, :], kmp_t[:, :, :, None]) ** 2  # B x M x 1 x 1
    return loss

if __name__ == "__main__":
    import jax
    _d = setup_inputs()
    print(jax.jit(kernel)(*tuple(_d.values())))

</pallas_src>

<mosaic_0001>
#map = affine_map<(d0, d1) -> (0)>
module attributes {stable_mosaic.version = 14 : i64} {
  func.func @sc_kernel(%arg0: i32, %arg1: i32, %arg2: memref<16384xf32, #tpu.memory_space<hbm>>, %arg3: memref<16384xf32, #tpu.memory_space<hbm>>, %arg4: memref<16384xf32, #tpu.memory_space<hbm>>, %arg5: memref<16384xf32, #tpu.memory_space<hbm>>, %arg6: memref<16384xf32, #tpu.memory_space<hbm>>, %arg7: memref<16384xf32, #tpu.memory_space<hbm>>, %arg8: memref<2048xf32, #tpu.memory_space<hbm>>, %arg9: memref<2048xf32, #tpu.memory_space<hbm>>, %arg10: memref<2048xf32, #tpu.memory_space<hbm>>, %arg11: memref<2048xi32, #tpu.memory_space<hbm>>, %arg12: memref<2048xf32, #tpu.memory_space<hbm>>, %arg13: memref<2048xf32, #tpu.memory_space<hbm>>, %arg14: memref<64xi32, #tpu.memory_space<vmem>>, %arg15: memref<64xf32, #tpu.memory_space<vmem>>, %arg16: memref<64xf32, #tpu.memory_space<vmem>>, %arg17: memref<64xf32, #tpu.memory_space<vmem>>, %arg18: memref<64xf32, #tpu.memory_space<vmem>>, %arg19: memref<64xf32, #tpu.memory_space<vmem>>, %arg20: memref<64xf32, #tpu.memory_space<vmem>>, %arg21: memref<64xf32, #tpu.memory_space<vmem>>, %arg22: memref<64xf32, #tpu.memory_space<vmem>>, %arg23: memref<64xf32, #tpu.memory_space<vmem>>, %arg24: memref<64xf32, #tpu.memory_space<vmem>>, %arg25: memref<64xf32, #tpu.memory_space<vmem>>, %arg26: memref<!tpu.dma_semaphore, #tpu.memory_space<semaphore_mem>>, %arg27: memref<!tpu.dma_semaphore, #tpu.memory_space<semaphore_mem>>) attributes {dimension_semantics = [#tpu.dimension_semantics<core_parallel>, #tpu.dimension_semantics<subcore_parallel>], iteration_bounds = array<i64: 2, 16>, scalar_prefetch = 0 : i64, scratch_operands = 14 : i64, tpu.core_type = #tpu.core_type<sc_vector_subcore>, window_params = [{transform_indices = #map}, {transform_indices = #map}, {transform_indices = #map}, {transform_indices = #map}, {transform_indices = #map}, {transform_indices = #map}, {transform_indices = #map}, {transform_indices = #map}, {transform_indices = #map}, {transform_indices = #map}, {transform_indices = #map}, {transform_indices = #map}]} {
    %mul3A = arith.constant 2 : i32
    %mul3A_0 = arith.muli %arg1, %mul3A : i32
    %add3A = arith.addi %mul3A_0, %arg0 : i32
    %mul3A_1 = arith.constant 64 : i32
    %mul3A_2 = arith.muli %add3A, %mul3A_1 : i32
    %dma_start3A = tpu.memref_slice %arg11[%mul3A_2] : memref<2048xi32, #tpu.memory_space<hbm>> -> memref<64xi32, #tpu.memory_space<hbm>>
    %dma_start3A_3 = tpu.memref_slice %arg11[%mul3A_2] : memref<2048xi32, #tpu.memory_space<hbm>> -> memref<64xi32, #tpu.memory_space<hbm>>
    tpu.enqueue_dma source(%dma_start3A_3 : memref<64xi32, #tpu.memory_space<hbm>>) target(%arg14 : memref<64xi32, #tpu.memory_space<vmem>>) target_semaphore(%arg27 : memref<!tpu.dma_semaphore, #tpu.memory_space<semaphore_mem>>)
    %dma_start3A_4 = tpu.memref_slice %arg12[%mul3A_2] : memref<2048xf32, #tpu.memory_space<hbm>> -> memref<64xf32, #tpu.memory_space<hbm>>
    %dma_start3A_5 = tpu.memref_slice %arg12[%mul3A_2] : memref<2048xf32, #tpu.memory_space<hbm>> -> memref<64xf32, #tpu.memory_space<hbm>>
    tpu.enqueue_dma source(%dma_start3A_5 : memref<64xf32, #tpu.memory_space<hbm>>) target(%arg24 : memref<64xf32, #tpu.memory_space<vmem>>) target_semaphore(%arg26 : memref<!tpu.dma_semaphore, #tpu.memory_space<semaphore_mem>>)
    %dma_start3A_6 = tpu.memref_slice %arg8[%mul3A_2] : memref<2048xf32, #tpu.memory_space<hbm>> -> memref<64xf32, #tpu.memory_space<hbm>>
    %dma_start3A_7 = tpu.memref_slice %arg8[%mul3A_2] : memref<2048xf32, #tpu.memory_space<hbm>> -> memref<64xf32, #tpu.memory_space<hbm>>
    tpu.enqueue_dma source(%dma_start3A_7 : memref<64xf32, #tpu.memory_space<hbm>>) target(%arg21 : memref<64xf32, #tpu.memory_space<vmem>>) target_semaphore(%arg26 : memref<!tpu.dma_semaphore, #tpu.memory_space<semaphore_mem>>)
    %dma_start3A_8 = tpu.memref_slice %arg9[%mul3A_2] : memref<2048xf32, #tpu.memory_space<hbm>> -> memref<64xf32, #tpu.memory_space<hbm>>
    %dma_start3A_9 = tpu.memref_slice %arg9[%mul3A_2] : memref<2048xf32, #tpu.memory_space<hbm>> -> memref<64xf32, #tpu.memory_space<hbm>>
    tpu.enqueue_dma source(%dma_start3A_9 : memref<64xf32, #tpu.memory_space<hbm>>) target(%arg22 : memref<64xf32, #tpu.memory_space<vmem>>) target_semaphore(%arg26 : memref<!tpu.dma_semaphore, #tpu.memory_space<semaphore_mem>>)
    %dma_start3A_10 = tpu.memref_slice %arg10[%mul3A_2] : memref<2048xf32, #tpu.memory_space<hbm>> -> memref<64xf32, #tpu.memory_space<hbm>>
    %dma_start3A_11 = tpu.memref_slice %arg10[%mul3A_2] : memref<2048xf32, #tpu.memory_space<hbm>> -> memref<64xf32, #tpu.memory_space<hbm>>
    tpu.enqueue_dma source(%dma_start3A_11 : memref<64xf32, #tpu.memory_space<hbm>>) target(%arg23 : memref<64xf32, #tpu.memory_space<vmem>>) target_semaphore(%arg26 : memref<!tpu.dma_semaphore, #tpu.memory_space<semaphore_mem>>)
    %dma_wait3A = tpu.memref_slice %arg11[%mul3A_2] : memref<2048xi32, #tpu.memory_space<hbm>> -> memref<64xi32, #tpu.memory_space<hbm>>
    %dma_wait3A_12 = tpu.memref_slice %arg11[%mul3A_2] : memref<2048xi32, #tpu.memory_space<hbm>> -> memref<64xi32, #tpu.memory_space<hbm>>
    tpu.wait_dma2 semaphore(%arg27 : memref<!tpu.dma_semaphore, #tpu.memory_space<semaphore_mem>>) src(%dma_wait3A_12 : memref<64xi32, #tpu.memory_space<hbm>>) dst(%arg14 : memref<64xi32, #tpu.memory_space<vmem>>)
    %dma_start3A_13 = arith.constant 0 : i32
    %dma_start3A_14 = tpu.memref_slice %arg2[%dma_start3A_13] : memref<16384xf32, #tpu.memory_space<hbm>> -> memref<16384xf32, #tpu.memory_space<hbm>>
    tpu.enqueue_indirect_dma source(%dma_start3A_14 : memref<16384xf32, #tpu.memory_space<hbm>>) target(%arg15 : memref<64xf32, #tpu.memory_space<vmem>>) offsets(%arg14 : memref<64xi32, #tpu.memory_space<vmem>>) semaphore(%arg26 : memref<!tpu.dma_semaphore, #tpu.memory_space<semaphore_mem>>)
    %dma_start3A_15 = arith.constant 0 : i32
    %dma_start3A_16 = tpu.memref_slice %arg3[%dma_start3A_15] : memref<16384xf32, #tpu.memory_space<hbm>> -> memref<16384xf32, #tpu.memory_space<hbm>>
    tpu.enqueue_indirect_dma source(%dma_start3A_16 : memref<16384xf32, #tpu.memory_space<hbm>>) target(%arg16 : memref<64xf32, #tpu.memory_space<vmem>>) offsets(%arg14 : memref<64xi32, #tpu.memory_space<vmem>>) semaphore(%arg26 : memref<!tpu.dma_semaphore, #tpu.memory_space<semaphore_mem>>)
    %dma_start3A_17 = arith.constant 0 : i32
    %dma_start3A_18 = tpu.memref_slice %arg4[%dma_start3A_17] : memref<16384xf32, #tpu.memory_space<hbm>> -> memref<16384xf32, #tpu.memory_space<hbm>>
    tpu.enqueue_indirect_dma source(%dma_start3A_18 : memref<16384xf32, #tpu.memory_space<hbm>>) target(%arg17 : memref<64xf32, #tpu.memory_space<vmem>>) offsets(%arg14 : memref<64xi32, #tpu.memory_space<vmem>>) semaphore(%arg26 : memref<!tpu.dma_semaphore, #tpu.memory_space<semaphore_mem>>)
    %dma_start3A_19 = arith.constant 0 : i32
    %dma_start3A_20 = tpu.memref_slice %arg5[%dma_start3A_19] : memref<16384xf32, #tpu.memory_space<hbm>> -> memref<16384xf32, #tpu.memory_space<hbm>>
    tpu.enqueue_indirect_dma source(%dma_start3A_20 : memref<16384xf32, #tpu.memory_space<hbm>>) target(%arg18 : memref<64xf32, #tpu.memory_space<vmem>>) offsets(%arg14 : memref<64xi32, #tpu.memory_space<vmem>>) semaphore(%arg26 : memref<!tpu.dma_semaphore, #tpu.memory_space<semaphore_mem>>)
    %dma_start3A_21 = arith.constant 0 : i32
    %dma_start3A_22 = tpu.memref_slice %arg6[%dma_start3A_21] : memref<16384xf32, #tpu.memory_space<hbm>> -> memref<16384xf32, #tpu.memory_space<hbm>>
    tpu.enqueue_indirect_dma source(%dma_start3A_22 : memref<16384xf32, #tpu.memory_space<hbm>>) target(%arg19 : memref<64xf32, #tpu.memory_space<vmem>>) offsets(%arg14 : memref<64xi32, #tpu.memory_space<vmem>>) semaphore(%arg26 : memref<!tpu.dma_semaphore, #tpu.memory_space<semaphore_mem>>)
    %dma_start3A_23 = arith.constant 0 : i32
    %dma_start3A_24 = tpu.memref_slice %arg7[%dma_start3A_23] : memref<16384xf32, #tpu.memory_space<hbm>> -> memref<16384xf32, #tpu.memory_space<hbm>>
    tpu.enqueue_indirect_dma source(%dma_start3A_24 : memref<16384xf32, #tpu.memory_space<hbm>>) target(%arg20 : memref<64xf32, #tpu.memory_space<vmem>>) offsets(%arg14 : memref<64xi32, #tpu.memory_space<vmem>>) semaphore(%arg26 : memref<!tpu.dma_semaphore, #tpu.memory_space<semaphore_mem>>)
    %dma_wait3A_25 = tpu.memref_slice %arg12[%mul3A_2] : memref<2048xf32, #tpu.memory_space<hbm>> -> memref<64xf32, #tpu.memory_space<hbm>>
    %dma_wait3A_26 = tpu.memref_slice %arg12[%mul3A_2] : memref<2048xf32, #tpu.memory_space<hbm>> -> memref<64xf32, #tpu.memory_space<hbm>>
    tpu.wait_dma2 semaphore(%arg26 : memref<!tpu.dma_semaphore, #tpu.memory_space<semaphore_mem>>) src(%dma_wait3A_26 : memref<64xf32, #tpu.memory_space<hbm>>) dst(%arg24 : memref<64xf32, #tpu.memory_space<vmem>>)
    %dma_wait3A_27 = tpu.memref_slice %arg8[%mul3A_2] : memref<2048xf32, #tpu.memory_space<hbm>> -> memref<64xf32, #tpu.memory_space<hbm>>
    %dma_wait3A_28 = tpu.memref_slice %arg8[%mul3A_2] : memref<2048xf32, #tpu.memory_space<hbm>> -> memref<64xf32, #tpu.memory_space<hbm>>
    tpu.wait_dma2 semaphore(%arg26 : memref<!tpu.dma_semaphore, #tpu.memory_space<semaphore_mem>>) src(%dma_wait3A_28 : memref<64xf32, #tpu.memory_space<hbm>>) dst(%arg21 : memref<64xf32, #tpu.memory_space<vmem>>)
    %dma_wait3A_29 = tpu.memref_slice %arg9[%mul3A_2] : memref<2048xf32, #tpu.memory_space<hbm>> -> memref<64xf32, #tpu.memory_space<hbm>>
    %dma_wait3A_30 = tpu.memref_slice %arg9[%mul3A_2] : memref<2048xf32, #tpu.memory_space<hbm>> -> memref<64xf32, #tpu.memory_space<hbm>>
    tpu.wait_dma2 semaphore(%arg26 : memref<!tpu.dma_semaphore, #tpu.memory_space<semaphore_mem>>) src(%dma_wait3A_30 : memref<64xf32, #tpu.memory_space<hbm>>) dst(%arg22 : memref<64xf32, #tpu.memory_space<vmem>>)
    %dma_wait3A_31 = tpu.memref_slice %arg10[%mul3A_2] : memref<2048xf32, #tpu.memory_space<hbm>> -> memref<64xf32, #tpu.memory_space<hbm>>
    %dma_wait3A_32 = tpu.memref_slice %arg10[%mul3A_2] : memref<2048xf32, #tpu.memory_space<hbm>> -> memref<64xf32, #tpu.memory_space<hbm>>
    tpu.wait_dma2 semaphore(%arg26 : memref<!tpu.dma_semaphore, #tpu.memory_space<semaphore_mem>>) src(%dma_wait3A_32 : memref<64xf32, #tpu.memory_space<hbm>>) dst(%arg23 : memref<64xf32, #tpu.memory_space<vmem>>)
    %dma_wait3A_33 = arith.constant 0 : i32
    %dma_wait3A_34 = tpu.memref_slice %arg2[%dma_wait3A_33] : memref<16384xf32, #tpu.memory_space<hbm>> -> memref<16384xf32, #tpu.memory_space<hbm>>
    tpu.wait_indirect_dma semaphore(%arg26 : memref<!tpu.dma_semaphore, #tpu.memory_space<semaphore_mem>>) src(%dma_wait3A_34 : memref<16384xf32, #tpu.memory_space<hbm>>) dst(%arg15 : memref<64xf32, #tpu.memory_space<vmem>>)
    %dma_wait3A_35 = arith.constant 0 : i32
    %dma_wait3A_36 = tpu.memref_slice %arg3[%dma_wait3A_35] : memref<16384xf32, #tpu.memory_space<hbm>> -> memref<16384xf32, #tpu.memory_space<hbm>>
    tpu.wait_indirect_dma semaphore(%arg26 : memref<!tpu.dma_semaphore, #tpu.memory_space<semaphore_mem>>) src(%dma_wait3A_36 : memref<16384xf32, #tpu.memory_space<hbm>>) dst(%arg16 : memref<64xf32, #tpu.memory_space<vmem>>)
    %dma_wait3A_37 = arith.constant 0 : i32
    %dma_wait3A_38 = tpu.memref_slice %arg4[%dma_wait3A_37] : memref<16384xf32, #tpu.memory_space<hbm>> -> memref<16384xf32, #tpu.memory_space<hbm>>
    tpu.wait_indirect_dma semaphore(%arg26 : memref<!tpu.dma_semaphore, #tpu.memory_space<semaphore_mem>>) src(%dma_wait3A_38 : memref<16384xf32, #tpu.memory_space<hbm>>) dst(%arg17 : memref<64xf32, #tpu.memory_space<vmem>>)
    %dma_wait3A_39 = arith.constant 0 : i32
    %dma_wait3A_40 = tpu.memref_slice %arg5[%dma_wait3A_39] : memref<16384xf32, #tpu.memory_space<hbm>> -> memref<16384xf32, #tpu.memory_space<hbm>>
    tpu.wait_indirect_dma semaphore(%arg26 : memref<!tpu.dma_semaphore, #tpu.memory_space<semaphore_mem>>) src(%dma_wait3A_40 : memref<16384xf32, #tpu.memory_space<hbm>>) dst(%arg18 : memref<64xf32, #tpu.memory_space<vmem>>)
    %dma_wait3A_41 = arith.constant 0 : i32
    %dma_wait3A_42 = tpu.memref_slice %arg6[%dma_wait3A_41] : memref<16384xf32, #tpu.memory_space<hbm>> -> memref<16384xf32, #tpu.memory_space<hbm>>
    tpu.wait_indirect_dma semaphore(%arg26 : memref<!tpu.dma_semaphore, #tpu.memory_space<semaphore_mem>>) src(%dma_wait3A_42 : memref<16384xf32, #tpu.memory_space<hbm>>) dst(%arg19 : memref<64xf32, #tpu.memory_space<vmem>>)
    %dma_wait3A_43 = arith.constant 0 : i32
    %dma_wait3A_44 = tpu.memref_slice %arg7[%dma_wait3A_43] : memref<16384xf32, #tpu.memory_space<hbm>> -> memref<16384xf32, #tpu.memory_space<hbm>>
    tpu.wait_indirect_dma semaphore(%arg26 : memref<!tpu.dma_semaphore, #tpu.memory_space<semaphore_mem>>) src(%dma_wait3A_44 : memref<16384xf32, #tpu.memory_space<hbm>>) dst(%arg20 : memref<64xf32, #tpu.memory_space<vmem>>)
    %get3A = arith.constant 0 : index
    %get3A_45 = tpu.vector_load %arg15[%get3A] {strides = array<i32>} : memref<64xf32, #tpu.memory_space<vmem>>, vector<16xf32>,
    %get3A_46 = vector.shape_cast %get3A_45 : vector<16xf32> to vector<16xf32>
    %get3A_47 = arith.constant 0 : index
    %get3A_48 = tpu.vector_load %arg16[%get3A_47] {strides = array<i32>} : memref<64xf32, #tpu.memory_space<vmem>>, vector<16xf32>,
    %get3A_49 = vector.shape_cast %get3A_48 : vector<16xf32> to vector<16xf32>
    %get3A_50 = arith.constant 0 : index
    %get3A_51 = tpu.vector_load %arg17[%get3A_50] {strides = array<i32>} : memref<64xf32, #tpu.memory_space<vmem>>, vector<16xf32>,
    %get3A_52 = vector.shape_cast %get3A_51 : vector<16xf32> to vector<16xf32>
    %get3A_53 = arith.constant 0 : index
    %get3A_54 = tpu.vector_load %arg18[%get3A_53] {strides = array<i32>} : memref<64xf32, #tpu.memory_space<vmem>>, vector<16xf32>,
    %get3A_55 = vector.shape_cast %get3A_54 : vector<16xf32> to vector<16xf32>
    %get3A_56 = arith.constant 0 : index
    %get3A_57 = tpu.vector_load %arg19[%get3A_56] {strides = array<i32>} : memref<64xf32, #tpu.memory_space<vmem>>, vector<16xf32>,
    %get3A_58 = vector.shape_cast %get3A_57 : vector<16xf32> to vector<16xf32>
    %get3A_59 = arith.constant 0 : index
    %get3A_60 = tpu.vector_load %arg20[%get3A_59] {strides = array<i32>} : memref<64xf32, #tpu.memory_space<vmem>>, vector<16xf32>,
    %get3A_61 = vector.shape_cast %get3A_60 : vector<16xf32> to vector<16xf32>
    %get3A_62 = arith.constant 0 : index
    %get3A_63 = tpu.vector_load %arg24[%get3A_62] {strides = array<i32>} : memref<64xf32, #tpu.memory_space<vmem>>, vector<16xf32>,
    %get3A_64 = vector.shape_cast %get3A_63 : vector<16xf32> to vector<16xf32>
    %add3A_65 = arith.constant 1.000000e-07 : f32
    %add3A_66 = vector.broadcast %add3A_65 : f32 to vector<16xf32>
    %add3A_67 = arith.addf %get3A_64, %add3A_66 : vector<16xf32>
    %div3A = arith.constant 1.000000e+00 : f32
    %div3A_68 = vector.broadcast %div3A : f32 to vector<16xf32>
    %div3A_69 = arith.divf %div3A_68, %add3A_67 : vector<16xf32>
    %get3A_70 = arith.constant 0 : index
    %get3A_71 = tpu.vector_load %arg21[%get3A_70] {strides = array<i32>} : memref<64xf32, #tpu.memory_space<vmem>>, vector<16xf32>,
    %get3A_72 = vector.shape_cast %get3A_71 : vector<16xf32> to vector<16xf32>
    %sub3A = arith.subf %get3A_72, %get3A_46 : vector<16xf32>
    %mul3A_73 = arith.mulf %sub3A, %div3A_69 : vector<16xf32>
    %get3A_74 = arith.constant 0 : index
    %get3A_75 = tpu.vector_load %arg22[%get3A_74] {strides = array<i32>} : memref<64xf32, #tpu.memory_space<vmem>>, vector<16xf32>,
    %get3A_76 = vector.shape_cast %get3A_75 : vector<16xf32> to vector<16xf32>
    %sub3A_77 = arith.subf %get3A_76, %get3A_49 : vector<16xf32>
    %mul3A_78 = arith.mulf %sub3A_77, %div3A_69 : vector<16xf32>
    %get3A_79 = arith.constant 0 : index
    %get3A_80 = tpu.vector_load %arg23[%get3A_79] {strides = array<i32>} : memref<64xf32, #tpu.memory_space<vmem>>, vector<16xf32>,
    %get3A_81 = vector.shape_cast %get3A_80 : vector<16xf32> to vector<16xf32>
    %sub3A_82 = arith.subf %get3A_81, %get3A_52 : vector<16xf32>
    %mul3A_83 = arith.mulf %sub3A_82, %div3A_69 : vector<16xf32>
    %mul3A_84 = arith.mulf %get3A_55, %mul3A_73 : vector<16xf32>
    %mul3A_85 = arith.mulf %get3A_58, %mul3A_78 : vector<16xf32>
    %add3A_86 = arith.addf %mul3A_84, %mul3A_85 : vector<16xf32>
    %mul3A_87 = arith.mulf %get3A_61, %mul3A_83 : vector<16xf32>
    %add3A_88 = arith.addf %add3A_86, %mul3A_87 : vector<16xf32>
    %mul3A_89 = arith.mulf %add3A_88, %add3A_88 : vector<16xf32>
    %swap3A = arith.constant 0 : index
    %swap3A_90 = tpu.vector_load %arg25[%swap3A] {strides = array<i32>} : memref<64xf32, #tpu.memory_space<vmem>>, vector<16xf32>,
    %swap3A_91 = vector.shape_cast %swap3A_90 : vector<16xf32> to vector<16xf32>
    %swap3A_92 = vector.shape_cast %mul3A_89 : vector<16xf32> to vector<16xf32>
    tpu.vector_store %arg25[%swap3A], %swap3A_92 {strides = array<i32>} : memref<64xf32, #tpu.memory_space<vmem>>, vector<16xf32>,
    %get3A_93 = arith.constant 16 : index
    %get3A_94 = tpu.vector_load %arg15[%get3A_93] {strides = array<i32>} : memref<64xf32, #tpu.memory_space<vmem>>, vector<16xf32>,
    %get3A_95 = vector.shape_cast %get3A_94 : vector<16xf32> to vector<16xf32>
    %get3A_96 = arith.constant 16 : index
    %get3A_97 = tpu.vector_load %arg16[%get3A_96] {strides = array<i32>} : memref<64xf32, #tpu.memory_space<vmem>>, vector<16xf32>,
    %get3A_98 = vector.shape_cast %get3A_97 : vector<16xf32> to vector<16xf32>
    %get3A_99 = arith.constant 16 : index
    %get3A_100 = tpu.vector_load %arg17[%get3A_99] {strides = array<i32>} : memref<64xf32, #tpu.memory_space<vmem>>, vector<16xf32>,
    %get3A_101 = vector.shape_cast %get3A_100 : vector<16xf32> to vector<16xf32>
    %get3A_102 = arith.constant 16 : index
    %get3A_103 = tpu.vector_load %arg18[%get3A_102] {strides = array<i32>} : memref<64xf32, #tpu.memory_space<vmem>>, vector<16xf32>,
    %get3A_104 = vector.shape_cast %get3A_103 : vector<16xf32> to vector<16xf32>
    %get3A_105 = arith.constant 16 : index
    %get3A_106 = tpu.vector_load %arg19[%get3A_105] {strides = array<i32>} : memref<64xf32, #tpu.memory_space<vmem>>, vector<16xf32>,
    %get3A_107 = vector.shape_cast %get3A_106 : vector<16xf32> to vector<16xf32>
    %get3A_108 = arith.constant 16 : index
    %get3A_109 = tpu.vector_load %arg20[%get3A_108] {strides = array<i32>} : memref<64xf32, #tpu.memory_space<vmem>>, vector<16xf32>,
    %get3A_110 = vector.shape_cast %get3A_109 : vector<16xf32> to vector<16xf32>
    %get3A_111 = arith.constant 16 : index
    %get3A_112 = tpu.vector_load %arg24[%get3A_111] {strides = array<i32>} : memref<64xf32, #tpu.memory_space<vmem>>, vector<16xf32>,
    %get3A_113 = vector.shape_cast %get3A_112 : vector<16xf32> to vector<16xf32>
    %add3A_114 = arith.constant 1.000000e-07 : f32
    %add3A_115 = vector.broadcast %add3A_114 : f32 to vector<16xf32>
    %add3A_116 = arith.addf %get3A_113, %add3A_115 : vector<16xf32>
    %div3A_117 = arith.constant 1.000000e+00 : f32
    %div3A_118 = vector.broadcast %div3A_117 : f32 to vector<16xf32>
    %div3A_119 = arith.divf %div3A_118, %add3A_116 : vector<16xf32>
    %get3A_120 = arith.constant 16 : index
    %get3A_121 = tpu.vector_load %arg21[%get3A_120] {strides = array<i32>} : memref<64xf32, #tpu.memory_space<vmem>>, vector<16xf32>,
    %get3A_122 = vector.shape_cast %get3A_121 : vector<16xf32> to vector<16xf32>
    %sub3A_123 = arith.subf %get3A_122, %get3A_95 : vector<16xf32>
    %mul3A_124 = arith.mulf %sub3A_123, %div3A_119 : vector<16xf32>
    %get3A_125 = arith.constant 16 : index
    %get3A_126 = tpu.vector_load %arg22[%get3A_125] {strides = array<i32>} : memref<64xf32, #tpu.memory_space<vmem>>, vector<16xf32>,
    %get3A_127 = vector.shape_cast %get3A_126 : vector<16xf32> to vector<16xf32>
    %sub3A_128 = arith.subf %get3A_127, %get3A_98 : vector<16xf32>
    %mul3A_129 = arith.mulf %sub3A_128, %div3A_119 : vector<16xf32>
    %get3A_130 = arith.constant 16 : index
    %get3A_131 = tpu.vector_load %arg23[%get3A_130] {strides = array<i32>} : memref<64xf32, #tpu.memory_space<vmem>>, vector<16xf32>,
    %get3A_132 = vector.shape_cast %get3A_131 : vector<16xf32> to vector<16xf32>
    %sub3A_133 = arith.subf %get3A_132, %get3A_101 : vector<16xf32>
    %mul3A_134 = arith.mulf %sub3A_133, %div3A_119 : vector<16xf32>
    %mul3A_135 = arith.mulf %get3A_104, %mul3A_124 : vector<16xf32>
    %mul3A_136 = arith.mulf %get3A_107, %mul3A_129 : vector<16xf32>
    %add3A_137 = arith.addf %mul3A_135, %mul3A_136 : vector<16xf32>
    %mul3A_138 = arith.mulf %get3A_110, %mul3A_134 : vector<16xf32>
    %add3A_139 = arith.addf %add3A_137, %mul3A_138 : vector<16xf32>
    %mul3A_140 = arith.mulf %add3A_139, %add3A_139 : vector<16xf32>
    %swap3A_141 = arith.constant 16 : index
    %swap3A_142 = tpu.vector_load %arg25[%swap3A_141] {strides = array<i32>} : memref<64xf32, #tpu.memory_space<vmem>>, vector<16xf32>,
    %swap3A_143 = vector.shape_cast %swap3A_142 : vector<16xf32> to vector<16xf32>
    %swap3A_144 = vector.shape_cast %mul3A_140 : vector<16xf32> to vector<16xf32>
    tpu.vector_store %arg25[%swap3A_141], %swap3A_144 {strides = array<i32>} : memref<64xf32, #tpu.memory_space<vmem>>, vector<16xf32>,
    %get3A_145 = arith.constant 32 : index
    %get3A_146 = tpu.vector_load %arg15[%get3A_145] {strides = array<i32>} : memref<64xf32, #tpu.memory_space<vmem>>, vector<16xf32>,
    %get3A_147 = vector.shape_cast %get3A_146 : vector<16xf32> to vector<16xf32>
    %get3A_148 = arith.constant 32 : index
    %get3A_149 = tpu.vector_load %arg16[%get3A_148] {strides = array<i32>} : memref<64xf32, #tpu.memory_space<vmem>>, vector<16xf32>,
    %get3A_150 = vector.shape_cast %get3A_149 : vector<16xf32> to vector<16xf32>
    %get3A_151 = arith.constant 32 : index
    %get3A_152 = tpu.vector_load %arg17[%get3A_151] {strides = array<i32>} : memref<64xf32, #tpu.memory_space<vmem>>, vector<16xf32>,
    %get3A_153 = vector.shape_cast %get3A_152 : vector<16xf32> to vector<16xf32>
    %get3A_154 = arith.constant 32 : index
    %get3A_155 = tpu.vector_load %arg18[%get3A_154] {strides = array<i32>} : memref<64xf32, #tpu.memory_space<vmem>>, vector<16xf32>,
    %get3A_156 = vector.shape_cast %get3A_155 : vector<16xf32> to vector<16xf32>
    %get3A_157 = arith.constant 32 : index
    %get3A_158 = tpu.vector_load %arg19[%get3A_157] {strides = array<i32>} : memref<64xf32, #tpu.memory_space<vmem>>, vector<16xf32>,
    %get3A_159 = vector.shape_cast %get3A_158 : vector<16xf32> to vector<16xf32>
    %get3A_160 = arith.constant 32 : index
    %get3A_161 = tpu.vector_load %arg20[%get3A_160] {strides = array<i32>} : memref<64xf32, #tpu.memory_space<vmem>>, vector<16xf32>,
    %get3A_162 = vector.shape_cast %get3A_161 : vector<16xf32> to vector<16xf32>
    %get3A_163 = arith.constant 32 : index
    %get3A_164 = tpu.vector_load %arg24[%get3A_163] {strides = array<i32>} : memref<64xf32, #tpu.memory_space<vmem>>, vector<16xf32>,
    %get3A_165 = vector.shape_cast %get3A_164 : vector<16xf32> to vector<16xf32>
    %add3A_166 = arith.constant 1.000000e-07 : f32
    %add3A_167 = vector.broadcast %add3A_166 : f32 to vector<16xf32>
    %add3A_168 = arith.addf %get3A_165, %add3A_167 : vector<16xf32>
    %div3A_169 = arith.constant 1.000000e+00 : f32
    %div3A_170 = vector.broadcast %div3A_169 : f32 to vector<16xf32>
    %div3A_171 = arith.divf %div3A_170, %add3A_168 : vector<16xf32>
    %get3A_172 = arith.constant 32 : index
    %get3A_173 = tpu.vector_load %arg21[%get3A_172] {strides = array<i32>} : memref<64xf32, #tpu.memory_space<vmem>>, vector<16xf32>,
    %get3A_174 = vector.shape_cast %get3A_173 : vector<16xf32> to vector<16xf32>
    %sub3A_175 = arith.subf %get3A_174, %get3A_147 : vector<16xf32>
    %mul3A_176 = arith.mulf %sub3A_175, %div3A_171 : vector<16xf32>
    %get3A_177 = arith.constant 32 : index
    %get3A_178 = tpu.vector_load %arg22[%get3A_177] {strides = array<i32>} : memref<64xf32, #tpu.memory_space<vmem>>, vector<16xf32>,
    %get3A_179 = vector.shape_cast %get3A_178 : vector<16xf32> to vector<16xf32>
    %sub3A_180 = arith.subf %get3A_179, %get3A_150 : vector<16xf32>
    %mul3A_181 = arith.mulf %sub3A_180, %div3A_171 : vector<16xf32>
    %get3A_182 = arith.constant 32 : index
    %get3A_183 = tpu.vector_load %arg23[%get3A_182] {strides = array<i32>} : memref<64xf32, #tpu.memory_space<vmem>>, vector<16xf32>,
    %get3A_184 = vector.shape_cast %get3A_183 : vector<16xf32> to vector<16xf32>
    %sub3A_185 = arith.subf %get3A_184, %get3A_153 : vector<16xf32>
    %mul3A_186 = arith.mulf %sub3A_185, %div3A_171 : vector<16xf32>
    %mul3A_187 = arith.mulf %get3A_156, %mul3A_176 : vector<16xf32>
    %mul3A_188 = arith.mulf %get3A_159, %mul3A_181 : vector<16xf32>
    %add3A_189 = arith.addf %mul3A_187, %mul3A_188 : vector<16xf32>
    %mul3A_190 = arith.mulf %get3A_162, %mul3A_186 : vector<16xf32>
    %add3A_191 = arith.addf %add3A_189, %mul3A_190 : vector<16xf32>
    %mul3A_192 = arith.mulf %add3A_191, %add3A_191 : vector<16xf32>
    %swap3A_193 = arith.constant 32 : index
    %swap3A_194 = tpu.vector_load %arg25[%swap3A_193] {strides = array<i32>} : memref<64xf32, #tpu.memory_space<vmem>>, vector<16xf32>,
    %swap3A_195 = vector.shape_cast %swap3A_194 : vector<16xf32> to vector<16xf32>
    %swap3A_196 = vector.shape_cast %mul3A_192 : vector<16xf32> to vector<16xf32>
    tpu.vector_store %arg25[%swap3A_193], %swap3A_196 {strides = array<i32>} : memref<64xf32, #tpu.memory_space<vmem>>, vector<16xf32>,
    %get3A_197 = arith.constant 48 : index
    %get3A_198 = tpu.vector_load %arg15[%get3A_197] {strides = array<i32>} : memref<64xf32, #tpu.memory_space<vmem>>, vector<16xf32>,
    %get3A_199 = vector.shape_cast %get3A_198 : vector<16xf32> to vector<16xf32>
    %get3A_200 = arith.constant 48 : index
    %get3A_201 = tpu.vector_load %arg16[%get3A_200] {strides = array<i32>} : memref<64xf32, #tpu.memory_space<vmem>>, vector<16xf32>,
    %get3A_202 = vector.shape_cast %get3A_201 : vector<16xf32> to vector<16xf32>
    %get3A_203 = arith.constant 48 : index
    %get3A_204 = tpu.vector_load %arg17[%get3A_203] {strides = array<i32>} : memref<64xf32, #tpu.memory_space<vmem>>, vector<16xf32>,
    %get3A_205 = vector.shape_cast %get3A_204 : vector<16xf32> to vector<16xf32>
    %get3A_206 = arith.constant 48 : index
    %get3A_207 = tpu.vector_load %arg18[%get3A_206] {strides = array<i32>} : memref<64xf32, #tpu.memory_space<vmem>>, vector<16xf32>,
    %get3A_208 = vector.shape_cast %get3A_207 : vector<16xf32> to vector<16xf32>
    %get3A_209 = arith.constant 48 : index
    %get3A_210 = tpu.vector_load %arg19[%get3A_209] {strides = array<i32>} : memref<64xf32, #tpu.memory_space<vmem>>, vector<16xf32>,
    %get3A_211 = vector.shape_cast %get3A_210 : vector<16xf32> to vector<16xf32>
    %get3A_212 = arith.constant 48 : index
    %get3A_213 = tpu.vector_load %arg20[%get3A_212] {strides = array<i32>} : memref<64xf32, #tpu.memory_space<vmem>>, vector<16xf32>,
    %get3A_214 = vector.shape_cast %get3A_213 : vector<16xf32> to vector<16xf32>
    %get3A_215 = arith.constant 48 : index
    %get3A_216 = tpu.vector_load %arg24[%get3A_215] {strides = array<i32>} : memref<64xf32, #tpu.memory_space<vmem>>, vector<16xf32>,
    %get3A_217 = vector.shape_cast %get3A_216 : vector<16xf32> to vector<16xf32>
    %add3A_218 = arith.constant 1.000000e-07 : f32
    %add3A_219 = vector.broadcast %add3A_218 : f32 to vector<16xf32>
    %add3A_220 = arith.addf %get3A_217, %add3A_219 : vector<16xf32>
    %div3A_221 = arith.constant 1.000000e+00 : f32
    %div3A_222 = vector.broadcast %div3A_221 : f32 to vector<16xf32>
    %div3A_223 = arith.divf %div3A_222, %add3A_220 : vector<16xf32>
    %get3A_224 = arith.constant 48 : index
    %get3A_225 = tpu.vector_load %arg21[%get3A_224] {strides = array<i32>} : memref<64xf32, #tpu.memory_space<vmem>>, vector<16xf32>,
    %get3A_226 = vector.shape_cast %get3A_225 : vector<16xf32> to vector<16xf32>
    %sub3A_227 = arith.subf %get3A_226, %get3A_199 : vector<16xf32>
    %mul3A_228 = arith.mulf %sub3A_227, %div3A_223 : vector<16xf32>
    %get3A_229 = arith.constant 48 : index
    %get3A_230 = tpu.vector_load %arg22[%get3A_229] {strides = array<i32>} : memref<64xf32, #tpu.memory_space<vmem>>, vector<16xf32>,
    %get3A_231 = vector.shape_cast %get3A_230 : vector<16xf32> to vector<16xf32>
    %sub3A_232 = arith.subf %get3A_231, %get3A_202 : vector<16xf32>
    %mul3A_233 = arith.mulf %sub3A_232, %div3A_223 : vector<16xf32>
    %get3A_234 = arith.constant 48 : index
    %get3A_235 = tpu.vector_load %arg23[%get3A_234] {strides = array<i32>} : memref<64xf32, #tpu.memory_space<vmem>>, vector<16xf32>,
    %get3A_236 = vector.shape_cast %get3A_235 : vector<16xf32> to vector<16xf32>
    %sub3A_237 = arith.subf %get3A_236, %get3A_205 : vector<16xf32>
    %mul3A_238 = arith.mulf %sub3A_237, %div3A_223 : vector<16xf32>
    %mul3A_239 = arith.mulf %get3A_208, %mul3A_228 : vector<16xf32>
    %mul3A_240 = arith.mulf %get3A_211, %mul3A_233 : vector<16xf32>
    %add3A_241 = arith.addf %mul3A_239, %mul3A_240 : vector<16xf32>
    %mul3A_242 = arith.mulf %get3A_214, %mul3A_238 : vector<16xf32>
    %add3A_243 = arith.addf %add3A_241, %mul3A_242 : vector<16xf32>
    %mul3A_244 = arith.mulf %add3A_243, %add3A_243 : vector<16xf32>
    %swap3A_245 = arith.constant 48 : index
    %swap3A_246 = tpu.vector_load %arg25[%swap3A_245] {strides = array<i32>} : memref<64xf32, #tpu.memory_space<vmem>>, vector<16xf32>,
    %swap3A_247 = vector.shape_cast %swap3A_246 : vector<16xf32> to vector<16xf32>
    %swap3A_248 = vector.shape_cast %mul3A_244 : vector<16xf32> to vector<16xf32>
    tpu.vector_store %arg25[%swap3A_245], %swap3A_248 {strides = array<i32>} : memref<64xf32, #tpu.memory_space<vmem>>, vector<16xf32>,
    "tpu.region"() ({
      %run_scoped3A = tpu.sem_alloc : memref<!tpu.dma_semaphore, #tpu.memory_space<semaphore_mem>>
      %dma_start3A_249 = tpu.memref_slice %arg13[%mul3A_2] : memref<2048xf32, #tpu.memory_space<hbm>> -> memref<64xf32, #tpu.memory_space<hbm>>
      %dma_start3A_250 = tpu.memref_slice %arg13[%mul3A_2] : memref<2048xf32, #tpu.memory_space<hbm>> -> memref<64xf32, #tpu.memory_space<hbm>>
      tpu.enqueue_dma source(%arg25 : memref<64xf32, #tpu.memory_space<vmem>>) target(%dma_start3A_250 : memref<64xf32, #tpu.memory_space<hbm>>) target_semaphore(%run_scoped3A : memref<!tpu.dma_semaphore, #tpu.memory_space<semaphore_mem>>)
      %dma_wait3A_251 = tpu.memref_slice %arg13[%mul3A_2] : memref<2048xf32, #tpu.memory_space<hbm>> -> memref<64xf32, #tpu.memory_space<hbm>>
      %dma_wait3A_252 = tpu.memref_slice %arg13[%mul3A_2] : memref<2048xf32, #tpu.memory_space<hbm>> -> memref<64xf32, #tpu.memory_space<hbm>>
      tpu.wait_dma2 semaphore(%run_scoped3A : memref<!tpu.dma_semaphore, #tpu.memory_space<semaphore_mem>>) src(%arg25 : memref<64xf32, #tpu.memory_space<vmem>>) dst(%dma_wait3A_252 : memref<64xf32, #tpu.memory_space<hbm>>)
      tpu.yield
    }) : () -> ()
    return
  }
}

module attributes {stable_mosaic.version = 14 : i64} {
  func.func @_dist_argmin_body(%arg0: memref<3x4x512xf32, #tpu.memory_space<vmem>>, %arg1: memref<3x4x4096xf32, #tpu.memory_space<vmem>>, %arg2: memref<3x4x4096xf32, #tpu.memory_space<vmem>>, %arg3: memref<1x2048xi32, #tpu.memory_space<vmem>>, %arg4: memref<1x2048xf32, #tpu.memory_space<vmem>>, %arg5: memref<1x2048xf32, #tpu.memory_space<vmem>>, %arg6: memref<1x2048xf32, #tpu.memory_space<vmem>>, %arg7: memref<1x2048xf32, #tpu.memory_space<vmem>>, %arg8: memref<1x16384xf32, #tpu.memory_space<vmem>>, %arg9: memref<1x16384xf32, #tpu.memory_space<vmem>>, %arg10: memref<1x16384xf32, #tpu.memory_space<vmem>>, %arg11: memref<1x16384xf32, #tpu.memory_space<vmem>>, %arg12: memref<1x16384xf32, #tpu.memory_space<vmem>>, %arg13: memref<1x16384xf32, #tpu.memory_space<vmem>>) attributes {dimension_semantics = [], scalar_prefetch = 0 : i64, scratch_operands = 0 : i64, tpu.core_type = #tpu.core_type<tc>} {
    %iota3A = tpu.iota {dimensions = array<i32: 1>} : vector<512x128xi32>
    %get3A = arith.constant 0 : index
    %get3A_0 = arith.constant 0 : index
    %get3A_1 = arith.constant 0 : index
    %get3A_2 = vector.load %arg0[%get3A, %get3A_0, %get3A_1] : memref<3x4x512xf32, #tpu.memory_space<vmem>>, vector<3x1x512xf32>
    %get3A_3 = vector.shape_cast %get3A_2 : vector<3x1x512xf32> to vector<3x512xf32>
    %transpose3A = tpu.transpose %get3A_3, [1, 0] : vector<3x512xf32> -> vector<512x3xf32>
    %slice3A = vector.extract_strided_slice %transpose3A {offsets = [0, 0], sizes = [512, 1], strides = [1, 1]} : vector<512x3xf32> to vector<512x1xf32>
    %slice3A_4 = vector.extract_strided_slice %transpose3A {offsets = [0, 1], sizes = [512, 1], strides = [1, 1]} : vector<512x3xf32> to vector<512x1xf32>
    %slice3A_5 = vector.extract_strided_slice %transpose3A {offsets = [0, 2], sizes = [512, 1], strides = [1, 1]} : vector<512x3xf32> to vector<512x1xf32>
    %get3A_6 = arith.constant 0 : index
    %get3A_7 = arith.constant 0 : index
    %get3A_8 = arith.constant 0 : index
    %get3A_9 = vector.load %arg1[%get3A_6, %get3A_7, %get3A_8] : memref<3x4x4096xf32, #tpu.memory_space<vmem>>, vector<1x1x128xf32>
    %get3A_10 = vector.shape_cast %get3A_9 : vector<1x1x128xf32> to vector<1x128xf32>
    %sub3A = vector.broadcast %slice3A : vector<512x1xf32> to vector<512x128xf32>
    %sub3A_11 = vector.broadcast %get3A_10 : vector<1x128xf32> to vector<512x128xf32>
    %sub3A_12 = arith.subf %sub3A, %sub3A_11 : vector<512x128xf32>
    %mul3A = arith.mulf %sub3A_12, %sub3A_12 : vector<512x128xf32>
    %get3A_13 = arith.constant 1 : index
    %get3A_14 = arith.constant 0 : index
    %get3A_15 = arith.constant 0 : index
    %get3A_16 = vector.load %arg1[%get3A_13, %get3A_14, %get3A_15] : memref<3x4x4096xf32, #tpu.memory_space<vmem>>, vector<1x1x128xf32>
    %get3A_17 = vector.shape_cast %get3A_16 : vector<1x1x128xf32> to vector<1x128xf32>
    %sub3A_18 = vector.broadcast %slice3A_4 : vector<512x1xf32> to vector<512x128xf32>
    %sub3A_19 = vector.broadcast %get3A_17 : vector<1x128xf32> to vector<512x128xf32>
    %sub3A_20 = arith.subf %sub3A_18, %sub3A_19 : vector<512x128xf32>
    %mul3A_21 = arith.mulf %sub3A_20, %sub3A_20 : vector<512x128xf32>
    %add3A = arith.addf %mul3A, %mul3A_21 : vector<512x128xf32>
    %get3A_22 = arith.constant 2 : index
    %get3A_23 = arith.constant 0 : index
    %get3A_24 = arith.constant 0 : index
    %get3A_25 = vector.load %arg1[%get3A_22, %get3A_23, %get3A_24] : memref<3x4x4096xf32, #tpu.memory_space<vmem>>, vector<1x1x128xf32>
    %get3A_26 = vector.shape_cast %get3A_25 : vector<1x1x128xf32> to vector<1x128xf32>
    %sub3A_27 = vector.broadcast %slice3A_5 : vector<512x1xf32> to vector<512x128xf32>
    %sub3A_28 = vector.broadcast %get3A_26 : vector<1x128xf32> to vector<512x128xf32>
    %sub3A_29 = arith.subf %sub3A_27, %sub3A_28 : vector<512x128xf32>
    %mul3A_30 = arith.mulf %sub3A_29, %sub3A_29 : vector<512x128xf32>
    %add3A_31 = arith.addf %add3A, %mul3A_30 : vector<512x128xf32>
    %broadcast_in_dim3A = arith.constant 0 : i32
    %broadcast_in_dim3A_32 = vector.broadcast %broadcast_in_dim3A : i32 to vector<512x128xi32>
    %get3A_33 = arith.constant 0 : index
    %get3A_34 = arith.constant 0 : index
    %get3A_35 = arith.constant 128 : index
    %get3A_36 = vector.load %arg1[%get3A_33, %get3A_34, %get3A_35] : memref<3x4x4096xf32, #tpu.memory_space<vmem>>, vector<1x1x128xf32>
    %get3A_37 = vector.shape_cast %get3A_36 : vector<1x1x128xf32> to vector<1x128xf32>
    %sub3A_38 = vector.broadcast %slice3A : vector<512x1xf32> to vector<512x128xf32>
    %sub3A_39 = vector.broadcast %get3A_37 : vector<1x128xf32> to vector<512x128xf32>
    %sub3A_40 = arith.subf %sub3A_38, %sub3A_39 : vector<512x128xf32>
    %mul3A_41 = arith.mulf %sub3A_40, %sub3A_40 : vector<512x128xf32>
    %get3A_42 = arith.constant 1 : index
    %get3A_43 = arith.constant 0 : index
    %get3A_44 = arith.constant 128 : index
    %get3A_45 = vector.load %arg1[%get3A_42, %get3A_43, %get3A_44] : memref<3x4x4096xf32, #tpu.memory_space<vmem>>, vector<1x1x128xf32>
    %get3A_46 = vector.shape_cast %get3A_45 : vector<1x1x128xf32> to vector<1x128xf32>
    %sub3A_47 = vector.broadcast %slice3A_4 : vector<512x1xf32> to vector<512x128xf32>
    %sub3A_48 = vector.broadcast %get3A_46 : vector<1x128xf32> to vector<512x128xf32>
    %sub3A_49 = arith.subf %sub3A_47, %sub3A_48 : vector<512x128xf32>
    %mul3A_50 = arith.mulf %sub3A_49, %sub3A_49 : vector<512x128xf32>
    %add3A_51 = arith.addf %mul3A_41, %mul3A_50 : vector<512x128xf32>
    %get3A_52 = arith.constant 2 : index
    %get3A_53 = arith.constant 0 : index
    %get3A_54 = arith.constant 128 : index
    %get3A_55 = vector.load %arg1[%get3A_52, %get3A_53, %get3A_54] : memref<3x4x4096xf32, #tpu.memory_space<vmem>>, vector<1x1x128xf32>
    %get3A_56 = vector.shape_cast %get3A_55 : vector<1x1x128xf32> to vector<1x128xf32>
    %sub3A_57 = vector.broadcast %slice3A_5 : vector<512x1xf32> to vector<512x128xf32>
    %sub3A_58 = vector.broadcast %get3A_56 : vector<1x128xf32> to vector<512x128xf32>
    %sub3A_59 = arith.subf %sub3A_57, %sub3A_58 : vector<512x128xf32>
    %mul3A_60 = arith.mulf %sub3A_59, %sub3A_59 : vector<512x128xf32>
    %add3A_61 = arith.addf %add3A_51, %mul3A_60 : vector<512x128xf32>
    %lt3A = arith.cmpf olt, %add3A_61, %add3A_31 : vector<512x128xf32>
    %select_n3A = arith.select %lt3A, %add3A_61, %add3A_31 : vector<512x128xi1>, vector<512x128xf32>
    %jit3A = arith.constant 1 : i32
    %broadcast_in_dim3A_62 = vector.broadcast %jit3A : i32 to vector<512x128xi32>
    %select_n3A_63 = arith.select %lt3A, %broadcast_in_dim3A_62, %broadcast_in_dim3A_32 : vector<512x128xi1>, vector<512x128xi32>
    %get3A_64 = arith.constant 0 : index
    %get3A_65 = arith.constant 0 : index
    %get3A_66 = arith.constant 256 : index
    %get3A_67 = vector.load %arg1[%get3A_64, %get3A_65, %get3A_66] : memref<3x4x4096xf32, #tpu.memory_space<vmem>>, vector<1x1x128xf32>
    %get3A_68 = vector.shape_cast %get3A_67 : vector<1x1x128xf32> to vector<1x128xf32>
    %sub3A_69 = vector.broadcast %slice3A : vector<512x1xf32> to vector<512x128xf32>
    %sub3A_70 = vector.broadcast %get3A_68 : vector<1x128xf32> to vector<512x128xf32>
    %sub3A_71 = arith.subf %sub3A_69, %sub3A_70 : vector<512x128xf32>
    %mul3A_72 = arith.mulf %sub3A_71, %sub3A_71 : vector<512x128xf32>
    %get3A_73 = arith.constant 1 : index
    %get3A_74 = arith.constant 0 : index
    %get3A_75 = arith.constant 256 : index
    %get3A_76 = vector.load %arg1[%get3A_73, %get3A_74, %get3A_75] : memref<3x4x4096xf32, #tpu.memory_space<vmem>>, vector<1x1x128xf32>
    %get3A_77 = vector.shape_cast %get3A_76 : vector<1x1x128xf32> to vector<1x128xf32>
    %sub3A_78 = vector.broadcast %slice3A_4 : vector<512x1xf32> to vector<512x128xf32>
    %sub3A_79 = vector.broadcast %get3A_77 : vector<1x128xf32> to vector<512x128xf32>
    %sub3A_80 = arith.subf %sub3A_78, %sub3A_79 : vector<512x128xf32>
    %mul3A_81 = arith.mulf %sub3A_80, %sub3A_80 : vector<512x128xf32>
    %add3A_82 = arith.addf %mul3A_72, %mul3A_81 : vector<512x128xf32>
    %get3A_83 = arith.constant 2 : index
    %get3A_84 = arith.constant 0 : index
    %get3A_85 = arith.constant 256 : index
    %get3A_86 = vector.load %arg1[%get3A_83, %get3A_84, %get3A_85] : memref<3x4x4096xf32, #tpu.memory_space<vmem>>, vector<1x1x128xf32>
    %get3A_87 = vector.shape_cast %get3A_86 : vector<1x1x128xf32> to vector<1x128xf32>
    %sub3A_88 = vector.broadcast %slice3A_5 : vector<512x1xf32> to vector<512x128xf32>
    %sub3A_89 = vector.broadcast %get3A_87 : vector<1x128xf32> to vector<512x128xf32>
    %sub3A_90 = arith.subf %sub3A_88, %sub3A_89 : vector<512x128xf32>
    %mul3A_91 = arith.mulf %sub3A_90, %sub3A_90 : vector<512x128xf32>
    %add3A_92 = arith.addf %add3A_82, %mul3A_91 : vector<512x128xf32>
    %lt3A_93 = arith.cmpf olt, %add3A_92, %select_n3A : vector<512x128xf32>
    %select_n3A_94 = arith.select %lt3A_93, %add3A_92, %select_n3A : vector<512x128xi1>, vector<512x128xf32>
    %jit3A_95 = arith.constant 2 : i32
    %broadcast_in_dim3A_96 = vector.broadcast %jit3A_95 : i32 to vector<512x128xi32>
    %select_n3A_97 = arith.select %lt3A_93, %broadcast_in_dim3A_96, %select_n3A_63 : vector<512x128xi1>, vector<512x128xi32>
    %get3A_98 = arith.constant 0 : index
    %get3A_99 = arith.constant 0 : index
    %get3A_100 = arith.constant 384 : index
    %get3A_101 = vector.load %arg1[%get3A_98, %get3A_99, %get3A_100] : memref<3x4x4096xf32, #tpu.memory_space<vmem>>, vector<1x1x128xf32>
    %get3A_102 = vector.shape_cast %get3A_101 : vector<1x1x128xf32> to vector<1x128xf32>
    %sub3A_103 = vector.broadcast %slice3A : vector<512x1xf32> to vector<512x128xf32>
    %sub3A_104 = vector.broadcast %get3A_102 : vector<1x128xf32> to vector<512x128xf32>
    %sub3A_105 = arith.subf %sub3A_103, %sub3A_104 : vector<512x128xf32>
    %mul3A_106 = arith.mulf %sub3A_105, %sub3A_105 : vector<512x128xf32>
    %get3A_107 = arith.constant 1 : index
    %get3A_108 = arith.constant 0 : index
    %get3A_109 = arith.constant 384 : index
    %get3A_110 = vector.load %arg1[%get3A_107, %get3A_108, %get3A_109] : memref<3x4x4096xf32, #tpu.memory_space<vmem>>, vector<1x1x128xf32>
    %get3A_111 = vector.shape_cast %get3A_110 : vector<1x1x128xf32> to vector<1x128xf32>
    %sub3A_112 = vector.broadcast %slice3A_4 : vector<512x1xf32> to vector<512x128xf32>
    %sub3A_113 = vector.broadcast %get3A_111 : vector<1x128xf32> to vector<512x128xf32>
    %sub3A_114 = arith.subf %sub3A_112, %sub3A_113 : vector<512x128xf32>
    %mul3A_115 = arith.mulf %sub3A_114, %sub3A_114 : vector<512x128xf32>
    %add3A_116 = arith.addf %mul3A_106, %mul3A_115 : vector<512x128xf32>
    %get3A_117 = arith.constant 2 : index
    %get3A_118 = arith.constant 0 : index
    %get3A_119 = arith.constant 384 : index
    %get3A_120 = vector.load %arg1[%get3A_117, %get3A_118, %get3A_119] : memref<3x4x4096xf32, #tpu.memory_space<vmem>>, vector<1x1x128xf32>
    %get3A_121 = vector.shape_cast %get3A_120 : vector<1x1x128xf32> to vector<1x128xf32>
    %sub3A_122 = vector.broadcast %slice3A_5 : vector<512x1xf32> to vector<512x128xf32>
    %sub3A_123 = vector.broadcast %get3A_121 : vector<1x128xf32> to vector<512x128xf32>
    %sub3A_124 = arith.subf %sub3A_122, %sub3A_123 : vector<512x128xf32>
    %mul3A_125 = arith.mulf %sub3A_124, %sub3A_124 : vector<512x128xf32>
    %add3A_126 = arith.addf %add3A_116, %mul3A_125 : vector<512x128xf32>
    %lt3A_127 = arith.cmpf olt, %add3A_126, %select_n3A_94 : vector<512x128xf32>
    %select_n3A_128 = arith.select %lt3A_127, %add3A_126, %select_n3A_94 : vector<512x128xi1>, vector<512x128xf32>
    %jit3A_129 = arith.constant 3 : i32
    %broadcast_in_dim3A_130 = vector.broadcast %jit3A_129 : i32 to vector<512x128xi32>
    %select_n3A_131 = arith.select %lt3A_127, %broadcast_in_dim3A_130, %select_n3A_97 : vector<512x128xi1>, vector<512x128xi32>
    %get3A_132 = arith.constant 0 : index
    %get3A_133 = arith.constant 0 : index
    %get3A_134 = arith.constant 512 : index
    %get3A_135 = vector.load %arg1[%get3A_132, %get3A_133, %get3A_134] : memref<3x4x4096xf32, #tpu.memory_space<vmem>>, vector<1x1x128xf32>
    %get3A_136 = vector.shape_cast %get3A_135 : vector<1x1x128xf32> to vector<1x128xf32>
    %sub3A_137 = vector.broadcast %slice3A : vector<512x1xf32> to vector<512x128xf32>
    %sub3A_138 = vector.broadcast %get3A_136 : vector<1x128xf32> to vector<512x128xf32>
    %sub3A_139 = arith.subf %sub3A_137, %sub3A_138 : vector<512x128xf32>
    %mul3A_140 = arith.mulf %sub3A_139, %sub3A_139 : vector<512x128xf32>
    %get3A_141 = arith.constant 1 : index
    %get3A_142 = arith.constant 0 : index
    %get3A_143 = arith.constant 512 : index
    %get3A_144 = vector.load %arg1[%get3A_141, %get3A_142, %get3A_143] : memref<3x4x4096xf32, #tpu.memory_space<vmem>>, vector<1x1x128xf32>
    %get3A_145 = vector.shape_cast %get3A_144 : vector<1x1x128xf32> to vector<1x128xf32>
    %sub3A_146 = vector.broadcast %slice3A_4 : vector<512x1xf32> to vector<512x128xf32>
    %sub3A_147 = vector.broadcast %get3A_145 : vector<1x128xf32> to vector<512x128xf32>
    %sub3A_148 = arith.subf %sub3A_146, %sub3A_147 : vector<512x128xf32>
    %mul3A_149 = arith.mulf %sub3A_148, %sub3A_148 : vector<512x128xf32>
    %add3A_150 = arith.addf %mul3A_140, %mul3A_149 : vector<512x128xf32>
    %get3A_151 = arith.constant 2 : index
    %get3A_152 = arith.constant 0 : index
    %get3A_153 = arith.constant 512 : index
    %get3A_154 = vector.load %arg1[%get3A_151, %get3A_152, %get3A_153] : memref<3x4x4096xf32, #tpu.memory_space<vmem>>, vector<1x1x128xf32>
    %get3A_155 = vector.shape_cast %get3A_154 : vector<1x1x128xf32> to vector<1x128xf32>
    %sub3A_156 = vector.broadcast %slice3A_5 : vector<512x1xf32> to vector<512x128xf32>
    %sub3A_157 = vector.broadcast %get3A_155 : vector<1x128xf32> to vector<512x128xf32>
    %sub3A_158 = arith.subf %sub3A_156, %sub3A_157 : vector<512x128xf32>
    %mul3A_159 = arith.mulf %sub3A_158, %sub3A_158 : vector<512x128xf32>
    %add3A_160 = arith.addf %add3A_150, %mul3A_159 : vector<512x128xf32>
    %lt3A_161 = arith.cmpf olt, %add3A_160, %select_n3A_128 : vector<512x128xf32>
    %select_n3A_162 = arith.select %lt3A_161, %add3A_160, %select_n3A_128 : vector<512x128xi1>, vector<512x128xf32>
    %jit3A_163 = arith.constant 4 : i32
    %broadcast_in_dim3A_164 = vector.broadcast %jit3A_163 : i32 to vector<512x128xi32>
    %select_n3A_165 = arith.select %lt3A_161, %broadcast_in_dim3A_164, %select_n3A_131 : vector<512x128xi1>, vector<512x128xi32>
    %get3A_166 = arith.constant 0 : index
    %get3A_167 = arith.constant 0 : index
    %get3A_168 = arith.constant 640 : index
    %get3A_169 = vector.load %arg1[%get3A_166, %get3A_167, %get3A_168] : memref<3x4x4096xf32, #tpu.memory_space<vmem>>, vector<1x1x128xf32>
    %get3A_170 = vector.shape_cast %get3A_169 : vector<1x1x128xf32> to vector<1x128xf32>
    %sub3A_171 = vector.broadcast %slice3A : vector<512x1xf32> to vector<512x128xf32>
    %sub3A_172 = vector.broadcast %get3A_170 : vector<1x128xf32> to vector<512x128xf32>
    %sub3A_173 = arith.subf %sub3A_171, %sub3A_172 : vector<512x128xf32>
    %mul3A_174 = arith.mulf %sub3A_173, %sub3A_173 : vector<512x128xf32>
    %get3A_175 = arith.constant 1 : index
    %get3A_176 = arith.constant 0 : index
    %get3A_177 = arith.constant 640 : index
    %get3A_178 = vector.load %arg1[%get3A_175, %get3A_176, %get3A_177] : memref<3x4x4096xf32, #tpu.memory_space<vmem>>, vector<1x1x128xf32>
    %get3A_179 = vector.shape_cast %get3A_178 : vector<1x1x128xf32> to vector<1x128xf32>
    %sub3A_180 = vector.broadcast %slice3A_4 : vector<512x1xf32> to vector<512x128xf32>
    %sub3A_181 = vector.broadcast %get3A_179 : vector<1x128xf32> to vector<512x128xf32>
    %sub3A_182 = arith.subf %sub3A_180, %sub3A_181 : vector<512x128xf32>
    %mul3A_183 = arith.mulf %sub3A_182, %sub3A_182 : vector<512x128xf32>
    %add3A_184 = arith.addf %mul3A_174, %mul3A_183 : vector<512x128xf32>
    %get3A_185 = arith.constant 2 : index
    %get3A_186 = arith.constant 0 : index
    %get3A_187 = arith.constant 640 : index
    %get3A_188 = vector.load %arg1[%get3A_185, %get3A_186, %get3A_187] : memref<3x4x4096xf32, #tpu.memory_space<vmem>>, vector<1x1x128xf32>
    %get3A_189 = vector.shape_cast %get3A_188 : vector<1x1x128xf32> to vector<1x128xf32>
    %sub3A_190 = vector.broadcast %slice3A_5 : vector<512x1xf32> to vector<512x128xf32>
    %sub3A_191 = vector.broadcast %get3A_189 : vector<1x128xf32> to vector<512x128xf32>
    %sub3A_192 = arith.subf %sub3A_190, %sub3A_191 : vector<512x128xf32>
    %mul3A_193 = arith.mulf %sub3A_192, %sub3A_192 : vector<512x128xf32>
    %add3A_194 = arith.addf %add3A_184, %mul3A_193 : vector<512x128xf32>
    %lt3A_195 = arith.cmpf olt, %add3A_194, %select_n3A_162 : vector<512x128xf32>
    %select_n3A_196 = arith.select %lt3A_195, %add3A_194, %select_n3A_162 : vector<512x128xi1>, vector<512x128xf32>
    %jit3A_197 = arith.constant 5 : i32
    %broadcast_in_dim3A_198 = vector.broadcast %jit3A_197 : i32 to vector<512x128xi32>
    %select_n3A_199 = arith.select %lt3A_195, %broadcast_in_dim3A_198, %select_n3A_165 : vector<512x128xi1>, vector<512x128xi32>
    %get3A_200 = arith.constant 0 : index
    %get3A_201 = arith.constant 0 : index
    %get3A_202 = arith.constant 768 : index
    %get3A_203 = vector.load %arg1[%get3A_200, %get3A_201, %get3A_202] : memref<3x4x4096xf32, #tpu.memory_space<vmem>>, vector<1x1x128xf32>
    %get3A_204 = vector.shape_cast %get3A_203 : vector<1x1x128xf32> to vector<1x128xf32>
    %sub3A_205 = vector.broadcast %slice3A : vector<512x1xf32> to vector<512x128xf32>
    %sub3A_206 = vector.broadcast %get3A_204 : vector<1x128xf32> to vector<512x128xf32>
    %sub3A_207 = arith.subf %sub3A_205, %sub3A_206 : vector<512x128xf32>
    %mul3A_208 = arith.mulf %sub3A_207, %sub3A_207 : vector<512x128xf32>
    %get3A_209 = arith.constant 1 : index
    %get3A_210 = arith.constant 0 : index
    %get3A_211 = arith.constant 768 : index
    %get3A_212 = vector.load %arg1[%get3A_209, %get3A_210, %get3A_211] : memref<3x4x4096xf32, #tpu.memory_space<vmem>>, vector<1x1x128xf32>
    %get3A_213 = vector.shape_cast %get3A_212 : vector<1x1x128xf32> to vector<1x128xf32>
    %sub3A_214 = vector.broadcast %slice3A_4 : vector<512x1xf32> to vector<512x128xf32>
    %sub3A_215 = vector.broadcast %get3A_213 : vector<1x128xf32> to vector<512x128xf32>
    %sub3A_216 = arith.subf %sub3A_214, %sub3A_215 : vector<512x128xf32>
    %mul3A_217 = arith.mulf %sub3A_216, %sub3A_216 : vector<512x128xf32>
    %add3A_218 = arith.addf %mul3A_208, %mul3A_217 : vector<512x128xf32>
    %get3A_219 = arith.constant 2 : index
    %get3A_220 = arith.constant 0 : index
    %get3A_221 = arith.constant 768 : index
    %get3A_222 = vector.load %arg1[%get3A_219, %get3A_220, %get3A_221] : memref<3x4x4096xf32, #tpu.memory_space<vmem>>, vector<1x1x128xf32>
    %get3A_223 = vector.shape_cast %get3A_222 : vector<1x1x128xf32> to vector<1x128xf32>
    %sub3A_224 = vector.broadcast %slice3A_5 : vector<512x1xf32> to vector<512x128xf32>
    %sub3A_225 = vector.broadcast %get3A_223 : vector<1x128xf32> to vector<512x128xf32>
    %sub3A_226 = arith.subf %sub3A_224, %sub3A_225 : vector<512x128xf32>
    %mul3A_227 = arith.mulf %sub3A_226, %sub3A_226 : vector<512x128xf32>
    %add3A_228 = arith.addf %add3A_218, %mul3A_227 : vector<512x128xf32>
    %lt3A_229 = arith.cmpf olt, %add3A_228, %select_n3A_196 : vector<512x128xf32>
    %select_n3A_230 = arith.select %lt3A_229, %add3A_228, %select_n3A_196 : vector<512x128xi1>, vector<512x128xf32>
    %jit3A_231 = arith.constant 6 : i32
    %broadcast_in_dim3A_232 = vector.broadcast %jit3A_231 : i32 to vector<512x128xi32>
    %select_n3A_233 = arith.select %lt3A_229, %broadcast_in_dim3A_232, %select_n3A_199 : vector<512x128xi1>, vector<512x128xi32>
    %get3A_234 = arith.constant 0 : index
    %get3A_235 = arith.constant 0 : index
    %get3A_236 = arith.constant 896 : index
    %get3A_237 = vector.load %arg1[%get3A_234, %get3A_235, %get3A_236] : memref<3x4x4096xf32, #tpu.memory_space<vmem>>, vector<1x1x128xf32>
    %get3A_238 = vector.shape_cast %get3A_237 : vector<1x1x128xf32> to vector<1x128xf32>
    %sub3A_239 = vector.broadcast %slice3A : vector<512x1xf32> to vector<512x128xf32>
    %sub3A_240 = vector.broadcast %get3A_238 : vector<1x128xf32> to vector<512x128xf32>
    %sub3A_241 = arith.subf %sub3A_239, %sub3A_240 : vector<512x128xf32>
    %mul3A_242 = arith.mulf %sub3A_241, %sub3A_241 : vector<512x128xf32>
    %get3A_243 = arith.constant 1 : index
    %get3A_244 = arith.constant 0 : index
    %get3A_245 = arith.constant 896 : index
    %get3A_246 = vector.load %arg1[%get3A_243, %get3A_244, %get3A_245] : memref<3x4x4096xf32, #tpu.memory_space<vmem>>, vector<1x1x128xf32>
    %get3A_247 = vector.shape_cast %get3A_246 : vector<1x1x128xf32> to vector<1x128xf32>
    %sub3A_248 = vector.broadcast %slice3A_4 : vector<512x1xf32> to vector<512x128xf32>
    %sub3A_249 = vector.broadcast %get3A_247 : vector<1x128xf32> to vector<512x128xf32>
    %sub3A_250 = arith.subf %sub3A_248, %sub3A_249 : vector<512x128xf32>
    %mul3A_251 = arith.mulf %sub3A_250, %sub3A_250 : vector<512x128xf32>
    %add3A_252 = arith.addf %mul3A_242, %mul3A_251 : vector<512x128xf32>
    %get3A_253 = arith.constant 2 : index
    %get3A_254 = arith.constant 0 : index
    %get3A_255 = arith.constant 896 : index
    %get3A_256 = vector.load %arg1[%get3A_253, %get3A_254, %get3A_255] : memref<3x4x4096xf32, #tpu.memory_space<vmem>>, vector<1x1x128xf32>
    %get3A_257 = vector.shape_cast %get3A_256 : vector<1x1x128xf32> to vector<1x128xf32>
    %sub3A_258 = vector.broadcast %slice3A_5 : vector<512x1xf32> to vector<512x128xf32>
    %sub3A_259 = vector.broadcast %get3A_257 : vector<1x128xf32> to vector<512x128xf32>
    %sub3A_260 = arith.subf %sub3A_258, %sub3A_259 : vector<512x128xf32>
    %mul3A_261 = arith.mulf %sub3A_260, %sub3A_260 : vector<512x128xf32>
    %add3A_262 = arith.addf %add3A_252, %mul3A_261 : vector<512x128xf32>
    %lt3A_263 = arith.cmpf olt, %add3A_262, %select_n3A_230 : vector<512x128xf32>
    %select_n3A_264 = arith.select %lt3A_263, %add3A_262, %select_n3A_230 : vector<512x128xi1>, vector<512x128xf32>
    %jit3A_265 = arith.constant 7 : i32
    %broadcast_in_dim3A_266 = vector.broadcast %jit3A_265 : i32 to vector<512x128xi32>
    %select_n3A_267 = arith.select %lt3A_263, %broadcast_in_dim3A_266, %select_n3A_233 : vector<512x128xi1>, vector<512x128xi32>
    %get3A_268 = arith.constant 0 : index
    %get3A_269 = arith.constant 0 : index
    %get3A_270 = arith.constant 1024 : index
    %get3A_271 = vector.load %arg1[%get3A_268, %get3A_269, %get3A_270] : memref<3x4x4096xf32, #tpu.memory_space<vmem>>, vector<1x1x128xf32>
    %get3A_272 = vector.shape_cast %get3A_271 : vector<1x1x128xf32> to vector<1x128xf32>
    %sub3A_273 = vector.broadcast %slice3A : vector<512x1xf32> to vector<512x128xf32>
    %sub3A_274 = vector.broadcast %get3A_272 : vector<1x128xf32> to vector<512x128xf32>
    %sub3A_275 = arith.subf %sub3A_273, %sub3A_274 : vector<512x128xf32>
    %mul3A_276 = arith.mulf %sub3A_275, %sub3A_275 : vector<512x128xf32>
    %get3A_277 = arith.constant 1 : index
    %get3A_278 = arith.constant 0 : index
    %get3A_279 = arith.constant 1024 : index
    %get3A_280 = vector.load %arg1[%get3A_277, %get3A_278, %get3A_279] : memref<3x4x4096xf32, #tpu.memory_space<vmem>>, vector<1x1x128xf32>
    %get3A_281 = vector.shape_cast %get3A_280 : vector<1x1x128xf32> to vector<1x128xf32>
    %sub3A_282 = vector.broadcast %slice3A_4 : vector<512x1xf32> to vector<512x128xf32>
    %sub3A_283 = vector.broadcast %get3A_281 : vector<1x128xf32> to vector<512x128xf32>
    %sub3A_284 = arith.subf %sub3A_282, %sub3A_283 : vector<512x128xf32>
    %mul3A_285 = arith.mulf %sub3A_284, %sub3A_284 : vector<512x128xf32>
    %add3A_286 = arith.addf %mul3A_276, %mul3A_285 : vector<512x128xf32>
    %get3A_287 = arith.constant 2 : index
    %get3A_288 = arith.constant 0 : index
    %get3A_289 = arith.constant 1024 : index
    %get3A_290 = vector.load %arg1[%get3A_287, %get3A_288, %get3A_289] : memref<3x4x4096xf32, #tpu.memory_space<vmem>>, vector<1x1x128xf32>
    %get3A_291 = vector.shape_cast %get3A_290 : vector<1x1x128xf32> to vector<1x128xf32>
    %sub3A_292 = vector.broadcast %slice3A_5 : vector<512x1xf32> to vector<512x128xf32>
    %sub3A_293 = vector.broadcast %get3A_291 : vector<1x128xf32> to vector<512x128xf32>
    %sub3A_294 = arith.subf %sub3A_292, %sub3A_293 : vector<512x128xf32>
    %mul3A_295 = arith.mulf %sub3A_294, %sub3A_294 : vector<512x128xf32>
    %add3A_296 = arith.addf %add3A_286, %mul3A_295 : vector<512x128xf32>
    %lt3A_297 = arith.cmpf olt, %add3A_296, %select_n3A_264 : vector<512x128xf32>
    %select_n3A_298 = arith.select %lt3A_297, %add3A_296, %select_n3A_264 : vector<512x128xi1>, vector<512x128xf32>
    %jit3A_299 = arith.constant 8 : i32
    %broadcast_in_dim3A_300 = vector.broadcast %jit3A_299 : i32 to vector<512x128xi32>
    %select_n3A_301 = arith.select %lt3A_297, %broadcast_in_dim3A_300, %select_n3A_267 : vector<512x128xi1>, vector<512x128xi32>
    %get3A_302 = arith.constant 0 : index
    %get3A_303 = arith.constant 0 : index
    %get3A_304 = arith.constant 1152 : index
    %get3A_305 = vector.load %arg1[%get3A_302, %get3A_303, %get3A_304] : memref<3x4x4096xf32, #tpu.memory_space<vmem>>, vector<1x1x128xf32>
    %get3A_306 = vector.shape_cast %get3A_305 : vector<1x1x128xf32> to vector<1x128xf32>
    %sub3A_307 = vector.broadcast %slice3A : vector<512x1xf32> to vector<512x128xf32>
    %sub3A_308 = vector.broadcast %get3A_306 : vector<1x128xf32> to vector<512x128xf32>
    %sub3A_309 = arith.subf %sub3A_307, %sub3A_308 : vector<512x128xf32>
    %mul3A_310 = arith.mulf %sub3A_309, %sub3A_309 : vector<512x128xf32>
    %get3A_311 = arith.constant 1 : index
    %get3A_312 = arith.constant 0 : index
    %get3A_313 = arith.constant 1152 : index
    %get3A_314 = vector.load %arg1[%get3A_311, %get3A_312, %get3A_313] : memref<3x4x4096xf32, #tpu.memory_space<vmem>>, vector<1x1x128xf32>
    %get3A_315 = vector.shape_cast %get3A_314 : vector<1x1x128xf32> to vector<1x128xf32>
    %sub3A_316 = vector.broadcast %slice3A_4 : vector<512x1xf32> to vector<512x128xf32>
    %sub3A_317 = vector.broadcast %get3A_315 : vector<1x128xf32> to vector<512x128xf32>
    %sub3A_318 = arith.subf %sub3A_316, %sub3A_317 : vector<512x128xf32>
    %mul3A_319 = arith.mulf %sub3A_318, %sub3A_318 : vector<512x128xf32>
    %add3A_320 = arith.addf %mul3A_310, %mul3A_319 : vector<512x128xf32>
    %get3A_321 = arith.constant 2 : index
    %get3A_322 = arith.constant 0 : index
    %get3A_323 = arith.constant 1152 : index
    %get3A_324 = vector.load %arg1[%get3A_321, %get3A_322, %get3A_323] : memref<3x4x4096xf32, #tpu.memory_space<vmem>>, vector<1x1x128xf32>
    %get3A_325 = vector.shape_cast %get3A_324 : vector<1x1x128xf32> to vector<1x128xf32>
    %sub3A_326 = vector.broadcast %slice3A_5 : vector<512x1xf32> to vector<512x128xf32>
    %sub3A_327 = vector.broadcast %get3A_325 : vector<1x128xf32> to vector<512x128xf32>
    %sub3A_328 = arith.subf %sub3A_326, %sub3A_327 : vector<512x128xf32>
    %mul3A_329 = arith.mulf %sub3A_328, %sub3A_328 : vector<512x128xf32>
    %add3A_330 = arith.addf %add3A_320, %mul3A_329 : vector<512x128xf32>
    %lt3A_331 = arith.cmpf olt, %add3A_330, %select_n3A_298 : vector<512x128xf32>
    %select_n3A_332 = arith.select %lt3A_331, %add3A_330, %select_n3A_298 : vector<512x128xi1>, vector<512x128xf32>
    %jit3A_333 = arith.constant 9 : i32
    %broadcast_in_dim3A_334 = vector.broadcast %jit3A_333 : i32 to vector<512x128xi32>
    %select_n3A_335 = arith.select %lt3A_331, %broadcast_in_dim3A_334, %select_n3A_301 : vector<512x128xi1>, vector<512x128xi32>
    %get3A_336 = arith.constant 0 : index
    %get3A_337 = arith.constant 0 : index
    %get3A_338 = arith.constant 1280 : index
    %get3A_339 = vector.load %arg1[%get3A_336, %get3A_337, %get3A_338] : memref<3x4x4096xf32, #tpu.memory_space<vmem>>, vector<1x1x128xf32>
    %get3A_340 = vector.shape_cast %get3A_339 : vector<1x1x128xf32> to vector<1x128xf32>
    %sub3A_341 = vector.broadcast %slice3A : vector<512x1xf32> to vector<512x128xf32>
    %sub3A_342 = vector.broadcast %get3A_340 : vector<1x128xf32> to vector<512x128xf32>
    %sub3A_343 = arith.subf %sub3A_341, %sub3A_342 : vector<512x128xf32>
    %mul3A_344 = arith.mulf %sub3A_343, %sub3A_343 : vector<512x128xf32>
    %get3A_345 = arith.constant 1 : index
    %get3A_346 = arith.constant 0 : index
    %get3A_347 = arith.constant 1280 : index
    %get3A_348 = vector.load %arg1[%get3A_345, %get3A_346, %get3A_347] : memref<3x4x4096xf32, #tpu.memory_space<vmem>>, vector<1x1x128xf32>
    %get3A_349 = vector.shape_cast %get3A_348 : vector<1x1x128xf32> to vector<1x128xf32>
    %sub3A_350 = vector.broadcast %slice3A_4 : vector<512x1xf32> to vector<512x128xf32>
    %sub3A_351 = vector.broadcast %get3A_349 : vector<1x128xf32> to vector<512x128xf32>
    %sub3A_352 = arith.subf %sub3A_350, %sub3A_351 : vector<512x128xf32>
    %mul3A_353 = arith.mulf %sub3A_352, %sub3A_352 : vector<512x128xf32>
    %add3A_354 = arith.addf %mul3A_344, %mul3A_353 : vector<512x128xf32>
    %get3A_355 = arith.constant 2 : index
    %get3A_356 = arith.constant 0 : index
    %get3A_357 = arith.constant 1280 : index
    %get3A_358 = vector.load %arg1[%get3A_355, %get3A_356, %get3A_357] : memref<3x4x4096xf32, #tpu.memory_space<vmem>>, vector<1x1x128xf32>
    %get3A_359 = vector.shape_cast %get3A_358 : vector<1x1x128xf32> to vector<1x128xf32>
    %sub3A_360 = vector.broadcast %slice3A_5 : vector<512x1xf32> to vector<512x128xf32>
    %sub3A_361 = vector.broadcast %get3A_359 : vector<1x128xf32> to vector<512x128xf32>
    %sub3A_362 = arith.subf %sub3A_360, %sub3A_361 : vector<512x128xf32>
    %mul3A_363 = arith.mulf %sub3A_362, %sub3A_362 : vector<512x128xf32>
    %add3A_364 = arith.addf %add3A_354, %mul3A_363 : vector<512x128xf32>
    %lt3A_365 = arith.cmpf olt, %add3A_364, %select_n3A_332 : vector<512x128xf32>
    %select_n3A_366 = arith.select %lt3A_365, %add3A_364, %select_n3A_332 : vector<512x128xi1>, vector<512x128xf32>
    %jit3A_367 = arith.constant 10 : i32
    %broadcast_in_dim3A_368 = vector.broadcast %jit3A_367 : i32 to vector<512x128xi32>
    %select_n3A_369 = arith.select %lt3A_365, %broadcast_in_dim3A_368, %select_n3A_335 : vector<512x128xi1>, vector<512x128xi32>
    %get3A_370 = arith.constant 0 : index
    %get3A_371 = arith.constant 0 : index
    %get3A_372 = arith.constant 1408 : index
    %get3A_373 = vector.load %arg1[%get3A_370, %get3A_371, %get3A_372] : memref<3x4x4096xf32, #tpu.memory_space<vmem>>, vector<1x1x128xf32>
    %get3A_374 = vector.shape_cast %get3A_373 : vector<1x1x128xf32> to vector<1x128xf32>
    %sub3A_375 = vector.broadcast %slice3A : vector<512x1xf32> to vector<512x128xf32>
    %sub3A_376 = vector.broadcast %get3A_374 : vector<1x128xf32> to vector<512x128xf32>
    %sub3A_377 = arith.subf %sub3A_375, %sub3A_376 : vector<512x128xf32>
    %mul3A_378 = arith.mulf %sub3A_377, %sub3A_377 : vector<512x128xf32>
    %get3A_379 = arith.constant 1 : index
    %get3A_380 = arith.constant 0 : index
    %get3A_381 = arith.constant 1408 : index
    %get3A_382 = vector.load %arg1[%get3A_379, %get3A_380, %get3A_381] : memref<3x4x4096xf32, #tpu.memory_space<vmem>>, vector<1x1x128xf32>
    %get3A_383 = vector.shape_cast %get3A_382 : vector<1x1x128xf32> to vector<1x128xf32>
    %sub3A_384 = vector.broadcast %slice3A_4 : vector<512x1xf32> to vector<512x128xf32>
    %sub3A_385 = vector.broadcast %get3A_383 : vector<1x128xf32> to vector<512x128xf32>
    %sub3A_386 = arith.subf %sub3A_384, %sub3A_385 : vector<512x128xf32>
    %mul3A_387 = arith.mulf %sub3A_386, %sub3A_386 : vector<512x128xf32>
    %add3A_388 = arith.addf %mul3A_378, %mul3A_387 : vector<512x128xf32>
    %get3A_389 = arith.constant 2 : index
    %get3A_390 = arith.constant 0 : index
    %get3A_391 = arith.constant 1408 : index
    %get3A_392 = vector.load %arg1[%get3A_389, %get3A_390, %get3A_391] : memref<3x4x4096xf32, #tpu.memory_space<vmem>>, vector<1x1x128xf32>
    %get3A_393 = vector.shape_cast %get3A_392 : vector<1x1x128xf32> to vector<1x128xf32>
    %sub3A_394 = vector.broadcast %slice3A_5 : vector<512x1xf32> to vector<512x128xf32>
    %sub3A_395 = vector.broadcast %get3A_393 : vector<1x128xf32> to vector<512x128xf32>
    %sub3A_396 = arith.subf %sub3A_394, %sub3A_395 : vector<512x128xf32>
    %mul3A_397 = arith.mulf %sub3A_396, %sub3A_396 : vector<512x128xf32>
    %add3A_398 = arith.addf %add3A_388, %mul3A_397 : vector<512x128xf32>
    %lt3A_399 = arith.cmpf olt, %add3A_398, %select_n3A_366 : vector<512x128xf32>
    %select_n3A_400 = arith.select %lt3A_399, %add3A_398, %select_n3A_366 : vector<512x128xi1>, vector<512x128xf32>
    %jit3A_401 = arith.constant 11 : i32
    %broadcast_in_dim3A_402 = vector.broadcast %jit3A_401 : i32 to vector<512x128xi32>
    %select_n3A_403 = arith.select %lt3A_399, %broadcast_in_dim3A_402, %select_n3A_369 : vector<512x128xi1>, vector<512x128xi32>
    %get3A_404 = arith.constant 0 : index
    %get3A_405 = arith.constant 0 : index
    %get3A_406 = arith.constant 1536 : index
    %get3A_407 = vector.load %arg1[%get3A_404, %get3A_405, %get3A_406] : memref<3x4x4096xf32, #tpu.memory_space<vmem>>, vector<1x1x128xf32>
    %get3A_408 = vector.shape_cast %get3A_407 : vector<1x1x128xf32> to vector<1x128xf32>
    %sub3A_409 = vector.broadcast %slice3A : vector<512x1xf32> to vector<512x128xf32>
    %sub3A_410 = vector.broadcast %get3A_408 : vector<1x128xf32> to vector<512x128xf32>
    %sub3A_411 = arith.subf %sub3A_409, %sub3A_410 : vector<512x128xf32>
    %mul3A_412 = arith.mulf %sub3A_411, %sub3A_411 : vector<512x128xf32>
    %get3A_413 = arith.constant 1 : index
    %get3A_414 = arith.constant 0 : index
    %get3A_415 = arith.constant 1536 : index
    %get3A_416 = vector.load %arg1[%get3A_413, %get3A_414, %get3A_415] : memref<3x4x4096xf32, #tpu.memory_space<vmem>>, vector<1x1x128xf32>
    %get3A_417 = vector.shape_cast %get3A_416 : vector<1x1x128xf32> to vector<1x128xf32>
    %sub3A_418 = vector.broadcast %slice3A_4 : vector<512x1xf32> to vector<512x128xf32>
    %sub3A_419 = vector.broadcast %get3A_417 : vector<1x128xf32> to vector<512x128xf32>
    %sub3A_420 = arith.subf %sub3A_418, %sub3A_419 : vector<512x128xf32>
    %mul3A_421 = arith.mulf %sub3A_420, %sub3A_420 : vector<512x128xf32>
    %add3A_422 = arith.addf %mul3A_412, %mul3A_421 : vector<512x128xf32>
    %get3A_423 = arith.constant 2 : index
    %get3A_424 = arith.constant 0 : index
    %get3A_425 = arith.constant 1536 : index
    %get3A_426 = vector.load %arg1[%get3A_423, %get3A_424, %get3A_425] : memref<3x4x4096xf32, #tpu.memory_space<vmem>>, vector<1x1x128xf32>
    %get3A_427 = vector.shape_cast %get3A_426 : vector<1x1x128xf32> to vector<1x128xf32>
    %sub3A_428 = vector.broadcast %slice3A_5 : vector<512x1xf32> to vector<512x128xf32>
    %sub3A_429 = vector.broadcast %get3A_427 : vector<1x128xf32> to vector<512x128xf32>
    %sub3A_430 = arith.subf %sub3A_428, %sub3A_429 : vector<512x128xf32>
    %mul3A_431 = arith.mulf %sub3A_430, %sub3A_430 : vector<512x128xf32>
    %add3A_432 = arith.addf %add3A_422, %mul3A_431 : vector<512x128xf32>
    %lt3A_433 = arith.cmpf olt, %add3A_432, %select_n3A_400 : vector<512x128xf32>
    %select_n3A_434 = arith.select %lt3A_433, %add3A_432, %select_n3A_400 : vector<512x128xi1>, vector<512x128xf32>
    %jit3A_435 = arith.constant 12 : i32
    %broadcast_in_dim3A_436 = vector.broadcast %jit3A_435 : i32 to vector<512x128xi32>
    %select_n3A_437 = arith.select %lt3A_433, %broadcast_in_dim3A_436, %select_n3A_403 : vector<512x128xi1>, vector<512x128xi32>
    %get3A_438 = arith.constant 0 : index
    %get3A_439 = arith.constant 0 : index
    %get3A_440 = arith.constant 1664 : index
    %get3A_441 = vector.load %arg1[%get3A_438, %get3A_439, %get3A_440] : memref<3x4x4096xf32, #tpu.memory_space<vmem>>, vector<1x1x128xf32>
    %get3A_442 = vector.shape_cast %get3A_441 : vector<1x1x128xf32> to vector<1x128xf32>
    %sub3A_443 = vector.broadcast %slice3A : vector<512x1xf32> to vector<512x128xf32>
    %sub3A_444 = vector.broadcast %get3A_442 : vector<1x128xf32> to vector<512x128xf32>
    %sub3A_445 = arith.subf %sub3A_443, %sub3A_444 : vector<512x128xf32>
    %mul3A_446 = arith.mulf %sub3A_445, %sub3A_445 : vector<512x128xf32>
    %get3A_447 = arith.constant 1 : index
    %get3A_448 = arith.constant 0 : index
    %get3A_449 = arith.constant 1664 : index
    %get3A_450 = vector.load %arg1[%get3A_447, %get3A_448, %get3A_449] : memref<3x4x4096xf32, #tpu.memory_space<vmem>>, vector<1x1x128xf32>
    %get3A_451 = vector.shape_cast %get3A_450 : vector<1x1x128xf32> to vector<1x128xf32>
    %sub3A_452 = vector.broadcast %slice3A_4 : vector<512x1xf32> to vector<512x128xf32>
    %sub3A_453 = vector.broadcast %get3A_451 : vector<1x128xf32> to vector<512x128xf32>
    %sub3A_454 = arith.subf %sub3A_452, %sub3A_453 : vector<512x128xf32>
    %mul3A_455 = arith.mulf %sub3A_454, %sub3A_454 : vector<512x128xf32>
    %add3A_456 = arith.addf %mul3A_446, %mul3A_455 : vector<512x128xf32>
    %get3A_457 = arith.constant 2 : index
    %get3A_458 = arith.constant 0 : index
    %get3A_459 = arith.constant 1664 : index
    %get3A_460 = vector.load %arg1[%get3A_457, %get3A_458, %get3A_459] : memref<3x4x4096xf32, #tpu.memory_space<vmem>>, vector<1x1x128xf32>
    %get3A_461 = vector.shape_cast %get3A_460 : vector<1x1x128xf32> to vector<1x128xf32>
    %sub3A_462 = vector.broadcast %slice3A_5 : vector<512x1xf32> to vector<512x128xf32>
    %sub3A_463 = vector.broadcast %get3A_461 : vector<1x128xf32> to vector<512x128xf32>
    %sub3A_464 = arith.subf %sub3A_462, %sub3A_463 : vector<512x128xf32>
    %mul3A_465 = arith.mulf %sub3A_464, %sub3A_464 : vector<512x128xf32>
    %add3A_466 = arith.addf %add3A_456, %mul3A_465 : vector<512x128xf32>
    %lt3A_467 = arith.cmpf olt, %add3A_466, %select_n3A_434 : vector<512x128xf32>
    %select_n3A_468 = arith.select %lt3A_467, %add3A_466, %select_n3A_434 : vector<512x128xi1>, vector<512x128xf32>
    %jit3A_469 = arith.constant 13 : i32
    %broadcast_in_dim3A_470 = vector.broadcast %jit3A_469 : i32 to vector<512x128xi32>
    %select_n3A_471 = arith.select %lt3A_467, %broadcast_in_dim3A_470, %select_n3A_437 : vector<512x128xi1>, vector<512x128xi32>
    %get3A_472 = arith.constant 0 : index
    %get3A_473 = arith.constant 0 : index
    %get3A_474 = arith.constant 1792 : index
    %get3A_475 = vector.load %arg1[%get3A_472, %get3A_473, %get3A_474] : memref<3x4x4096xf32, #tpu.memory_space<vmem>>, vector<1x1x128xf32>
    %get3A_476 = vector.shape_cast %get3A_475 : vector<1x1x128xf32> to vector<1x128xf32>
    %sub3A_477 = vector.broadcast %slice3A : vector<512x1xf32> to vector<512x128xf32>
    %sub3A_478 = vector.broadcast %get3A_476 : vector<1x128xf32> to vector<512x128xf32>
    %sub3A_479 = arith.subf %sub3A_477, %sub3A_478 : vector<512x128xf32>
    %mul3A_480 = arith.mulf %sub3A_479, %sub3A_479 : vector<512x128xf32>
    %get3A_481 = arith.constant 1 : index
    %get3A_482 = arith.constant 0 : index
    %get3A_483 = arith.constant 1792 : index
    %get3A_484 = vector.load %arg1[%get3A_481, %get3A_482, %get3A_483] : memref<3x4x4096xf32, #tpu.memory_space<vmem>>, vector<1x1x128xf32>
    %get3A_485 = vector.shape_cast %get3A_484 : vector<1x1x128xf32> to vector<1x128xf32>
    %sub3A_486 = vector.broadcast %slice3A_4 : vector<512x1xf32> to vector<512x128xf32>
    %sub3A_487 = vector.broadcast %get3A_485 : vector<1x128xf32> to vector<512x128xf32>
    %sub3A_488 = arith.subf %sub3A_486, %sub3A_487 : vector<512x128xf32>
    %mul3A_489 = arith.mulf %sub3A_488, %sub3A_488 : vector<512x128xf32>
    %add3A_490 = arith.addf %mul3A_480, %mul3A_489 : vector<512x128xf32>
    %get3A_491 = arith.constant 2 : index
    %get3A_492 = arith.constant 0 : index
    %get3A_493 = arith.constant 1792 : index
    %get3A_494 = vector.load %arg1[%get3A_491, %get3A_492, %get3A_493] : memref<3x4x4096xf32, #tpu.memory_space<vmem>>, vector<1x1x128xf32>
    %get3A_495 = vector.shape_cast %get3A_494 : vector<1x1x128xf32> to vector<1x128xf32>
    %sub3A_496 = vector.broadcast %slice3A_5 : vector<512x1xf32> to vector<512x128xf32>
    %sub3A_497 = vector.broadcast %get3A_495 : vector<1x128xf32> to vector<512x128xf32>
    %sub3A_498 = arith.subf %sub3A_496, %sub3A_497 : vector<512x128xf32>
    %mul3A_499 = arith.mulf %sub3A_498, %sub3A_498 : vector<512x128xf32>
    %add3A_500 = arith.addf %add3A_490, %mul3A_499 : vector<512x128xf32>
    %lt3A_501 = arith.cmpf olt, %add3A_500, %select_n3A_468 : vector<512x128xf32>
    %select_n3A_502 = arith.select %lt3A_501, %add3A_500, %select_n3A_468 : vector<512x128xi1>, vector<512x128xf32>
    %jit3A_503 = arith.constant 14 : i32
    %broadcast_in_dim3A_504 = vector.broadcast %jit3A_503 : i32 to vector<512x128xi32>
    %select_n3A_505 = arith.select %lt3A_501, %broadcast_in_dim3A_504, %select_n3A_471 : vector<512x128xi1>, vector<512x128xi32>
    %get3A_506 = arith.constant 0 : index
    %get3A_507 = arith.constant 0 : index
    %get3A_508 = arith.constant 1920 : index
    %get3A_509 = vector.load %arg1[%get3A_506, %get3A_507, %get3A_508] : memref<3x4x4096xf32, #tpu.memory_space<vmem>>, vector<1x1x128xf32>
    %get3A_510 = vector.shape_cast %get3A_509 : vector<1x1x128xf32> to vector<1x128xf32>
    %sub3A_511 = vector.broadcast %slice3A : vector<512x1xf32> to vector<512x128xf32>
    %sub3A_512 = vector.broadcast %get3A_510 : vector<1x128xf32> to vector<512x128xf32>
    %sub3A_513 = arith.subf %sub3A_511, %sub3A_512 : vector<512x128xf32>
    %mul3A_514 = arith.mulf %sub3A_513, %sub3A_513 : vector<512x128xf32>
    %get3A_515 = arith.constant 1 : index
    %get3A_516 = arith.constant 0 : index
    %get3A_517 = arith.constant 1920 : index
    %get3A_518 = vector.load %arg1[%get3A_515, %get3A_516, %get3A_517] : memref<3x4x4096xf32, #tpu.memory_space<vmem>>, vector<1x1x128xf32>
    %get3A_519 = vector.shape_cast %get3A_518 : vector<1x1x128xf32> to vector<1x128xf32>
    %sub3A_520 = vector.broadcast %slice3A_4 : vector<512x1xf32> to vector<512x128xf32>
    %sub3A_521 = vector.broadcast %get3A_519 : vector<1x128xf32> to vector<512x128xf32>
    %sub3A_522 = arith.subf %sub3A_520, %sub3A_521 : vector<512x128xf32>
    %mul3A_523 = arith.mulf %sub3A_522, %sub3A_522 : vector<512x128xf32>
    %add3A_524 = arith.addf %mul3A_514, %mul3A_523 : vector<512x128xf32>
    %get3A_525 = arith.constant 2 : index
    %get3A_526 = arith.constant 0 : index
    %get3A_527 = arith.constant 1920 : index
    %get3A_528 = vector.load %arg1[%get3A_525, %get3A_526, %get3A_527] : memref<3x4x4096xf32, #tpu.memory_space<vmem>>, vector<1x1x128xf32>
    %get3A_529 = vector.shape_cast %get3A_528 : vector<1x1x128xf32> to vector<1x128xf32>
    %sub3A_530 = vector.broadcast %slice3A_5 : vector<512x1xf32> to vector<512x128xf32>
    %sub3A_531 = vector.broadcast %get3A_529 : vector<1x128xf32> to vector<512x128xf32>
    %sub3A_532 = arith.subf %sub3A_530, %sub3A_531 : vector<512x128xf32>
    %mul3A_533 = arith.mulf %sub3A_532, %sub3A_532 : vector<512x128xf32>
    %add3A_534 = arith.addf %add3A_524, %mul3A_533 : vector<512x128xf32>
    %lt3A_535 = arith.cmpf olt, %add3A_534, %select_n3A_502 : vector<512x128xf32>
    %select_n3A_536 = arith.select %lt3A_535, %add3A_534, %select_n3A_502 : vector<512x128xi1>, vector<512x128xf32>
    %jit3A_537 = arith.constant 15 : i32
    %broadcast_in_dim3A_538 = vector.broadcast %jit3A_537 : i32 to vector<512x128xi32>
    %select_n3A_539 = arith.select %lt3A_535, %broadcast_in_dim3A_538, %select_n3A_505 : vector<512x128xi1>, vector<512x128xi32>
    %get3A_540 = arith.constant 0 : index
    %get3A_541 = arith.constant 0 : index
    %get3A_542 = arith.constant 2048 : index
    %get3A_543 = vector.load %arg1[%get3A_540, %get3A_541, %get3A_542] : memref<3x4x4096xf32, #tpu.memory_space<vmem>>, vector<1x1x128xf32>
    %get3A_544 = vector.shape_cast %get3A_543 : vector<1x1x128xf32> to vector<1x128xf32>
    %sub3A_545 = vector.broadcast %slice3A : vector<512x1xf32> to vector<512x128xf32>
    %sub3A_546 = vector.broadcast %get3A_544 : vector<1x128xf32> to vector<512x128xf32>
    %sub3A_547 = arith.subf %sub3A_545, %sub3A_546 : vector<512x128xf32>
    %mul3A_548 = arith.mulf %sub3A_547, %sub3A_547 : vector<512x128xf32>
    %get3A_549 = arith.constant 1 : index
    %get3A_550 = arith.constant 0 : index
    %get3A_551 = arith.constant 2048 : index
    %get3A_552 = vector.load %arg1[%get3A_549, %get3A_550, %get3A_551] : memref<3x4x4096xf32, #tpu.memory_space<vmem>>, vector<1x1x128xf32>
    %get3A_553 = vector.shape_cast %get3A_552 : vector<1x1x128xf32> to vector<1x128xf32>
    %sub3A_554 = vector.broadcast %slice3A_4 : vector<512x1xf32> to vector<512x128xf32>
    %sub3A_555 = vector.broadcast %get3A_553 : vector<1x128xf32> to vector<512x128xf32>
    %sub3A_556 = arith.subf %sub3A_554, %sub3A_555 : vector<512x128xf32>
    %mul3A_557 = arith.mulf %sub3A_556, %sub3A_556 : vector<512x128xf32>
    %add3A_558 = arith.addf %mul3A_548, %mul3A_557 : vector<512x128xf32>
    %get3A_559 = arith.constant 2 : index
    %get3A_560 = arith.constant 0 : index
    %get3A_561 = arith.constant 2048 : index
    %get3A_562 = vector.load %arg1[%get3A_559, %get3A_560, %get3A_561] : memref<3x4x4096xf32, #tpu.memory_space<vmem>>, vector<1x1x128xf32>
    %get3A_563 = vector.shape_cast %get3A_562 : vector<1x1x128xf32> to vector<1x128xf32>
    %sub3A_564 = vector.broadcast %slice3A_5 : vector<512x1xf32> to vector<512x128xf32>
    %sub3A_565 = vector.broadcast %get3A_563 : vector<1x128xf32> to vector<512x128xf32>
    %sub3A_566 = arith.subf %sub3A_564, %sub3A_565 : vector<512x128xf32>
    %mul3A_567 = arith.mulf %sub3A_566, %sub3A_566 : vector<512x128xf32>
    %add3A_568 = arith.addf %add3A_558, %mul3A_567 : vector<512x128xf32>
    %lt3A_569 = arith.cmpf olt, %add3A_568, %select_n3A_536 : vector<512x128xf32>
    %select_n3A_570 = arith.select %lt3A_569, %add3A_568, %select_n3A_536 : vector<512x128xi1>, vector<512x128xf32>
    %jit3A_571 = arith.constant 16 : i32
    %broadcast_in_dim3A_572 = vector.broadcast %jit3A_571 : i32 to vector<512x128xi32>
    %select_n3A_573 = arith.select %lt3A_569, %broadcast_in_dim3A_572, %select_n3A_539 : vector<512x128xi1>, vector<512x128xi32>
    %get3A_574 = arith.constant 0 : index
    %get3A_575 = arith.constant 0 : index
    %get3A_576 = arith.constant 2176 : index
    %get3A_577 = vector.load %arg1[%get3A_574, %get3A_575, %get3A_576] : memref<3x4x4096xf32, #tpu.memory_space<vmem>>, vector<1x1x128xf32>
    %get3A_578 = vector.shape_cast %get3A_577 : vector<1x1x128xf32> to vector<1x128xf32>
    %sub3A_579 = vector.broadcast %slice3A : vector<512x1xf32> to vector<512x128xf32>
    %sub3A_580 = vector.broadcast %get3A_578 : vector<1x128xf32> to vector<512x128xf32>
    %sub3A_581 = arith.subf %sub3A_579, %sub3A_580 : vector<512x128xf32>
    %mul3A_582 = arith.mulf %sub3A_581, %sub3A_581 : vector<512x128xf32>
    %get3A_583 = arith.constant 1 : index
    %get3A_584 = arith.constant 0 : index
    %get3A_585 = arith.constant 2176 : index
    %get3A_586 = vector.load %arg1[%get3A_583, %get3A_584, %get3A_585] : memref<3x4x4096xf32, #tpu.memory_space<vmem>>, vector<1x1x128xf32>
    %get3A_587 = vector.shape_cast %get3A_586 : vector<1x1x128xf32> to vector<1x128xf32>
    %sub3A_588 = vector.broadcast %slice3A_4 : vector<512x1xf32> to vector<512x128xf32>
    %sub3A_589 = vector.broadcast %get3A_587 : vector<1x128xf32> to vector<512x128xf32>
    %sub3A_590 = arith.subf %sub3A_588, %sub3A_589 : vector<512x128xf32>
    %mul3A_591 = arith.mulf %sub3A_590, %sub3A_590 : vector<512x128xf32>
    %add3A_592 = arith.addf %mul3A_582, %mul3A_591 : vector<512x128xf32>
    %get3A_593 = arith.constant 2 : index
    %get3A_594 = arith.constant 0 : index
    %get3A_595 = arith.constant 2176 : index
    %get3A_596 = vector.load %arg1[%get3A_593, %get3A_594, %get3A_595] : memref<3x4x4096xf32, #tpu.memory_space<vmem>>, vector<1x1x128xf32>
    %get3A_597 = vector.shape_cast %get3A_596 : vector<1x1x128xf32> to vector<1x128xf32>
    %sub3A_598 = vector.broadcast %slice3A_5 : vector<512x1xf32> to vector<512x128xf32>
    %sub3A_599 = vector.broadcast %get3A_597 : vector<1x128xf32> to vector<512x128xf32>
    %sub3A_600 = arith.subf %sub3A_598, %sub3A_599 : vector<512x128xf32>
    %mul3A_601 = arith.mulf %sub3A_600, %sub3A_600 : vector<512x128xf32>
    %add3A_602 = arith.addf %add3A_592, %mul3A_601 : vector<512x128xf32>
    %lt3A_603 = arith.cmpf olt, %add3A_602, %select_n3A_570 : vector<512x128xf32>
    %select_n3A_604 = arith.select %lt3A_603, %add3A_602, %select_n3A_570 : vector<512x128xi1>, vector<512x128xf32>
    %jit3A_605 = arith.constant 17 : i32
    %broadcast_in_dim3A_606 = vector.broadcast %jit3A_605 : i32 to vector<512x128xi32>
    %select_n3A_607 = arith.select %lt3A_603, %broadcast_in_dim3A_606, %select_n3A_573 : vector<512x128xi1>, vector<512x128xi32>
    %get3A_608 = arith.constant 0 : index
    %get3A_609 = arith.constant 0 : index
    %get3A_610 = arith.constant 2304 : index
    %get3A_611 = vector.load %arg1[%get3A_608, %get3A_609, %get3A_610] : memref<3x4x4096xf32, #tpu.memory_space<vmem>>, vector<1x1x128xf32>
    %get3A_612 = vector.shape_cast %get3A_611 : vector<1x1x128xf32> to vector<1x128xf32>
    %sub3A_613 = vector.broadcast %slice3A : vector<512x1xf32> to vector<512x128xf32>
    %sub3A_614 = vector.broadcast %get3A_612 : vector<1x128xf32> to vector<512x128xf32>
    %sub3A_615 = arith.subf %sub3A_613, %sub3A_614 : vector<512x128xf32>
    %mul3A_616 = arith.mulf %sub3A_615, %sub3A_615 : vector<512x128xf32>
    %get3A_617 = arith.constant 1 : index
    %get3A_618 = arith.constant 0 : index
    %get3A_619 = arith.constant 2304 : index
    %get3A_620 = vector.load %arg1[%get3A_617, %get3A_618, %get3A_619] : memref<3x4x4096xf32, #tpu.memory_space<vmem>>, vector<1x1x128xf32>
    %get3A_621 = vector.shape_cast %get3A_620 : vector<1x1x128xf32> to vector<1x128xf32>
    %sub3A_622 = vector.broadcast %slice3A_4 : vector<512x1xf32> to vector<512x128xf32>
    %sub3A_623 = vector.broadcast %get3A_621 : vector<1x128xf32> to vector<512x128xf32>
    %sub3A_624 = arith.subf %sub3A_622, %sub3A_623 : vector<512x128xf32>
    %mul3A_625 = arith.mulf %sub3A_624, %sub3A_624 : vector<512x128xf32>
    %add3A_626 = arith.addf %mul3A_616, %mul3A_625 : vector<512x128xf32>
    %get3A_627 = arith.constant 2 : index
    %get3A_628 = arith.constant 0 : index
    %get3A_629 = arith.constant 2304 : index
    %get3A_630 = vector.load %arg1[%get3A_627, %get3A_628, %get3A_629] : memref<3x4x4096xf32, #tpu.memory_space<vmem>>, vector<1x1x128xf32>
    %get3A_631 = vector.shape_cast %get3A_630 : vector<1x1x128xf32> to vector<1x128xf32>
    %sub3A_632 = vector.broadcast %slice3A_5 : vector<512x1xf32> to vector<512x128xf32>
    %sub3A_633 = vector.broadcast %get3A_631 : vector<1x128xf32> to vector<512x128xf32>
    %sub3A_634 = arith.subf %sub3A_632, %sub3A_633 : vector<512x128xf32>
    %mul3A_635 = arith.mulf %sub3A_634, %sub3A_634 : vector<512x128xf32>
    %add3A_636 = arith.addf %add3A_626, %mul3A_635 : vector<512x128xf32>
    %lt3A_637 = arith.cmpf olt, %add3A_636, %select_n3A_604 : vector<512x128xf32>
    %select_n3A_638 = arith.select %lt3A_637, %add3A_636, %select_n3A_604 : vector<512x128xi1>, vector<512x128xf32>
    %jit3A_639 = arith.constant 18 : i32
    %broadcast_in_dim3A_640 = vector.broadcast %jit3A_639 : i32 to vector<512x128xi32>
    %select_n3A_641 = arith.select %lt3A_637, %broadcast_in_dim3A_640, %select_n3A_607 : vector<512x128xi1>, vector<512x128xi32>
    %get3A_642 = arith.constant 0 : index
    %get3A_643 = arith.constant 0 : index
    %get3A_644 = arith.constant 2432 : index
    %get3A_645 = vector.load %arg1[%get3A_642, %get3A_643, %get3A_644] : memref<3x4x4096xf32, #tpu.memory_space<vmem>>, vector<1x1x128xf32>
    %get3A_646 = vector.shape_cast %get3A_645 : vector<1x1x128xf32> to vector<1x128xf32>
    %sub3A_647 = vector.broadcast %slice3A : vector<512x1xf32> to vector<512x128xf32>
    %sub3A_648 = vector.broadcast %get3A_646 : vector<1x128xf32> to vector<512x128xf32>
    %sub3A_649 = arith.subf %sub3A_647, %sub3A_648 : vector<512x128xf32>
    %mul3A_650 = arith.mulf %sub3A_649, %sub3A_649 : vector<512x128xf32>
    %get3A_651 = arith.constant 1 : index
    %get3A_652 = arith.constant 0 : index
    %get3A_653 = arith.constant 2432 : index
    %get3A_654 = vector.load %arg1[%get3A_651, %get3A_652, %get3A_653] : memref<3x4x4096xf32, #tpu.memory_space<vmem>>, vector<1x1x128xf32>
    %get3A_655 = vector.shape_cast %get3A_654 : vector<1x1x128xf32> to vector<1x128xf32>
    %sub3A_656 = vector.broadcast %slice3A_4 : vector<512x1xf32> to vector<512x128xf32>
    %sub3A_657 = vector.broadcast %get3A_655 : vector<1x128xf32> to vector<512x128xf32>
    %sub3A_658 = arith.subf %sub3A_656, %sub3A_657 : vector<512x128xf32>
    %mul3A_659 = arith.mulf %sub3A_658, %sub3A_658 : vector<512x128xf32>
    %add3A_660 = arith.addf %mul3A_650, %mul3A_659 : vector<512x128xf32>
    %get3A_661 = arith.constant 2 : index
    %get3A_662 = arith.constant 0 : index
    %get3A_663 = arith.constant 2432 : index
    %get3A_664 = vector.load %arg1[%get3A_661, %get3A_662, %get3A_663] : memref<3x4x4096xf32, #tpu.memory_space<vmem>>, vector<1x1x128xf32>
    %get3A_665 = vector.shape_cast %get3A_664 : vector<1x1x128xf32> to vector<1x128xf32>
    %sub3A_666 = vector.broadcast %slice3A_5 : vector<512x1xf32> to vector<512x128xf32>
    %sub3A_667 = vector.broadcast %get3A_665 : vector<1x128xf32> to vector<512x128xf32>
    %sub3A_668 = arith.subf %sub3A_666, %sub3A_667 : vector<512x128xf32>
    %mul3A_669 = arith.mulf %sub3A_668, %sub3A_668 : vector<512x128xf32>
    %add3A_670 = arith.addf %add3A_660, %mul3A_669 : vector<512x128xf32>
    %lt3A_671 = arith.cmpf olt, %add3A_670, %select_n3A_638 : vector<512x128xf32>
    %select_n3A_672 = arith.select %lt3A_671, %add3A_670, %select_n3A_638 : vector<512x128xi1>, vector<512x128xf32>
    %jit3A_673 = arith.constant 19 : i32
    %broadcast_in_dim3A_674 = vector.broadcast %jit3A_673 : i32 to vector<512x128xi32>
    %select_n3A_675 = arith.select %lt3A_671, %broadcast_in_dim3A_674, %select_n3A_641 : vector<512x128xi1>, vector<512x128xi32>
    %get3A_676 = arith.constant 0 : index
    %get3A_677 = arith.constant 0 : index
    %get3A_678 = arith.constant 2560 : index
    %get3A_679 = vector.load %arg1[%get3A_676, %get3A_677, %get3A_678] : memref<3x4x4096xf32, #tpu.memory_space<vmem>>, vector<1x1x128xf32>
    %get3A_680 = vector.shape_cast %get3A_679 : vector<1x1x128xf32> to vector<1x128xf32>
    %sub3A_681 = vector.broadcast %slice3A : vector<512x1xf32> to vector<512x128xf32>
    %sub3A_682 = vector.broadcast %get3A_680 : vector<1x128xf32> to vector<512x128xf32>
    %sub3A_683 = arith.subf %sub3A_681, %sub3A_682 : vector<512x128xf32>
    %mul3A_684 = arith.mulf %sub3A_683, %sub3A_683 : vector<512x128xf32>
    %get3A_685 = arith.constant 1 : index
    %get3A_686 = arith.constant 0 : index
    %get3A_687 = arith.constant 2560 : index
    %get3A_688 = vector.load %arg1[%get3A_685, %get3A_686, %get3A_687] : memref<3x4x4096xf32, #tpu.memory_space<vmem>>, vector<1x1x128xf32>
    %get3A_689 = vector.shape_cast %get3A_688 : vector<1x1x128xf32> to vector<1x128xf32>
    %sub3A_690 = vector.broadcast %slice3A_4 : vector<512x1xf32> to vector<512x128xf32>
    %sub3A_691 = vector.broadcast %get3A_689 : vector<1x128xf32> to vector<512x128xf32>
    %sub3A_692 = arith.subf %sub3A_690, %sub3A_691 : vector<512x128xf32>
    %mul3A_693 = arith.mulf %sub3A_692, %sub3A_692 : vector<512x128xf32>
    %add3A_694 = arith.addf %mul3A_684, %mul3A_693 : vector<512x128xf32>
    %get3A_695 = arith.constant 2 : index
    %get3A_696 = arith.constant 0 : index
    %get3A_697 = arith.constant 2560 : index
    %get3A_698 = vector.load %arg1[%get3A_695, %get3A_696, %get3A_697] : memref<3x4x4096xf32, #tpu.memory_space<vmem>>, vector<1x1x128xf32>
    %get3A_699 = vector.shape_cast %get3A_698 : vector<1x1x128xf32> to vector<1x128xf32>
    %sub3A_700 = vector.broadcast %slice3A_5 : vector<512x1xf32> to vector<512x128xf32>
    %sub3A_701 = vector.broadcast %get3A_699 : vector<1x128xf32> to vector<512x128xf32>
    %sub3A_702 = arith.subf %sub3A_700, %sub3A_701 : vector<512x128xf32>
    %mul3A_703 = arith.mulf %sub3A_702, %sub3A_702 : vector<512x128xf32>
    %add3A_704 = arith.addf %add3A_694, %mul3A_703 : vector<512x128xf32>
    %lt3A_705 = arith.cmpf olt, %add3A_704, %select_n3A_672 : vector<512x128xf32>
    %select_n3A_706 = arith.select %lt3A_705, %add3A_704, %select_n3A_672 : vector<512x128xi1>, vector<512x128xf32>
    %jit3A_707 = arith.constant 20 : i32
    %broadcast_in_dim3A_708 = vector.broadcast %jit3A_707 : i32 to vector<512x128xi32>
    %select_n3A_709 = arith.select %lt3A_705, %broadcast_in_dim3A_708, %select_n3A_675 : vector<512x128xi1>, vector<512x128xi32>
    %get3A_710 = arith.constant 0 : index
    %get3A_711 = arith.constant 0 : index
    %get3A_712 = arith.constant 2688 : index
    %get3A_713 = vector.load %arg1[%get3A_710, %get3A_711, %get3A_712] : memref<3x4x4096xf32, #tpu.memory_space<vmem>>, vector<1x1x128xf32>
    %get3A_714 = vector.shape_cast %get3A_713 : vector<1x1x128xf32> to vector<1x128xf32>
    %sub3A_715 = vector.broadcast %slice3A : vector<512x1xf32> to vector<512x128xf32>
    %sub3A_716 = vector.broadcast %get3A_714 : vector<1x128xf32> to vector<512x128xf32>
    %sub3A_717 = arith.subf %sub3A_715, %sub3A_716 : vector<512x128xf32>
    %mul3A_718 = arith.mulf %sub3A_717, %sub3A_717 : vector<512x128xf32>
    %get3A_719 = arith.constant 1 : index
    %get3A_720 = arith.constant 0 : index
    %get3A_721 = arith.constant 2688 : index
    %get3A_722 = vector.load %arg1[%get3A_719, %get3A_720, %get3A_721] : memref<3x4x4096xf32, #tpu.memory_space<vmem>>, vector<1x1x128xf32>
    %get3A_723 = vector.shape_cast %get3A_722 : vector<1x1x128xf32> to vector<1x128xf32>
    %sub3A_724 = vector.broadcast %slice3A_4 : vector<512x1xf32> to vector<512x128xf32>
    %sub3A_725 = vector.broadcast %get3A_723 : vector<1x128xf32> to vector<512x128xf32>
    %sub3A_726 = arith.subf %sub3A_724, %sub3A_725 : vector<512x128xf32>
    %mul3A_727 = arith.mulf %sub3A_726, %sub3A_726 : vector<512x128xf32>
    %add3A_728 = arith.addf %mul3A_718, %mul3A_727 : vector<512x128xf32>
    %get3A_729 = arith.constant 2 : index
    %get3A_730 = arith.constant 0 : index
    %get3A_731 = arith.constant 2688 : index
    %get3A_732 = vector.load %arg1[%get3A_729, %get3A_730, %get3A_731] : memref<3x4x4096xf32, #tpu.memory_space<vmem>>, vector<1x1x128xf32>
    %get3A_733 = vector.shape_cast %get3A_732 : vector<1x1x128xf32> to vector<1x128xf32>
    %sub3A_734 = vector.broadcast %slice3A_5 : vector<512x1xf32> to vector<512x128xf32>
    %sub3A_735 = vector.broadcast %get3A_733 : vector<1x128xf32> to vector<512x128xf32>
    %sub3A_736 = arith.subf %sub3A_734, %sub3A_735 : vector<512x128xf32>
    %mul3A_737 = arith.mulf %sub3A_736, %sub3A_736 : vector<512x128xf32>
    %add3A_738 = arith.addf %add3A_728, %mul3A_737 : vector<512x128xf32>
    %lt3A_739 = arith.cmpf olt, %add3A_738, %select_n3A_706 : vector<512x128xf32>
    %select_n3A_740 = arith.select %lt3A_739, %add3A_738, %select_n3A_706 : vector<512x128xi1>, vector<512x128xf32>
    %jit3A_741 = arith.constant 21 : i32
    %broadcast_in_dim3A_742 = vector.broadcast %jit3A_741 : i32 to vector<512x128xi32>
    %select_n3A_743 = arith.select %lt3A_739, %broadcast_in_dim3A_742, %select_n3A_709 : vector<512x128xi1>, vector<512x128xi32>
    %get3A_744 = arith.constant 0 : index
    %get3A_745 = arith.constant 0 : index
    %get3A_746 = arith.constant 2816 : index
    %get3A_747 = vector.load %arg1[%get3A_744, %get3A_745, %get3A_746] : memref<3x4x4096xf32, #tpu.memory_space<vmem>>, vector<1x1x128xf32>
    %get3A_748 = vector.shape_cast %get3A_747 : vector<1x1x128xf32> to vector<1x128xf32>
    %sub3A_749 = vector.broadcast %slice3A : vector<512x1xf32> to vector<512x128xf32>
    %sub3A_750 = vector.broadcast %get3A_748 : vector<1x128xf32> to vector<512x128xf32>
    %sub3A_751 = arith.subf %sub3A_749, %sub3A_750 : vector<512x128xf32>
    %mul3A_752 = arith.mulf %sub3A_751, %sub3A_751 : vector<512x128xf32>
    %get3A_753 = arith.constant 1 : index
    %get3A_754 = arith.constant 0 : index
    %get3A_755 = arith.constant 2816 : index
    %get3A_756 = vector.load %arg1[%get3A_753, %get3A_754, %get3A_755] : memref<3x4x4096xf32, #tpu.memory_space<vmem>>, vector<1x1x128xf32>
    %get3A_757 = vector.shape_cast %get3A_756 : vector<1x1x128xf32> to vector<1x128xf32>
    %sub3A_758 = vector.broadcast %slice3A_4 : vector<512x1xf32> to vector<512x128xf32>
    %sub3A_759 = vector.broadcast %get3A_757 : vector<1x128xf32> to vector<512x128xf32>
    %sub3A_760 = arith.subf %sub3A_758, %sub3A_759 : vector<512x128xf32>
    %mul3A_761 = arith.mulf %sub3A_760, %sub3A_760 : vector<512x128xf32>
    %add3A_762 = arith.addf %mul3A_752, %mul3A_761 : vector<512x128xf32>
    %get3A_763 = arith.constant 2 : index
    %get3A_764 = arith.constant 0 : index
    %get3A_765 = arith.constant 2816 : index
    %get3A_766 = vector.load %arg1[%get3A_763, %get3A_764, %get3A_765] : memref<3x4x4096xf32, #tpu.memory_space<vmem>>, vector<1x1x128xf32>
    %get3A_767 = vector.shape_cast %get3A_766 : vector<1x1x128xf32> to vector<1x128xf32>
    %sub3A_768 = vector.broadcast %slice3A_5 : vector<512x1xf32> to vector<512x128xf32>
    %sub3A_769 = vector.broadcast %get3A_767 : vector<1x128xf32> to vector<512x128xf32>
    %sub3A_770 = arith.subf %sub3A_768, %sub3A_769 : vector<512x128xf32>
    %mul3A_771 = arith.mulf %sub3A_770, %sub3A_770 : vector<512x128xf32>
    %add3A_772 = arith.addf %add3A_762, %mul3A_771 : vector<512x128xf32>
    %lt3A_773 = arith.cmpf olt, %add3A_772, %select_n3A_740 : vector<512x128xf32>
    %select_n3A_774 = arith.select %lt3A_773, %add3A_772, %select_n3A_740 : vector<512x128xi1>, vector<512x128xf32>
    %jit3A_775 = arith.constant 22 : i32
    %broadcast_in_dim3A_776 = vector.broadcast %jit3A_775 : i32 to vector<512x128xi32>
    %select_n3A_777 = arith.select %lt3A_773, %broadcast_in_dim3A_776, %select_n3A_743 : vector<512x128xi1>, vector<512x128xi32>
    %get3A_778 = arith.constant 0 : index
    %get3A_779 = arith.constant 0 : index
    %get3A_780 = arith.constant 2944 : index
    %get3A_781 = vector.load %arg1[%get3A_778, %get3A_779, %get3A_780] : memref<3x4x4096xf32, #tpu.memory_space<vmem>>, vector<1x1x128xf32>
    %get3A_782 = vector.shape_cast %get3A_781 : vector<1x1x128xf32> to vector<1x128xf32>
    %sub3A_783 = vector.broadcast %slice3A : vector<512x1xf32> to vector<512x128xf32>
    %sub3A_784 = vector.broadcast %get3A_782 : vector<1x128xf32> to vector<512x128xf32>
    %sub3A_785 = arith.subf %sub3A_783, %sub3A_784 : vector<512x128xf32>
    %mul3A_786 = arith.mulf %sub3A_785, %sub3A_785 : vector<512x128xf32>
    %get3A_787 = arith.constant 1 : index
    %get3A_788 = arith.constant 0 : index
    %get3A_789 = arith.constant 2944 : index
    %get3A_790 = vector.load %arg1[%get3A_787, %get3A_788, %get3A_789] : memref<3x4x4096xf32, #tpu.memory_space<vmem>>, vector<1x1x128xf32>
    %get3A_791 = vector.shape_cast %get3A_790 : vector<1x1x128xf32> to vector<1x128xf32>
    %sub3A_792 = vector.broadcast %slice3A_4 : vector<512x1xf32> to vector<512x128xf32>
    %sub3A_793 = vector.broadcast %get3A_791 : vector<1x128xf32> to vector<512x128xf32>
    %sub3A_794 = arith.subf %sub3A_792, %sub3A_793 : vector<512x128xf32>
    %mul3A_795 = arith.mulf %sub3A_794, %sub3A_794 : vector<512x128xf32>
    %add3A_796 = arith.addf %mul3A_786, %mul3A_795 : vector<512x128xf32>
    %get3A_797 = arith.constant 2 : index
    %get3A_798 = arith.constant 0 : index
    %get3A_799 = arith.constant 2944 : index
    %get3A_800 = vector.load %arg1[%get3A_797, %get3A_798, %get3A_799] : memref<3x4x4096xf32, #tpu.memory_space<vmem>>, vector<1x1x128xf32>
    %get3A_801 = vector.shape_cast %get3A_800 : vector<1x1x128xf32> to vector<1x128xf32>
    %sub3A_802 = vector.broadcast %slice3A_5 : vector<512x1xf32> to vector<512x128xf32>
    %sub3A_803 = vector.broadcast %get3A_801 : vector<1x128xf32> to vector<512x128xf32>
    %sub3A_804 = arith.subf %sub3A_802, %sub3A_803 : vector<512x128xf32>
    %mul3A_805 = arith.mulf %sub3A_804, %sub3A_804 : vector<512x128xf32>
    %add3A_806 = arith.addf %add3A_796, %mul3A_805 : vector<512x128xf32>
    %lt3A_807 = arith.cmpf olt, %add3A_806, %select_n3A_774 : vector<512x128xf32>
    %select_n3A_808 = arith.select %lt3A_807, %add3A_806, %select_n3A_774 : vector<512x128xi1>, vector<512x128xf32>
    %jit3A_809 = arith.constant 23 : i32
    %broadcast_in_dim3A_810 = vector.broadcast %jit3A_809 : i32 to vector<512x128xi32>
    %select_n3A_811 = arith.select %lt3A_807, %broadcast_in_dim3A_810, %select_n3A_777 : vector<512x128xi1>, vector<512x128xi32>
    %get3A_812 = arith.constant 0 : index
    %get3A_813 = arith.constant 0 : index
    %get3A_814 = arith.constant 3072 : index
    %get3A_815 = vector.load %arg1[%get3A_812, %get3A_813, %get3A_814] : memref<3x4x4096xf32, #tpu.memory_space<vmem>>, vector<1x1x128xf32>
    %get3A_816 = vector.shape_cast %get3A_815 : vector<1x1x128xf32> to vector<1x128xf32>
    %sub3A_817 = vector.broadcast %slice3A : vector<512x1xf32> to vector<512x128xf32>
    %sub3A_818 = vector.broadcast %get3A_816 : vector<1x128xf32> to vector<512x128xf32>
    %sub3A_819 = arith.subf %sub3A_817, %sub3A_818 : vector<512x128xf32>
    %mul3A_820 = arith.mulf %sub3A_819, %sub3A_819 : vector<512x128xf32>
    %get3A_821 = arith.constant 1 : index
    %get3A_822 = arith.constant 0 : index
    %get3A_823 = arith.constant 3072 : index
    %get3A_824 = vector.load %arg1[%get3A_821, %get3A_822, %get3A_823] : memref<3x4x4096xf32, #tpu.memory_space<vmem>>, vector<1x1x128xf32>
    %get3A_825 = vector.shape_cast %get3A_824 : vector<1x1x128xf32> to vector<1x128xf32>
    %sub3A_826 = vector.broadcast %slice3A_4 : vector<512x1xf32> to vector<512x128xf32>
    %sub3A_827 = vector.broadcast %get3A_825 : vector<1x128xf32> to vector<512x128xf32>
    %sub3A_828 = arith.subf %sub3A_826, %sub3A_827 : vector<512x128xf32>
    %mul3A_829 = arith.mulf %sub3A_828, %sub3A_828 : vector<512x128xf32>
    %add3A_830 = arith.addf %mul3A_820, %mul3A_829 : vector<512x128xf32>
    %get3A_831 = arith.constant 2 : index
    %get3A_832 = arith.constant 0 : index
    %get3A_833 = arith.constant 3072 : index
    %get3A_834 = vector.load %arg1[%get3A_831, %get3A_832, %get3A_833] : memref<3x4x4096xf32, #tpu.memory_space<vmem>>, vector<1x1x128xf32>
    %get3A_835 = vector.shape_cast %get3A_834 : vector<1x1x128xf32> to vector<1x128xf32>
    %sub3A_836 = vector.broadcast %slice3A_5 : vector<512x1xf32> to vector<512x128xf32>
    %sub3A_837 = vector.broadcast %get3A_835 : vector<1x128xf32> to vector<512x128xf32>
    %sub3A_838 = arith.subf %sub3A_836, %sub3A_837 : vector<512x128xf32>
    %mul3A_839 = arith.mulf %sub3A_838, %sub3A_838 : vector<512x128xf32>
    %add3A_840 = arith.addf %add3A_830, %mul3A_839 : vector<512x128xf32>
    %lt3A_841 = arith.cmpf olt, %add3A_840, %select_n3A_808 : vector<512x128xf32>
    %select_n3A_842 = arith.select %lt3A_841, %add3A_840, %select_n3A_808 : vector<512x128xi1>, vector<512x128xf32>
    %jit3A_843 = arith.constant 24 : i32
    %broadcast_in_dim3A_844 = vector.broadcast %jit3A_843 : i32 to vector<512x128xi32>
    %select_n3A_845 = arith.select %lt3A_841, %broadcast_in_dim3A_844, %select_n3A_811 : vector<512x128xi1>, vector<512x128xi32>
    %get3A_846 = arith.constant 0 : index
    %get3A_847 = arith.constant 0 : index
    %get3A_848 = arith.constant 3200 : index
    %get3A_849 = vector.load %arg1[%get3A_846, %get3A_847, %get3A_848] : memref<3x4x4096xf32, #tpu.memory_space<vmem>>, vector<1x1x128xf32>
    %get3A_850 = vector.shape_cast %get3A_849 : vector<1x1x128xf32> to vector<1x128xf32>
    %sub3A_851 = vector.broadcast %slice3A : vector<512x1xf32> to vector<512x128xf32>
    %sub3A_852 = vector.broadcast %get3A_850 : vector<1x128xf32> to vector<512x128xf32>
    %sub3A_853 = arith.subf %sub3A_851, %sub3A_852 : vector<512x128xf32>
    %mul3A_854 = arith.mulf %sub3A_853, %sub3A_853 : vector<512x128xf32>
    %get3A_855 = arith.constant 1 : index
    %get3A_856 = arith.constant 0 : index
    %get3A_857 = arith.constant 3200 : index
    %get3A_858 = vector.load %arg1[%get3A_855, %get3A_856, %get3A_857] : memref<3x4x4096xf32, #tpu.memory_space<vmem>>, vector<1x1x128xf32>
    %get3A_859 = vector.shape_cast %get3A_858 : vector<1x1x128xf32> to vector<1x128xf32>
    %sub3A_860 = vector.broadcast %slice3A_4 : vector<512x1xf32> to vector<512x128xf32>
    %sub3A_861 = vector.broadcast %get3A_859 : vector<1x128xf32> to vector<512x128xf32>
    %sub3A_862 = arith.subf %sub3A_860, %sub3A_861 : vector<512x128xf32>
    %mul3A_863 = arith.mulf %sub3A_862, %sub3A_862 : vector<512x128xf32>
    %add3A_864 = arith.addf %mul3A_854, %mul3A_863 : vector<512x128xf32>
    %get3A_865 = arith.constant 2 : index
    %get3A_866 = arith.constant 0 : index
    %get3A_867 = arith.constant 3200 : index
    %get3A_868 = vector.load %arg1[%get3A_865, %get3A_866, %get3A_867] : memref<3x4x4096xf32, #tpu.memory_space<vmem>>, vector<1x1x128xf32>
    %get3A_869 = vector.shape_cast %get3A_868 : vector<1x1x128xf32> to vector<1x128xf32>
    %sub3A_870 = vector.broadcast %slice3A_5 : vector<512x1xf32> to vector<512x128xf32>
    %sub3A_871 = vector.broadcast %get3A_869 : vector<1x128xf32> to vector<512x128xf32>
    %sub3A_872 = arith.subf %sub3A_870, %sub3A_871 : vector<512x128xf32>
    %mul3A_873 = arith.mulf %sub3A_872, %sub3A_872 : vector<512x128xf32>
    %add3A_874 = arith.addf %add3A_864, %mul3A_873 : vector<512x128xf32>
    %lt3A_875 = arith.cmpf olt, %add3A_874, %select_n3A_842 : vector<512x128xf32>
    %select_n3A_876 = arith.select %lt3A_875, %add3A_874, %select_n3A_842 : vector<512x128xi1>, vector<512x128xf32>
    %jit3A_877 = arith.constant 25 : i32
    %broadcast_in_dim3A_878 = vector.broadcast %jit3A_877 : i32 to vector<512x128xi32>
    %select_n3A_879 = arith.select %lt3A_875, %broadcast_in_dim3A_878, %select_n3A_845 : vector<512x128xi1>, vector<512x128xi32>
    %get3A_880 = arith.constant 0 : index
    %get3A_881 = arith.constant 0 : index
    %get3A_882 = arith.constant 3328 : index
    %get3A_883 = vector.load %arg1[%get3A_880, %get3A_881, %get3A_882] : memref<3x4x4096xf32, #tpu.memory_space<vmem>>, vector<1x1x128xf32>
    %get3A_884 = vector.shape_cast %get3A_883 : vector<1x1x128xf32> to vector<1x128xf32>
    %sub3A_885 = vector.broadcast %slice3A : vector<512x1xf32> to vector<512x128xf32>
    %sub3A_886 = vector.broadcast %get3A_884 : vector<1x128xf32> to vector<512x128xf32>
    %sub3A_887 = arith.subf %sub3A_885, %sub3A_886 : vector<512x128xf32>
    %mul3A_888 = arith.mulf %sub3A_887, %sub3A_887 : vector<512x128xf32>
    %get3A_889 = arith.constant 1 : index
    %get3A_890 = arith.constant 0 : index
    %get3A_891 = arith.constant 3328 : index
    %get3A_892 = vector.load %arg1[%get3A_889, %get3A_890, %get3A_891] : memref<3x4x4096xf32, #tpu.memory_space<vmem>>, vector<1x1x128xf32>
    %get3A_893 = vector.shape_cast %get3A_892 : vector<1x1x128xf32> to vector<1x128xf32>
    %sub3A_894 = vector.broadcast %slice3A_4 : vector<512x1xf32> to vector<512x128xf32>
    %sub3A_895 = vector.broadcast %get3A_893 : vector<1x128xf32> to vector<512x128xf32>
    %sub3A_896 = arith.subf %sub3A_894, %sub3A_895 : vector<512x128xf32>
    %mul3A_897 = arith.mulf %sub3A_896, %sub3A_896 : vector<512x128xf32>
    %add3A_898 = arith.addf %mul3A_888, %mul3A_897 : vector<512x128xf32>
    %get3A_899 = arith.constant 2 : index
    %get3A_900 = arith.constant 0 : index
    %get3A_901 = arith.constant 3328 : index
    %get3A_902 = vector.load %arg1[%get3A_899, %get3A_900, %get3A_901] : memref<3x4x4096xf32, #tpu.memory_space<vmem>>, vector<1x1x128xf32>
    %get3A_903 = vector.shape_cast %get3A_902 : vector<1x1x128xf32> to vector<1x128xf32>
    %sub3A_904 = vector.broadcast %slice3A_5 : vector<512x1xf32> to vector<512x128xf32>
    %sub3A_905 = vector.broadcast %get3A_903 : vector<1x128xf32> to vector<512x128xf32>
    %sub3A_906 = arith.subf %sub3A_904, %sub3A_905 : vector<512x128xf32>
    %mul3A_907 = arith.mulf %sub3A_906, %sub3A_906 : vector<512x128xf32>
    %add3A_908 = arith.addf %add3A_898, %mul3A_907 : vector<512x128xf32>
    %lt3A_909 = arith.cmpf olt, %add3A_908, %select_n3A_876 : vector<512x128xf32>
    %select_n3A_910 = arith.select %lt3A_909, %add3A_908, %select_n3A_876 : vector<512x128xi1>, vector<512x128xf32>
    %jit3A_911 = arith.constant 26 : i32
    %broadcast_in_dim3A_912 = vector.broadcast %jit3A_911 : i32 to vector<512x128xi32>
    %select_n3A_913 = arith.select %lt3A_909, %broadcast_in_dim3A_912, %select_n3A_879 : vector<512x128xi1>, vector<512x128xi32>
    %get3A_914 = arith.constant 0 : index
    %get3A_915 = arith.constant 0 : index
    %get3A_916 = arith.constant 3456 : index
    %get3A_917 = vector.load %arg1[%get3A_914, %get3A_915, %get3A_916] : memref<3x4x4096xf32, #tpu.memory_space<vmem>>, vector<1x1x128xf32>
    %get3A_918 = vector.shape_cast %get3A_917 : vector<1x1x128xf32> to vector<1x128xf32>
    %sub3A_919 = vector.broadcast %slice3A : vector<512x1xf32> to vector<512x128xf32>
    %sub3A_920 = vector.broadcast %get3A_918 : vector<1x128xf32> to vector<512x128xf32>
    %sub3A_921 = arith.subf %sub3A_919, %sub3A_920 : vector<512x128xf32>
    %mul3A_922 = arith.mulf %sub3A_921, %sub3A_921 : vector<512x128xf32>
    %get3A_923 = arith.constant 1 : index
    %get3A_924 = arith.constant 0 : index
    %get3A_925 = arith.constant 3456 : index
    %get3A_926 = vector.load %arg1[%get3A_923, %get3A_924, %get3A_925] : memref<3x4x4096xf32, #tpu.memory_space<vmem>>, vector<1x1x128xf32>
    %get3A_927 = vector.shape_cast %get3A_926 : vector<1x1x128xf32> to vector<1x128xf32>
    %sub3A_928 = vector.broadcast %slice3A_4 : vector<512x1xf32> to vector<512x128xf32>
    %sub3A_929 = vector.broadcast %get3A_927 : vector<1x128xf32> to vector<512x128xf32>
    %sub3A_930 = arith.subf %sub3A_928, %sub3A_929 : vector<512x128xf32>
    %mul3A_931 = arith.mulf %sub3A_930, %sub3A_930 : vector<512x128xf32>
    %add3A_932 = arith.addf %mul3A_922, %mul3A_931 : vector<512x128xf32>
    %get3A_933 = arith.constant 2 : index
    %get3A_934 = arith.constant 0 : index
    %get3A_935 = arith.constant 3456 : index
    %get3A_936 = vector.load %arg1[%get3A_933, %get3A_934, %get3A_935] : memref<3x4x4096xf32, #tpu.memory_space<vmem>>, vector<1x1x128xf32>
    %get3A_937 = vector.shape_cast %get3A_936 : vector<1x1x128xf32> to vector<1x128xf32>
    %sub3A_938 = vector.broadcast %slice3A_5 : vector<512x1xf32> to vector<512x128xf32>
    %sub3A_939 = vector.broadcast %get3A_937 : vector<1x128xf32> to vector<512x128xf32>
    %sub3A_940 = arith.subf %sub3A_938, %sub3A_939 : vector<512x128xf32>
    %mul3A_941 = arith.mulf %sub3A_940, %sub3A_940 : vector<512x128xf32>
    %add3A_942 = arith.addf %add3A_932, %mul3A_941 : vector<512x128xf32>
    %lt3A_943 = arith.cmpf olt, %add3A_942, %select_n3A_910 : vector<512x128xf32>
    %select_n3A_944 = arith.select %lt3A_943, %add3A_942, %select_n3A_910 : vector<512x128xi1>, vector<512x128xf32>
    %jit3A_945 = arith.constant 27 : i32
    %broadcast_in_dim3A_946 = vector.broadcast %jit3A_945 : i32 to vector<512x128xi32>
    %select_n3A_947 = arith.select %lt3A_943, %broadcast_in_dim3A_946, %select_n3A_913 : vector<512x128xi1>, vector<512x128xi32>
    %get3A_948 = arith.constant 0 : index
    %get3A_949 = arith.constant 0 : index
    %get3A_950 = arith.constant 3584 : index
    %get3A_951 = vector.load %arg1[%get3A_948, %get3A_949, %get3A_950] : memref<3x4x4096xf32, #tpu.memory_space<vmem>>, vector<1x1x128xf32>
    %get3A_952 = vector.shape_cast %get3A_951 : vector<1x1x128xf32> to vector<1x128xf32>
    %sub3A_953 = vector.broadcast %slice3A : vector<512x1xf32> to vector<512x128xf32>
    %sub3A_954 = vector.broadcast %get3A_952 : vector<1x128xf32> to vector<512x128xf32>
    %sub3A_955 = arith.subf %sub3A_953, %sub3A_954 : vector<512x128xf32>
    %mul3A_956 = arith.mulf %sub3A_955, %sub3A_955 : vector<512x128xf32>
    %get3A_957 = arith.constant 1 : index
    %get3A_958 = arith.constant 0 : index
    %get3A_959 = arith.constant 3584 : index
    %get3A_960 = vector.load %arg1[%get3A_957, %get3A_958, %get3A_959] : memref<3x4x4096xf32, #tpu.memory_space<vmem>>, vector<1x1x128xf32>
    %get3A_961 = vector.shape_cast %get3A_960 : vector<1x1x128xf32> to vector<1x128xf32>
    %sub3A_962 = vector.broadcast %slice3A_4 : vector<512x1xf32> to vector<512x128xf32>
    %sub3A_963 = vector.broadcast %get3A_961 : vector<1x128xf32> to vector<512x128xf32>
    %sub3A_964 = arith.subf %sub3A_962, %sub3A_963 : vector<512x128xf32>
    %mul3A_965 = arith.mulf %sub3A_964, %sub3A_964 : vector<512x128xf32>
    %add3A_966 = arith.addf %mul3A_956, %mul3A_965 : vector<512x128xf32>
    %get3A_967 = arith.constant 2 : index
    %get3A_968 = arith.constant 0 : index
    %get3A_969 = arith.constant 3584 : index
    %get3A_970 = vector.load %arg1[%get3A_967, %get3A_968, %get3A_969] : memref<3x4x4096xf32, #tpu.memory_space<vmem>>, vector<1x1x128xf32>
    %get3A_971 = vector.shape_cast %get3A_970 : vector<1x1x128xf32> to vector<1x128xf32>
    %sub3A_972 = vector.broadcast %slice3A_5 : vector<512x1xf32> to vector<512x128xf32>
    %sub3A_973 = vector.broadcast %get3A_971 : vector<1x128xf32> to vector<512x128xf32>
    %sub3A_974 = arith.subf %sub3A_972, %sub3A_973 : vector<512x128xf32>
    %mul3A_975 = arith.mulf %sub3A_974, %sub3A_974 : vector<512x128xf32>
    %add3A_976 = arith.addf %add3A_966, %mul3A_975 : vector<512x128xf32>
    %lt3A_977 = arith.cmpf olt, %add3A_976, %select_n3A_944 : vector<512x128xf32>
    %select_n3A_978 = arith.select %lt3A_977, %add3A_976, %select_n3A_944 : vector<512x128xi1>, vector<512x128xf32>
    %jit3A_979 = arith.constant 28 : i32
    %broadcast_in_dim3A_980 = vector.broadcast %jit3A_979 : i32 to vector<512x128xi32>
    %select_n3A_981 = arith.select %lt3A_977, %broadcast_in_dim3A_980, %select_n3A_947 : vector<512x128xi1>, vector<512x128xi32>
    %get3A_982 = arith.constant 0 : index
    %get3A_983 = arith.constant 0 : index
    %get3A_984 = arith.constant 3712 : index
    %get3A_985 = vector.load %arg1[%get3A_982, %get3A_983, %get3A_984] : memref<3x4x4096xf32, #tpu.memory_space<vmem>>, vector<1x1x128xf32>
    %get3A_986 = vector.shape_cast %get3A_985 : vector<1x1x128xf32> to vector<1x128xf32>
    %sub3A_987 = vector.broadcast %slice3A : vector<512x1xf32> to vector<512x128xf32>
    %sub3A_988 = vector.broadcast %get3A_986 : vector<1x128xf32> to vector<512x128xf32>
    %sub3A_989 = arith.subf %sub3A_987, %sub3A_988 : vector<512x128xf32>
    %mul3A_990 = arith.mulf %sub3A_989, %sub3A_989 : vector<512x128xf32>
    %get3A_991 = arith.constant 1 : index
    %get3A_992 = arith.constant 0 : index
    %get3A_993 = arith.constant 3712 : index
    %get3A_994 = vector.load %arg1[%get3A_991, %get3A_992, %get3A_993] : memref<3x4x4096xf32, #tpu.memory_space<vmem>>, vector<1x1x128xf32>
    %get3A_995 = vector.shape_cast %get3A_994 : vector<1x1x128xf32> to vector<1x128xf32>
    %sub3A_996 = vector.broadcast %slice3A_4 : vector<512x1xf32> to vector<512x128xf32>
    %sub3A_997 = vector.broadcast %get3A_995 : vector<1x128xf32> to vector<512x128xf32>
    %sub3A_998 = arith.subf %sub3A_996, %sub3A_997 : vector<512x128xf32>
    %mul3A_999 = arith.mulf %sub3A_998, %sub3A_998 : vector<512x128xf32>
    %add3A_1000 = arith.addf %mul3A_990, %mul3A_999 : vector<512x128xf32>
    %get3A_1001 = arith.constant 2 : index
    %get3A_1002 = arith.constant 0 : index
    %get3A_1003 = arith.constant 3712 : index
    %get3A_1004 = vector.load %arg1[%get3A_1001, %get3A_1002, %get3A_1003] : memref<3x4x4096xf32, #tpu.memory_space<vmem>>, vector<1x1x128xf32>
    %get3A_1005 = vector.shape_cast %get3A_1004 : vector<1x1x128xf32> to vector<1x128xf32>
    %sub3A_1006 = vector.broadcast %slice3A_5 : vector<512x1xf32> to vector<512x128xf32>
    %sub3A_1007 = vector.broadcast %get3A_1005 : vector<1x128xf32> to vector<512x128xf32>
    %sub3A_1008 = arith.subf %sub3A_1006, %sub3A_1007 : vector<512x128xf32>
    %mul3A_1009 = arith.mulf %sub3A_1008, %sub3A_1008 : vector<512x128xf32>
    %add3A_1010 = arith.addf %add3A_1000, %mul3A_1009 : vector<512x128xf32>
    %lt3A_1011 = arith.cmpf olt, %add3A_1010, %select_n3A_978 : vector<512x128xf32>
    %select_n3A_1012 = arith.select %lt3A_1011, %add3A_1010, %select_n3A_978 : vector<512x128xi1>, vector<512x128xf32>
    %jit3A_1013 = arith.constant 29 : i32
    %broadcast_in_dim3A_1014 = vector.broadcast %jit3A_1013 : i32 to vector<512x128xi32>
    %select_n3A_1015 = arith.select %lt3A_1011, %broadcast_in_dim3A_1014, %select_n3A_981 : vector<512x128xi1>, vector<512x128xi32>
    %get3A_1016 = arith.constant 0 : index
    %get3A_1017 = arith.constant 0 : index
    %get3A_1018 = arith.constant 3840 : index
    %get3A_1019 = vector.load %arg1[%get3A_1016, %get3A_1017, %get3A_1018] : memref<3x4x4096xf32, #tpu.memory_space<vmem>>, vector<1x1x128xf32>
    %get3A_1020 = vector.shape_cast %get3A_1019 : vector<1x1x128xf32> to vector<1x128xf32>
    %sub3A_1021 = vector.broadcast %slice3A : vector<512x1xf32> to vector<512x128xf32>
    %sub3A_1022 = vector.broadcast %get3A_1020 : vector<1x128xf32> to vector<512x128xf32>
    %sub3A_1023 = arith.subf %sub3A_1021, %sub3A_1022 : vector<512x128xf32>
    %mul3A_1024 = arith.mulf %sub3A_1023, %sub3A_1023 : vector<512x128xf32>
    %get3A_1025 = arith.constant 1 : index
    %get3A_1026 = arith.constant 0 : index
    %get3A_1027 = arith.constant 3840 : index
    %get3A_1028 = vector.load %arg1[%get3A_1025, %get3A_1026, %get3A_1027] : memref<3x4x4096xf32, #tpu.memory_space<vmem>>, vector<1x1x128xf32>
    %get3A_1029 = vector.shape_cast %get3A_1028 : vector<1x1x128xf32> to vector<1x128xf32>
    %sub3A_1030 = vector.broadcast %slice3A_4 : vector<512x1xf32> to vector<512x128xf32>
    %sub3A_1031 = vector.broadcast %get3A_1029 : vector<1x128xf32> to vector<512x128xf32>
    %sub3A_1032 = arith.subf %sub3A_1030, %sub3A_1031 : vector<512x128xf32>
    %mul3A_1033 = arith.mulf %sub3A_1032, %sub3A_1032 : vector<512x128xf32>
    %add3A_1034 = arith.addf %mul3A_1024, %mul3A_1033 : vector<512x128xf32>
    %get3A_1035 = arith.constant 2 : index
    %get3A_1036 = arith.constant 0 : index
    %get3A_1037 = arith.constant 3840 : index
    %get3A_1038 = vector.load %arg1[%get3A_1035, %get3A_1036, %get3A_1037] : memref<3x4x4096xf32, #tpu.memory_space<vmem>>, vector<1x1x128xf32>
    %get3A_1039 = vector.shape_cast %get3A_1038 : vector<1x1x128xf32> to vector<1x128xf32>
    %sub3A_1040 = vector.broadcast %slice3A_5 : vector<512x1xf32> to vector<512x128xf32>
    %sub3A_1041 = vector.broadcast %get3A_1039 : vector<1x128xf32> to vector<512x128xf32>
    %sub3A_1042 = arith.subf %sub3A_1040, %sub3A_1041 : vector<512x128xf32>
    %mul3A_1043 = arith.mulf %sub3A_1042, %sub3A_1042 : vector<512x128xf32>
    %add3A_1044 = arith.addf %add3A_1034, %mul3A_1043 : vector<512x128xf32>
    %lt3A_1045 = arith.cmpf olt, %add3A_1044, %select_n3A_1012 : vector<512x128xf32>
    %select_n3A_1046 = arith.select %lt3A_1045, %add3A_1044, %select_n3A_1012 : vector<512x128xi1>, vector<512x128xf32>
    %jit3A_1047 = arith.constant 30 : i32
    %broadcast_in_dim3A_1048 = vector.broadcast %jit3A_1047 : i32 to vector<512x128xi32>
    %select_n3A_1049 = arith.select %lt3A_1045, %broadcast_in_dim3A_1048, %select_n3A_1015 : vector<512x128xi1>, vector<512x128xi32>
    %get3A_1050 = arith.constant 0 : index
    %get3A_1051 = arith.constant 0 : index
    %get3A_1052 = arith.constant 3968 : index
    %get3A_1053 = vector.load %arg1[%get3A_1050, %get3A_1051, %get3A_1052] : memref<3x4x4096xf32, #tpu.memory_space<vmem>>, vector<1x1x128xf32>
    %get3A_1054 = vector.shape_cast %get3A_1053 : vector<1x1x128xf32> to vector<1x128xf32>
    %sub3A_1055 = vector.broadcast %slice3A : vector<512x1xf32> to vector<512x128xf32>
    %sub3A_1056 = vector.broadcast %get3A_1054 : vector<1x128xf32> to vector<512x128xf32>
    %sub3A_1057 = arith.subf %sub3A_1055, %sub3A_1056 : vector<512x128xf32>
    %mul3A_1058 = arith.mulf %sub3A_1057, %sub3A_1057 : vector<512x128xf32>
    %get3A_1059 = arith.constant 1 : index
    %get3A_1060 = arith.constant 0 : index
    %get3A_1061 = arith.constant 3968 : index
    %get3A_1062 = vector.load %arg1[%get3A_1059, %get3A_1060, %get3A_1061] : memref<3x4x4096xf32, #tpu.memory_space<vmem>>, vector<1x1x128xf32>
    %get3A_1063 = vector.shape_cast %get3A_1062 : vector<1x1x128xf32> to vector<1x128xf32>
    %sub3A_1064 = vector.broadcast %slice3A_4 : vector<512x1xf32> to vector<512x128xf32>
    %sub3A_1065 = vector.broadcast %get3A_1063 : vector<1x128xf32> to vector<512x128xf32>
    %sub3A_1066 = arith.subf %sub3A_1064, %sub3A_1065 : vector<512x128xf32>
    %mul3A_1067 = arith.mulf %sub3A_1066, %sub3A_1066 : vector<512x128xf32>
    %add3A_1068 = arith.addf %mul3A_1058, %mul3A_1067 : vector<512x128xf32>
    %get3A_1069 = arith.constant 2 : index
    %get3A_1070 = arith.constant 0 : index
    %get3A_1071 = arith.constant 3968 : index
    %get3A_1072 = vector.load %arg1[%get3A_1069, %get3A_1070, %get3A_1071] : memref<3x4x4096xf32, #tpu.memory_space<vmem>>, vector<1x1x128xf32>
    %get3A_1073 = vector.shape_cast %get3A_1072 : vector<1x1x128xf32> to vector<1x128xf32>
    %sub3A_1074 = vector.broadcast %slice3A_5 : vector<512x1xf32> to vector<512x128xf32>
    %sub3A_1075 = vector.broadcast %get3A_1073 : vector<1x128xf32> to vector<512x128xf32>
    %sub3A_1076 = arith.subf %sub3A_1074, %sub3A_1075 : vector<512x128xf32>
    %mul3A_1077 = arith.mulf %sub3A_1076, %sub3A_1076 : vector<512x128xf32>
    %add3A_1078 = arith.addf %add3A_1068, %mul3A_1077 : vector<512x128xf32>
    %lt3A_1079 = arith.cmpf olt, %add3A_1078, %select_n3A_1046 : vector<512x128xf32>
    %select_n3A_1080 = arith.select %lt3A_1079, %add3A_1078, %select_n3A_1046 : vector<512x128xi1>, vector<512x128xf32>
    %jit3A_1081 = arith.constant 31 : i32
    %broadcast_in_dim3A_1082 = vector.broadcast %jit3A_1081 : i32 to vector<512x128xi32>
    %select_n3A_1083 = arith.select %lt3A_1079, %broadcast_in_dim3A_1082, %select_n3A_1049 : vector<512x128xi1>, vector<512x128xi32>
    %reduce_min3A = arith.constant dense<0x7F800000> : vector<512xf32>
    %reduce_min3A_1084 = vector.multi_reduction <minimumf>, %select_n3A_1080, %reduce_min3A [1] : vector<512x128xf32> to vector<512xf32>
    %broadcast_in_dim3A_1085 = vector.shape_cast %reduce_min3A_1084 : vector<512xf32> to vector<512x1xf32>
    %eq3A = vector.broadcast %broadcast_in_dim3A_1085 : vector<512x1xf32> to vector<512x128xf32>
    %eq3A_1086 = arith.cmpf oeq, %select_n3A_1080, %eq3A : vector<512x128xf32>
    %mul3A_1087 = arith.constant 128 : i32
    %mul3A_1088 = vector.broadcast %mul3A_1087 : i32 to vector<512x128xi32>
    %mul3A_1089 = arith.muli %select_n3A_1083, %mul3A_1088 : vector<512x128xi32>
    %add3A_1090 = arith.addi %mul3A_1089, %iota3A : vector<512x128xi32>
    %jit3A_1091 = arith.constant 4096 : i32
    %broadcast_in_dim3A_1092 = vector.broadcast %jit3A_1091 : i32 to vector<512x128xi32>
    %select_n3A_1093 = arith.select %eq3A_1086, %add3A_1090, %broadcast_in_dim3A_1092 : vector<512x128xi1>, vector<512x128xi32>
    %reduce_min3A_1094 = arith.constant dense<2147483647> : vector<512xi32>
    %reduce_min3A_1095 = vector.multi_reduction <minsi>, %select_n3A_1093, %reduce_min3A_1094 [1] : vector<512x128xi32> to vector<512xi32>
    %add3A_1096 = arith.constant 0 : i32
    %add3A_1097 = vector.broadcast %add3A_1096 : i32 to vector<512xi32>
    %add3A_1098 = arith.addi %reduce_min3A_1095, %add3A_1097 : vector<512xi32>
    %swap3A = arith.constant 0 : index
    %swap3A_1099 = arith.constant 0 : index
    %swap3A_1100 = vector.load %arg3[%swap3A, %swap3A_1099] : memref<1x2048xi32, #tpu.memory_space<vmem>>, vector<1x512xi32>
    %swap3A_1101 = vector.shape_cast %swap3A_1100 : vector<1x512xi32> to vector<512xi32>
    %swap3A_1102 = vector.shape_cast %add3A_1098 : vector<512xi32> to vector<1x512xi32>
    tpu.vector_store %arg3[%swap3A, %swap3A_1099], %swap3A_1102 {strides = array<i32>} : memref<1x2048xi32, #tpu.memory_space<vmem>>, vector<1x512xi32>,
    %squeeze3A = vector.shape_cast %broadcast_in_dim3A_1085 : vector<512x1xf32> to vector<512xf32>
    %sqrt3A = math.sqrt %squeeze3A : vector<512xf32>
    %swap3A_1103 = arith.constant 0 : index
    %swap3A_1104 = arith.constant 0 : index
    %swap3A_1105 = vector.load %arg4[%swap3A_1103, %swap3A_1104] : memref<1x2048xf32, #tpu.memory_space<vmem>>, vector<1x512xf32>
    %swap3A_1106 = vector.shape_cast %swap3A_1105 : vector<1x512xf32> to vector<512xf32>
    %swap3A_1107 = vector.shape_cast %sqrt3A : vector<512xf32> to vector<1x512xf32>
    tpu.vector_store %arg4[%swap3A_1103, %swap3A_1104], %swap3A_1107 {strides = array<i32>} : memref<1x2048xf32, #tpu.memory_space<vmem>>, vector<1x512xf32>,
    %get3A_1108 = arith.constant 0 : index
    %get3A_1109 = arith.constant 0 : index
    %get3A_1110 = arith.constant 0 : index
    %get3A_1111 = vector.load %arg0[%get3A_1108, %get3A_1109, %get3A_1110] : memref<3x4x512xf32, #tpu.memory_space<vmem>>, vector<1x1x512xf32>
    %get3A_1112 = vector.shape_cast %get3A_1111 : vector<1x1x512xf32> to vector<512xf32>
    %swap3A_1113 = arith.constant 0 : index
    %swap3A_1114 = arith.constant 0 : index
    %swap3A_1115 = vector.load %arg5[%swap3A_1113, %swap3A_1114] : memref<1x2048xf32, #tpu.memory_space<vmem>>, vector<1x512xf32>
    %swap3A_1116 = vector.shape_cast %swap3A_1115 : vector<1x512xf32> to vector<512xf32>
    %swap3A_1117 = vector.shape_cast %get3A_1112 : vector<512xf32> to vector<1x512xf32>
    tpu.vector_store %arg5[%swap3A_1113, %swap3A_1114], %swap3A_1117 {strides = array<i32>} : memref<1x2048xf32, #tpu.memory_space<vmem>>, vector<1x512xf32>,
    %get3A_1118 = arith.constant 1 : index
    %get3A_1119 = arith.constant 0 : index
    %get3A_1120 = arith.constant 0 : index
    %get3A_1121 = vector.load %arg0[%get3A_1118, %get3A_1119, %get3A_1120] : memref<3x4x512xf32, #tpu.memory_space<vmem>>, vector<1x1x512xf32>
    %get3A_1122 = vector.shape_cast %get3A_1121 : vector<1x1x512xf32> to vector<512xf32>
    %swap3A_1123 = arith.constant 0 : index
    %swap3A_1124 = arith.constant 0 : index
    %swap3A_1125 = vector.load %arg6[%swap3A_1123, %swap3A_1124] : memref<1x2048xf32, #tpu.memory_space<vmem>>, vector<1x512xf32>
    %swap3A_1126 = vector.shape_cast %swap3A_1125 : vector<1x512xf32> to vector<512xf32>
    %swap3A_1127 = vector.shape_cast %get3A_1122 : vector<512xf32> to vector<1x512xf32>
    tpu.vector_store %arg6[%swap3A_1123, %swap3A_1124], %swap3A_1127 {strides = array<i32>} : memref<1x2048xf32, #tpu.memory_space<vmem>>, vector<1x512xf32>,
    %get3A_1128 = arith.constant 2 : index
    %get3A_1129 = arith.constant 0 : index
    %get3A_1130 = arith.constant 0 : index
    %get3A_1131 = vector.load %arg0[%get3A_1128, %get3A_1129, %get3A_1130] : memref<3x4x512xf32, #tpu.memory_space<vmem>>, vector<1x1x512xf32>
    %get3A_1132 = vector.shape_cast %get3A_1131 : vector<1x1x512xf32> to vector<512xf32>
    %swap3A_1133 = arith.constant 0 : index
    %swap3A_1134 = arith.constant 0 : index
    %swap3A_1135 = vector.load %arg7[%swap3A_1133, %swap3A_1134] : memref<1x2048xf32, #tpu.memory_space<vmem>>, vector<1x512xf32>
    %swap3A_1136 = vector.shape_cast %swap3A_1135 : vector<1x512xf32> to vector<512xf32>
    %swap3A_1137 = vector.shape_cast %get3A_1132 : vector<512xf32> to vector<1x512xf32>
    tpu.vector_store %arg7[%swap3A_1133, %swap3A_1134], %swap3A_1137 {strides = array<i32>} : memref<1x2048xf32, #tpu.memory_space<vmem>>, vector<1x512xf32>,
    %get3A_1138 = arith.constant 0 : index
    %get3A_1139 = arith.constant 0 : index
    %get3A_1140 = arith.constant 0 : index
    %get3A_1141 = vector.load %arg1[%get3A_1138, %get3A_1139, %get3A_1140] : memref<3x4x4096xf32, #tpu.memory_space<vmem>>, vector<1x1x4096xf32>
    %get3A_1142 = vector.shape_cast %get3A_1141 : vector<1x1x4096xf32> to vector<4096xf32>
    %swap3A_1143 = arith.constant 0 : index
    %swap3A_1144 = arith.constant 0 : index
    %swap3A_1145 = vector.load %arg8[%swap3A_1143, %swap3A_1144] : memref<1x16384xf32, #tpu.memory_space<vmem>>, vector<1x4096xf32>
    %swap3A_1146 = vector.shape_cast %swap3A_1145 : vector<1x4096xf32> to vector<4096xf32>
    %swap3A_1147 = vector.shape_cast %get3A_1142 : vector<4096xf32> to vector<1x4096xf32>
    tpu.vector_store %arg8[%swap3A_1143, %swap3A_1144], %swap3A_1147 {strides = array<i32>} : memref<1x16384xf32, #tpu.memory_space<vmem>>, vector<1x4096xf32>,
    %get3A_1148 = arith.constant 1 : index
    %get3A_1149 = arith.constant 0 : index
    %get3A_1150 = arith.constant 0 : index
    %get3A_1151 = vector.load %arg1[%get3A_1148, %get3A_1149, %get3A_1150] : memref<3x4x4096xf32, #tpu.memory_space<vmem>>, vector<1x1x4096xf32>
    %get3A_1152 = vector.shape_cast %get3A_1151 : vector<1x1x4096xf32> to vector<4096xf32>
    %swap3A_1153 = arith.constant 0 : index
    %swap3A_1154 = arith.constant 0 : index
    %swap3A_1155 = vector.load %arg9[%swap3A_1153, %swap3A_1154] : memref<1x16384xf32, #tpu.memory_space<vmem>>, vector<1x4096xf32>
    %swap3A_1156 = vector.shape_cast %swap3A_1155 : vector<1x4096xf32> to vector<4096xf32>
    %swap3A_1157 = vector.shape_cast %get3A_1152 : vector<4096xf32> to vector<1x4096xf32>
    tpu.vector_store %arg9[%swap3A_1153, %swap3A_1154], %swap3A_1157 {strides = array<i32>} : memref<1x16384xf32, #tpu.memory_space<vmem>>, vector<1x4096xf32>,
    %get3A_1158 = arith.constant 2 : index
    %get3A_1159 = arith.constant 0 : index
    %get3A_1160 = arith.constant 0 : index
    %get3A_1161 = vector.load %arg1[%get3A_1158, %get3A_1159, %get3A_1160] : memref<3x4x4096xf32, #tpu.memory_space<vmem>>, vector<1x1x4096xf32>
    %get3A_1162 = vector.shape_cast %get3A_1161 : vector<1x1x4096xf32> to vector<4096xf32>
    %swap3A_1163 = arith.constant 0 : index
    %swap3A_1164 = arith.constant 0 : index
    %swap3A_1165 = vector.load %arg10[%swap3A_1163, %swap3A_1164] : memref<1x16384xf32, #tpu.memory_space<vmem>>, vector<1x4096xf32>
    %swap3A_1166 = vector.shape_cast %swap3A_1165 : vector<1x4096xf32> to vector<4096xf32>
    %swap3A_1167 = vector.shape_cast %get3A_1162 : vector<4096xf32> to vector<1x4096xf32>
    tpu.vector_store %arg10[%swap3A_1163, %swap3A_1164], %swap3A_1167 {strides = array<i32>} : memref<1x16384xf32, #tpu.memory_space<vmem>>, vector<1x4096xf32>,
    %get3A_1168 = arith.constant 0 : index
    %get3A_1169 = arith.constant 0 : index
    %get3A_1170 = arith.constant 0 : index
    %get3A_1171 = vector.load %arg2[%get3A_1168, %get3A_1169, %get3A_1170] : memref<3x4x4096xf32, #tpu.memory_space<vmem>>, vector<1x1x4096xf32>
    %get3A_1172 = vector.shape_cast %get3A_1171 : vector<1x1x4096xf32> to vector<4096xf32>
    %swap3A_1173 = arith.constant 0 : index
    %swap3A_1174 = arith.constant 0 : index
    %swap3A_1175 = vector.load %arg11[%swap3A_1173, %swap3A_1174] : memref<1x16384xf32, #tpu.memory_space<vmem>>, vector<1x4096xf32>
    %swap3A_1176 = vector.shape_cast %swap3A_1175 : vector<1x4096xf32> to vector<4096xf32>
    %swap3A_1177 = vector.shape_cast %get3A_1172 : vector<4096xf32> to vector<1x4096xf32>
    tpu.vector_store %arg11[%swap3A_1173, %swap3A_1174], %swap3A_1177 {strides = array<i32>} : memref<1x16384xf32, #tpu.memory_space<vmem>>, vector<1x4096xf32>,
    %get3A_1178 = arith.constant 1 : index
    %get3A_1179 = arith.constant 0 : index
    %get3A_1180 = arith.constant 0 : index
    %get3A_1181 = vector.load %arg2[%get3A_1178, %get3A_1179, %get3A_1180] : memref<3x4x4096xf32, #tpu.memory_space<vmem>>, vector<1x1x4096xf32>
    %get3A_1182 = vector.shape_cast %get3A_1181 : vector<1x1x4096xf32> to vector<4096xf32>
    %swap3A_1183 = arith.constant 0 : index
    %swap3A_1184 = arith.constant 0 : index
    %swap3A_1185 = vector.load %arg12[%swap3A_1183, %swap3A_1184] : memref<1x16384xf32, #tpu.memory_space<vmem>>, vector<1x4096xf32>
    %swap3A_1186 = vector.shape_cast %swap3A_1185 : vector<1x4096xf32> to vector<4096xf32>
    %swap3A_1187 = vector.shape_cast %get3A_1182 : vector<4096xf32> to vector<1x4096xf32>
    tpu.vector_store %arg12[%swap3A_1183, %swap3A_1184], %swap3A_1187 {strides = array<i32>} : memref<1x16384xf32, #tpu.memory_space<vmem>>, vector<1x4096xf32>,
    %get3A_1188 = arith.constant 2 : index
    %get3A_1189 = arith.constant 0 : index
    %get3A_1190 = arith.constant 0 : index
    %get3A_1191 = vector.load %arg2[%get3A_1188, %get3A_1189, %get3A_1190] : memref<3x4x4096xf32, #tpu.memory_space<vmem>>, vector<1x1x4096xf32>
    %get3A_1192 = vector.shape_cast %get3A_1191 : vector<1x1x4096xf32> to vector<4096xf32>
    %swap3A_1193 = arith.constant 0 : index
    %swap3A_1194 = arith.constant 0 : index
    %swap3A_1195 = vector.load %arg13[%swap3A_1193, %swap3A_1194] : memref<1x16384xf32, #tpu.memory_space<vmem>>, vector<1x4096xf32>
    %swap3A_1196 = vector.shape_cast %swap3A_1195 : vector<1x4096xf32> to vector<4096xf32>
    %swap3A_1197 = vector.shape_cast %get3A_1192 : vector<4096xf32> to vector<1x4096xf32>
    tpu.vector_store %arg13[%swap3A_1193, %swap3A_1194], %swap3A_1197 {strides = array<i32>} : memref<1x16384xf32, #tpu.memory_space<vmem>>, vector<1x4096xf32>,
    %get3A_1198 = arith.constant 0 : index
    %get3A_1199 = arith.constant 1 : index
    %get3A_1200 = arith.constant 0 : index
    %get3A_1201 = vector.load %arg0[%get3A_1198, %get3A_1199, %get3A_1200] : memref<3x4x512xf32, #tpu.memory_space<vmem>>, vector<3x1x512xf32>
    %get3A_1202 = vector.shape_cast %get3A_1201 : vector<3x1x512xf32> to vector<3x512xf32>
    %transpose3A_1203 = tpu.transpose %get3A_1202, [1, 0] : vector<3x512xf32> -> vector<512x3xf32>
    %slice3A_1204 = vector.extract_strided_slice %transpose3A_1203 {offsets = [0, 0], sizes = [512, 1], strides = [1, 1]} : vector<512x3xf32> to vector<512x1xf32>
    %slice3A_1205 = vector.extract_strided_slice %transpose3A_1203 {offsets = [0, 1], sizes = [512, 1], strides = [1, 1]} : vector<512x3xf32> to vector<512x1xf32>
    %slice3A_1206 = vector.extract_strided_slice %transpose3A_1203 {offsets = [0, 2], sizes = [512, 1], strides = [1, 1]} : vector<512x3xf32> to vector<512x1xf32>
    %get3A_1207 = arith.constant 0 : index
    %get3A_1208 = arith.constant 1 : index
    %get3A_1209 = arith.constant 0 : index
    %get3A_1210 = vector.load %arg1[%get3A_1207, %get3A_1208, %get3A_1209] : memref<3x4x4096xf32, #tpu.memory_space<vmem>>, vector<1x1x128xf32>
    %get3A_1211 = vector.shape_cast %get3A_1210 : vector<1x1x128xf32> to vector<1x128xf32>
    %sub3A_1212 = vector.broadcast %slice3A_1204 : vector<512x1xf32> to vector<512x128xf32>
    %sub3A_1213 = vector.broadcast %get3A_1211 : vector<1x128xf32> to vector<512x128xf32>
    %sub3A_1214 = arith.subf %sub3A_1212, %sub3A_1213 : vector<512x128xf32>
    %mul3A_1215 = arith.mulf %sub3A_1214, %sub3A_1214 : vector<512x128xf32>
    %get3A_1216 = arith.constant 1 : index
    %get3A_1217 = arith.constant 1 : index
    %get3A_1218 = arith.constant 0 : index
    %get3A_1219 = vector.load %arg1[%get3A_1216, %get3A_1217, %get3A_1218] : memref<3x4x4096xf32, #tpu.memory_space<vmem>>, vector<1x1x128xf32>
    %get3A_1220 = vector.shape_cast %get3A_1219 : vector<1x1x128xf32> to vector<1x128xf32>
    %sub3A_1221 = vector.broadcast %slice3A_1205 : vector<512x1xf32> to vector<512x128xf32>
    %sub3A_1222 = vector.broadcast %get3A_1220 : vector<1x128xf32> to vector<512x128xf32>
    %sub3A_1223 = arith.subf %sub3A_1221, %sub3A_1222 : vector<512x128xf32>
    %mul3A_1224 = arith.mulf %sub3A_1223, %sub3A_1223 : vector<512x128xf32>
    %add3A_1225 = arith.addf %mul3A_1215, %mul3A_1224 : vector<512x128xf32>
    %get3A_1226 = arith.constant 2 : index
    %get3A_1227 = arith.constant 1 : index
    %get3A_1228 = arith.constant 0 : index
    %get3A_1229 = vector.load %arg1[%get3A_1226, %get3A_1227, %get3A_1228] : memref<3x4x4096xf32, #tpu.memory_space<vmem>>, vector<1x1x128xf32>
    %get3A_1230 = vector.shape_cast %get3A_1229 : vector<1x1x128xf32> to vector<1x128xf32>
    %sub3A_1231 = vector.broadcast %slice3A_1206 : vector<512x1xf32> to vector<512x128xf32>
    %sub3A_1232 = vector.broadcast %get3A_1230 : vector<1x128xf32> to vector<512x128xf32>
    %sub3A_1233 = arith.subf %sub3A_1231, %sub3A_1232 : vector<512x128xf32>
    %mul3A_1234 = arith.mulf %sub3A_1233, %sub3A_1233 : vector<512x128xf32>
    %add3A_1235 = arith.addf %add3A_1225, %mul3A_1234 : vector<512x128xf32>
    %broadcast_in_dim3A_1236 = arith.constant 0 : i32
    %broadcast_in_dim3A_1237 = vector.broadcast %broadcast_in_dim3A_1236 : i32 to vector<512x128xi32>
    %get3A_1238 = arith.constant 0 : index
    %get3A_1239 = arith.constant 1 : index
    %get3A_1240 = arith.constant 128 : index
    %get3A_1241 = vector.load %arg1[%get3A_1238, %get3A_1239, %get3A_1240] : memref<3x4x4096xf32, #tpu.memory_space<vmem>>, vector<1x1x128xf32>
    %get3A_1242 = vector.shape_cast %get3A_1241 : vector<1x1x128xf32> to vector<1x128xf32>
    %sub3A_1243 = vector.broadcast %slice3A_1204 : vector<512x1xf32> to vector<512x128xf32>
    %sub3A_1244 = vector.broadcast %get3A_1242 : vector<1x128xf32> to vector<512x128xf32>
    %sub3A_1245 = arith.subf %sub3A_1243, %sub3A_1244 : vector<512x128xf32>
    %mul3A_1246 = arith.mulf %sub3A_1245, %sub3A_1245 : vector<512x128xf32>
    %get3A_1247 = arith.constant 1 : index
    %get3A_1248 = arith.constant 1 : index
    %get3A_1249 = arith.constant 128 : index
    %get3A_1250 = vector.load %arg1[%get3A_1247, %get3A_1248, %get3A_1249] : memref<3x4x4096xf32, #tpu.memory_space<vmem>>, vector<1x1x128xf32>
    %get3A_1251 = vector.shape_cast %get3A_1250 : vector<1x1x128xf32> to vector<1x128xf32>
    %sub3A_1252 = vector.broadcast %slice3A_1205 : vector<512x1xf32> to vector<512x128xf32>
    %sub3A_1253 = vector.broadcast %get3A_1251 : vector<1x128xf32> to vector<512x128xf32>
    %sub3A_1254 = arith.subf %sub3A_1252, %sub3A_1253 : vector<512x128xf32>
    %mul3A_1255 = arith.mulf %sub3A_1254, %sub3A_1254 : vector<512x128xf32>
    %add3A_1256 = arith.addf %mul3A_1246, %mul3A_1255 : vector<512x128xf32>
    %get3A_1257 = arith.constant 2 : index
    %get3A_1258 = arith.constant 1 : index
    %get3A_1259 = arith.constant 128 : index
    %get3A_1260 = vector.load %arg1[%get3A_1257, %get3A_1258, %get3A_1259] : memref<3x4x4096xf32, #tpu.memory_space<vmem>>, vector<1x1x128xf32>
    %get3A_1261 = vector.shape_cast %get3A_1260 : vector<1x1x128xf32> to vector<1x128xf32>
    %sub3A_1262 = vector.broadcast %slice3A_1206 : vector<512x1xf32> to vector<512x128xf32>
    %sub3A_1263 = vector.broadcast %get3A_1261 : vector<1x128xf32> to vector<512x128xf32>
    %sub3A_1264 = arith.subf %sub3A_1262, %sub3A_1263 : vector<512x128xf32>
    %mul3A_1265 = arith.mulf %sub3A_1264, %sub3A_1264 : vector<512x128xf32>
    %add3A_1266 = arith.addf %add3A_1256, %mul3A_1265 : vector<512x128xf32>
    %lt3A_1267 = arith.cmpf olt, %add3A_1266, %add3A_1235 : vector<512x128xf32>
    %select_n3A_1268 = arith.select %lt3A_1267, %add3A_1266, %add3A_1235 : vector<512x128xi1>, vector<512x128xf32>
    %jit3A_1269 = arith.constant 1 : i32
    %broadcast_in_dim3A_1270 = vector.broadcast %jit3A_1269 : i32 to vector<512x128xi32>
    %select_n3A_1271 = arith.select %lt3A_1267, %broadcast_in_dim3A_1270, %broadcast_in_dim3A_1237 : vector<512x128xi1>, vector<512x128xi32>
    %get3A_1272 = arith.constant 0 : index
    %get3A_1273 = arith.constant 1 : index
    %get3A_1274 = arith.constant 256 : index
    %get3A_1275 = vector.load %arg1[%get3A_1272, %get3A_1273, %get3A_1274] : memref<3x4x4096xf32, #tpu.memory_space<vmem>>, vector<1x1x128xf32>
    %get3A_1276 = vector.shape_cast %get3A_1275 : vector<1x1x128xf32> to vector<1x128xf32>
    %sub3A_1277 = vector.broadcast %slice3A_1204 : vector<512x1xf32> to vector<512x128xf32>
    %sub3A_1278 = vector.broadcast %get3A_1276 : vector<1x128xf32> to vector<512x128xf32>
    %sub3A_1279 = arith.subf %sub3A_1277, %sub3A_1278 : vector<512x128xf32>
    %mul3A_1280 = arith.mulf %sub3A_1279, %sub3A_1279 : vector<512x128xf32>
    %get3A_1281 = arith.constant 1 : index
    %get3A_1282 = arith.constant 1 : index
    %get3A_1283 = arith.constant 256 : index
    %get3A_1284 = vector.load %arg1[%get3A_1281, %get3A_1282, %get3A_1283] : memref<3x4x4096xf32, #tpu.memory_space<vmem>>, vector<1x1x128xf32>
    %get3A_1285 = vector.shape_cast %get3A_1284 : vector<1x1x128xf32> to vector<1x128xf32>
    %sub3A_1286 = vector.broadcast %slice3A_1205 : vector<512x1xf32> to vector<512x128xf32>
    %sub3A_1287 = vector.broadcast %get3A_1285 : vector<1x128xf32> to vector<512x128xf32>
    %sub3A_1288 = arith.subf %sub3A_1286, %sub3A_1287 : vector<512x128xf32>
    %mul3A_1289 = arith.mulf %sub3A_1288, %sub3A_1288 : vector<512x128xf32>
    %add3A_1290 = arith.addf %mul3A_1280, %mul3A_1289 : vector<512x128xf32>
    %get3A_1291 = arith.constant 2 : index
    %get3A_1292 = arith.constant 1 : index
    %get3A_1293 = arith.constant 256 : index
    %get3A_1294 = vector.load %arg1[%get3A_1291, %get3A_1292, %get3A_1293] : memref<3x4x4096xf32, #tpu.memory_space<vmem>>, vector<1x1x128xf32>
    %get3A_1295 = vector.shape_cast %get3A_1294 : vector<1x1x128xf32> to vector<1x128xf32>
    %sub3A_1296 = vector.broadcast %slice3A_1206 : vector<512x1xf32> to vector<512x128xf32>
    %sub3A_1297 = vector.broadcast %get3A_1295 : vector<1x128xf32> to vector<512x128xf32>
    %sub3A_1298 = arith.subf %sub3A_1296, %sub3A_1297 : vector<512x128xf32>
    %mul3A_1299 = arith.mulf %sub3A_1298, %sub3A_1298 : vector<512x128xf32>
    %add3A_1300 = arith.addf %add3A_1290, %mul3A_1299 : vector<512x128xf32>
    %lt3A_1301 = arith.cmpf olt, %add3A_1300, %select_n3A_1268 : vector<512x128xf32>
    %select_n3A_1302 = arith.select %lt3A_1301, %add3A_1300, %select_n3A_1268 : vector<512x128xi1>, vector<512x128xf32>
    %jit3A_1303 = arith.constant 2 : i32
    %broadcast_in_dim3A_1304 = vector.broadcast %jit3A_1303 : i32 to vector<512x128xi32>
    %select_n3A_1305 = arith.select %lt3A_1301, %broadcast_in_dim3A_1304, %select_n3A_1271 : vector<512x128xi1>, vector<512x128xi32>
    %get3A_1306 = arith.constant 0 : index
    %get3A_1307 = arith.constant 1 : index
    %get3A_1308 = arith.constant 384 : index
    %get3A_1309 = vector.load %arg1[%get3A_1306, %get3A_1307, %get3A_1308] : memref<3x4x4096xf32, #tpu.memory_space<vmem>>, vector<1x1x128xf32>
    %get3A_1310 = vector.shape_cast %get3A_1309 : vector<1x1x128xf32> to vector<1x128xf32>
    %sub3A_1311 = vector.broadcast %slice3A_1204 : vector<512x1xf32> to vector<512x128xf32>
    %sub3A_1312 = vector.broadcast %get3A_1310 : vector<1x128xf32> to vector<512x128xf32>
    %sub3A_1313 = arith.subf %sub3A_1311, %sub3A_1312 : vector<512x128xf32>
    %mul3A_1314 = arith.mulf %sub3A_1313, %sub3A_1313 : vector<512x128xf32>
    %get3A_1315 = arith.constant 1 : index
    %get3A_1316 = arith.constant 1 : index
    %get3A_1317 = arith.constant 384 : index
    %get3A_1318 = vector.load %arg1[%get3A_1315, %get3A_1316, %get3A_1317] : memref<3x4x4096xf32, #tpu.memory_space<vmem>>, vector<1x1x128xf32>
    %get3A_1319 = vector.shape_cast %get3A_1318 : vector<1x1x128xf32> to vector<1x128xf32>
    %sub3A_1320 = vector.broadcast %slice3A_1205 : vector<512x1xf32> to vector<512x128xf32>
    %sub3A_1321 = vector.broadcast %get3A_1319 : vector<1x128xf32> to vector<512x128xf32>
    %sub3A_1322 = arith.subf %sub3A_1320, %sub3A_1321 : vector<512x128xf32>
    %mul3A_1323 = arith.mulf %sub3A_1322, %sub3A_1322 : vector<512x128xf32>
    %add3A_1324 = arith.addf %mul3A_1314, %mul3A_1323 : vector<512x128xf32>
    %get3A_1325 = arith.constant 2 : index
    %get3A_1326 = arith.constant 1 : index
    %get3A_1327 = arith.constant 384 : index
    %get3A_1328 = vector.load %arg1[%get3A_1325, %get3A_1326, %get3A_1327] : memref<3x4x4096xf32, #tpu.memory_space<vmem>>, vector<1x1x128xf32>
    %get3A_1329 = vector.shape_cast %get3A_1328 : vector<1x1x128xf32> to vector<1x128xf32>
    %sub3A_1330 = vector.broadcast %slice3A_1206 : vector<512x1xf32> to vector<512x128xf32>
    %sub3A_1331 = vector.broadcast %get3A_1329 : vector<1x128xf32> to vector<512x128xf32>
    %sub3A_1332 = arith.subf %sub3A_1330, %sub3A_1331 : vector<512x128xf32>
    %mul3A_1333 = arith.mulf %sub3A_1332, %sub3A_1332 : vector<512x128xf32>
    %add3A_1334 = arith.addf %add3A_1324, %mul3A_1333 : vector<512x128xf32>
    %lt3A_1335 = arith.cmpf olt, %add3A_1334, %select_n3A_1302 : vector<512x128xf32>
    %select_n3A_1336 = arith.select %lt3A_1335, %add3A_1334, %select_n3A_1302 : vector<512x128xi1>, vector<512x128xf32>
    %jit3A_1337 = arith.constant 3 : i32
    %broadcast_in_dim3A_1338 = vector.broadcast %jit3A_1337 : i32 to vector<512x128xi32>
    %select_n3A_1339 = arith.select %lt3A_1335, %broadcast_in_dim3A_1338, %select_n3A_1305 : vector<512x128xi1>, vector<512x128xi32>
    %get3A_1340 = arith.constant 0 : index
    %get3A_1341 = arith.constant 1 : index
    %get3A_1342 = arith.constant 512 : index
    %get3A_1343 = vector.load %arg1[%get3A_1340, %get3A_1341, %get3A_1342] : memref<3x4x4096xf32, #tpu.memory_space<vmem>>, vector<1x1x128xf32>
    %get3A_1344 = vector.shape_cast %get3A_1343 : vector<1x1x128xf32> to vector<1x128xf32>
    %sub3A_1345 = vector.broadcast %slice3A_1204 : vector<512x1xf32> to vector<512x128xf32>
    %sub3A_1346 = vector.broadcast %get3A_1344 : vector<1x128xf32> to vector<512x128xf32>
    %sub3A_1347 = arith.subf %sub3A_1345, %sub3A_1346 : vector<512x128xf32>
    %mul3A_1348 = arith.mulf %sub3A_1347, %sub3A_1347 : vector<512x128xf32>
    %get3A_1349 = arith.constant 1 : index
    %get3A_1350 = arith.constant 1 : index
    %get3A_1351 = arith.constant 512 : index
    %get3A_1352 = vector.load %arg1[%get3A_1349, %get3A_1350, %get3A_1351] : memref<3x4x4096xf32, #tpu.memory_space<vmem>>, vector<1x1x128xf32>
    %get3A_1353 = vector.shape_cast %get3A_1352 : vector<1x1x128xf32> to vector<1x128xf32>
    %sub3A_1354 = vector.broadcast %slice3A_1205 : vector<512x1xf32> to vector<512x128xf32>
    %sub3A_1355 = vector.broadcast %get3A_1353 : vector<1x128xf32> to vector<512x128xf32>
    %sub3A_1356 = arith.subf %sub3A_1354, %sub3A_1355 : vector<512x128xf32>
    %mul3A_1357 = arith.mulf %sub3A_1356, %sub3A_1356 : vector<512x128xf32>
    %add3A_1358 = arith.addf %mul3A_1348, %mul3A_1357 : vector<512x128xf32>
    %get3A_1359 = arith.constant 2 : index
    %get3A_1360 = arith.constant 1 : index
    %get3A_1361 = arith.constant 512 : index
    %get3A_1362 = vector.load %arg1[%get3A_1359, %get3A_1360, %get3A_1361] : memref<3x4x4096xf32, #tpu.memory_space<vmem>>, vector<1x1x128xf32>
    %get3A_1363 = vector.shape_cast %get3A_1362 : vector<1x1x128xf32> to vector<1x128xf32>
    %sub3A_1364 = vector.broadcast %slice3A_1206 : vector<512x1xf32> to vector<512x128xf32>
    %sub3A_1365 = vector.broadcast %get3A_1363 : vector<1x128xf32> to vector<512x128xf32>
    %sub3A_1366 = arith.subf %sub3A_1364, %sub3A_1365 : vector<512x128xf32>
    %mul3A_1367 = arith.mulf %sub3A_1366, %sub3A_1366 : vector<512x128xf32>
    %add3A_1368 = arith.addf %add3A_1358, %mul3A_1367 : vector<512x128xf32>
    %lt3A_1369 = arith.cmpf olt, %add3A_1368, %select_n3A_1336 : vector<512x128xf32>
    %select_n3A_1370 = arith.select %lt3A_1369, %add3A_1368, %select_n3A_1336 : vector<512x128xi1>, vector<512x128xf32>
    %jit3A_1371 = arith.constant 4 : i32
    %broadcast_in_dim3A_1372 = vector.broadcast %jit3A_1371 : i32 to vector<512x128xi32>
    %select_n3A_1373 = arith.select %lt3A_1369, %broadcast_in_dim3A_1372, %select_n3A_1339 : vector<512x128xi1>, vector<512x128xi32>
    %get3A_1374 = arith.constant 0 : index
    %get3A_1375 = arith.constant 1 : index
    %get3A_1376 = arith.constant 640 : index
    %get3A_1377 = vector.load %arg1[%get3A_1374, %get3A_1375, %get3A_1376] : memref<3x4x4096xf32, #tpu.memory_space<vmem>>, vector<1x1x128xf32>
    %get3A_1378 = vector.shape_cast %get3A_1377 : vector<1x1x128xf32> to vector<1x128xf32>
    %sub3A_1379 = vector.broadcast %slice3A_1204 : vector<512x1xf32> to vector<512x128xf32>
    %sub3A_1380 = vector.broadcast %get3A_1378 : vector<1x128xf32> to vector<512x128xf32>
    %sub3A_1381 = arith.subf %sub3A_1379, %sub3A_1380 : vector<512x128xf32>
    %mul3A_1382 = arith.mulf %sub3A_1381, %sub3A_1381 : vector<512x128xf32>
    %get3A_1383 = arith.constant 1 : index
    %get3A_1384 = arith.constant 1 : index
    %get3A_1385 = arith.constant 640 : index
    %get3A_1386 = vector.load %arg1[%get3A_1383, %get3A_1384, %get3A_1385] : memref<3x4x4096xf32, #tpu.memory_space<vmem>>, vector<1x1x128xf32>
    %get3A_1387 = vector.shape_cast %get3A_1386 : vector<1x1x128xf32> to vector<1x128xf32>
    %sub3A_1388 = vector.broadcast %slice3A_1205 : vector<512x1xf32> to vector<512x128xf32>
    %sub3A_1389 = vector.broadcast %get3A_1387 : vector<1x128xf32> to vector<512x128xf32>
    %sub3A_1390 = arith.subf %sub3A_1388, %sub3A_1389 : vector<512x128xf32>
    %mul3A_1391 = arith.mulf %sub3A_1390, %sub3A_1390 : vector<512x128xf32>
    %add3A_1392 = arith.addf %mul3A_1382, %mul3A_1391 : vector<512x128xf32>
    %get3A_1393 = arith.constant 2 : index
    %get3A_1394 = arith.constant 1 : index
    %get3A_1395 = arith.constant 640 : index
    %get3A_1396 = vector.load %arg1[%get3A_1393, %get3A_1394, %get3A_1395] : memref<3x4x4096xf32, #tpu.memory_space<vmem>>, vector<1x1x128xf32>
    %get3A_1397 = vector.shape_cast %get3A_1396 : vector<1x1x128xf32> to vector<1x128xf32>
    %sub3A_1398 = vector.broadcast %slice3A_1206 : vector<512x1xf32> to vector<512x128xf32>
    %sub3A_1399 = vector.broadcast %get3A_1397 : vector<1x128xf32> to vector<512x128xf32>
    %sub3A_1400 = arith.subf %sub3A_1398, %sub3A_1399 : vector<512x128xf32>
    %mul3A_1401 = arith.mulf %sub3A_1400, %sub3A_1400 : vector<512x128xf32>
    %add3A_1402 = arith.addf %add3A_1392, %mul3A_1401 : vector<512x128xf32>
    %lt3A_1403 = arith.cmpf olt, %add3A_1402, %select_n3A_1370 : vector<512x128xf32>
    %select_n3A_1404 = arith.select %lt3A_1403, %add3A_1402, %select_n3A_1370 : vector<512x128xi1>, vector<512x128xf32>
    %jit3A_1405 = arith.constant 5 : i32
    %broadcast_in_dim3A_1406 = vector.broadcast %jit3A_1405 : i32 to vector<512x128xi32>
    %select_n3A_1407 = arith.select %lt3A_1403, %broadcast_in_dim3A_1406, %select_n3A_1373 : vector<512x128xi1>, vector<512x128xi32>
    %get3A_1408 = arith.constant 0 : index
    %get3A_1409 = arith.constant 1 : index
    %get3A_1410 = arith.constant 768 : index
    %get3A_1411 = vector.load %arg1[%get3A_1408, %get3A_1409, %get3A_1410] : memref<3x4x4096xf32, #tpu.memory_space<vmem>>, vector<1x1x128xf32>
    %get3A_1412 = vector.shape_cast %get3A_1411 : vector<1x1x128xf32> to vector<1x128xf32>
    %sub3A_1413 = vector.broadcast %slice3A_1204 : vector<512x1xf32> to vector<512x128xf32>
    %sub3A_1414 = vector.broadcast %get3A_1412 : vector<1x128xf32> to vector<512x128xf32>
    %sub3A_1415 = arith.subf %sub3A_1413, %sub3A_1414 : vector<512x128xf32>
    %mul3A_1416 = arith.mulf %sub3A_1415, %sub3A_1415 : vector<512x128xf32>
    %get3A_1417 = arith.constant 1 : index
    %get3A_1418 = arith.constant 1 : index
    %get3A_1419 = arith.constant 768 : index
    %get3A_1420 = vector.load %arg1[%get3A_1417, %get3A_1418, %get3A_1419] : memref<3x4x4096xf32, #tpu.memory_space<vmem>>, vector<1x1x128xf32>
    %get3A_1421 = vector.shape_cast %get3A_1420 : vector<1x1x128xf32> to vector<1x128xf32>
    %sub3A_1422 = vector.broadcast %slice3A_1205 : vector<512x1xf32> to vector<512x128xf32>
    %sub3A_1423 = vector.broadcast %get3A_1421 : vector<1x128xf32> to vector<512x128xf32>
    %sub3A_1424 = arith.subf %sub3A_1422, %sub3A_1423 : vector<512x128xf32>
    %mul3A_1425 = arith.mulf %sub3A_1424, %sub3A_1424 : vector<512x128xf32>
    %add3A_1426 = arith.addf %mul3A_1416, %mul3A_1425 : vector<512x128xf32>
    %get3A_1427 = arith.constant 2 : index
    %get3A_1428 = arith.constant 1 : index
    %get3A_1429 = arith.constant 768 : index
    %get3A_1430 = vector.load %arg1[%get3A_1427, %get3A_1428, %get3A_1429] : memref<3x4x4096xf32, #tpu.memory_space<vmem>>, vector<1x1x128xf32>
    %get3A_1431 = vector.shape_cast %get3A_1430 : vector<1x1x128xf32> to vector<1x128xf32>
    %sub3A_1432 = vector.broadcast %slice3A_1206 : vector<512x1xf32> to vector<512x128xf32>
    %sub3A_1433 = vector.broadcast %get3A_1431 : vector<1x128xf32> to vector<512x128xf32>
    %sub3A_1434 = arith.subf %sub3A_1432, %sub3A_1433 : vector<512x128xf32>
    %mul3A_1435 = arith.mulf %sub3A_1434, %sub3A_1434 : vector<512x128xf32>
    %add3A_1436 = arith.addf %add3A_1426, %mul3A_1435 : vector<512x128xf32>
    %lt3A_1437 = arith.cmpf olt, %add3A_1436, %select_n3A_1404 : vector<512x128xf32>
    %select_n3A_1438 = arith.select %lt3A_1437, %add3A_1436, %select_n3A_1404 : vector<512x128xi1>, vector<512x128xf32>
    %jit3A_1439 = arith.constant 6 : i32
    %broadcast_in_dim3A_1440 = vector.broadcast %jit3A_1439 : i32 to vector<512x128xi32>
    %select_n3A_1441 = arith.select %lt3A_1437, %broadcast_in_dim3A_1440, %select_n3A_1407 : vector<512x128xi1>, vector<512x128xi32>
    %get3A_1442 = arith.constant 0 : index
    %get3A_1443 = arith.constant 1 : index
    %get3A_1444 = arith.constant 896 : index
    %get3A_1445 = vector.load %arg1[%get3A_1442, %get3A_1443, %get3A_1444] : memref<3x4x4096xf32, #tpu.memory_space<vmem>>, vector<1x1x128xf32>
    %get3A_1446 = vector.shape_cast %get3A_1445 : vector<1x1x128xf32> to vector<1x128xf32>
    %sub3A_1447 = vector.broadcast %slice3A_1204 : vector<512x1xf32> to vector<512x128xf32>
    %sub3A_1448 = vector.broadcast %get3A_1446 : vector<1x128xf32> to vector<512x128xf32>
    %sub3A_1449 = arith.subf %sub3A_1447, %sub3A_1448 : vector<512x128xf32>
    %mul3A_1450 = arith.mulf %sub3A_1449, %sub3A_1449 : vector<512x128xf32>
    %get3A_1451 = arith.constant 1 : index
    %get3A_1452 = arith.constant 1 : index
    %get3A_1453 = arith.constant 896 : index
    %get3A_1454 = vector.load %arg1[%get3A_1451, %get3A_1452, %get3A_1453] : memref<3x4x4096xf32, #tpu.memory_space<vmem>>, vector<1x1x128xf32>
    %get3A_1455 = vector.shape_cast %get3A_1454 : vector<1x1x128xf32> to vector<1x128xf32>
    %sub3A_1456 = vector.broadcast %slice3A_1205 : vector<512x1xf32> to vector<512x128xf32>
    %sub3A_1457 = vector.broadcast %get3A_1455 : vector<1x128xf32> to vector<512x128xf32>
    %sub3A_1458 = arith.subf %sub3A_1456, %sub3A_1457 : vector<512x128xf32>
    %mul3A_1459 = arith.mulf %sub3A_1458, %sub3A_1458 : vector<512x128xf32>
    %add3A_1460 = arith.addf %mul3A_1450, %mul3A_1459 : vector<512x128xf32>
    %get3A_1461 = arith.constant 2 : index
    %get3A_1462 = arith.constant 1 : index
    %get3A_1463 = arith.constant 896 : index
    %get3A_1464 = vector.load %arg1[%get3A_1461, %get3A_1462, %get3A_1463] : memref<3x4x4096xf32, #tpu.memory_space<vmem>>, vector<1x1x128xf32>
    %get3A_1465 = vector.shape_cast %get3A_1464 : vector<1x1x128xf32> to vector<1x128xf32>
    %sub3A_1466 = vector.broadcast %slice3A_1206 : vector<512x1xf32> to vector<512x128xf32>
    %sub3A_1467 = vector.broadcast %get3A_1465 : vector<1x128xf32> to vector<512x128xf32>
    %sub3A_1468 = arith.subf %sub3A_1466, %sub3A_1467 : vector<512x128xf32>
    %mul3A_1469 = arith.mulf %sub3A_1468, %sub3A_1468 : vector<512x128xf32>
    %add3A_1470 = arith.addf %add3A_1460, %mul3A_1469 : vector<512x128xf32>
    %lt3A_1471 = arith.cmpf olt, %add3A_1470, %select_n3A_1438 : vector<512x128xf32>
    %select_n3A_1472 = arith.select %lt3A_1471, %add3A_1470, %select_n3A_1438 : vector<512x128xi1>, vector<512x128xf32>
    %jit3A_1473 = arith.constant 7 : i32
    %broadcast_in_dim3A_1474 = vector.broadcast %jit3A_1473 : i32 to vector<512x128xi32>
    %select_n3A_1475 = arith.select %lt3A_1471, %broadcast_in_dim3A_1474, %select_n3A_1441 : vector<512x128xi1>, vector<512x128xi32>
    %get3A_1476 = arith.constant 0 : index
    %get3A_1477 = arith.constant 1 : index
    %get3A_1478 = arith.constant 1024 : index
    %get3A_1479 = vector.load %arg1[%get3A_1476, %get3A_1477, %get3A_1478] : memref<3x4x4096xf32, #tpu.memory_space<vmem>>, vector<1x1x128xf32>
    %get3A_1480 = vector.shape_cast %get3A_1479 : vector<1x1x128xf32> to vector<1x128xf32>
    %sub3A_1481 = vector.broadcast %slice3A_1204 : vector<512x1xf32> to vector<512x128xf32>
    %sub3A_1482 = vector.broadcast %get3A_1480 : vector<1x128xf32> to vector<512x128xf32>
    %sub3A_1483 = arith.subf %sub3A_1481, %sub3A_1482 : vector<512x128xf32>
    %mul3A_1484 = arith.mulf %sub3A_1483, %sub3A_1483 : vector<512x128xf32>
    %get3A_1485 = arith.constant 1 : index
    %get3A_1486 = arith.constant 1 : index
    %get3A_1487 = arith.constant 1024 : index
    %get3A_1488 = vector.load %arg1[%get3A_1485, %get3A_1486, %get3A_1487] : memref<3x4x4096xf32, #tpu.memory_space<vmem>>, vector<1x1x128xf32>
    %get3A_1489 = vector.shape_cast %get3A_1488 : vector<1x1x128xf32> to vector<1x128xf32>
    %sub3A_1490 = vector.broadcast %slice3A_1205 : vector<512x1xf32> to vector<512x128xf32>
    %sub3A_1491 = vector.broadcast %get3A_1489 : vector<1x128xf32> to vector<512x128xf32>
    %sub3A_1492 = arith.subf %sub3A_1490, %sub3A_1491 : vector<512x128xf32>
    %mul3A_1493 = arith.mulf %sub3A_1492, %sub3A_1492 : vector<512x128xf32>
    %add3A_1494 = arith.addf %mul3A_1484, %mul3A_1493 : vector<512x128xf32>
    %get3A_1495 = arith.constant 2 : index
    %get3A_1496 = arith.constant 1 : index
    %get3A_1497 = arith.constant 1024 : index
    %get3A_1498 = vector.load %arg1[%get3A_1495, %get3A_1496, %get3A_1497] : memref<3x4x4096xf32, #tpu.memory_space<vmem>>, vector<1x1x128xf32>
    %get3A_1499 = vector.shape_cast %get3A_1498 : vector<1x1x128xf32> to vector<1x128xf32>
    %sub3A_1500 = vector.broadcast %slice3A_1206 : vector<512x1xf32> to vector<512x128xf32>
    %sub3A_1501 = vector.broadcast %get3A_1499 : vector<1x128xf32> to vector<512x128xf32>
    %sub3A_1502 = arith.subf %sub3A_1500, %sub3A_1501 : vector<512x128xf32>
    %mul3A_1503 = arith.mulf %sub3A_1502, %sub3A_1502 : vector<512x128xf32>
    %add3A_1504 = arith.addf %add3A_1494, %mul3A_1503 : vector<512x128xf32>
    %lt3A_1505 = arith.cmpf olt, %add3A_1504, %select_n3A_1472 : vector<512x128xf32>
    %select_n3A_1506 = arith.select %lt3A_1505, %add3A_1504, %select_n3A_1472 : vector<512x128xi1>, vector<512x128xf32>
    %jit3A_1507 = arith.constant 8 : i32
    %broadcast_in_dim3A_1508 = vector.broadcast %jit3A_1507 : i32 to vector<512x128xi32>
    %select_n3A_1509 = arith.select %lt3A_1505, %broadcast_in_dim3A_1508, %select_n3A_1475 : vector<512x128xi1>, vector<512x128xi32>
    %get3A_1510 = arith.constant 0 : index
    %get3A_1511 = arith.constant 1 : index
    %get3A_1512 = arith.constant 1152 : index
    %get3A_1513 = vector.load %arg1[%get3A_1510, %get3A_1511, %get3A_1512] : memref<3x4x4096xf32, #tpu.memory_space<vmem>>, vector<1x1x128xf32>
    %get3A_1514 = vector.shape_cast %get3A_1513 : vector<1x1x128xf32> to vector<1x128xf32>
    %sub3A_1515 = vector.broadcast %slice3A_1204 : vector<512x1xf32> to vector<512x128xf32>
    %sub3A_1516 = vector.broadcast %get3A_1514 : vector<1x128xf32> to vector<512x128xf32>
    %sub3A_1517 = arith.subf %sub3A_1515, %sub3A_1516 : vector<512x128xf32>
    %mul3A_1518 = arith.mulf %sub3A_1517, %sub3A_1517 : vector<512x128xf32>
    %get3A_1519 = arith.constant 1 : index
    %get3A_1520 = arith.constant 1 : index
    %get3A_1521 = arith.constant 1152 : index
    %get3A_1522 = vector.load %arg1[%get3A_1519, %get3A_1520, %get3A_1521] : memref<3x4x4096xf32, #tpu.memory_space<vmem>>, vector<1x1x128xf32>
    %get3A_1523 = vector.shape_cast %get3A_1522 : vector<1x1x128xf32> to vector<1x128xf32>
    %sub3A_1524 = vector.broadcast %slice3A_1205 : vector<512x1xf32> to vector<512x128xf32>
    %sub3A_1525 = vector.broadcast %get3A_1523 : vector<1x128xf32> to vector<512x128xf32>
    %sub3A_1526 = arith.subf %sub3A_1524, %sub3A_1525 : vector<512x128xf32>
    %mul3A_1527 = arith.mulf %sub3A_1526, %sub3A_1526 : vector<512x128xf32>
    %add3A_1528 = arith.addf %mul3A_1518, %mul3A_1527 : vector<512x128xf32>
    %get3A_1529 = arith.constant 2 : index
    %get3A_1530 = arith.constant 1 : index
    %get3A_1531 = arith.constant 1152 : index
    %get3A_1532 = vector.load %arg1[%get3A_1529, %get3A_1530, %get3A_1531] : memref<3x4x4096xf32, #tpu.memory_space<vmem>>, vector<1x1x128xf32>
    %get3A_1533 = vector.shape_cast %get3A_1532 : vector<1x1x128xf32> to vector<1x128xf32>
    %sub3A_1534 = vector.broadcast %slice3A_1206 : vector<512x1xf32> to vector<512x128xf32>
    %sub3A_1535 = vector.broadcast %get3A_1533 : vector<1x128xf32> to vector<512x128xf32>
    %sub3A_1536 = arith.subf %sub3A_1534, %sub3A_1535 : vector<512x128xf32>
    %mul3A_1537 = arith.mulf %sub3A_1536, %sub3A_1536 : vector<512x128xf32>
    %add3A_1538 = arith.addf %add3A_1528, %mul3A_1537 : vector<512x128xf32>
    %lt3A_1539 = arith.cmpf olt, %add3A_1538, %select_n3A_1506 : vector<512x128xf32>
    %select_n3A_1540 = arith.select %lt3A_1539, %add3A_1538, %select_n3A_1506 : vector<512x128xi1>, vector<512x128xf32>
    %jit3A_1541 = arith.constant 9 : i32
    %broadcast_in_dim3A_1542 = vector.broadcast %jit3A_1541 : i32 to vector<512x128xi32>
    %select_n3A_1543 = arith.select %lt3A_1539, %broadcast_in_dim3A_1542, %select_n3A_1509 : vector<512x128xi1>, vector<512x128xi32>
    %get3A_1544 = arith.constant 0 : index
    %get3A_1545 = arith.constant 1 : index
    %get3A_1546 = arith.constant 1280 : index
    %get3A_1547 = vector.load %arg1[%get3A_1544, %get3A_1545, %get3A_1546] : memref<3x4x4096xf32, #tpu.memory_space<vmem>>, vector<1x1x128xf32>
    %get3A_1548 = vector.shape_cast %get3A_1547 : vector<1x1x128xf32> to vector<1x128xf32>
    %sub3A_1549 = vector.broadcast %slice3A_1204 : vector<512x1xf32> to vector<512x128xf32>
    %sub3A_1550 = vector.broadcast %get3A_1548 : vector<1x128xf32> to vector<512x128xf32>
    %sub3A_1551 = arith.subf %sub3A_1549, %sub3A_1550 : vector<512x128xf32>
    %mul3A_1552 = arith.mulf %sub3A_1551, %sub3A_1551 : vector<512x128xf32>
    %get3A_1553 = arith.constant 1 : index
    %get3A_1554 = arith.constant 1 : index
    %get3A_1555 = arith.constant 1280 : index
    %get3A_1556 = vector.load %arg1[%get3A_1553, %get3A_1554, %get3A_1555] : memref<3x4x4096xf32, #tpu.memory_space<vmem>>, vector<1x1x128xf32>
    %get3A_1557 = vector.shape_cast %get3A_1556 : vector<1x1x128xf32> to vector<1x128xf32>
    %sub3A_1558 = vector.broadcast %slice3A_1205 : vector<512x1xf32> to vector<512x128xf32>
    %sub3A_1559 = vector.broadcast %get3A_1557 : vector<1x128xf32> to vector<512x128xf32>
    %sub3A_1560 = arith.subf %sub3A_1558, %sub3A_1559 : vector<512x128xf32>
    %mul3A_1561 = arith.mulf %sub3A_1560, %sub3A_1560 : vector<512x128xf32>
    %add3A_1562 = arith.addf %mul3A_1552, %mul3A_1561 : vector<512x128xf32>
    %get3A_1563 = arith.constant 2 : index
    %get3A_1564 = arith.constant 1 : index
    %get3A_1565 = arith.constant 1280 : index
    %get3A_1566 = vector.load %arg1[%get3A_1563, %get3A_1564, %get3A_1565] : memref<3x4x4096xf32, #tpu.memory_space<vmem>>, vector<1x1x128xf32>
    %get3A_1567 = vector.shape_cast %get3A_1566 : vector<1x1x128xf32> to vector<1x128xf32>
    %sub3A_1568 = vector.broadcast %slice3A_1206 : vector<512x1xf32> to vector<512x128xf32>
    %sub3A_1569 = vector.broadcast %get3A_1567 : vector<1x128xf32> to vector<512x128xf32>
    %sub3A_1570 = arith.subf %sub3A_1568, %sub3A_1569 : vector<512x128xf32>
    %mul3A_1571 = arith.mulf %sub3A_1570, %sub3A_1570 : vector<512x128xf32>
    %add3A_1572 = arith.addf %add3A_1562, %mul3A_1571 : vector<512x128xf32>
    %lt3A_1573 = arith.cmpf olt, %add3A_1572, %select_n3A_1540 : vector<512x128xf32>
    %select_n3A_1574 = arith.select %lt3A_1573, %add3A_1572, %select_n3A_1540 : vector<512x128xi1>, vector<512x128xf32>
    %jit3A_1575 = arith.constant 10 : i32
    %broadcast_in_dim3A_1576 = vector.broadcast %jit3A_1575 : i32 to vector<512x128xi32>
    %select_n3A_1577 = arith.select %lt3A_1573, %broadcast_in_dim3A_1576, %select_n3A_1543 : vector<512x128xi1>, vector<512x128xi32>
    %get3A_1578 = arith.constant 0 : index
    %get3A_1579 = arith.constant 1 : index
    %get3A_1580 = arith.constant 1408 : index
    %get3A_1581 = vector.load %arg1[%get3A_1578, %get3A_1579, %get3A_1580] : memref<3x4x4096xf32, #tpu.memory_space<vmem>>, vector<1x1x128xf32>
    %get3A_1582 = vector.shape_cast %get3A_1581 : vector<1x1x128xf32> to vector<1x128xf32>
    %sub3A_1583 = vector.broadcast %slice3A_1204 : vector<512x1xf32> to vector<512x128xf32>
    %sub3A_1584 = vector.broadcast %get3A_1582 : vector<1x128xf32> to vector<512x128xf32>
    %sub3A_1585 = arith.subf %sub3A_1583, %sub3A_1584 : vector<512x128xf32>
    %mul3A_1586 = arith.mulf %sub3A_1585, %sub3A_1585 : vector<512x128xf32>
    %get3A_1587 = arith.constant 1 : index
    %get3A_1588 = arith.constant 1 : index
    %get3A_1589 = arith.constant 1408 : index
    %get3A_1590 = vector.load %arg1[%get3A_1587, %get3A_1588, %get3A_1589] : memref<3x4x4096xf32, #tpu.memory_space<vmem>>, vector<1x1x128xf32>
    %get3A_1591 = vector.shape_cast %get3A_1590 : vector<1x1x128xf32> to vector<1x128xf32>
    %sub3A_1592 = vector.broadcast %slice3A_1205 : vector<512x1xf32> to vector<512x128xf32>
    %sub3A_1593 = vector.broadcast %get3A_1591 : vector<1x128xf32> to vector<512x128xf32>
    %sub3A_1594 = arith.subf %sub3A_1592, %sub3A_1593 : vector<512x128xf32>
    %mul3A_1595 = arith.mulf %sub3A_1594, %sub3A_1594 : vector<512x128xf32>
    %add3A_1596 = arith.addf %mul3A_1586, %mul3A_1595 : vector<512x128xf32>
    %get3A_1597 = arith.constant 2 : index
    %get3A_1598 = arith.constant 1 : index
    %get3A_1599 = arith.constant 1408 : index
    %get3A_1600 = vector.load %arg1[%get3A_1597, %get3A_1598, %get3A_1599] : memref<3x4x4096xf32, #tpu.memory_space<vmem>>, vector<1x1x128xf32>
    %get3A_1601 = vector.shape_cast %get3A_1600 : vector<1x1x128xf32> to vector<1x128xf32>
    %sub3A_1602 = vector.broadcast %slice3A_1206 : vector<512x1xf32> to vector<512x128xf32>
    %sub3A_1603 = vector.broadcast %get3A_1601 : vector<1x128xf32> to vector<512x128xf32>
    %sub3A_1604 = arith.subf %sub3A_1602, %sub3A_1603 : vector<512x128xf32>
    %mul3A_1605 = arith.mulf %sub3A_1604, %sub3A_1604 : vector<512x128xf32>
    %add3A_1606 = arith.addf %add3A_1596, %mul3A_1605 : vector<512x128xf32>
    %lt3A_1607 = arith.cmpf olt, %add3A_1606, %select_n3A_1574 : vector<512x128xf32>
    %select_n3A_1608 = arith.select %lt3A_1607, %add3A_1606, %select_n3A_1574 : vector<512x128xi1>, vector<512x128xf32>
    %jit3A_1609 = arith.constant 11 : i32
    %broadcast_in_dim3A_1610 = vector.broadcast %jit3A_1609 : i32 to vector<512x128xi32>
    %select_n3A_1611 = arith.select %lt3A_1607, %broadcast_in_dim3A_1610, %select_n3A_1577 : vector<512x128xi1>, vector<512x128xi32>
    %get3A_1612 = arith.constant 0 : index
    %get3A_1613 = arith.constant 1 : index
    %get3A_1614 = arith.constant 1536 : index
    %get3A_1615 = vector.load %arg1[%get3A_1612, %get3A_1613, %get3A_1614] : memref<3x4x4096xf32, #tpu.memory_space<vmem>>, vector<1x1x128xf32>
    %get3A_1616 = vector.shape_cast %get3A_1615 : vector<1x1x128xf32> to vector<1x128xf32>
    %sub3A_1617 = vector.broadcast %slice3A_1204 : vector<512x1xf32> to vector<512x128xf32>
    %sub3A_1618 = vector.broadcast %get3A_1616 : vector<1x128xf32> to vector<512x128xf32>
    %sub3A_1619 = arith.subf %sub3A_1617, %sub3A_1618 : vector<512x128xf32>
    %mul3A_1620 = arith.mulf %sub3A_1619, %sub3A_1619 : vector<512x128xf32>
    %get3A_1621 = arith.constant 1 : index
    %get3A_1622 = arith.constant 1 : index
    %get3A_1623 = arith.constant 1536 : index
    %get3A_1624 = vector.load %arg1[%get3A_1621, %get3A_1622, %get3A_1623] : memref<3x4x4096xf32, #tpu.memory_space<vmem>>, vector<1x1x128xf32>
    %get3A_1625 = vector.shape_cast %get3A_1624 : vector<1x1x128xf32> to vector<1x128xf32>
    %sub3A_1626 = vector.broadcast %slice3A_1205 : vector<512x1xf32> to vector<512x128xf32>
    %sub3A_1627 = vector.broadcast %get3A_1625 : vector<1x128xf32> to vector<512x128xf32>
    %sub3A_1628 = arith.subf %sub3A_1626, %sub3A_1627 : vector<512x128xf32>
    %mul3A_1629 = arith.mulf %sub3A_1628, %sub3A_1628 : vector<512x128xf32>
    %add3A_1630 = arith.addf %mul3A_1620, %mul3A_1629 : vector<512x128xf32>
    %get3A_1631 = arith.constant 2 : index
    %get3A_1632 = arith.constant 1 : index
    %get3A_1633 = arith.constant 1536 : index
    %get3A_1634 = vector.load %arg1[%get3A_1631, %get3A_1632, %get3A_1633] : memref<3x4x4096xf32, #tpu.memory_space<vmem>>, vector<1x1x128xf32>
    %get3A_1635 = vector.shape_cast %get3A_1634 : vector<1x1x128xf32> to vector<1x128xf32>
    %sub3A_1636 = vector.broadcast %slice3A_1206 : vector<512x1xf32> to vector<512x128xf32>
    %sub3A_1637 = vector.broadcast %get3A_1635 : vector<1x128xf32> to vector<512x128xf32>
    %sub3A_1638 = arith.subf %sub3A_1636, %sub3A_1637 : vector<512x128xf32>
    %mul3A_1639 = arith.mulf %sub3A_1638, %sub3A_1638 : vector<512x128xf32>
    %add3A_1640 = arith.addf %add3A_1630, %mul3A_1639 : vector<512x128xf32>
    %lt3A_1641 = arith.cmpf olt, %add3A_1640, %select_n3A_1608 : vector<512x128xf32>
    %select_n3A_1642 = arith.select %lt3A_1641, %add3A_1640, %select_n3A_1608 : vector<512x128xi1>, vector<512x128xf32>
    %jit3A_1643 = arith.constant 12 : i32
    %broadcast_in_dim3A_1644 = vector.broadcast %jit3A_1643 : i32 to vector<512x128xi32>
    %select_n3A_1645 = arith.select %lt3A_1641, %broadcast_in_dim3A_1644, %select_n3A_1611 : vector<512x128xi1>, vector<512x128xi32>
    %get3A_1646 = arith.constant 0 : index
    %get3A_1647 = arith.constant 1 : index
    %get3A_1648 = arith.constant 1664 : index
    %get3A_1649 = vector.load %arg1[%get3A_1646, %get3A_1647, %get3A_1648] : memref<3x4x4096xf32, #tpu.memory_space<vmem>>, vector<1x1x128xf32>
    %get3A_1650 = vector.shape_cast %get3A_1649 : vector<1x1x128xf32> to vector<1x128xf32>
    %sub3A_1651 = vector.broadcast %slice3A_1204 : vector<512x1xf32> to vector<512x128xf32>
    %sub3A_1652 = vector.broadcast %get3A_1650 : vector<1x128xf32> to vector<512x128xf32>
    %sub3A_1653 = arith.subf %sub3A_1651, %sub3A_1652 : vector<512x128xf32>
    %mul3A_1654 = arith.mulf %sub3A_1653, %sub3A_1653 : vector<512x128xf32>
    %get3A_1655 = arith.constant 1 : index
    %get3A_1656 = arith.constant 1 : index
    %get3A_1657 = arith.constant 1664 : index
    %get3A_1658 = vector.load %arg1[%get3A_1655, %get3A_1656, %get3A_1657] : memref<3x4x4096xf32, #tpu.memory_space<vmem>>, vector<1x1x128xf32>
    %get3A_1659 = vector.shape_cast %get3A_1658 : vector<1x1x128xf32> to vector<1x128xf32>
    %sub3A_1660 = vector.broadcast %slice3A_1205 : vector<512x1xf32> to vector<512x128xf32>
    %sub3A_1661 = vector.broadcast %get3A_1659 : vector<1x128xf32> to vector<512x128xf32>
    %sub3A_1662 = arith.subf %sub3A_1660, %sub3A_1661 : vector<512x128xf32>
    %mul3A_1663 = arith.mulf %sub3A_1662, %sub3A_1662 : vector<512x128xf32>
    %add3A_1664 = arith.addf %mul3A_1654, %mul3A_1663 : vector<512x128xf32>
    %get3A_1665 = arith.constant 2 : index
    %get3A_1666 = arith.constant 1 : index
    %get3A_1667 = arith.constant 1664 : index
    %get3A_1668 = vector.load %arg1[%get3A_1665, %get3A_1666, %get3A_1667] : memref<3x4x4096xf32, #tpu.memory_space<vmem>>, vector<1x1x128xf32>
    %get3A_1669 = vector.shape_cast %get3A_1668 : vector<1x1x128xf32> to vector<1x128xf32>
    %sub3A_1670 = vector.broadcast %slice3A_1206 : vector<512x1xf32> to vector<512x128xf32>
    %sub3A_1671 = vector.broadcast %get3A_1669 : vector<1x128xf32> to vector<512x128xf32>
    %sub3A_1672 = arith.subf %sub3A_1670, %sub3A_1671 : vector<512x128xf32>
    %mul3A_1673 = arith.mulf %sub3A_1672, %sub3A_1672 : vector<512x128xf32>
    %add3A_1674 = arith.addf %add3A_1664, %mul3A_1673 : vector<512x128xf32>
    %lt3A_1675 = arith.cmpf olt, %add3A_1674, %select_n3A_1642 : vector<512x128xf32>
    %select_n3A_1676 = arith.select %lt3A_1675, %add3A_1674, %select_n3A_1642 : vector<512x128xi1>, vector<512x128xf32>
    %jit3A_1677 = arith.constant 13 : i32
    %broadcast_in_dim3A_1678 = vector.broadcast %jit3A_1677 : i32 to vector<512x128xi32>
    %select_n3A_1679 = arith.select %lt3A_1675, %broadcast_in_dim3A_1678, %select_n3A_1645 : vector<512x128xi1>, vector<512x128xi32>
    %get3A_1680 = arith.constant 0 : index
    %get3A_1681 = arith.constant 1 : index
    %get3A_1682 = arith.constant 1792 : index
    %get3A_1683 = vector.load %arg1[%get3A_1680, %get3A_1681, %get3A_1682] : memref<3x4x4096xf32, #tpu.memory_space<vmem>>, vector<1x1x128xf32>
    %get3A_1684 = vector.shape_cast %get3A_1683 : vector<1x1x128xf32> to vector<1x128xf32>
    %sub3A_1685 = vector.broadcast %slice3A_1204 : vector<512x1xf32> to vector<512x128xf32>
    %sub3A_1686 = vector.broadcast %get3A_1684 : vector<1x128xf32> to vector<512x128xf32>
    %sub3A_1687 = arith.subf %sub3A_1685, %sub3A_1686 : vector<512x128xf32>
    %mul3A_1688 = arith.mulf %sub3A_1687, %sub3A_1687 : vector<512x128xf32>
    %get3A_1689 = arith.constant 1 : index
    %get3A_1690 = arith.constant 1 : index
    %get3A_1691 = arith.constant 1792 : index
    %get3A_1692 = vector.load %arg1[%get3A_1689, %get3A_1690, %get3A_1691] : memref<3x4x4096xf32, #tpu.memory_space<vmem>>, vector<1x1x128xf32>
    %get3A_1693 = vector.shape_cast %get3A_1692 : vector<1x1x128xf32> to vector<1x128xf32>
    %sub3A_1694 = vector.broadcast %slice3A_1205 : vector<512x1xf32> to vector<512x128xf32>
    %sub3A_1695 = vector.broadcast %get3A_1693 : vector<1x128xf32> to vector<512x128xf32>
    %sub3A_1696 = arith.subf %sub3A_1694, %sub3A_1695 : vector<512x128xf32>
    %mul3A_1697 = arith.mulf %sub3A_1696, %sub3A_1696 : vector<512x128xf32>
    %add3A_1698 = arith.addf %mul3A_1688, %mul3A_1697 : vector<512x128xf32>
    %get3A_1699 = arith.constant 2 : index
    %get3A_1700 = arith.constant 1 : index
    %get3A_1701 = arith.constant 1792 : index
    %get3A_1702 = vector.load %arg1[%get3A_1699, %get3A_1700, %get3A_1701] : memref<3x4x4096xf32, #tpu.memory_space<vmem>>, vector<1x1x128xf32>
    %get3A_1703 = vector.shape_cast %get3A_1702 : vector<1x1x128xf32> to vector<1x128xf32>
    %sub3A_1704 = vector.broadcast %slice3A_1206 : vector<512x1xf32> to vector<512x128xf32>
    %sub3A_1705 = vector.broadcast %get3A_1703 : vector<1x128xf32> to vector<512x128xf32>
    %sub3A_1706 = arith.subf %sub3A_1704, %sub3A_1705 : vector<512x128xf32>
    %mul3A_1707 = arith.mulf %sub3A_1706, %sub3A_1706 : vector<512x128xf32>
    %add3A_1708 = arith.addf %add3A_1698, %mul3A_1707 : vector<512x128xf32>
    %lt3A_1709 = arith.cmpf olt, %add3A_1708, %select_n3A_1676 : vector<512x128xf32>
    %select_n3A_1710 = arith.select %lt3A_1709, %add3A_1708, %select_n3A_1676 : vector<512x128xi1>, vector<512x128xf32>
    %jit3A_1711 = arith.constant 14 : i32
    %broadcast_in_dim3A_1712 = vector.broadcast %jit3A_1711 : i32 to vector<512x128xi32>
    %select_n3A_1713 = arith.select %lt3A_1709, %broadcast_in_dim3A_1712, %select_n3A_1679 : vector<512x128xi1>, vector<512x128xi32>
    %get3A_1714 = arith.constant 0 : index
    %get3A_1715 = arith.constant 1 : index
    %get3A_1716 = arith.constant 1920 : index
    %get3A_1717 = vector.load %arg1[%get3A_1714, %get3A_1715, %get3A_1716] : memref<3x4x4096xf32, #tpu.memory_space<vmem>>, vector<1x1x128xf32>
    %get3A_1718 = vector.shape_cast %get3A_1717 : vector<1x1x128xf32> to vector<1x128xf32>
    %sub3A_1719 = vector.broadcast %slice3A_1204 : vector<512x1xf32> to vector<512x128xf32>
    %sub3A_1720 = vector.broadcast %get3A_1718 : vector<1x128xf32> to vector<512x128xf32>
    %sub3A_1721 = arith.subf %sub3A_1719, %sub3A_1720 : vector<512x128xf32>
    %mul3A_1722 = arith.mulf %sub3A_1721, %sub3A_1721 : vector<512x128xf32>
    %get3A_1723 = arith.constant 1 : index
    %get3A_1724 = arith.constant 1 : index
    %get3A_1725 = arith.constant 1920 : index
    %get3A_1726 = vector.load %arg1[%get3A_1723, %get3A_1724, %get3A_1725] : memref<3x4x4096xf32, #tpu.memory_space<vmem>>, vector<1x1x128xf32>
    %get3A_1727 = vector.shape_cast %get3A_1726 : vector<1x1x128xf32> to vector<1x128xf32>
    %sub3A_1728 = vector.broadcast %slice3A_1205 : vector<512x1xf32> to vector<512x128xf32>
    %sub3A_1729 = vector.broadcast %get3A_1727 : vector<1x128xf32> to vector<512x128xf32>
    %sub3A_1730 = arith.subf %sub3A_1728, %sub3A_1729 : vector<512x128xf32>
    %mul3A_1731 = arith.mulf %sub3A_1730, %sub3A_1730 : vector<512x128xf32>
    %add3A_1732 = arith.addf %mul3A_1722, %mul3A_1731 : vector<512x128xf32>
    %get3A_1733 = arith.constant 2 : index
    %get3A_1734 = arith.constant 1 : index
    %get3A_1735 = arith.constant 1920 : index
    %get3A_1736 = vector.load %arg1[%get3A_1733, %get3A_1734, %get3A_1735] : memref<3x4x4096xf32, #tpu.memory_space<vmem>>, vector<1x1x128xf32>
    %get3A_1737 = vector.shape_cast %get3A_1736 : vector<1x1x128xf32> to vector<1x128xf32>
    %sub3A_1738 = vector.broadcast %slice3A_1206 : vector<512x1xf32> to vector<512x128xf32>
    %sub3A_1739 = vector.broadcast %get3A_1737 : vector<1x128xf32> to vector<512x128xf32>
    %sub3A_1740 = arith.subf %sub3A_1738, %sub3A_1739 : vector<512x128xf32>
    %mul3A_1741 = arith.mulf %sub3A_1740, %sub3A_1740 : vector<512x128xf32>
    %add3A_1742 = arith.addf %add3A_1732, %mul3A_1741 : vector<512x128xf32>
    %lt3A_1743 = arith.cmpf olt, %add3A_1742, %select_n3A_1710 : vector<512x128xf32>
    %select_n3A_1744 = arith.select %lt3A_1743, %add3A_1742, %select_n3A_1710 : vector<512x128xi1>, vector<512x128xf32>
    %jit3A_1745 = arith.constant 15 : i32
    %broadcast_in_dim3A_1746 = vector.broadcast %jit3A_1745 : i32 to vector<512x128xi32>
    %select_n3A_1747 = arith.select %lt3A_1743, %broadcast_in_dim3A_1746, %select_n3A_1713 : vector<512x128xi1>, vector<512x128xi32>
    %get3A_1748 = arith.constant 0 : index
    %get3A_1749 = arith.constant 1 : index
    %get3A_1750 = arith.constant 2048 : index
    %get3A_1751 = vector.load %arg1[%get3A_1748, %get3A_1749, %get3A_1750] : memref<3x4x4096xf32, #tpu.memory_space<vmem>>, vector<1x1x128xf32>
    %get3A_1752 = vector.shape_cast %get3A_1751 : vector<1x1x128xf32> to vector<1x128xf32>
    %sub3A_1753 = vector.broadcast %slice3A_1204 : vector<512x1xf32> to vector<512x128xf32>
    %sub3A_1754 = vector.broadcast %get3A_1752 : vector<1x128xf32> to vector<512x128xf32>
    %sub3A_1755 = arith.subf %sub3A_1753, %sub3A_1754 : vector<512x128xf32>
    %mul3A_1756 = arith.mulf %sub3A_1755, %sub3A_1755 : vector<512x128xf32>
    %get3A_1757 = arith.constant 1 : index
    %get3A_1758 = arith.constant 1 : index
    %get3A_1759 = arith.constant 2048 : index
    %get3A_1760 = vector.load %arg1[%get3A_1757, %get3A_1758, %get3A_1759] : memref<3x4x4096xf32, #tpu.memory_space<vmem>>, vector<1x1x128xf32>
    %get3A_1761 = vector.shape_cast %get3A_1760 : vector<1x1x128xf32> to vector<1x128xf32>
    %sub3A_1762 = vector.broadcast %slice3A_1205 : vector<512x1xf32> to vector<512x128xf32>
    %sub3A_1763 = vector.broadcast %get3A_1761 : vector<1x128xf32> to vector<512x128xf32>
    %sub3A_1764 = arith.subf %sub3A_1762, %sub3A_1763 : vector<512x128xf32>
    %mul3A_1765 = arith.mulf %sub3A_1764, %sub3A_1764 : vector<512x128xf32>
    %add3A_1766 = arith.addf %mul3A_1756, %mul3A_1765 : vector<512x128xf32>
    %get3A_1767 = arith.constant 2 : index
    %get3A_1768 = arith.constant 1 : index
    %get3A_1769 = arith.constant 2048 : index
    %get3A_1770 = vector.load %arg1[%get3A_1767, %get3A_1768, %get3A_1769] : memref<3x4x4096xf32, #tpu.memory_space<vmem>>, vector<1x1x128xf32>
    %get3A_1771 = vector.shape_cast %get3A_1770 : vector<1x1x128xf32> to vector<1x128xf32>
    %sub3A_1772 = vector.broadcast %slice3A_1206 : vector<512x1xf32> to vector<512x128xf32>
    %sub3A_1773 = vector.broadcast %get3A_1771 : vector<1x128xf32> to vector<512x128xf32>
    %sub3A_1774 = arith.subf %sub3A_1772, %sub3A_1773 : vector<512x128xf32>
    %mul3A_1775 = arith.mulf %sub3A_1774, %sub3A_1774 : vector<512x128xf32>
    %add3A_1776 = arith.addf %add3A_1766, %mul3A_1775 : vector<512x128xf32>
    %lt3A_1777 = arith.cmpf olt, %add3A_1776, %select_n3A_1744 : vector<512x128xf32>
    %select_n3A_1778 = arith.select %lt3A_1777, %add3A_1776, %select_n3A_1744 : vector<512x128xi1>, vector<512x128xf32>
    %jit3A_1779 = arith.constant 16 : i32
    %broadcast_in_dim3A_1780 = vector.broadcast %jit3A_1779 : i32 to vector<512x128xi32>
    %select_n3A_1781 = arith.select %lt3A_1777, %broadcast_in_dim3A_1780, %select_n3A_1747 : vector<512x128xi1>, vector<512x128xi32>
    %get3A_1782 = arith.constant 0 : index
    %get3A_1783 = arith.constant 1 : index
    %get3A_1784 = arith.constant 2176 : index
    %get3A_1785 = vector.load %arg1[%get3A_1782, %get3A_1783, %get3A_1784] : memref<3x4x4096xf32, #tpu.memory_space<vmem>>, vector<1x1x128xf32>
    %get3A_1786 = vector.shape_cast %get3A_1785 : vector<1x1x128xf32> to vector<1x128xf32>
    %sub3A_1787 = vector.broadcast %slice3A_1204 : vector<512x1xf32> to vector<512x128xf32>
    %sub3A_1788 = vector.broadcast %get3A_1786 : vector<1x128xf32> to vector<512x128xf32>
    %sub3A_1789 = arith.subf %sub3A_1787, %sub3A_1788 : vector<512x128xf32>
    %mul3A_1790 = arith.mulf %sub3A_1789, %sub3A_1789 : vector<512x128xf32>
    %get3A_1791 = arith.constant 1 : index
    %get3A_1792 = arith.constant 1 : index
    %get3A_1793 = arith.constant 2176 : index
    %get3A_1794 = vector.load %arg1[%get3A_1791, %get3A_1792, %get3A_1793] : memref<3x4x4096xf32, #tpu.memory_space<vmem>>, vector<1x1x128xf32>
    %get3A_1795 = vector.shape_cast %get3A_1794 : vector<1x1x128xf32> to vector<1x128xf32>
    %sub3A_1796 = vector.broadcast %slice3A_1205 : vector<512x1xf32> to vector<512x128xf32>
    %sub3A_1797 = vector.broadcast %get3A_1795 : vector<1x128xf32> to vector<512x128xf32>
    %sub3A_1798 = arith.subf %sub3A_1796, %sub3A_1797 : vector<512x128xf32>
    %mul3A_1799 = arith.mulf %sub3A_1798, %sub3A_1798 : vector<512x128xf32>
    %add3A_1800 = arith.addf %mul3A_1790, %mul3A_1799 : vector<512x128xf32>
    %get3A_1801 = arith.constant 2 : index
    %get3A_1802 = arith.constant 1 : index
    %get3A_1803 = arith.constant 2176 : index
    %get3A_1804 = vector.load %arg1[%get3A_1801, %get3A_1802, %get3A_1803] : memref<3x4x4096xf32, #tpu.memory_space<vmem>>, vector<1x1x128xf32>
    %get3A_1805 = vector.shape_cast %get3A_1804 : vector<1x1x128xf32> to vector<1x128xf32>
    %sub3A_1806 = vector.broadcast %slice3A_1206 : vector<512x1xf32> to vector<512x128xf32>
    %sub3A_1807 = vector.broadcast %get3A_1805 : vector<1x128xf32> to vector<512x128xf32>
    %sub3A_1808 = arith.subf %sub3A_1806, %sub3A_1807 : vector<512x128xf32>
    %mul3A_1809 = arith.mulf %sub3A_1808, %sub3A_1808 : vector<512x128xf32>
    %add3A_1810 = arith.addf %add3A_1800, %mul3A_1809 : vector<512x128xf32>
    %lt3A_1811 = arith.cmpf olt, %add3A_1810, %select_n3A_1778 : vector<512x128xf32>
    %select_n3A_1812 = arith.select %lt3A_1811, %add3A_1810, %select_n3A_1778 : vector<512x128xi1>, vector<512x128xf32>
    %jit3A_1813 = arith.constant 17 : i32
    %broadcast_in_dim3A_1814 = vector.broadcast %jit3A_1813 : i32 to vector<512x128xi32>
    %select_n3A_1815 = arith.select %lt3A_1811, %broadcast_in_dim3A_1814, %select_n3A_1781 : vector<512x128xi1>, vector<512x128xi32>
    %get3A_1816 = arith.constant 0 : index
    %get3A_1817 = arith.constant 1 : index
    %get3A_1818 = arith.constant 2304 : index
    %get3A_1819 = vector.load %arg1[%get3A_1816, %get3A_1817, %get3A_1818] : memref<3x4x4096xf32, #tpu.memory_space<vmem>>, vector<1x1x128xf32>
    %get3A_1820 = vector.shape_cast %get3A_1819 : vector<1x1x128xf32> to vector<1x128xf32>
    %sub3A_1821 = vector.broadcast %slice3A_1204 : vector<512x1xf32> to vector<512x128xf32>
    %sub3A_1822 = vector.broadcast %get3A_1820 : vector<1x128xf32> to vector<512x128xf32>
    %sub3A_1823 = arith.subf %sub3A_1821, %sub3A_1822 : vector<512x128xf32>
    %mul3A_1824 = arith.mulf %sub3A_1823, %sub3A_1823 : vector<512x128xf32>
    %get3A_1825 = arith.constant 1 : index
    %get3A_1826 = arith.constant 1 : index
    %get3A_1827 = arith.constant 2304 : index
    %get3A_1828 = vector.load %arg1[%get3A_1825, %get3A_1826, %get3A_1827] : memref<3x4x4096xf32, #tpu.memory_space<vmem>>, vector<1x1x128xf32>
    %get3A_1829 = vector.shape_cast %get3A_1828 : vector<1x1x128xf32> to vector<1x128xf32>
    %sub3A_1830 = vector.broadcast %slice3A_1205 : vector<512x1xf32> to vector<512x128xf32>
    %sub3A_1831 = vector.broadcast %get3A_1829 : vector<1x128xf32> to vector<512x128xf32>
    %sub3A_1832 = arith.subf %sub3A_1830, %sub3A_1831 : vector<512x128xf32>
    %mul3A_1833 = arith.mulf %sub3A_1832, %sub3A_1832 : vector<512x128xf32>
    %add3A_1834 = arith.addf %mul3A_1824, %mul3A_1833 : vector<512x128xf32>
    %get3A_1835 = arith.constant 2 : index
    %get3A_1836 = arith.constant 1 : index
    %get3A_1837 = arith.constant 2304 : index
    %get3A_1838 = vector.load %arg1[%get3A_1835, %get3A_1836, %get3A_1837] : memref<3x4x4096xf32, #tpu.memory_space<vmem>>, vector<1x1x128xf32>
    %get3A_1839 = vector.shape_cast %get3A_1838 : vector<1x1x128xf32> to vector<1x128xf32>
    %sub3A_1840 = vector.broadcast %slice3A_1206 : vector<512x1xf32> to vector<512x128xf32>
    %sub3A_1841 = vector.broadcast %get3A_1839 : vector<1x128xf32> to vector<512x128xf32>
    %sub3A_1842 = arith.subf %sub3A_1840, %sub3A_1841 : vector<512x128xf32>
    %mul3A_1843 = arith.mulf %sub3A_1842, %sub3A_1842 : vector<512x128xf32>
    %add3A_1844 = arith.addf %add3A_1834, %mul3A_1843 : vector<512x128xf32>
    %lt3A_1845 = arith.cmpf olt, %add3A_1844, %select_n3A_1812 : vector<512x128xf32>
    %select_n3A_1846 = arith.select %lt3A_1845, %add3A_1844, %select_n3A_1812 : vector<512x128xi1>, vector<512x128xf32>
    %jit3A_1847 = arith.constant 18 : i32
    %broadcast_in_dim3A_1848 = vector.broadcast %jit3A_1847 : i32 to vector<512x128xi32>
    %select_n3A_1849 = arith.select %lt3A_1845, %broadcast_in_dim3A_1848, %select_n3A_1815 : vector<512x128xi1>, vector<512x128xi32>
    %get3A_1850 = arith.constant 0 : index
    %get3A_1851 = arith.constant 1 : index
    %get3A_1852 = arith.constant 2432 : index
    %get3A_1853 = vector.load %arg1[%get3A_1850, %get3A_1851, %get3A_1852] : memref<3x4x4096xf32, #tpu.memory_space<vmem>>, vector<1x1x128xf32>
    %get3A_1854 = vector.shape_cast %get3A_1853 : vector<1x1x128xf32> to vector<1x128xf32>
    %sub3A_1855 = vector.broadcast %slice3A_1204 : vector<512x1xf32> to vector<512x128xf32>
    %sub3A_1856 = vector.broadcast %get3A_1854 : vector<1x128xf32> to vector<512x128xf32>
    %sub3A_1857 = arith.subf %sub3A_1855, %sub3A_1856 : vector<512x128xf32>
    %mul3A_1858 = arith.mulf %sub3A_1857, %sub3A_1857 : vector<512x128xf32>
    %get3A_1859 = arith.constant 1 : index
    %get3A_1860 = arith.constant 1 : index
    %get3A_1861 = arith.constant 2432 : index
    %get3A_1862 = vector.load %arg1[%get3A_1859, %get3A_1860, %get3A_1861] : memref<3x4x4096xf32, #tpu.memory_space<vmem>>, vector<1x1x128xf32>
    %get3A_1863 = vector.shape_cast %get3A_1862 : vector<1x1x128xf32> to vector<1x128xf32>
    %sub3A_1864 = vector.broadcast %slice3A_1205 : vector<512x1xf32> to vector<512x128xf32>
    %sub3A_1865 = vector.broadcast %get3A_1863 : vector<1x128xf32> to vector<512x128xf32>
    %sub3A_1866 = arith.subf %sub3A_1864, %sub3A_1865 : vector<512x128xf32>
    %mul3A_1867 = arith.mulf %sub3A_1866, %sub3A_1866 : vector<512x128xf32>
    %add3A_1868 = arith.addf %mul3A_1858, %mul3A_1867 : vector<512x128xf32>
    %get3A_1869 = arith.constant 2 : index
    %get3A_1870 = arith.constant 1 : index
    %get3A_1871 = arith.constant 2432 : index
    %get3A_1872 = vector.load %arg1[%get3A_1869, %get3A_1870, %get3A_1871] : memref<3x4x4096xf32, #tpu.memory_space<vmem>>, vector<1x1x128xf32>
    %get3A_1873 = vector.shape_cast %get3A_1872 : vector<1x1x128xf32> to vector<1x128xf32>
    %sub3A_1874 = vector.broadcast %slice3A_1206 : vector<512x1xf32> to vector<512x128xf32>
    %sub3A_1875 = vector.broadcast %get3A_1873 : vector<1x128xf32> to vector<512x128xf32>
    %sub3A_1876 = arith.subf %sub3A_1874, %sub3A_1875 : vector<512x128xf32>
    %mul3A_1877 = arith.mulf %sub3A_1876, %sub3A_1876 : vector<512x128xf32>
    %add3A_1878 = arith.addf %add3A_1868, %mul3A_1877 : vector<512x128xf32>
    %lt3A_1879 = arith.cmpf olt, %add3A_1878, %select_n3A_1846 : vector<512x128xf32>
    %select_n3A_1880 = arith.select %lt3A_1879, %add3A_1878, %select_n3A_1846 : vector<512x128xi1>, vector<512x128xf32>
    %jit3A_1881 = arith.constant 19 : i32
    %broadcast_in_dim3A_1882 = vector.broadcast %jit3A_1881 : i32 to vector<512x128xi32>
    %select_n3A_1883 = arith.select %lt3A_1879, %broadcast_in_dim3A_1882, %select_n3A_1849 : vector<512x128xi1>, vector<512x128xi32>
    %get3A_1884 = arith.constant 0 : index
    %get3A_1885 = arith.constant 1 : index
    %get3A_1886 = arith.constant 2560 : index
    %get3A_1887 = vector.load %arg1[%get3A_1884, %get3A_1885, %get3A_1886] : memref<3x4x4096xf32, #tpu.memory_space<vmem>>, vector<1x1x128xf32>
    %get3A_1888 = vector.shape_cast %get3A_1887 : vector<1x1x128xf32> to vector<1x128xf32>
    %sub3A_1889 = vector.broadcast %slice3A_1204 : vector<512x1xf32> to vector<512x128xf32>
    %sub3A_1890 = vector.broadcast %get3A_1888 : vector<1x128xf32> to vector<512x128xf32>
    %sub3A_1891 = arith.subf %sub3A_1889, %sub3A_1890 : vector<512x128xf32>
    %mul3A_1892 = arith.mulf %sub3A_1891, %sub3A_1891 : vector<512x128xf32>
    %get3A_1893 = arith.constant 1 : index
    %get3A_1894 = arith.constant 1 : index
    %get3A_1895 = arith.constant 2560 : index
    %get3A_1896 = vector.load %arg1[%get3A_1893, %get3A_1894, %get3A_1895] : memref<3x4x4096xf32, #tpu.memory_space<vmem>>, vector<1x1x128xf32>
    %get3A_1897 = vector.shape_cast %get3A_1896 : vector<1x1x128xf32> to vector<1x128xf32>
    %sub3A_1898 = vector.broadcast %slice3A_1205 : vector<512x1xf32> to vector<512x128xf32>
    %sub3A_1899 = vector.broadcast %get3A_1897 : vector<1x128xf32> to vector<512x128xf32>
    %sub3A_1900 = arith.subf %sub3A_1898, %sub3A_1899 : vector<512x128xf32>
    %mul3A_1901 = arith.mulf %sub3A_1900, %sub3A_1900 : vector<512x128xf32>
    %add3A_1902 = arith.addf %mul3A_1892, %mul3A_1901 : vector<512x128xf32>
    %get3A_1903 = arith.constant 2 : index
    %get3A_1904 = arith.constant 1 : index
    %get3A_1905 = arith.constant 2560 : index
    %get3A_1906 = vector.load %arg1[%get3A_1903, %get3A_1904, %get3A_1905] : memref<3x4x4096xf32, #tpu.memory_space<vmem>>, vector<1x1x128xf32>
    %get3A_1907 = vector.shape_cast %get3A_1906 : vector<1x1x128xf32> to vector<1x128xf32>
    %sub3A_1908 = vector.broadcast %slice3A_1206 : vector<512x1xf32> to vector<512x128xf32>
    %sub3A_1909 = vector.broadcast %get3A_1907 : vector<1x128xf32> to vector<512x128xf32>
    %sub3A_1910 = arith.subf %sub3A_1908, %sub3A_1909 : vector<512x128xf32>
    %mul3A_1911 = arith.mulf %sub3A_1910, %sub3A_1910 : vector<512x128xf32>
    %add3A_1912 = arith.addf %add3A_1902, %mul3A_1911 : vector<512x128xf32>
    %lt3A_1913 = arith.cmpf olt, %add3A_1912, %select_n3A_1880 : vector<512x128xf32>
    %select_n3A_1914 = arith.select %lt3A_1913, %add3A_1912, %select_n3A_1880 : vector<512x128xi1>, vector<512x128xf32>
    %jit3A_1915 = arith.constant 20 : i32
    %broadcast_in_dim3A_1916 = vector.broadcast %jit3A_1915 : i32 to vector<512x128xi32>
    %select_n3A_1917 = arith.select %lt3A_1913, %broadcast_in_dim3A_1916, %select_n3A_1883 : vector<512x128xi1>, vector<512x128xi32>
    %get3A_1918 = arith.constant 0 : index
    %get3A_1919 = arith.constant 1 : index
    %get3A_1920 = arith.constant 2688 : index
    %get3A_1921 = vector.load %arg1[%get3A_1918, %get3A_1919, %get3A_1920] : memref<3x4x4096xf32, #tpu.memory_space<vmem>>, vector<1x1x128xf32>
    %get3A_1922 = vector.shape_cast %get3A_1921 : vector<1x1x128xf32> to vector<1x128xf32>
    %sub3A_1923 = vector.broadcast %slice3A_1204 : vector<512x1xf32> to vector<512x128xf32>
    %sub3A_1924 = vector.broadcast %get3A_1922 : vector<1x128xf32> to vector<512x128xf32>
    %sub3A_1925 = arith.subf %sub3A_1923, %sub3A_1924 : vector<512x128xf32>
    %mul3A_1926 = arith.mulf %sub3A_1925, %sub3A_1925 : vector<512x128xf32>
    %get3A_1927 = arith.constant 1 : index
    %get3A_1928 = arith.constant 1 : index
    %get3A_1929 = arith.constant 2688 : index
    %get3A_1930 = vector.load %arg1[%get3A_1927, %get3A_1928, %get3A_1929] : memref<3x4x4096xf32, #tpu.memory_space<vmem>>, vector<1x1x128xf32>
    %get3A_1931 = vector.shape_cast %get3A_1930 : vector<1x1x128xf32> to vector<1x128xf32>
    %sub3A_1932 = vector.broadcast %slice3A_1205 : vector<512x1xf32> to vector<512x128xf32>
    %sub3A_1933 = vector.broadcast %get3A_1931 : vector<1x128xf32> to vector<512x128xf32>
    %sub3A_1934 = arith.subf %sub3A_1932, %sub3A_1933 : vector<512x128xf32>
    %mul3A_1935 = arith.mulf %sub3A_1934, %sub3A_1934 : vector<512x128xf32>
    %add3A_1936 = arith.addf %mul3A_1926, %mul3A_1935 : vector<512x128xf32>
    %get3A_1937 = arith.constant 2 : index
    %get3A_1938 = arith.constant 1 : index
    %get3A_1939 = arith.constant 2688 : index
    %get3A_1940 = vector.load %arg1[%get3A_1937, %get3A_1938, %get3A_1939] : memref<3x4x4096xf32, #tpu.memory_space<vmem>>, vector<1x1x128xf32>
    %get3A_1941 = vector.shape_cast %get3A_1940 : vector<1x1x128xf32> to vector<1x128xf32>
    %sub3A_1942 = vector.broadcast %slice3A_1206 : vector<512x1xf32> to vector<512x128xf32>
    %sub3A_1943 = vector.broadcast %get3A_1941 : vector<1x128xf32> to vector<512x128xf32>
    %sub3A_1944 = arith.subf %sub3A_1942, %sub3A_1943 : vector<512x128xf32>
    %mul3A_1945 = arith.mulf %sub3A_1944, %sub3A_1944 : vector<512x128xf32>
    %add3A_1946 = arith.addf %add3A_1936, %mul3A_1945 : vector<512x128xf32>
    %lt3A_1947 = arith.cmpf olt, %add3A_1946, %select_n3A_1914 : vector<512x128xf32>
    %select_n3A_1948 = arith.select %lt3A_1947, %add3A_1946, %select_n3A_1914 : vector<512x128xi1>, vector<512x128xf32>
    %jit3A_1949 = arith.constant 21 : i32
    %broadcast_in_dim3A_1950 = vector.broadcast %jit3A_1949 : i32 to vector<512x128xi32>
    %select_n3A_1951 = arith.select %lt3A_1947, %broadcast_in_dim3A_1950, %select_n3A_1917 : vector<512x128xi1>, vector<512x128xi32>
    %get3A_1952 = arith.constant 0 : index
    %get3A_1953 = arith.constant 1 : index
    %get3A_1954 = arith.constant 2816 : index
    %get3A_1955 = vector.load %arg1[%get3A_1952, %get3A_1953, %get3A_1954] : memref<3x4x4096xf32, #tpu.memory_space<vmem>>, vector<1x1x128xf32>
    %get3A_1956 = vector.shape_cast %get3A_1955 : vector<1x1x128xf32> to vector<1x128xf32>
    %sub3A_1957 = vector.broadcast %slice3A_1204 : vector<512x1xf32> to vector<512x128xf32>
    %sub3A_1958 = vector.broadcast %get3A_1956 : vector<1x128xf32> to vector<512x128xf32>
    %sub3A_1959 = arith.subf %sub3A_1957, %sub3A_1958 : vector<512x128xf32>
    %mul3A_1960 = arith.mulf %sub3A_1959, %sub3A_1959 : vector<512x128xf32>
    %get3A_1961 = arith.constant 1 : index
    %get3A_1962 = arith.constant 1 : index
    %get3A_1963 = arith.constant 2816 : index
    %get3A_1964 = vector.load %arg1[%get3A_1961, %get3A_1962, %get3A_1963] : memref<3x4x4096xf32, #tpu.memory_space<vmem>>, vector<1x1x128xf32>
    %get3A_1965 = vector.shape_cast %get3A_1964 : vector<1x1x128xf32> to vector<1x128xf32>
    %sub3A_1966 = vector.broadcast %slice3A_1205 : vector<512x1xf32> to vector<512x128xf32>
    %sub3A_1967 = vector.broadcast %get3A_1965 : vector<1x128xf32> to vector<512x128xf32>
    %sub3A_1968 = arith.subf %sub3A_1966, %sub3A_1967 : vector<512x128xf32>
    %mul3A_1969 = arith.mulf %sub3A_1968, %sub3A_1968 : vector<512x128xf32>
    %add3A_1970 = arith.addf %mul3A_1960, %mul3A_1969 : vector<512x128xf32>
    %get3A_1971 = arith.constant 2 : index
    %get3A_1972 = arith.constant 1 : index
    %get3A_1973 = arith.constant 2816 : index
    %get3A_1974 = vector.load %arg1[%get3A_1971, %get3A_1972, %get3A_1973] : memref<3x4x4096xf32, #tpu.memory_space<vmem>>, vector<1x1x128xf32>
    %get3A_1975 = vector.shape_cast %get3A_1974 : vector<1x1x128xf32> to vector<1x128xf32>
    %sub3A_1976 = vector.broadcast %slice3A_1206 : vector<512x1xf32> to vector<512x128xf32>
    %sub3A_1977 = vector.broadcast %get3A_1975 : vector<1x128xf32> to vector<512x128xf32>
    %sub3A_1978 = arith.subf %sub3A_1976, %sub3A_1977 : vector<512x128xf32>
    %mul3A_1979 = arith.mulf %sub3A_1978, %sub3A_1978 : vector<512x128xf32>
    %add3A_1980 = arith.addf %add3A_1970, %mul3A_1979 : vector<512x128xf32>
    %lt3A_1981 = arith.cmpf olt, %add3A_1980, %select_n3A_1948 : vector<512x128xf32>
    %select_n3A_1982 = arith.select %lt3A_1981, %add3A_1980, %select_n3A_1948 : vector<512x128xi1>, vector<512x128xf32>
    %jit3A_1983 = arith.constant 22 : i32
    %broadcast_in_dim3A_1984 = vector.broadcast %jit3A_1983 : i32 to vector<512x128xi32>
    %select_n3A_1985 = arith.select %lt3A_1981, %broadcast_in_dim3A_1984, %select_n3A_1951 : vector<512x128xi1>, vector<512x128xi32>
    %get3A_1986 = arith.constant 0 : index
    %get3A_1987 = arith.constant 1 : index
    %get3A_1988 = arith.constant 2944 : index
    %get3A_1989 = vector.load %arg1[%get3A_1986, %get3A_1987, %get3A_1988] : memref<3x4x4096xf32, #tpu.memory_space<vmem>>, vector<1x1x128xf32>
    %get3A_1990 = vector.shape_cast %get3A_1989 : vector<1x1x128xf32> to vector<1x128xf32>
    %sub3A_1991 = vector.broadcast %slice3A_1204 : vector<512x1xf32> to vector<512x128xf32>
    %sub3A_1992 = vector.broadcast %get3A_1990 : vector<1x128xf32> to vector<512x128xf32>
    %sub3A_1993 = arith.subf %sub3A_1991, %sub3A_1992 : vector<512x128xf32>
    %mul3A_1994 = arith.mulf %sub3A_1993, %sub3A_1993 : vector<512x128xf32>
    %get3A_1995 = arith.constant 1 : index
    %get3A_1996 = arith.constant 1 : index
    %get3A_1997 = arith.constant 2944 : index
    %get3A_1998 = vector.load %arg1[%get3A_1995, %get3A_1996, %get3A_1997] : memref<3x4x4096xf32, #tpu.memory_space<vmem>>, vector<1x1x128xf32>
    %get3A_1999 = vector.shape_cast %get3A_1998 : vector<1x1x128xf32> to vector<1x128xf32>
    %sub3A_2000 = vector.broadcast %slice3A_1205 : vector<512x1xf32> to vector<512x128xf32>
    %sub3A_2001 = vector.broadcast %get3A_1999 : vector<1x128xf32> to vector<512x128xf32>
    %sub3A_2002 = arith.subf %sub3A_2000, %sub3A_2001 : vector<512x128xf32>
    %mul3A_2003 = arith.mulf %sub3A_2002, %sub3A_2002 : vector<512x128xf32>
    %add3A_2004 = arith.addf %mul3A_1994, %mul3A_2003 : vector<512x128xf32>
    %get3A_2005 = arith.constant 2 : index
    %get3A_2006 = arith.constant 1 : index
    %get3A_2007 = arith.constant 2944 : index
    %get3A_2008 = vector.load %arg1[%get3A_2005, %get3A_2006, %get3A_2007] : memref<3x4x4096xf32, #tpu.memory_space<vmem>>, vector<1x1x128xf32>
    %get3A_2009 = vector.shape_cast %get3A_2008 : vector<1x1x128xf32> to vector<1x128xf32>
    %sub3A_2010 = vector.broadcast %slice3A_1206 : vector<512x1xf32> to vector<512x128xf32>
    %sub3A_2011 = vector.broadcast %get3A_2009 : vector<1x128xf32> to vector<512x128xf32>
    %sub3A_2012 = arith.subf %sub3A_2010, %sub3A_2011 : vector<512x128xf32>
    %mul3A_2013 = arith.mulf %sub3A_2012, %sub3A_2012 : vector<512x128xf32>
    %add3A_2014 = arith.addf %add3A_2004, %mul3A_2013 : vector<512x128xf32>
    %lt3A_2015 = arith.cmpf olt, %add3A_2014, %select_n3A_1982 : vector<512x128xf32>
    %select_n3A_2016 = arith.select %lt3A_2015, %add3A_2014, %select_n3A_1982 : vector<512x128xi1>, vector<512x128xf32>
    %jit3A_2017 = arith.constant 23 : i32
    %broadcast_in_dim3A_2018 = vector.broadcast %jit3A_2017 : i32 to vector<512x128xi32>
    %select_n3A_2019 = arith.select %lt3A_2015, %broadcast_in_dim3A_2018, %select_n3A_1985 : vector<512x128xi1>, vector<512x128xi32>
    %get3A_2020 = arith.constant 0 : index
    %get3A_2021 = arith.constant 1 : index
    %get3A_2022 = arith.constant 3072 : index
    %get3A_2023 = vector.load %arg1[%get3A_2020, %get3A_2021, %get3A_2022] : memref<3x4x4096xf32, #tpu.memory_space<vmem>>, vector<1x1x128xf32>
    %get3A_2024 = vector.shape_cast %get3A_2023 : vector<1x1x128xf32> to vector<1x128xf32>
    %sub3A_2025 = vector.broadcast %slice3A_1204 : vector<512x1xf32> to vector<512x128xf32>
    %sub3A_2026 = vector.broadcast %get3A_2024 : vector<1x128xf32> to vector<512x128xf32>
    %sub3A_2027 = arith.subf %sub3A_2025, %sub3A_2026 : vector<512x128xf32>
    %mul3A_2028 = arith.mulf %sub3A_2027, %sub3A_2027 : vector<512x128xf32>
    %get3A_2029 = arith.constant 1 : index
    %get3A_2030 = arith.constant 1 : index
    %get3A_2031 = arith.constant 3072 : index
    %get3A_2032 = vector.load %arg1[%get3A_2029, %get3A_2030, %get3A_2031] : memref<3x4x4096xf32, #tpu.memory_space<vmem>>, vector<1x1x128xf32>
    %get3A_2033 = vector.shape_cast %get3A_2032 : vector<1x1x128xf32> to vector<1x128xf32>
    %sub3A_2034 = vector.broadcast %slice3A_1205 : vector<512x1xf32> to vector<512x128xf32>
    %sub3A_2035 = vector.broadcast %get3A_2033 : vector<1x128xf32> to vector<512x128xf32>
    %sub3A_2036 = arith.subf %sub3A_2034, %sub3A_2035 : vector<512x128xf32>
    %mul3A_2037 = arith.mulf %sub3A_2036, %sub3A_2036 : vector<512x128xf32>
    %add3A_2038 = arith.addf %mul3A_2028, %mul3A_2037 : vector<512x128xf32>
    %get3A_2039 = arith.constant 2 : index
    %get3A_2040 = arith.constant 1 : index
    %get3A_2041 = arith.constant 3072 : index
    %get3A_2042 = vector.load %arg1[%get3A_2039, %get3A_2040, %get3A_2041] : memref<3x4x4096xf32, #tpu.memory_space<vmem>>, vector<1x1x128xf32>
    %get3A_2043 = vector.shape_cast %get3A_2042 : vector<1x1x128xf32> to vector<1x128xf32>
    %sub3A_2044 = vector.broadcast %slice3A_1206 : vector<512x1xf32> to vector<512x128xf32>
    %sub3A_2045 = vector.broadcast %get3A_2043 : vector<1x128xf32> to vector<512x128xf32>
    %sub3A_2046 = arith.subf %sub3A_2044, %sub3A_2045 : vector<512x128xf32>
    %mul3A_2047 = arith.mulf %sub3A_2046, %sub3A_2046 : vector<512x128xf32>
    %add3A_2048 = arith.addf %add3A_2038, %mul3A_2047 : vector<512x128xf32>
    %lt3A_2049 = arith.cmpf olt, %add3A_2048, %select_n3A_2016 : vector<512x128xf32>
    %select_n3A_2050 = arith.select %lt3A_2049, %add3A_2048, %select_n3A_2016 : vector<512x128xi1>, vector<512x128xf32>
    %jit3A_2051 = arith.constant 24 : i32
    %broadcast_in_dim3A_2052 = vector.broadcast %jit3A_2051 : i32 to vector<512x128xi32>
    %select_n3A_2053 = arith.select %lt3A_2049, %broadcast_in_dim3A_2052, %select_n3A_2019 : vector<512x128xi1>, vector<512x128xi32>
    %get3A_2054 = arith.constant 0 : index
    %get3A_2055 = arith.constant 1 : index
    %get3A_2056 = arith.constant 3200 : index
    %get3A_2057 = vector.load %arg1[%get3A_2054, %get3A_2055, %get3A_2056] : memref<3x4x4096xf32, #tpu.memory_space<vmem>>, vector<1x1x128xf32>
    %get3A_2058 = vector.shape_cast %get3A_2057 : vector<1x1x128xf32> to vector<1x128xf32>
    %sub3A_2059 = vector.broadcast %slice3A_1204 : vector<512x1xf32> to vector<512x128xf32>
    %sub3A_2060 = vector.broadcast %get3A_2058 : vector<1x128xf32> to vector<512x128xf32>
    %sub3A_2061 = arith.subf %sub3A_2059, %sub3A_2060 : vector<512x128xf32>
    %mul3A_2062 = arith.mulf %sub3A_2061, %sub3A_2061 : vector<512x128xf32>
    %get3A_2063 = arith.constant 1 : index
    %get3A_2064 = arith.constant 1 : index
    %get3A_2065 = arith.constant 3200 : index
    %get3A_2066 = vector.load %arg1[%get3A_2063, %get3A_2064, %get3A_2065] : memref<3x4x4096xf32, #tpu.memory_space<vmem>>, vector<1x1x128xf32>
    %get3A_2067 = vector.shape_cast %get3A_2066 : vector<1x1x128xf32> to vector<1x128xf32>
    %sub3A_2068 = vector.broadcast %slice3A_1205 : vector<512x1xf32> to vector<512x128xf32>
    %sub3A_2069 = vector.broadcast %get3A_2067 : vector<1x128xf32> to vector<512x128xf32>
    %sub3A_2070 = arith.subf %sub3A_2068, %sub3A_2069 : vector<512x128xf32>
    %mul3A_2071 = arith.mulf %sub3A_2070, %sub3A_2070 : vector<512x128xf32>
    %add3A_2072 = arith.addf %mul3A_2062, %mul3A_2071 : vector<512x128xf32>
    %get3A_2073 = arith.constant 2 : index
    %get3A_2074 = arith.constant 1 : index
    %get3A_2075 = arith.constant 3200 : index
    %get3A_2076 = vector.load %arg1[%get3A_2073, %get3A_2074, %get3A_2075] : memref<3x4x4096xf32, #tpu.memory_space<vmem>>, vector<1x1x128xf32>
    %get3A_2077 = vector.shape_cast %get3A_2076 : vector<1x1x128xf32> to vector<1x128xf32>
    %sub3A_2078 = vector.broadcast %slice3A_1206 : vector<512x1xf32> to vector<512x128xf32>
    %sub3A_2079 = vector.broadcast %get3A_2077 : vector<1x128xf32> to vector<512x128xf32>
    %sub3A_2080 = arith.subf %sub3A_2078, %sub3A_2079 : vector<512x128xf32>
    %mul3A_2081 = arith.mulf %sub3A_2080, %sub3A_2080 : vector<512x128xf32>
    %add3A_2082 = arith.addf %add3A_2072, %mul3A_2081 : vector<512x128xf32>
    %lt3A_2083 = arith.cmpf olt, %add3A_2082, %select_n3A_2050 : vector<512x128xf32>
    %select_n3A_2084 = arith.select %lt3A_2083, %add3A_2082, %select_n3A_2050 : vector<512x128xi1>, vector<512x128xf32>
    %jit3A_2085 = arith.constant 25 : i32
    %broadcast_in_dim3A_2086 = vector.broadcast %jit3A_2085 : i32 to vector<512x128xi32>
    %select_n3A_2087 = arith.select %lt3A_2083, %broadcast_in_dim3A_2086, %select_n3A_2053 : vector<512x128xi1>, vector<512x128xi32>
    %get3A_2088 = arith.constant 0 : index
    %get3A_2089 = arith.constant 1 : index
    %get3A_2090 = arith.constant 3328 : index
    %get3A_2091 = vector.load %arg1[%get3A_2088, %get3A_2089, %get3A_2090] : memref<3x4x4096xf32, #tpu.memory_space<vmem>>, vector<1x1x128xf32>
    %get3A_2092 = vector.shape_cast %get3A_2091 : vector<1x1x128xf32> to vector<1x128xf32>
    %sub3A_2093 = vector.broadcast %slice3A_1204 : vector<512x1xf32> to vector<512x128xf32>
    %sub3A_2094 = vector.broadcast %get3A_2092 : vector<1x128xf32> to vector<512x128xf32>
    %sub3A_2095 = arith.subf %sub3A_2093, %sub3A_2094 : vector<512x128xf32>
    %mul3A_2096 = arith.mulf %sub3A_2095, %sub3A_2095 : vector<512x128xf32>
    %get3A_2097 = arith.constant 1 : index
    %get3A_2098 = arith.constant 1 : index
    %get3A_2099 = arith.constant 3328 : index
    %get3A_2100 = vector.load %arg1[%get3A_2097, %get3A_2098, %get3A_2099] : memref<3x4x4096xf32, #tpu.memory_space<vmem>>, vector<1x1x128xf32>
    %get3A_2101 = vector.shape_cast %get3A_2100 : vector<1x1x128xf32> to vector<1x128xf32>
    %sub3A_2102 = vector.broadcast %slice3A_1205 : vector<512x1xf32> to vector<512x128xf32>
    %sub3A_2103 = vector.broadcast %get3A_2101 : vector<1x128xf32> to vector<512x128xf32>
    %sub3A_2104 = arith.subf %sub3A_2102, %sub3A_2103 : vector<512x128xf32>
    %mul3A_2105 = arith.mulf %sub3A_2104, %sub3A_2104 : vector<512x128xf32>
    %add3A_2106 = arith.addf %mul3A_2096, %mul3A_2105 : vector<512x128xf32>
    %get3A_2107 = arith.constant 2 : index
    %get3A_2108 = arith.constant 1 : index
    %get3A_2109 = arith.constant 3328 : index
    %get3A_2110 = vector.load %arg1[%get3A_2107, %get3A_2108, %get3A_2109] : memref<3x4x4096xf32, #tpu.memory_space<vmem>>, vector<1x1x128xf32>
    %get3A_2111 = vector.shape_cast %get3A_2110 : vector<1x1x128xf32> to vector<1x128xf32>
    %sub3A_2112 = vector.broadcast %slice3A_1206 : vector<512x1xf32> to vector<512x128xf32>
    %sub3A_2113 = vector.broadcast %get3A_2111 : vector<1x128xf32> to vector<512x128xf32>
    %sub3A_2114 = arith.subf %sub3A_2112, %sub3A_2113 : vector<512x128xf32>
    %mul3A_2115 = arith.mulf %sub3A_2114, %sub3A_2114 : vector<512x128xf32>
    %add3A_2116 = arith.addf %add3A_2106, %mul3A_2115 : vector<512x128xf32>
    %lt3A_2117 = arith.cmpf olt, %add3A_2116, %select_n3A_2084 : vector<512x128xf32>
    %select_n3A_2118 = arith.select %lt3A_2117, %add3A_2116, %select_n3A_2084 : vector<512x128xi1>, vector<512x128xf32>
    %jit3A_2119 = arith.constant 26 : i32
    %broadcast_in_dim3A_2120 = vector.broadcast %jit3A_2119 : i32 to vector<512x128xi32>
    %select_n3A_2121 = arith.select %lt3A_2117, %broadcast_in_dim3A_2120, %select_n3A_2087 : vector<512x128xi1>, vector<512x128xi32>
    %get3A_2122 = arith.constant 0 : index
    %get3A_2123 = arith.constant 1 : index
    %get3A_2124 = arith.constant 3456 : index
    %get3A_2125 = vector.load %arg1[%get3A_2122, %get3A_2123, %get3A_2124] : memref<3x4x4096xf32, #tpu.memory_space<vmem>>, vector<1x1x128xf32>
    %get3A_2126 = vector.shape_cast %get3A_2125 : vector<1x1x128xf32> to vector<1x128xf32>
    %sub3A_2127 = vector.broadcast %slice3A_1204 : vector<512x1xf32> to vector<512x128xf32>
    %sub3A_2128 = vector.broadcast %get3A_2126 : vector<1x128xf32> to vector<512x128xf32>
    %sub3A_2129 = arith.subf %sub3A_2127, %sub3A_2128 : vector<512x128xf32>
    %mul3A_2130 = arith.mulf %sub3A_2129, %sub3A_2129 : vector<512x128xf32>
    %get3A_2131 = arith.constant 1 : index
    %get3A_2132 = arith.constant 1 : index
    %get3A_2133 = arith.constant 3456 : index
    %get3A_2134 = vector.load %arg1[%get3A_2131, %get3A_2132, %get3A_2133] : memref<3x4x4096xf32, #tpu.memory_space<vmem>>, vector<1x1x128xf32>
    %get3A_2135 = vector.shape_cast %get3A_2134 : vector<1x1x128xf32> to vector<1x128xf32>
    %sub3A_2136 = vector.broadcast %slice3A_1205 : vector<512x1xf32> to vector<512x128xf32>
    %sub3A_2137 = vector.broadcast %get3A_2135 : vector<1x128xf32> to vector<512x128xf32>
    %sub3A_2138 = arith.subf %sub3A_2136, %sub3A_2137 : vector<512x128xf32>
    %mul3A_2139 = arith.mulf %sub3A_2138, %sub3A_2138 : vector<512x128xf32>
    %add3A_2140 = arith.addf %mul3A_2130, %mul3A_2139 : vector<512x128xf32>
    %get3A_2141 = arith.constant 2 : index
    %get3A_2142 = arith.constant 1 : index
    %get3A_2143 = arith.constant 3456 : index
    %get3A_2144 = vector.load %arg1[%get3A_2141, %get3A_2142, %get3A_2143] : memref<3x4x4096xf32, #tpu.memory_space<vmem>>, vector<1x1x128xf32>
    %get3A_2145 = vector.shape_cast %get3A_2144 : vector<1x1x128xf32> to vector<1x128xf32>
    %sub3A_2146 = vector.broadcast %slice3A_1206 : vector<512x1xf32> to vector<512x128xf32>
    %sub3A_2147 = vector.broadcast %get3A_2145 : vector<1x128xf32> to vector<512x128xf32>
    %sub3A_2148 = arith.subf %sub3A_2146, %sub3A_2147 : vector<512x128xf32>
    %mul3A_2149 = arith.mulf %sub3A_2148, %sub3A_2148 : vector<512x128xf32>
    %add3A_2150 = arith.addf %add3A_2140, %mul3A_2149 : vector<512x128xf32>
    %lt3A_2151 = arith.cmpf olt, %add3A_2150, %select_n3A_2118 : vector<512x128xf32>
    %select_n3A_2152 = arith.select %lt3A_2151, %add3A_2150, %select_n3A_2118 : vector<512x128xi1>, vector<512x128xf32>
    %jit3A_2153 = arith.constant 27 : i32
    %broadcast_in_dim3A_2154 = vector.broadcast %jit3A_2153 : i32 to vector<512x128xi32>
    %select_n3A_2155 = arith.select %lt3A_2151, %broadcast_in_dim3A_2154, %select_n3A_2121 : vector<512x128xi1>, vector<512x128xi32>
    %get3A_2156 = arith.constant 0 : index
    %get3A_2157 = arith.constant 1 : index
    %get3A_2158 = arith.constant 3584 : index
    %get3A_2159 = vector.load %arg1[%get3A_2156, %get3A_2157, %get3A_2158] : memref<3x4x4096xf32, #tpu.memory_space<vmem>>, vector<1x1x128xf32>
    %get3A_2160 = vector.shape_cast %get3A_2159 : vector<1x1x128xf32> to vector<1x128xf32>
    %sub3A_2161 = vector.broadcast %slice3A_1204 : vector<512x1xf32> to vector<512x128xf32>
    %sub3A_2162 = vector.broadcast %get3A_2160 : vector<1x128xf32> to vector<512x128xf32>
    %sub3A_2163 = arith.subf %sub3A_2161, %sub3A_2162 : vector<512x128xf32>
    %mul3A_2164 = arith.mulf %sub3A_2163, %sub3A_2163 : vector<512x128xf32>
    %get3A_2165 = arith.constant 1 : index
    %get3A_2166 = arith.constant 1 : index
    %get3A_2167 = arith.constant 3584 : index
    %get3A_2168 = vector.load %arg1[%get3A_2165, %get3A_2166, %get3A_2167] : memref<3x4x4096xf32, #tpu.memory_space<vmem>>, vector<1x1x128xf32>
    %get3A_2169 = vector.shape_cast %get3A_2168 : vector<1x1x128xf32> to vector<1x128xf32>
    %sub3A_2170 = vector.broadcast %slice3A_1205 : vector<512x1xf32> to vector<512x128xf32>
    %sub3A_2171 = vector.broadcast %get3A_2169 : vector<1x128xf32> to vector<512x128xf32>
    %sub3A_2172 = arith.subf %sub3A_2170, %sub3A_2171 : vector<512x128xf32>
    %mul3A_2173 = arith.mulf %sub3A_2172, %sub3A_2172 : vector<512x128xf32>
    %add3A_2174 = arith.addf %mul3A_2164, %mul3A_2173 : vector<512x128xf32>
    %get3A_2175 = arith.constant 2 : index
    %get3A_2176 = arith.constant 1 : index
    %get3A_2177 = arith.constant 3584 : index
    %get3A_2178 = vector.load %arg1[%get3A_2175, %get3A_2176, %get3A_2177] : memref<3x4x4096xf32, #tpu.memory_space<vmem>>, vector<1x1x128xf32>
    %get3A_2179 = vector.shape_cast %get3A_2178 : vector<1x1x128xf32> to vector<1x128xf32>
    %sub3A_2180 = vector.broadcast %slice3A_1206 : vector<512x1xf32> to vector<512x128xf32>
    %sub3A_2181 = vector.broadcast %get3A_2179 : vector<1x128xf32> to vector<512x128xf32>
    %sub3A_2182 = arith.subf %sub3A_2180, %sub3A_2181 : vector<512x128xf32>
    %mul3A_2183 = arith.mulf %sub3A_2182, %sub3A_2182 : vector<512x128xf32>
    %add3A_2184 = arith.addf %add3A_2174, %mul3A_2183 : vector<512x128xf32>
    %lt3A_2185 = arith.cmpf olt, %add3A_2184, %select_n3A_2152 : vector<512x128xf32>
    %select_n3A_2186 = arith.select %lt3A_2185, %add3A_2184, %select_n3A_2152 : vector<512x128xi1>, vector<512x128xf32>
    %jit3A_2187 = arith.constant 28 : i32
    %broadcast_in_dim3A_2188 = vector.broadcast %jit3A_2187 : i32 to vector<512x128xi32>
    %select_n3A_2189 = arith.select %lt3A_2185, %broadcast_in_dim3A_2188, %select_n3A_2155 : vector<512x128xi1>, vector<512x128xi32>
    %get3A_2190 = arith.constant 0 : index
    %get3A_2191 = arith.constant 1 : index
    %get3A_2192 = arith.constant 3712 : index
    %get3A_2193 = vector.load %arg1[%get3A_2190, %get3A_2191, %get3A_2192] : memref<3x4x4096xf32, #tpu.memory_space<vmem>>, vector<1x1x128xf32>
    %get3A_2194 = vector.shape_cast %get3A_2193 : vector<1x1x128xf32> to vector<1x128xf32>
    %sub3A_2195 = vector.broadcast %slice3A_1204 : vector<512x1xf32> to vector<512x128xf32>
    %sub3A_2196 = vector.broadcast %get3A_2194 : vector<1x128xf32> to vector<512x128xf32>
    %sub3A_2197 = arith.subf %sub3A_2195, %sub3A_2196 : vector<512x128xf32>
    %mul3A_2198 = arith.mulf %sub3A_2197, %sub3A_2197 : vector<512x128xf32>
    %get3A_2199 = arith.constant 1 : index
    %get3A_2200 = arith.constant 1 : index
    %get3A_2201 = arith.constant 3712 : index
    %get3A_2202 = vector.load %arg1[%get3A_2199, %get3A_2200, %get3A_2201] : memref<3x4x4096xf32, #tpu.memory_space<vmem>>, vector<1x1x128xf32>
    %get3A_2203 = vector.shape_cast %get3A_2202 : vector<1x1x128xf32> to vector<1x128xf32>
    %sub3A_2204 = vector.broadcast %slice3A_1205 : vector<512x1xf32> to vector<512x128xf32>
    %sub3A_2205 = vector.broadcast %get3A_2203 : vector<1x128xf32> to vector<512x128xf32>
    %sub3A_2206 = arith.subf %sub3A_2204, %sub3A_2205 : vector<512x128xf32>
    %mul3A_2207 = arith.mulf %sub3A_2206, %sub3A_2206 : vector<512x128xf32>
    %add3A_2208 = arith.addf %mul3A_2198, %mul3A_2207 : vector<512x128xf32>
    %get3A_2209 = arith.constant 2 : index
    %get3A_2210 = arith.constant 1 : index
    %get3A_2211 = arith.constant 3712 : index
    %get3A_2212 = vector.load %arg1[%get3A_2209, %get3A_2210, %get3A_2211] : memref<3x4x4096xf32, #tpu.memory_space<vmem>>, vector<1x1x128xf32>
    %get3A_2213 = vector.shape_cast %get3A_2212 : vector<1x1x128xf32> to vector<1x128xf32>
    %sub3A_2214 = vector.broadcast %slice3A_1206 : vector<512x1xf32> to vector<512x128xf32>
    %sub3A_2215 = vector.broadcast %get3A_2213 : vector<1x128xf32> to vector<512x128xf32>
    %sub3A_2216 = arith.subf %sub3A_2214, %sub3A_2215 : vector<512x128xf32>
    %mul3A_2217 = arith.mulf %sub3A_2216, %sub3A_2216 : vector<512x128xf32>
    %add3A_2218 = arith.addf %add3A_2208, %mul3A_2217 : vector<512x128xf32>
    %lt3A_2219 = arith.cmpf olt, %add3A_2218, %select_n3A_2186 : vector<512x128xf32>
    %select_n3A_2220 = arith.select %lt3A_2219, %add3A_2218, %select_n3A_2186 : vector<512x128xi1>, vector<512x128xf32>
    %jit3A_2221 = arith.constant 29 : i32
    %broadcast_in_dim3A_2222 = vector.broadcast %jit3A_2221 : i32 to vector<512x128xi32>
    %select_n3A_2223 = arith.select %lt3A_2219, %broadcast_in_dim3A_2222, %select_n3A_2189 : vector<512x128xi1>, vector<512x128xi32>
    %get3A_2224 = arith.constant 0 : index
    %get3A_2225 = arith.constant 1 : index
    %get3A_2226 = arith.constant 3840 : index
    %get3A_2227 = vector.load %arg1[%get3A_2224, %get3A_2225, %get3A_2226] : memref<3x4x4096xf32, #tpu.memory_space<vmem>>, vector<1x1x128xf32>
    %get3A_2228 = vector.shape_cast %get3A_2227 : vector<1x1x128xf32> to vector<1x128xf32>
    %sub3A_2229 = vector.broadcast %slice3A_1204 : vector<512x1xf32> to vector<512x128xf32>
    %sub3A_2230 = vector.broadcast %get3A_2228 : vector<1x128xf32> to vector<512x128xf32>
    %sub3A_2231 = arith.subf %sub3A_2229, %sub3A_2230 : vector<512x128xf32>
    %mul3A_2232 = arith.mulf %sub3A_2231, %sub3A_2231 : vector<512x128xf32>
    %get3A_2233 = arith.constant 1 : index
    %get3A_2234 = arith.constant 1 : index
    %get3A_2235 = arith.constant 3840 : index
    %get3A_2236 = vector.load %arg1[%get3A_2233, %get3A_2234, %get3A_2235] : memref<3x4x4096xf32, #tpu.memory_space<vmem>>, vector<1x1x128xf32>
    %get3A_2237 = vector.shape_cast %get3A_2236 : vector<1x1x128xf32> to vector<1x128xf32>
    %sub3A_2238 = vector.broadcast %slice3A_1205 : vector<512x1xf32> to vector<512x128xf32>
    %sub3A_2239 = vector.broadcast %get3A_2237 : vector<1x128xf32> to vector<512x128xf32>
    %sub3A_2240 = arith.subf %sub3A_2238, %sub3A_2239 : vector<512x128xf32>
    %mul3A_2241 = arith.mulf %sub3A_2240, %sub3A_2240 : vector<512x128xf32>
    %add3A_2242 = arith.addf %mul3A_2232, %mul3A_2241 : vector<512x128xf32>
    %get3A_2243 = arith.constant 2 : index
    %get3A_2244 = arith.constant 1 : index
    %get3A_2245 = arith.constant 3840 : index
    %get3A_2246 = vector.load %arg1[%get3A_2243, %get3A_2244, %get3A_2245] : memref<3x4x4096xf32, #tpu.memory_space<vmem>>, vector<1x1x128xf32>
    %get3A_2247 = vector.shape_cast %get3A_2246 : vector<1x1x128xf32> to vector<1x128xf32>
    %sub3A_2248 = vector.broadcast %slice3A_1206 : vector<512x1xf32> to vector<512x128xf32>
    %sub3A_2249 = vector.broadcast %get3A_2247 : vector<1x128xf32> to vector<512x128xf32>
    %sub3A_2250 = arith.subf %sub3A_2248, %sub3A_2249 : vector<512x128xf32>
    %mul3A_2251 = arith.mulf %sub3A_2250, %sub3A_2250 : vector<512x128xf32>
    %add3A_2252 = arith.addf %add3A_2242, %mul3A_2251 : vector<512x128xf32>
    %lt3A_2253 = arith.cmpf olt, %add3A_2252, %select_n3A_2220 : vector<512x128xf32>
    %select_n3A_2254 = arith.select %lt3A_2253, %add3A_2252, %select_n3A_2220 : vector<512x128xi1>, vector<512x128xf32>
    %jit3A_2255 = arith.constant 30 : i32
    %broadcast_in_dim3A_2256 = vector.broadcast %jit3A_2255 : i32 to vector<512x128xi32>
    %select_n3A_2257 = arith.select %lt3A_2253, %broadcast_in_dim3A_2256, %select_n3A_2223 : vector<512x128xi1>, vector<512x128xi32>
    %get3A_2258 = arith.constant 0 : index
    %get3A_2259 = arith.constant 1 : index
    %get3A_2260 = arith.constant 3968 : index
    %get3A_2261 = vector.load %arg1[%get3A_2258, %get3A_2259, %get3A_2260] : memref<3x4x4096xf32, #tpu.memory_space<vmem>>, vector<1x1x128xf32>
    %get3A_2262 = vector.shape_cast %get3A_2261 : vector<1x1x128xf32> to vector<1x128xf32>
    %sub3A_2263 = vector.broadcast %slice3A_1204 : vector<512x1xf32> to vector<512x128xf32>
    %sub3A_2264 = vector.broadcast %get3A_2262 : vector<1x128xf32> to vector<512x128xf32>
    %sub3A_2265 = arith.subf %sub3A_2263, %sub3A_2264 : vector<512x128xf32>
    %mul3A_2266 = arith.mulf %sub3A_2265, %sub3A_2265 : vector<512x128xf32>
    %get3A_2267 = arith.constant 1 : index
    %get3A_2268 = arith.constant 1 : index
    %get3A_2269 = arith.constant 3968 : index
    %get3A_2270 = vector.load %arg1[%get3A_2267, %get3A_2268, %get3A_2269] : memref<3x4x4096xf32, #tpu.memory_space<vmem>>, vector<1x1x128xf32>
    %get3A_2271 = vector.shape_cast %get3A_2270 : vector<1x1x128xf32> to vector<1x128xf32>
    %sub3A_2272 = vector.broadcast %slice3A_1205 : vector<512x1xf32> to vector<512x128xf32>
    %sub3A_2273 = vector.broadcast %get3A_2271 : vector<1x128xf32> to vector<512x128xf32>
    %sub3A_2274 = arith.subf %sub3A_2272, %sub3A_2273 : vector<512x128xf32>
    %mul3A_2275 = arith.mulf %sub3A_2274, %sub3A_2274 : vector<512x128xf32>
    %add3A_2276 = arith.addf %mul3A_2266, %mul3A_2275 : vector<512x128xf32>
    %get3A_2277 = arith.constant 2 : index
    %get3A_2278 = arith.constant 1 : index
    %get3A_2279 = arith.constant 3968 : index
    %get3A_2280 = vector.load %arg1[%get3A_2277, %get3A_2278, %get3A_2279] : memref<3x4x4096xf32, #tpu.memory_space<vmem>>, vector<1x1x128xf32>
    %get3A_2281 = vector.shape_cast %get3A_2280 : vector<1x1x128xf32> to vector<1x128xf32>
    %sub3A_2282 = vector.broadcast %slice3A_1206 : vector<512x1xf32> to vector<512x128xf32>
    %sub3A_2283 = vector.broadcast %get3A_2281 : vector<1x128xf32> to vector<512x128xf32>
    %sub3A_2284 = arith.subf %sub3A_2282, %sub3A_2283 : vector<512x128xf32>
    %mul3A_2285 = arith.mulf %sub3A_2284, %sub3A_2284 : vector<512x128xf32>
    %add3A_2286 = arith.addf %add3A_2276, %mul3A_2285 : vector<512x128xf32>
    %lt3A_2287 = arith.cmpf olt, %add3A_2286, %select_n3A_2254 : vector<512x128xf32>
    %select_n3A_2288 = arith.select %lt3A_2287, %add3A_2286, %select_n3A_2254 : vector<512x128xi1>, vector<512x128xf32>
    %jit3A_2289 = arith.constant 31 : i32
    %broadcast_in_dim3A_2290 = vector.broadcast %jit3A_2289 : i32 to vector<512x128xi32>
    %select_n3A_2291 = arith.select %lt3A_2287, %broadcast_in_dim3A_2290, %select_n3A_2257 : vector<512x128xi1>, vector<512x128xi32>
    %reduce_min3A_2292 = arith.constant dense<0x7F800000> : vector<512xf32>
    %reduce_min3A_2293 = vector.multi_reduction <minimumf>, %select_n3A_2288, %reduce_min3A_2292 [1] : vector<512x128xf32> to vector<512xf32>
    %broadcast_in_dim3A_2294 = vector.shape_cast %reduce_min3A_2293 : vector<512xf32> to vector<512x1xf32>
    %eq3A_2295 = vector.broadcast %broadcast_in_dim3A_2294 : vector<512x1xf32> to vector<512x128xf32>
    %eq3A_2296 = arith.cmpf oeq, %select_n3A_2288, %eq3A_2295 : vector<512x128xf32>
    %mul3A_2297 = arith.constant 128 : i32
    %mul3A_2298 = vector.broadcast %mul3A_2297 : i32 to vector<512x128xi32>
    %mul3A_2299 = arith.muli %select_n3A_2291, %mul3A_2298 : vector<512x128xi32>
    %add3A_2300 = arith.addi %mul3A_2299, %iota3A : vector<512x128xi32>
    %jit3A_2301 = arith.constant 4096 : i32
    %broadcast_in_dim3A_2302 = vector.broadcast %jit3A_2301 : i32 to vector<512x128xi32>
    %select_n3A_2303 = arith.select %eq3A_2296, %add3A_2300, %broadcast_in_dim3A_2302 : vector<512x128xi1>, vector<512x128xi32>
    %reduce_min3A_2304 = arith.constant dense<2147483647> : vector<512xi32>
    %reduce_min3A_2305 = vector.multi_reduction <minsi>, %select_n3A_2303, %reduce_min3A_2304 [1] : vector<512x128xi32> to vector<512xi32>
    %add3A_2306 = arith.constant 4096 : i32
    %add3A_2307 = vector.broadcast %add3A_2306 : i32 to vector<512xi32>
    %add3A_2308 = arith.addi %reduce_min3A_2305, %add3A_2307 : vector<512xi32>
    %swap3A_2309 = arith.constant 0 : index
    %swap3A_2310 = arith.constant 512 : index
    %swap3A_2311 = vector.load %arg3[%swap3A_2309, %swap3A_2310] : memref<1x2048xi32, #tpu.memory_space<vmem>>, vector<1x512xi32>
    %swap3A_2312 = vector.shape_cast %swap3A_2311 : vector<1x512xi32> to vector<512xi32>
    %swap3A_2313 = vector.shape_cast %add3A_2308 : vector<512xi32> to vector<1x512xi32>
    tpu.vector_store %arg3[%swap3A_2309, %swap3A_2310], %swap3A_2313 {strides = array<i32>} : memref<1x2048xi32, #tpu.memory_space<vmem>>, vector<1x512xi32>,
    %squeeze3A_2314 = vector.shape_cast %broadcast_in_dim3A_2294 : vector<512x1xf32> to vector<512xf32>
    %sqrt3A_2315 = math.sqrt %squeeze3A_2314 : vector<512xf32>
    %swap3A_2316 = arith.constant 0 : index
    %swap3A_2317 = arith.constant 512 : index
    %swap3A_2318 = vector.load %arg4[%swap3A_2316, %swap3A_2317] : memref<1x2048xf32, #tpu.memory_space<vmem>>, vector<1x512xf32>
    %swap3A_2319 = vector.shape_cast %swap3A_2318 : vector<1x512xf32> to vector<512xf32>
    %swap3A_2320 = vector.shape_cast %sqrt3A_2315 : vector<512xf32> to vector<1x512xf32>
    tpu.vector_store %arg4[%swap3A_2316, %swap3A_2317], %swap3A_2320 {strides = array<i32>} : memref<1x2048xf32, #tpu.memory_space<vmem>>, vector<1x512xf32>,
    %get3A_2321 = arith.constant 0 : index
    %get3A_2322 = arith.constant 1 : index
    %get3A_2323 = arith.constant 0 : index
    %get3A_2324 = vector.load %arg0[%get3A_2321, %get3A_2322, %get3A_2323] : memref<3x4x512xf32, #tpu.memory_space<vmem>>, vector<1x1x512xf32>
    %get3A_2325 = vector.shape_cast %get3A_2324 : vector<1x1x512xf32> to vector<512xf32>
    %swap3A_2326 = arith.constant 0 : index
    %swap3A_2327 = arith.constant 512 : index
    %swap3A_2328 = vector.load %arg5[%swap3A_2326, %swap3A_2327] : memref<1x2048xf32, #tpu.memory_space<vmem>>, vector<1x512xf32>
    %swap3A_2329 = vector.shape_cast %swap3A_2328 : vector<1x512xf32> to vector<512xf32>
    %swap3A_2330 = vector.shape_cast %get3A_2325 : vector<512xf32> to vector<1x512xf32>
    tpu.vector_store %arg5[%swap3A_2326, %swap3A_2327], %swap3A_2330 {strides = array<i32>} : memref<1x2048xf32, #tpu.memory_space<vmem>>, vector<1x512xf32>,
    %get3A_2331 = arith.constant 1 : index
    %get3A_2332 = arith.constant 1 : index
    %get3A_2333 = arith.constant 0 : index
    %get3A_2334 = vector.load %arg0[%get3A_2331, %get3A_2332, %get3A_2333] : memref<3x4x512xf32, #tpu.memory_space<vmem>>, vector<1x1x512xf32>
    %get3A_2335 = vector.shape_cast %get3A_2334 : vector<1x1x512xf32> to vector<512xf32>
    %swap3A_2336 = arith.constant 0 : index
    %swap3A_2337 = arith.constant 512 : index
    %swap3A_2338 = vector.load %arg6[%swap3A_2336, %swap3A_2337] : memref<1x2048xf32, #tpu.memory_space<vmem>>, vector<1x512xf32>
    %swap3A_2339 = vector.shape_cast %swap3A_2338 : vector<1x512xf32> to vector<512xf32>
    %swap3A_2340 = vector.shape_cast %get3A_2335 : vector<512xf32> to vector<1x512xf32>
    tpu.vector_store %arg6[%swap3A_2336, %swap3A_2337], %swap3A_2340 {strides = array<i32>} : memref<1x2048xf32, #tpu.memory_space<vmem>>, vector<1x512xf32>,
    %get3A_2341 = arith.constant 2 : index
    %get3A_2342 = arith.constant 1 : index
    %get3A_2343 = arith.constant 0 : index
    %get3A_2344 = vector.load %arg0[%get3A_2341, %get3A_2342, %get3A_2343] : memref<3x4x512xf32, #tpu.memory_space<vmem>>, vector<1x1x512xf32>
    %get3A_2345 = vector.shape_cast %get3A_2344 : vector<1x1x512xf32> to vector<512xf32>
    %swap3A_2346 = arith.constant 0 : index
    %swap3A_2347 = arith.constant 512 : index
    %swap3A_2348 = vector.load %arg7[%swap3A_2346, %swap3A_2347] : memref<1x2048xf32, #tpu.memory_space<vmem>>, vector<1x512xf32>
    %swap3A_2349 = vector.shape_cast %swap3A_2348 : vector<1x512xf32> to vector<512xf32>
    %swap3A_2350 = vector.shape_cast %get3A_2345 : vector<512xf32> to vector<1x512xf32>
    tpu.vector_store %arg7[%swap3A_2346, %swap3A_2347], %swap3A_2350 {strides = array<i32>} : memref<1x2048xf32, #tpu.memory_space<vmem>>, vector<1x512xf32>,
    %get3A_2351 = arith.constant 0 : index
    %get3A_2352 = arith.constant 1 : index
    %get3A_2353 = arith.constant 0 : index
    %get3A_2354 = vector.load %arg1[%get3A_2351, %get3A_2352, %get3A_2353] : memref<3x4x4096xf32, #tpu.memory_space<vmem>>, vector<1x1x4096xf32>
    %get3A_2355 = vector.shape_cast %get3A_2354 : vector<1x1x4096xf32> to vector<4096xf32>
    %swap3A_2356 = arith.constant 0 : index
    %swap3A_2357 = arith.constant 4096 : index
    %swap3A_2358 = vector.load %arg8[%swap3A_2356, %swap3A_2357] : memref<1x16384xf32, #tpu.memory_space<vmem>>, vector<1x4096xf32>
    %swap3A_2359 = vector.shape_cast %swap3A_2358 : vector<1x4096xf32> to vector<4096xf32>
    %swap3A_2360 = vector.shape_cast %get3A_2355 : vector<4096xf32> to vector<1x4096xf32>
    tpu.vector_store %arg8[%swap3A_2356, %swap3A_2357], %swap3A_2360 {strides = array<i32>} : memref<1x16384xf32, #tpu.memory_space<vmem>>, vector<1x4096xf32>,
    %get3A_2361 = arith.constant 1 : index
    %get3A_2362 = arith.constant 1 : index
    %get3A_2363 = arith.constant 0 : index
    %get3A_2364 = vector.load %arg1[%get3A_2361, %get3A_2362, %get3A_2363] : memref<3x4x4096xf32, #tpu.memory_space<vmem>>, vector<1x1x4096xf32>
    %get3A_2365 = vector.shape_cast %get3A_2364 : vector<1x1x4096xf32> to vector<4096xf32>
    %swap3A_2366 = arith.constant 0 : index
    %swap3A_2367 = arith.constant 4096 : index
    %swap3A_2368 = vector.load %arg9[%swap3A_2366, %swap3A_2367] : memref<1x16384xf32, #tpu.memory_space<vmem>>, vector<1x4096xf32>
    %swap3A_2369 = vector.shape_cast %swap3A_2368 : vector<1x4096xf32> to vector<4096xf32>
    %swap3A_2370 = vector.shape_cast %get3A_2365 : vector<4096xf32> to vector<1x4096xf32>
    tpu.vector_store %arg9[%swap3A_2366, %swap3A_2367], %swap3A_2370 {strides = array<i32>} : memref<1x16384xf32, #tpu.memory_space<vmem>>, vector<1x4096xf32>,
    %get3A_2371 = arith.constant 2 : index
    %get3A_2372 = arith.constant 1 : index
    %get3A_2373 = arith.constant 0 : index
    %get3A_2374 = vector.load %arg1[%get3A_2371, %get3A_2372, %get3A_2373] : memref<3x4x4096xf32, #tpu.memory_space<vmem>>, vector<1x1x4096xf32>
    %get3A_2375 = vector.shape_cast %get3A_2374 : vector<1x1x4096xf32> to vector<4096xf32>
    %swap3A_2376 = arith.constant 0 : index
    %swap3A_2377 = arith.constant 4096 : index
    %swap3A_2378 = vector.load %arg10[%swap3A_2376, %swap3A_2377] : memref<1x16384xf32, #tpu.memory_space<vmem>>, vector<1x4096xf32>
    %swap3A_2379 = vector.shape_cast %swap3A_2378 : vector<1x4096xf32> to vector<4096xf32>
    %swap3A_2380 = vector.shape_cast %get3A_2375 : vector<4096xf32> to vector<1x4096xf32>
    tpu.vector_store %arg10[%swap3A_2376, %swap3A_2377], %swap3A_2380 {strides = array<i32>} : memref<1x16384xf32, #tpu.memory_space<vmem>>, vector<1x4096xf32>,
    %get3A_2381 = arith.constant 0 : index
    %get3A_2382 = arith.constant 1 : index
    %get3A_2383 = arith.constant 0 : index
    %get3A_2384 = vector.load %arg2[%get3A_2381, %get3A_2382, %get3A_2383] : memref<3x4x4096xf32, #tpu.memory_space<vmem>>, vector<1x1x4096xf32>
    %get3A_2385 = vector.shape_cast %get3A_2384 : vector<1x1x4096xf32> to vector<4096xf32>
    %swap3A_2386 = arith.constant 0 : index
    %swap3A_2387 = arith.constant 4096 : index
    %swap3A_2388 = vector.load %arg11[%swap3A_2386, %swap3A_2387] : memref<1x16384xf32, #tpu.memory_space<vmem>>, vector<1x4096xf32>
    %swap3A_2389 = vector.shape_cast %swap3A_2388 : vector<1x4096xf32> to vector<4096xf32>
    %swap3A_2390 = vector.shape_cast %get3A_2385 : vector<4096xf32> to vector<1x4096xf32>
    tpu.vector_store %arg11[%swap3A_2386, %swap3A_2387], %swap3A_2390 {strides = array<i32>} : memref<1x16384xf32, #tpu.memory_space<vmem>>, vector<1x4096xf32>,
    %get3A_2391 = arith.constant 1 : index
    %get3A_2392 = arith.constant 1 : index
    %get3A_2393 = arith.constant 0 : index
    %get3A_2394 = vector.load %arg2[%get3A_2391, %get3A_2392, %get3A_2393] : memref<3x4x4096xf32, #tpu.memory_space<vmem>>, vector<1x1x4096xf32>
    %get3A_2395 = vector.shape_cast %get3A_2394 : vector<1x1x4096xf32> to vector<4096xf32>
    %swap3A_2396 = arith.constant 0 : index
    %swap3A_2397 = arith.constant 4096 : index
    %swap3A_2398 = vector.load %arg12[%swap3A_2396, %swap3A_2397] : memref<1x16384xf32, #tpu.memory_space<vmem>>, vector<1x4096xf32>
    %swap3A_2399 = vector.shape_cast %swap3A_2398 : vector<1x4096xf32> to vector<4096xf32>
    %swap3A_2400 = vector.shape_cast %get3A_2395 : vector<4096xf32> to vector<1x4096xf32>
    tpu.vector_store %arg12[%swap3A_2396, %swap3A_2397], %swap3A_2400 {strides = array<i32>} : memref<1x16384xf32, #tpu.memory_space<vmem>>, vector<1x4096xf32>,
    %get3A_2401 = arith.constant 2 : index
    %get3A_2402 = arith.constant 1 : index
    %get3A_2403 = arith.constant 0 : index
    %get3A_2404 = vector.load %arg2[%get3A_2401, %get3A_2402, %get3A_2403] : memref<3x4x4096xf32, #tpu.memory_space<vmem>>, vector<1x1x4096xf32>
    %get3A_2405 = vector.shape_cast %get3A_2404 : vector<1x1x4096xf32> to vector<4096xf32>
    %swap3A_2406 = arith.constant 0 : index
    %swap3A_2407 = arith.constant 4096 : index
    %swap3A_2408 = vector.load %arg13[%swap3A_2406, %swap3A_2407] : memref<1x16384xf32, #tpu.memory_space<vmem>>, vector<1x4096xf32>
    %swap3A_2409 = vector.shape_cast %swap3A_2408 : vector<1x4096xf32> to vector<4096xf32>
    %swap3A_2410 = vector.shape_cast %get3A_2405 : vector<4096xf32> to vector<1x4096xf32>
    tpu.vector_store %arg13[%swap3A_2406, %swap3A_2407], %swap3A_2410 {strides = array<i32>} : memref<1x16384xf32, #tpu.memory_space<vmem>>, vector<1x4096xf32>,
    %get3A_2411 = arith.constant 0 : index
    %get3A_2412 = arith.constant 2 : index
    %get3A_2413 = arith.constant 0 : index
    %get3A_2414 = vector.load %arg0[%get3A_2411, %get3A_2412, %get3A_2413] : memref<3x4x512xf32, #tpu.memory_space<vmem>>, vector<3x1x512xf32>
    %get3A_2415 = vector.shape_cast %get3A_2414 : vector<3x1x512xf32> to vector<3x512xf32>
    %transpose3A_2416 = tpu.transpose %get3A_2415, [1, 0] : vector<3x512xf32> -> vector<512x3xf32>
    %slice3A_2417 = vector.extract_strided_slice %transpose3A_2416 {offsets = [0, 0], sizes = [512, 1], strides = [1, 1]} : vector<512x3xf32> to vector<512x1xf32>
    %slice3A_2418 = vector.extract_strided_slice %transpose3A_2416 {offsets = [0, 1], sizes = [512, 1], strides = [1, 1]} : vector<512x3xf32> to vector<512x1xf32>
    %slice3A_2419 = vector.extract_strided_slice %transpose3A_2416 {offsets = [0, 2], sizes = [512, 1], strides = [1, 1]} : vector<512x3xf32> to vector<512x1xf32>
    %get3A_2420 = arith.constant 0 : index
    %get3A_2421 = arith.constant 2 : index
    %get3A_2422 = arith.constant 0 : index
    %get3A_2423 = vector.load %arg1[%get3A_2420, %get3A_2421, %get3A_2422] : memref<3x4x4096xf32, #tpu.memory_space<vmem>>, vector<1x1x128xf32>
    %get3A_2424 = vector.shape_cast %get3A_2423 : vector<1x1x128xf32> to vector<1x128xf32>
    %sub3A_2425 = vector.broadcast %slice3A_2417 : vector<512x1xf32> to vector<512x128xf32>
    %sub3A_2426 = vector.broadcast %get3A_2424 : vector<1x128xf32> to vector<512x128xf32>
    %sub3A_2427 = arith.subf %sub3A_2425, %sub3A_2426 : vector<512x128xf32>
    %mul3A_2428 = arith.mulf %sub3A_2427, %sub3A_2427 : vector<512x128xf32>
    %get3A_2429 = arith.constant 1 : index
    %get3A_2430 = arith.constant 2 : index
    %get3A_2431 = arith.constant 0 : index
    %get3A_2432 = vector.load %arg1[%get3A_2429, %get3A_2430, %get3A_2431] : memref<3x4x4096xf32, #tpu.memory_space<vmem>>, vector<1x1x128xf32>
    %get3A_2433 = vector.shape_cast %get3A_2432 : vector<1x1x128xf32> to vector<1x128xf32>
    %sub3A_2434 = vector.broadcast %slice3A_2418 : vector<512x1xf32> to vector<512x128xf32>
    %sub3A_2435 = vector.broadcast %get3A_2433 : vector<1x128xf32> to vector<512x128xf32>
    %sub3A_2436 = arith.subf %sub3A_2434, %sub3A_2435 : vector<512x128xf32>
    %mul3A_2437 = arith.mulf %sub3A_2436, %sub3A_2436 : vector<512x128xf32>
    %add3A_2438 = arith.addf %mul3A_2428, %mul3A_2437 : vector<512x128xf32>
    %get3A_2439 = arith.constant 2 : index
    %get3A_2440 = arith.constant 2 : index
    %get3A_2441 = arith.constant 0 : index
    %get3A_2442 = vector.load %arg1[%get3A_2439, %get3A_2440, %get3A_2441] : memref<3x4x4096xf32, #tpu.memory_space<vmem>>, vector<1x1x128xf32>
    %get3A_2443 = vector.shape_cast %get3A_2442 : vector<1x1x128xf32> to vector<1x128xf32>
    %sub3A_2444 = vector.broadcast %slice3A_2419 : vector<512x1xf32> to vector<512x128xf32>
    %sub3A_2445 = vector.broadcast %get3A_2443 : vector<1x128xf32> to vector<512x128xf32>
    %sub3A_2446 = arith.subf %sub3A_2444, %sub3A_2445 : vector<512x128xf32>
    %mul3A_2447 = arith.mulf %sub3A_2446, %sub3A_2446 : vector<512x128xf32>
    %add3A_2448 = arith.addf %add3A_2438, %mul3A_2447 : vector<512x128xf32>
    %broadcast_in_dim3A_2449 = arith.constant 0 : i32
    %broadcast_in_dim3A_2450 = vector.broadcast %broadcast_in_dim3A_2449 : i32 to vector<512x128xi32>
    %get3A_2451 = arith.constant 0 : index
    %get3A_2452 = arith.constant 2 : index
    %get3A_2453 = arith.constant 128 : index
    %get3A_2454 = vector.load %arg1[%get3A_2451, %get3A_2452, %get3A_2453] : memref<3x4x4096xf32, #tpu.memory_space<vmem>>, vector<1x1x128xf32>
    %get3A_2455 = vector.shape_cast %get3A_2454 : vector<1x1x128xf32> to vector<1x128xf32>
    %sub3A_2456 = vector.broadcast %slice3A_2417 : vector<512x1xf32> to vector<512x128xf32>
    %sub3A_2457 = vector.broadcast %get3A_2455 : vector<1x128xf32> to vector<512x128xf32>
    %sub3A_2458 = arith.subf %sub3A_2456, %sub3A_2457 : vector<512x128xf32>
    %mul3A_2459 = arith.mulf %sub3A_2458, %sub3A_2458 : vector<512x128xf32>
    %get3A_2460 = arith.constant 1 : index
    %get3A_2461 = arith.constant 2 : index
    %get3A_2462 = arith.constant 128 : index
    %get3A_2463 = vector.load %arg1[%get3A_2460, %get3A_2461, %get3A_2462] : memref<3x4x4096xf32, #tpu.memory_space<vmem>>, vector<1x1x128xf32>
    %get3A_2464 = vector.shape_cast %get3A_2463 : vector<1x1x128xf32> to vector<1x128xf32>
    %sub3A_2465 = vector.broadcast %slice3A_2418 : vector<512x1xf32> to vector<512x128xf32>
    %sub3A_2466 = vector.broadcast %get3A_2464 : vector<1x128xf32> to vector<512x128xf32>
    %sub3A_2467 = arith.subf %sub3A_2465, %sub3A_2466 : vector<512x128xf32>
    %mul3A_2468 = arith.mulf %sub3A_2467, %sub3A_2467 : vector<512x128xf32>
    %add3A_2469 = arith.addf %mul3A_2459, %mul3A_2468 : vector<512x128xf32>
    %get3A_2470 = arith.constant 2 : index
    %get3A_2471 = arith.constant 2 : index
    %get3A_2472 = arith.constant 128 : index
    %get3A_2473 = vector.load %arg1[%get3A_2470, %get3A_2471, %get3A_2472] : memref<3x4x4096xf32, #tpu.memory_space<vmem>>, vector<1x1x128xf32>
    %get3A_2474 = vector.shape_cast %get3A_2473 : vector<1x1x128xf32> to vector<1x128xf32>
    %sub3A_2475 = vector.broadcast %slice3A_2419 : vector<512x1xf32> to vector<512x128xf32>
    %sub3A_2476 = vector.broadcast %get3A_2474 : vector<1x128xf32> to vector<512x128xf32>
    %sub3A_2477 = arith.subf %sub3A_2475, %sub3A_2476 : vector<512x128xf32>
    %mul3A_2478 = arith.mulf %sub3A_2477, %sub3A_2477 : vector<512x128xf32>
    %add3A_2479 = arith.addf %add3A_2469, %mul3A_2478 : vector<512x128xf32>
    %lt3A_2480 = arith.cmpf olt, %add3A_2479, %add3A_2448 : vector<512x128xf32>
    %select_n3A_2481 = arith.select %lt3A_2480, %add3A_2479, %add3A_2448 : vector<512x128xi1>, vector<512x128xf32>
    %jit3A_2482 = arith.constant 1 : i32
    %broadcast_in_dim3A_2483 = vector.broadcast %jit3A_2482 : i32 to vector<512x128xi32>
    %select_n3A_2484 = arith.select %lt3A_2480, %broadcast_in_dim3A_2483, %broadcast_in_dim3A_2450 : vector<512x128xi1>, vector<512x128xi32>
    %get3A_2485 = arith.constant 0 : index
    %get3A_2486 = arith.constant 2 : index
    %get3A_2487 = arith.constant 256 : index
    %get3A_2488 = vector.load %arg1[%get3A_2485, %get3A_2486, %get3A_2487] : memref<3x4x4096xf32, #tpu.memory_space<vmem>>, vector<1x1x128xf32>
    %get3A_2489 = vector.shape_cast %get3A_2488 : vector<1x1x128xf32> to vector<1x128xf32>
    %sub3A_2490 = vector.broadcast %slice3A_2417 : vector<512x1xf32> to vector<512x128xf32>
    %sub3A_2491 = vector.broadcast %get3A_2489 : vector<1x128xf32> to vector<512x128xf32>
    %sub3A_2492 = arith.subf %sub3A_2490, %sub3A_2491 : vector<512x128xf32>
    %mul3A_2493 = arith.mulf %sub3A_2492, %sub3A_2492 : vector<512x128xf32>
    %get3A_2494 = arith.constant 1 : index
    %get3A_2495 = arith.constant 2 : index
    %get3A_2496 = arith.constant 256 : index
    %get3A_2497 = vector.load %arg1[%get3A_2494, %get3A_2495, %get3A_2496] : memref<3x4x4096xf32, #tpu.memory_space<vmem>>, vector<1x1x128xf32>
    %get3A_2498 = vector.shape_cast %get3A_2497 : vector<1x1x128xf32> to vector<1x128xf32>
    %sub3A_2499 = vector.broadcast %slice3A_2418 : vector<512x1xf32> to vector<512x128xf32>
    %sub3A_2500 = vector.broadcast %get3A_2498 : vector<1x128xf32> to vector<512x128xf32>
    %sub3A_2501 = arith.subf %sub3A_2499, %sub3A_2500 : vector<512x128xf32>
    %mul3A_2502 = arith.mulf %sub3A_2501, %sub3A_2501 : vector<512x128xf32>
    %add3A_2503 = arith.addf %mul3A_2493, %mul3A_2502 : vector<512x128xf32>
    %get3A_2504 = arith.constant 2 : index
    %get3A_2505 = arith.constant 2 : index
    %get3A_2506 = arith.constant 256 : index
    %get3A_2507 = vector.load %arg1[%get3A_2504, %get3A_2505, %get3A_2506] : memref<3x4x4096xf32, #tpu.memory_space<vmem>>, vector<1x1x128xf32>
    %get3A_2508 = vector.shape_cast %get3A_2507 : vector<1x1x128xf32> to vector<1x128xf32>
    %sub3A_2509 = vector.broadcast %slice3A_2419 : vector<512x1xf32> to vector<512x128xf32>
    %sub3A_2510 = vector.broadcast %get3A_2508 : vector<1x128xf32> to vector<512x128xf32>
    %sub3A_2511 = arith.subf %sub3A_2509, %sub3A_2510 : vector<512x128xf32>
    %mul3A_2512 = arith.mulf %sub3A_2511, %sub3A_2511 : vector<512x128xf32>
    %add3A_2513 = arith.addf %add3A_2503, %mul3A_2512 : vector<512x128xf32>
    %lt3A_2514 = arith.cmpf olt, %add3A_2513, %select_n3A_2481 : vector<512x128xf32>
    %select_n3A_2515 = arith.select %lt3A_2514, %add3A_2513, %select_n3A_2481 : vector<512x128xi1>, vector<512x128xf32>
    %jit3A_2516 = arith.constant 2 : i32
    %broadcast_in_dim3A_2517 = vector.broadcast %jit3A_2516 : i32 to vector<512x128xi32>
    %select_n3A_2518 = arith.select %lt3A_2514, %broadcast_in_dim3A_2517, %select_n3A_2484 : vector<512x128xi1>, vector<512x128xi32>
    %get3A_2519 = arith.constant 0 : index
    %get3A_2520 = arith.constant 2 : index
    %get3A_2521 = arith.constant 384 : index
    %get3A_2522 = vector.load %arg1[%get3A_2519, %get3A_2520, %get3A_2521] : memref<3x4x4096xf32, #tpu.memory_space<vmem>>, vector<1x1x128xf32>
    %get3A_2523 = vector.shape_cast %get3A_2522 : vector<1x1x128xf32> to vector<1x128xf32>
    %sub3A_2524 = vector.broadcast %slice3A_2417 : vector<512x1xf32> to vector<512x128xf32>
    %sub3A_2525 = vector.broadcast %get3A_2523 : vector<1x128xf32> to vector<512x128xf32>
    %sub3A_2526 = arith.subf %sub3A_2524, %sub3A_2525 : vector<512x128xf32>
    %mul3A_2527 = arith.mulf %sub3A_2526, %sub3A_2526 : vector<512x128xf32>
    %get3A_2528 = arith.constant 1 : index
    %get3A_2529 = arith.constant 2 : index
    %get3A_2530 = arith.constant 384 : index
    %get3A_2531 = vector.load %arg1[%get3A_2528, %get3A_2529, %get3A_2530] : memref<3x4x4096xf32, #tpu.memory_space<vmem>>, vector<1x1x128xf32>
    %get3A_2532 = vector.shape_cast %get3A_2531 : vector<1x1x128xf32> to vector<1x128xf32>
    %sub3A_2533 = vector.broadcast %slice3A_2418 : vector<512x1xf32> to vector<512x128xf32>
    %sub3A_2534 = vector.broadcast %get3A_2532 : vector<1x128xf32> to vector<512x128xf32>
    %sub3A_2535 = arith.subf %sub3A_2533, %sub3A_2534 : vector<512x128xf32>
    %mul3A_2536 = arith.mulf %sub3A_2535, %sub3A_2535 : vector<512x128xf32>
    %add3A_2537 = arith.addf %mul3A_2527, %mul3A_2536 : vector<512x128xf32>
    %get3A_2538 = arith.constant 2 : index
    %get3A_2539 = arith.constant 2 : index
    %get3A_2540 = arith.constant 384 : index
    %get3A_2541 = vector.load %arg1[%get3A_2538, %get3A_2539, %get3A_2540] : memref<3x4x4096xf32, #tpu.memory_space<vmem>>, vector<1x1x128xf32>
    %get3A_2542 = vector.shape_cast %get3A_2541 : vector<1x1x128xf32> to vector<1x128xf32>
    %sub3A_2543 = vector.broadcast %slice3A_2419 : vector<512x1xf32> to vector<512x128xf32>
    %sub3A_2544 = vector.broadcast %get3A_2542 : vector<1x128xf32> to vector<512x128xf32>
    %sub3A_2545 = arith.subf %sub3A_2543, %sub3A_2544 : vector<512x128xf32>
    %mul3A_2546 = arith.mulf %sub3A_2545, %sub3A_2545 : vector<512x128xf32>
    %add3A_2547 = arith.addf %add3A_2537, %mul3A_2546 : vector<512x128xf32>
    %lt3A_2548 = arith.cmpf olt, %add3A_2547, %select_n3A_2515 : vector<512x128xf32>
    %select_n3A_2549 = arith.select %lt3A_2548, %add3A_2547, %select_n3A_2515 : vector<512x128xi1>, vector<512x128xf32>
    %jit3A_2550 = arith.constant 3 : i32
    %broadcast_in_dim3A_2551 = vector.broadcast %jit3A_2550 : i32 to vector<512x128xi32>
    %select_n3A_2552 = arith.select %lt3A_2548, %broadcast_in_dim3A_2551, %select_n3A_2518 : vector<512x128xi1>, vector<512x128xi32>
    %get3A_2553 = arith.constant 0 : index
    %get3A_2554 = arith.constant 2 : index
    %get3A_2555 = arith.constant 512 : index
    %get3A_2556 = vector.load %arg1[%get3A_2553, %get3A_2554, %get3A_2555] : memref<3x4x4096xf32, #tpu.memory_space<vmem>>, vector<1x1x128xf32>
    %get3A_2557 = vector.shape_cast %get3A_2556 : vector<1x1x128xf32> to vector<1x128xf32>
    %sub3A_2558 = vector.broadcast %slice3A_2417 : vector<512x1xf32> to vector<512x128xf32>
    %sub3A_2559 = vector.broadcast %get3A_2557 : vector<1x128xf32> to vector<512x128xf32>
    %sub3A_2560 = arith.subf %sub3A_2558, %sub3A_2559 : vector<512x128xf32>
    %mul3A_2561 = arith.mulf %sub3A_2560, %sub3A_2560 : vector<512x128xf32>
    %get3A_2562 = arith.constant 1 : index
    %get3A_2563 = arith.constant 2 : index
    %get3A_2564 = arith.constant 512 : index
    %get3A_2565 = vector.load %arg1[%get3A_2562, %get3A_2563, %get3A_2564] : memref<3x4x4096xf32, #tpu.memory_space<vmem>>, vector<1x1x128xf32>
    %get3A_2566 = vector.shape_cast %get3A_2565 : vector<1x1x128xf32> to vector<1x128xf32>
    %sub3A_2567 = vector.broadcast %slice3A_2418 : vector<512x1xf32> to vector<512x128xf32>
    %sub3A_2568 = vector.broadcast %get3A_2566 : vector<1x128xf32> to vector<512x128xf32>
    %sub3A_2569 = arith.subf %sub3A_2567, %sub3A_2568 : vector<512x128xf32>
    %mul3A_2570 = arith.mulf %sub3A_2569, %sub3A_2569 : vector<512x128xf32>
    %add3A_2571 = arith.addf %mul3A_2561, %mul3A_2570 : vector<512x128xf32>
    %get3A_2572 = arith.constant 2 : index
    %get3A_2573 = arith.constant 2 : index
    %get3A_2574 = arith.constant 512 : index
    %get3A_2575 = vector.load %arg1[%get3A_2572, %get3A_2573, %get3A_2574] : memref<3x4x4096xf32, #tpu.memory_space<vmem>>, vector<1x1x128xf32>
    %get3A_2576 = vector.shape_cast %get3A_2575 : vector<1x1x128xf32> to vector<1x128xf32>
    %sub3A_2577 = vector.broadcast %slice3A_2419 : vector<512x1xf32> to vector<512x128xf32>
    %sub3A_2578 = vector.broadcast %get3A_2576 : vector<1x128xf32> to vector<512x128xf32>
    %sub3A_2579 = arith.subf %sub3A_2577, %sub3A_2578 : vector<512x128xf32>
    %mul3A_2580 = arith.mulf %sub3A_2579, %sub3A_2579 : vector<512x128xf32>
    %add3A_2581 = arith.addf %add3A_2571, %mul3A_2580 : vector<512x128xf32>
    %lt3A_2582 = arith.cmpf olt, %add3A_2581, %select_n3A_2549 : vector<512x128xf32>
    %select_n3A_2583 = arith.select %lt3A_2582, %add3A_2581, %select_n3A_2549 : vector<512x128xi1>, vector<512x128xf32>
    %jit3A_2584 = arith.constant 4 : i32
    %broadcast_in_dim3A_2585 = vector.broadcast %jit3A_2584 : i32 to vector<512x128xi32>
    %select_n3A_2586 = arith.select %lt3A_2582, %broadcast_in_dim3A_2585, %select_n3A_2552 : vector<512x128xi1>, vector<512x128xi32>
    %get3A_2587 = arith.constant 0 : index
    %get3A_2588 = arith.constant 2 : index
    %get3A_2589 = arith.constant 640 : index
    %get3A_2590 = vector.load %arg1[%get3A_2587, %get3A_2588, %get3A_2589] : memref<3x4x4096xf32, #tpu.memory_space<vmem>>, vector<1x1x128xf32>
    %get3A_2591 = vector.shape_cast %get3A_2590 : vector<1x1x128xf32> to vector<1x128xf32>
    %sub3A_2592 = vector.broadcast %slice3A_2417 : vector<512x1xf32> to vector<512x128xf32>
    %sub3A_2593 = vector.broadcast %get3A_2591 : vector<1x128xf32> to vector<512x128xf32>
    %sub3A_2594 = arith.subf %sub3A_2592, %sub3A_2593 : vector<512x128xf32>
    %mul3A_2595 = arith.mulf %sub3A_2594, %sub3A_2594 : vector<512x128xf32>
    %get3A_2596 = arith.constant 1 : index
    %get3A_2597 = arith.constant 2 : index
    %get3A_2598 = arith.constant 640 : index
    %get3A_2599 = vector.load %arg1[%get3A_2596, %get3A_2597, %get3A_2598] : memref<3x4x4096xf32, #tpu.memory_space<vmem>>, vector<1x1x128xf32>
    %get3A_2600 = vector.shape_cast %get3A_2599 : vector<1x1x128xf32> to vector<1x128xf32>
    %sub3A_2601 = vector.broadcast %slice3A_2418 : vector<512x1xf32> to vector<512x128xf32>
    %sub3A_2602 = vector.broadcast %get3A_2600 : vector<1x128xf32> to vector<512x128xf32>
    %sub3A_2603 = arith.subf %sub3A_2601, %sub3A_2602 : vector<512x128xf32>
    %mul3A_2604 = arith.mulf %sub3A_2603, %sub3A_2603 : vector<512x128xf32>
    %add3A_2605 = arith.addf %mul3A_2595, %mul3A_2604 : vector<512x128xf32>
    %get3A_2606 = arith.constant 2 : index
    %get3A_2607 = arith.constant 2 : index
    %get3A_2608 = arith.constant 640 : index
    %get3A_2609 = vector.load %arg1[%get3A_2606, %get3A_2607, %get3A_2608] : memref<3x4x4096xf32, #tpu.memory_space<vmem>>, vector<1x1x128xf32>
    %get3A_2610 = vector.shape_cast %get3A_2609 : vector<1x1x128xf32> to vector<1x128xf32>
    %sub3A_2611 = vector.broadcast %slice3A_2419 : vector<512x1xf32> to vector<512x128xf32>
    %sub3A_2612 = vector.broadcast %get3A_2610 : vector<1x128xf32> to vector<512x128xf32>
    %sub3A_2613 = arith.subf %sub3A_2611, %sub3A_2612 : vector<512x128xf32>
    %mul3A_2614 = arith.mulf %sub3A_2613, %sub3A_2613 : vector<512x128xf32>
    %add3A_2615 = arith.addf %add3A_2605, %mul3A_2614 : vector<512x128xf32>
    %lt3A_2616 = arith.cmpf olt, %add3A_2615, %select_n3A_2583 : vector<512x128xf32>
    %select_n3A_2617 = arith.select %lt3A_2616, %add3A_2615, %select_n3A_2583 : vector<512x128xi1>, vector<512x128xf32>
    %jit3A_2618 = arith.constant 5 : i32
    %broadcast_in_dim3A_2619 = vector.broadcast %jit3A_2618 : i32 to vector<512x128xi32>
    %select_n3A_2620 = arith.select %lt3A_2616, %broadcast_in_dim3A_2619, %select_n3A_2586 : vector<512x128xi1>, vector<512x128xi32>
    %get3A_2621 = arith.constant 0 : index
    %get3A_2622 = arith.constant 2 : index
    %get3A_2623 = arith.constant 768 : index
    %get3A_2624 = vector.load %arg1[%get3A_2621, %get3A_2622, %get3A_2623] : memref<3x4x4096xf32, #tpu.memory_space<vmem>>, vector<1x1x128xf32>
    %get3A_2625 = vector.shape_cast %get3A_2624 : vector<1x1x128xf32> to vector<1x128xf32>
    %sub3A_2626 = vector.broadcast %slice3A_2417 : vector<512x1xf32> to vector<512x128xf32>
    %sub3A_2627 = vector.broadcast %get3A_2625 : vector<1x128xf32> to vector<512x128xf32>
    %sub3A_2628 = arith.subf %sub3A_2626, %sub3A_2627 : vector<512x128xf32>
    %mul3A_2629 = arith.mulf %sub3A_2628, %sub3A_2628 : vector<512x128xf32>
    %get3A_2630 = arith.constant 1 : index
    %get3A_2631 = arith.constant 2 : index
    %get3A_2632 = arith.constant 768 : index
    %get3A_2633 = vector.load %arg1[%get3A_2630, %get3A_2631, %get3A_2632] : memref<3x4x4096xf32, #tpu.memory_space<vmem>>, vector<1x1x128xf32>
    %get3A_2634 = vector.shape_cast %get3A_2633 : vector<1x1x128xf32> to vector<1x128xf32>
    %sub3A_2635 = vector.broadcast %slice3A_2418 : vector<512x1xf32> to vector<512x128xf32>
    %sub3A_2636 = vector.broadcast %get3A_2634 : vector<1x128xf32> to vector<512x128xf32>
    %sub3A_2637 = arith.subf %sub3A_2635, %sub3A_2636 : vector<512x128xf32>
    %mul3A_2638 = arith.mulf %sub3A_2637, %sub3A_2637 : vector<512x128xf32>
    %add3A_2639 = arith.addf %mul3A_2629, %mul3A_2638 : vector<512x128xf32>
    %get3A_2640 = arith.constant 2 : index
    %get3A_2641 = arith.constant 2 : index
    %get3A_2642 = arith.constant 768 : index
    %get3A_2643 = vector.load %arg1[%get3A_2640, %get3A_2641, %get3A_2642] : memref<3x4x4096xf32, #tpu.memory_space<vmem>>, vector<1x1x128xf32>
    %get3A_2644 = vector.shape_cast %get3A_2643 : vector<1x1x128xf32> to vector<1x128xf32>
    %sub3A_2645 = vector.broadcast %slice3A_2419 : vector<512x1xf32> to vector<512x128xf32>
    %sub3A_2646 = vector.broadcast %get3A_2644 : vector<1x128xf32> to vector<512x128xf32>
    %sub3A_2647 = arith.subf %sub3A_2645, %sub3A_2646 : vector<512x128xf32>
    %mul3A_2648 = arith.mulf %sub3A_2647, %sub3A_2647 : vector<512x128xf32>
    %add3A_2649 = arith.addf %add3A_2639, %mul3A_2648 : vector<512x128xf32>
    %lt3A_2650 = arith.cmpf olt, %add3A_2649, %select_n3A_2617 : vector<512x128xf32>
    %select_n3A_2651 = arith.select %lt3A_2650, %add3A_2649, %select_n3A_2617 : vector<512x128xi1>, vector<512x128xf32>
    %jit3A_2652 = arith.constant 6 : i32
    %broadcast_in_dim3A_2653 = vector.broadcast %jit3A_2652 : i32 to vector<512x128xi32>
    %select_n3A_2654 = arith.select %lt3A_2650, %broadcast_in_dim3A_2653, %select_n3A_2620 : vector<512x128xi1>, vector<512x128xi32>
    %get3A_2655 = arith.constant 0 : index
    %get3A_2656 = arith.constant 2 : index
    %get3A_2657 = arith.constant 896 : index
    %get3A_2658 = vector.load %arg1[%get3A_2655, %get3A_2656, %get3A_2657] : memref<3x4x4096xf32, #tpu.memory_space<vmem>>, vector<1x1x128xf32>
    %get3A_2659 = vector.shape_cast %get3A_2658 : vector<1x1x128xf32> to vector<1x128xf32>
    %sub3A_2660 = vector.broadcast %slice3A_2417 : vector<512x1xf32> to vector<512x128xf32>
    %sub3A_2661 = vector.broadcast %get3A_2659 : vector<1x128xf32> to vector<512x128xf32>
    %sub3A_2662 = arith.subf %sub3A_2660, %sub3A_2661 : vector<512x128xf32>
    %mul3A_2663 = arith.mulf %sub3A_2662, %sub3A_2662 : vector<512x128xf32>
    %get3A_2664 = arith.constant 1 : index
    %get3A_2665 = arith.constant 2 : index
    %get3A_2666 = arith.constant 896 : index
    %get3A_2667 = vector.load %arg1[%get3A_2664, %get3A_2665, %get3A_2666] : memref<3x4x4096xf32, #tpu.memory_space<vmem>>, vector<1x1x128xf32>
    %get3A_2668 = vector.shape_cast %get3A_2667 : vector<1x1x128xf32> to vector<1x128xf32>
    %sub3A_2669 = vector.broadcast %slice3A_2418 : vector<512x1xf32> to vector<512x128xf32>
    %sub3A_2670 = vector.broadcast %get3A_2668 : vector<1x128xf32> to vector<512x128xf32>
    %sub3A_2671 = arith.subf %sub3A_2669, %sub3A_2670 : vector<512x128xf32>
    %mul3A_2672 = arith.mulf %sub3A_2671, %sub3A_2671 : vector<512x128xf32>
    %add3A_2673 = arith.addf %mul3A_2663, %mul3A_2672 : vector<512x128xf32>
    %get3A_2674 = arith.constant 2 : index
    %get3A_2675 = arith.constant 2 : index
    %get3A_2676 = arith.constant 896 : index
    %get3A_2677 = vector.load %arg1[%get3A_2674, %get3A_2675, %get3A_2676] : memref<3x4x4096xf32, #tpu.memory_space<vmem>>, vector<1x1x128xf32>
    %get3A_2678 = vector.shape_cast %get3A_2677 : vector<1x1x128xf32> to vector<1x128xf32>
    %sub3A_2679 = vector.broadcast %slice3A_2419 : vector<512x1xf32> to vector<512x128xf32>
    %sub3A_2680 = vector.broadcast %get3A_2678 : vector<1x128xf32> to vector<512x128xf32>
    %sub3A_2681 = arith.subf %sub3A_2679, %sub3A_2680 : vector<512x128xf32>
    %mul3A_2682 = arith.mulf %sub3A_2681, %sub3A_2681 : vector<512x128xf32>
    %add3A_2683 = arith.addf %add3A_2673, %mul3A_2682 : vector<512x128xf32>
    %lt3A_2684 = arith.cmpf olt, %add3A_2683, %select_n3A_2651 : vector<512x128xf32>
    %select_n3A_2685 = arith.select %lt3A_2684, %add3A_2683, %select_n3A_2651 : vector<512x128xi1>, vector<512x128xf32>
    %jit3A_2686 = arith.constant 7 : i32
    %broadcast_in_dim3A_2687 = vector.broadcast %jit3A_2686 : i32 to vector<512x128xi32>
    %select_n3A_2688 = arith.select %lt3A_2684, %broadcast_in_dim3A_2687, %select_n3A_2654 : vector<512x128xi1>, vector<512x128xi32>
    %get3A_2689 = arith.constant 0 : index
    %get3A_2690 = arith.constant 2 : index
    %get3A_2691 = arith.constant 1024 : index
    %get3A_2692 = vector.load %arg1[%get3A_2689, %get3A_2690, %get3A_2691] : memref<3x4x4096xf32, #tpu.memory_space<vmem>>, vector<1x1x128xf32>
    %get3A_2693 = vector.shape_cast %get3A_2692 : vector<1x1x128xf32> to vector<1x128xf32>
    %sub3A_2694 = vector.broadcast %slice3A_2417 : vector<512x1xf32> to vector<512x128xf32>
    %sub3A_2695 = vector.broadcast %get3A_2693 : vector<1x128xf32> to vector<512x128xf32>
    %sub3A_2696 = arith.subf %sub3A_2694, %sub3A_2695 : vector<512x128xf32>
    %mul3A_2697 = arith.mulf %sub3A_2696, %sub3A_2696 : vector<512x128xf32>
    %get3A_2698 = arith.constant 1 : index
    %get3A_2699 = arith.constant 2 : index
    %get3A_2700 = arith.constant 1024 : index
    %get3A_2701 = vector.load %arg1[%get3A_2698, %get3A_2699, %get3A_2700] : memref<3x4x4096xf32, #tpu.memory_space<vmem>>, vector<1x1x128xf32>
    %get3A_2702 = vector.shape_cast %get3A_2701 : vector<1x1x128xf32> to vector<1x128xf32>
    %sub3A_2703 = vector.broadcast %slice3A_2418 : vector<512x1xf32> to vector<512x128xf32>
    %sub3A_2704 = vector.broadcast %get3A_2702 : vector<1x128xf32> to vector<512x128xf32>
    %sub3A_2705 = arith.subf %sub3A_2703, %sub3A_2704 : vector<512x128xf32>
    %mul3A_2706 = arith.mulf %sub3A_2705, %sub3A_2705 : vector<512x128xf32>
    %add3A_2707 = arith.addf %mul3A_2697, %mul3A_2706 : vector<512x128xf32>
    %get3A_2708 = arith.constant 2 : index
    %get3A_2709 = arith.constant 2 : index
    %get3A_2710 = arith.constant 1024 : index
    %get3A_2711 = vector.load %arg1[%get3A_2708, %get3A_2709, %get3A_2710] : memref<3x4x4096xf32, #tpu.memory_space<vmem>>, vector<1x1x128xf32>
    %get3A_2712 = vector.shape_cast %get3A_2711 : vector<1x1x128xf32> to vector<1x128xf32>
    %sub3A_2713 = vector.broadcast %slice3A_2419 : vector<512x1xf32> to vector<512x128xf32>
    %sub3A_2714 = vector.broadcast %get3A_2712 : vector<1x128xf32> to vector<512x128xf32>
    %sub3A_2715 = arith.subf %sub3A_2713, %sub3A_2714 : vector<512x128xf32>
    %mul3A_2716 = arith.mulf %sub3A_2715, %sub3A_2715 : vector<512x128xf32>
    %add3A_2717 = arith.addf %add3A_2707, %mul3A_2716 : vector<512x128xf32>
    %lt3A_2718 = arith.cmpf olt, %add3A_2717, %select_n3A_2685 : vector<512x128xf32>
    %select_n3A_2719 = arith.select %lt3A_2718, %add3A_2717, %select_n3A_2685 : vector<512x128xi1>, vector<512x128xf32>
    %jit3A_2720 = arith.constant 8 : i32
    %broadcast_in_dim3A_2721 = vector.broadcast %jit3A_2720 : i32 to vector<512x128xi32>
    %select_n3A_2722 = arith.select %lt3A_2718, %broadcast_in_dim3A_2721, %select_n3A_2688 : vector<512x128xi1>, vector<512x128xi32>
    %get3A_2723 = arith.constant 0 : index
    %get3A_2724 = arith.constant 2 : index
    %get3A_2725 = arith.constant 1152 : index
    %get3A_2726 = vector.load %arg1[%get3A_2723, %get3A_2724, %get3A_2725] : memref<3x4x4096xf32, #tpu.memory_space<vmem>>, vector<1x1x128xf32>
    %get3A_2727 = vector.shape_cast %get3A_2726 : vector<1x1x128xf32> to vector<1x128xf32>
    %sub3A_2728 = vector.broadcast %slice3A_2417 : vector<512x1xf32> to vector<512x128xf32>
    %sub3A_2729 = vector.broadcast %get3A_2727 : vector<1x128xf32> to vector<512x128xf32>
    %sub3A_2730 = arith.subf %sub3A_2728, %sub3A_2729 : vector<512x128xf32>
    %mul3A_2731 = arith.mulf %sub3A_2730, %sub3A_2730 : vector<512x128xf32>
    %get3A_2732 = arith.constant 1 : index
    %get3A_2733 = arith.constant 2 : index
    %get3A_2734 = arith.constant 1152 : index
    %get3A_2735 = vector.load %arg1[%get3A_2732, %get3A_2733, %get3A_2734] : memref<3x4x4096xf32, #tpu.memory_space<vmem>>, vector<1x1x128xf32>
    %get3A_2736 = vector.shape_cast %get3A_2735 : vector<1x1x128xf32> to vector<1x128xf32>
    %sub3A_2737 = vector.broadcast %slice3A_2418 : vector<512x1xf32> to vector<512x128xf32>
    %sub3A_2738 = vector.broadcast %get3A_2736 : vector<1x128xf32> to vector<512x128xf32>
    %sub3A_2739 = arith.subf %sub3A_2737, %sub3A_2738 : vector<512x128xf32>
    %mul3A_2740 = arith.mulf %sub3A_2739, %sub3A_2739 : vector<512x128xf32>
    %add3A_2741 = arith.addf %mul3A_2731, %mul3A_2740 : vector<512x128xf32>
    %get3A_2742 = arith.constant 2 : index
    %get3A_2743 = arith.constant 2 : index
    %get3A_2744 = arith.constant 1152 : index
    %get3A_2745 = vector.load %arg1[%get3A_2742, %get3A_2743, %get3A_2744] : memref<3x4x4096xf32, #tpu.memory_space<vmem>>, vector<1x1x128xf32>
    %get3A_2746 = vector.shape_cast %get3A_2745 : vector<1x1x128xf32> to vector<1x128xf32>
    %sub3A_2747 = vector.broadcast %slice3A_2419 : vector<512x1xf32> to vector<512x128xf32>
    %sub3A_2748 = vector.broadcast %get3A_2746 : vector<1x128xf32> to vector<512x128xf32>
    %sub3A_2749 = arith.subf %sub3A_2747, %sub3A_2748 : vector<512x128xf32>
    %mul3A_2750 = arith.mulf %sub3A_2749, %sub3A_2749 : vector<512x128xf32>
    %add3A_2751 = arith.addf %add3A_2741, %mul3A_2750 : vector<512x128xf32>
    %lt3A_2752 = arith.cmpf olt, %add3A_2751, %select_n3A_2719 : vector<512x128xf32>
    %select_n3A_2753 = arith.select %lt3A_2752, %add3A_2751, %select_n3A_2719 : vector<512x128xi1>, vector<512x128xf32>
    %jit3A_2754 = arith.constant 9 : i32
    %broadcast_in_dim3A_2755 = vector.broadcast %jit3A_2754 : i32 to vector<512x128xi32>
    %select_n3A_2756 = arith.select %lt3A_2752, %broadcast_in_dim3A_2755, %select_n3A_2722 : vector<512x128xi1>, vector<512x128xi32>
    %get3A_2757 = arith.constant 0 : index
    %get3A_2758 = arith.constant 2 : index
    %get3A_2759 = arith.constant 1280 : index
    %get3A_2760 = vector.load %arg1[%get3A_2757, %get3A_2758, %get3A_2759] : memref<3x4x4096xf32, #tpu.memory_space<vmem>>, vector<1x1x128xf32>
    %get3A_2761 = vector.shape_cast %get3A_2760 : vector<1x1x128xf32> to vector<1x128xf32>
    %sub3A_2762 = vector.broadcast %slice3A_2417 : vector<512x1xf32> to vector<512x128xf32>
    %sub3A_2763 = vector.broadcast %get3A_2761 : vector<1x128xf32> to vector<512x128xf32>
    %sub3A_2764 = arith.subf %sub3A_2762, %sub3A_2763 : vector<512x128xf32>
    %mul3A_2765 = arith.mulf %sub3A_2764, %sub3A_2764 : vector<512x128xf32>
    %get3A_2766 = arith.constant 1 : index
    %get3A_2767 = arith.constant 2 : index
    %get3A_2768 = arith.constant 1280 : index
    %get3A_2769 = vector.load %arg1[%get3A_2766, %get3A_2767, %get3A_2768] : memref<3x4x4096xf32, #tpu.memory_space<vmem>>, vector<1x1x128xf32>
    %get3A_2770 = vector.shape_cast %get3A_2769 : vector<1x1x128xf32> to vector<1x128xf32>
    %sub3A_2771 = vector.broadcast %slice3A_2418 : vector<512x1xf32> to vector<512x128xf32>
    %sub3A_2772 = vector.broadcast %get3A_2770 : vector<1x128xf32> to vector<512x128xf32>
    %sub3A_2773 = arith.subf %sub3A_2771, %sub3A_2772 : vector<512x128xf32>
    %mul3A_2774 = arith.mulf %sub3A_2773, %sub3A_2773 : vector<512x128xf32>
    %add3A_2775 = arith.addf %mul3A_2765, %mul3A_2774 : vector<512x128xf32>
    %get3A_2776 = arith.constant 2 : index
    %get3A_2777 = arith.constant 2 : index
    %get3A_2778 = arith.constant 1280 : index
    %get3A_2779 = vector.load %arg1[%get3A_2776, %get3A_2777, %get3A_2778] : memref<3x4x4096xf32, #tpu.memory_space<vmem>>, vector<1x1x128xf32>
    %get3A_2780 = vector.shape_cast %get3A_2779 : vector<1x1x128xf32> to vector<1x128xf32>
    %sub3A_2781 = vector.broadcast %slice3A_2419 : vector<512x1xf32> to vector<512x128xf32>
    %sub3A_2782 = vector.broadcast %get3A_2780 : vector<1x128xf32> to vector<512x128xf32>
    %sub3A_2783 = arith.subf %sub3A_2781, %sub3A_2782 : vector<512x128xf32>
    %mul3A_2784 = arith.mulf %sub3A_2783, %sub3A_2783 : vector<512x128xf32>
    %add3A_2785 = arith.addf %add3A_2775, %mul3A_2784 : vector<512x128xf32>
    %lt3A_2786 = arith.cmpf olt, %add3A_2785, %select_n3A_2753 : vector<512x128xf32>
    %select_n3A_2787 = arith.select %lt3A_2786, %add3A_2785, %select_n3A_2753 : vector<512x128xi1>, vector<512x128xf32>
    %jit3A_2788 = arith.constant 10 : i32
    %broadcast_in_dim3A_2789 = vector.broadcast %jit3A_2788 : i32 to vector<512x128xi32>
    %select_n3A_2790 = arith.select %lt3A_2786, %broadcast_in_dim3A_2789, %select_n3A_2756 : vector<512x128xi1>, vector<512x128xi32>
    %get3A_2791 = arith.constant 0 : index
    %get3A_2792 = arith.constant 2 : index
    %get3A_2793 = arith.constant 1408 : index
    %get3A_2794 = vector.load %arg1[%get3A_2791, %get3A_2792, %get3A_2793] : memref<3x4x4096xf32, #tpu.memory_space<vmem>>, vector<1x1x128xf32>
    %get3A_2795 = vector.shape_cast %get3A_2794 : vector<1x1x128xf32> to vector<1x128xf32>
    %sub3A_2796 = vector.broadcast %slice3A_2417 : vector<512x1xf32> to vector<512x128xf32>
    %sub3A_2797 = vector.broadcast %get3A_2795 : vector<1x128xf32> to vector<512x128xf32>
    %sub3A_2798 = arith.subf %sub3A_2796, %sub3A_2797 : vector<512x128xf32>
    %mul3A_2799 = arith.mulf %sub3A_2798, %sub3A_2798 : vector<512x128xf32>
    %get3A_2800 = arith.constant 1 : index
    %get3A_2801 = arith.constant 2 : index
    %get3A_2802 = arith.constant 1408 : index
    %get3A_2803 = vector.load %arg1[%get3A_2800, %get3A_2801, %get3A_2802] : memref<3x4x4096xf32, #tpu.memory_space<vmem>>, vector<1x1x128xf32>
    %get3A_2804 = vector.shape_cast %get3A_2803 : vector<1x1x128xf32> to vector<1x128xf32>
    %sub3A_2805 = vector.broadcast %slice3A_2418 : vector<512x1xf32> to vector<512x128xf32>
    %sub3A_2806 = vector.broadcast %get3A_2804 : vector<1x128xf32> to vector<512x128xf32>
    %sub3A_2807 = arith.subf %sub3A_2805, %sub3A_2806 : vector<512x128xf32>
    %mul3A_2808 = arith.mulf %sub3A_2807, %sub3A_2807 : vector<512x128xf32>
    %add3A_2809 = arith.addf %mul3A_2799, %mul3A_2808 : vector<512x128xf32>
    %get3A_2810 = arith.constant 2 : index
    %get3A_2811 = arith.constant 2 : index
    %get3A_2812 = arith.constant 1408 : index
    %get3A_2813 = vector.load %arg1[%get3A_2810, %get3A_2811, %get3A_2812] : memref<3x4x4096xf32, #tpu.memory_space<vmem>>, vector<1x1x128xf32>
    %get3A_2814 = vector.shape_cast %get3A_2813 : vector<1x1x128xf32> to vector<1x128xf32>
    %sub3A_2815 = vector.broadcast %slice3A_2419 : vector<512x1xf32> to vector<512x128xf32>
    %sub3A_2816 = vector.broadcast %get3A_2814 : vector<1x128xf32> to vector<512x128xf32>
    %sub3A_2817 = arith.subf %sub3A_2815, %sub3A_2816 : vector<512x128xf32>
    %mul3A_2818 = arith.mulf %sub3A_2817, %sub3A_2817 : vector<512x128xf32>
    %add3A_2819 = arith.addf %add3A_2809, %mul3A_2818 : vector<512x128xf32>
    %lt3A_2820 = arith.cmpf olt, %add3A_2819, %select_n3A_2787 : vector<512x128xf32>
    %select_n3A_2821 = arith.select %lt3A_2820, %add3A_2819, %select_n3A_2787 : vector<512x128xi1>, vector<512x128xf32>
    %jit3A_2822 = arith.constant 11 : i32
    %broadcast_in_dim3A_2823 = vector.broadcast %jit3A_2822 : i32 to vector<512x128xi32>
    %select_n3A_2824 = arith.select %lt3A_2820, %broadcast_in_dim3A_2823, %select_n3A_2790 : vector<512x128xi1>, vector<512x128xi32>
    %get3A_2825 = arith.constant 0 : index
    %get3A_2826 = arith.constant 2 : index
    %get3A_2827 = arith.constant 1536 : index
    %get3A_2828 = vector.load %arg1[%get3A_2825, %get3A_2826, %get3A_2827] : memref<3x4x4096xf32, #tpu.memory_space<vmem>>, vector<1x1x128xf32>
    %get3A_2829 = vector.shape_cast %get3A_2828 : vector<1x1x128xf32> to vector<1x128xf32>
    %sub3A_2830 = vector.broadcast %slice3A_2417 : vector<512x1xf32> to vector<512x128xf32>
    %sub3A_2831 = vector.broadcast %get3A_2829 : vector<1x128xf32> to vector<512x128xf32>
    %sub3A_2832 = arith.subf %sub3A_2830, %sub3A_2831 : vector<512x128xf32>
    %mul3A_2833 = arith.mulf %sub3A_2832, %sub3A_2832 : vector<512x128xf32>
    %get3A_2834 = arith.constant 1 : index
    %get3A_2835 = arith.constant 2 : index
    %get3A_2836 = arith.constant 1536 : index
    %get3A_2837 = vector.load %arg1[%get3A_2834, %get3A_2835, %get3A_2836] : memref<3x4x4096xf32, #tpu.memory_space<vmem>>, vector<1x1x128xf32>
    %get3A_2838 = vector.shape_cast %get3A_2837 : vector<1x1x128xf32> to vector<1x128xf32>
    %sub3A_2839 = vector.broadcast %slice3A_2418 : vector<512x1xf32> to vector<512x128xf32>
    %sub3A_2840 = vector.broadcast %get3A_2838 : vector<1x128xf32> to vector<512x128xf32>
    %sub3A_2841 = arith.subf %sub3A_2839, %sub3A_2840 : vector<512x128xf32>
    %mul3A_2842 = arith.mulf %sub3A_2841, %sub3A_2841 : vector<512x128xf32>
    %add3A_2843 = arith.addf %mul3A_2833, %mul3A_2842 : vector<512x128xf32>
    %get3A_2844 = arith.constant 2 : index
    %get3A_2845 = arith.constant 2 : index
    %get3A_2846 = arith.constant 1536 : index
    %get3A_2847 = vector.load %arg1[%get3A_2844, %get3A_2845, %get3A_2846] : memref<3x4x4096xf32, #tpu.memory_space<vmem>>, vector<1x1x128xf32>
    %get3A_2848 = vector.shape_cast %get3A_2847 : vector<1x1x128xf32> to vector<1x128xf32>
    %sub3A_2849 = vector.broadcast %slice3A_2419 : vector<512x1xf32> to vector<512x128xf32>
    %sub3A_2850 = vector.broadcast %get3A_2848 : vector<1x128xf32> to vector<512x128xf32>
    %sub3A_2851 = arith.subf %sub3A_2849, %sub3A_2850 : vector<512x128xf32>
    %mul3A_2852 = arith.mulf %sub3A_2851, %sub3A_2851 : vector<512x128xf32>
    %add3A_2853 = arith.addf %add3A_2843, %mul3A_2852 : vector<512x128xf32>
    %lt3A_2854 = arith.cmpf olt, %add3A_2853, %select_n3A_2821 : vector<512x128xf32>
    %select_n3A_2855 = arith.select %lt3A_2854, %add3A_2853, %select_n3A_2821 : vector<512x128xi1>, vector<512x128xf32>
    %jit3A_2856 = arith.constant 12 : i32
    %broadcast_in_dim3A_2857 = vector.broadcast %jit3A_2856 : i32 to vector<512x128xi32>
    %select_n3A_2858 = arith.select %lt3A_2854, %broadcast_in_dim3A_2857, %select_n3A_2824 : vector<512x128xi1>, vector<512x128xi32>
    %get3A_2859 = arith.constant 0 : index
    %get3A_2860 = arith.constant 2 : index
    %get3A_2861 = arith.constant 1664 : index
    %get3A_2862 = vector.load %arg1[%get3A_2859, %get3A_2860, %get3A_2861] : memref<3x4x4096xf32, #tpu.memory_space<vmem>>, vector<1x1x128xf32>
    %get3A_2863 = vector.shape_cast %get3A_2862 : vector<1x1x128xf32> to vector<1x128xf32>
    %sub3A_2864 = vector.broadcast %slice3A_2417 : vector<512x1xf32> to vector<512x128xf32>
    %sub3A_2865 = vector.broadcast %get3A_2863 : vector<1x128xf32> to vector<512x128xf32>
    %sub3A_2866 = arith.subf %sub3A_2864, %sub3A_2865 : vector<512x128xf32>
    %mul3A_2867 = arith.mulf %sub3A_2866, %sub3A_2866 : vector<512x128xf32>
    %get3A_2868 = arith.constant 1 : index
    %get3A_2869 = arith.constant 2 : index
    %get3A_2870 = arith.constant 1664 : index
    %get3A_2871 = vector.load %arg1[%get3A_2868, %get3A_2869, %get3A_2870] : memref<3x4x4096xf32, #tpu.memory_space<vmem>>, vector<1x1x128xf32>
    %get3A_2872 = vector.shape_cast %get3A_2871 : vector<1x1x128xf32> to vector<1x128xf32>
    %sub3A_2873 = vector.broadcast %slice3A_2418 : vector<512x1xf32> to vector<512x128xf32>
    %sub3A_2874 = vector.broadcast %get3A_2872 : vector<1x128xf32> to vector<512x128xf32>
    %sub3A_2875 = arith.subf %sub3A_2873, %sub3A_2874 : vector<512x128xf32>
    %mul3A_2876 = arith.mulf %sub3A_2875, %sub3A_2875 : vector<512x128xf32>
    %add3A_2877 = arith.addf %mul3A_2867, %mul3A_2876 : vector<512x128xf32>
    %get3A_2878 = arith.constant 2 : index
    %get3A_2879 = arith.constant 2 : index
    %get3A_2880 = arith.constant 1664 : index
    %get3A_2881 = vector.load %arg1[%get3A_2878, %get3A_2879, %get3A_2880] : memref<3x4x4096xf32, #tpu.memory_space<vmem>>, vector<1x1x128xf32>
    %get3A_2882 = vector.shape_cast %get3A_2881 : vector<1x1x128xf32> to vector<1x128xf32>
    %sub3A_2883 = vector.broadcast %slice3A_2419 : vector<512x1xf32> to vector<512x128xf32>
    %sub3A_2884 = vector.broadcast %get3A_2882 : vector<1x128xf32> to vector<512x128xf32>
    %sub3A_2885 = arith.subf %sub3A_2883, %sub3A_2884 : vector<512x128xf32>
    %mul3A_2886 = arith.mulf %sub3A_2885, %sub3A_2885 : vector<512x128xf32>
    %add3A_2887 = arith.addf %add3A_2877, %mul3A_2886 : vector<512x128xf32>
    %lt3A_2888 = arith.cmpf olt, %add3A_2887, %select_n3A_2855 : vector<512x128xf32>
    %select_n3A_2889 = arith.select %lt3A_2888, %add3A_2887, %select_n3A_2855 : vector<512x128xi1>, vector<512x128xf32>
    %jit3A_2890 = arith.constant 13 : i32
    %broadcast_in_dim3A_2891 = vector.broadcast %jit3A_2890 : i32 to vector<512x128xi32>
    %select_n3A_2892 = arith.select %lt3A_2888, %broadcast_in_dim3A_2891, %select_n3A_2858 : vector<512x128xi1>, vector<512x128xi32>
    %get3A_2893 = arith.constant 0 : index
    %get3A_2894 = arith.constant 2 : index
    %get3A_2895 = arith.constant 1792 : index
    %get3A_2896 = vector.load %arg1[%get3A_2893, %get3A_2894, %get3A_2895] : memref<3x4x4096xf32, #tpu.memory_space<vmem>>, vector<1x1x128xf32>
    %get3A_2897 = vector.shape_cast %get3A_2896 : vector<1x1x128xf32> to vector<1x128xf32>
    %sub3A_2898 = vector.broadcast %slice3A_2417 : vector<512x1xf32> to vector<512x128xf32>
    %sub3A_2899 = vector.broadcast %get3A_2897 : vector<1x128xf32> to vector<512x128xf32>
    %sub3A_2900 = arith.subf %sub3A_2898, %sub3A_2899 : vector<512x128xf32>
    %mul3A_2901 = arith.mulf %sub3A_2900, %sub3A_2900 : vector<512x128xf32>
    %get3A_2902 = arith.constant 1 : index
    %get3A_2903 = arith.constant 2 : index
    %get3A_2904 = arith.constant 1792 : index
    %get3A_2905 = vector.load %arg1[%get3A_2902, %get3A_2903, %get3A_2904] : memref<3x4x4096xf32, #tpu.memory_space<vmem>>, vector<1x1x128xf32>
    %get3A_2906 = vector.shape_cast %get3A_2905 : vector<1x1x128xf32> to vector<1x128xf32>
    %sub3A_2907 = vector.broadcast %slice3A_2418 : vector<512x1xf32> to vector<512x128xf32>
    %sub3A_2908 = vector.broadcast %get3A_2906 : vector<1x128xf32> to vector<512x128xf32>
    %sub3A_2909 = arith.subf %sub3A_2907, %sub3A_2908 : vector<512x128xf32>
    %mul3A_2910 = arith.mulf %sub3A_2909, %sub3A_2909 : vector<512x128xf32>
    %add3A_2911 = arith.addf %mul3A_2901, %mul3A_2910 : vector<512x128xf32>
    %get3A_2912 = arith.constant 2 : index
    %get3A_2913 = arith.constant 2 : index
    %get3A_2914 = arith.constant 1792 : index
    %get3A_2915 = vector.load %arg1[%get3A_2912, %get3A_2913, %get3A_2914] : memref<3x4x4096xf32, #tpu.memory_space<vmem>>, vector<1x1x128xf32>
    %get3A_2916 = vector.shape_cast %get3A_2915 : vector<1x1x128xf32> to vector<1x128xf32>
    %sub3A_2917 = vector.broadcast %slice3A_2419 : vector<512x1xf32> to vector<512x128xf32>
    %sub3A_2918 = vector.broadcast %get3A_2916 : vector<1x128xf32> to vector<512x128xf32>
    %sub3A_2919 = arith.subf %sub3A_2917, %sub3A_2918 : vector<512x128xf32>
    %mul3A_2920 = arith.mulf %sub3A_2919, %sub3A_2919 : vector<512x128xf32>
    %add3A_2921 = arith.addf %add3A_2911, %mul3A_2920 : vector<512x128xf32>
    %lt3A_2922 = arith.cmpf olt, %add3A_2921, %select_n3A_2889 : vector<512x128xf32>
    %select_n3A_2923 = arith.select %lt3A_2922, %add3A_2921, %select_n3A_2889 : vector<512x128xi1>, vector<512x128xf32>
    %jit3A_2924 = arith.constant 14 : i32
    %broadcast_in_dim3A_2925 = vector.broadcast %jit3A_2924 : i32 to vector<512x128xi32>
    %select_n3A_2926 = arith.select %lt3A_2922, %broadcast_in_dim3A_2925, %select_n3A_2892 : vector<512x128xi1>, vector<512x128xi32>
    %get3A_2927 = arith.constant 0 : index
    %get3A_2928 = arith.constant 2 : index
    %get3A_2929 = arith.constant 1920 : index
    %get3A_2930 = vector.load %arg1[%get3A_2927, %get3A_2928, %get3A_2929] : memref<3x4x4096xf32, #tpu.memory_space<vmem>>, vector<1x1x128xf32>
    %get3A_2931 = vector.shape_cast %get3A_2930 : vector<1x1x128xf32> to vector<1x128xf32>
    %sub3A_2932 = vector.broadcast %slice3A_2417 : vector<512x1xf32> to vector<512x128xf32>
    %sub3A_2933 = vector.broadcast %get3A_2931 : vector<1x128xf32> to vector<512x128xf32>
    %sub3A_2934 = arith.subf %sub3A_2932, %sub3A_2933 : vector<512x128xf32>
    %mul3A_2935 = arith.mulf %sub3A_2934, %sub3A_2934 : vector<512x128xf32>
    %get3A_2936 = arith.constant 1 : index
    %get3A_2937 = arith.constant 2 : index
    %get3A_2938 = arith.constant 1920 : index
    %get3A_2939 = vector.load %arg1[%get3A_2936, %get3A_2937, %get3A_2938] : memref<3x4x4096xf32, #tpu.memory_space<vmem>>, vector<1x1x128xf32>
    %get3A_2940 = vector.shape_cast %get3A_2939 : vector<1x1x128xf32> to vector<1x128xf32>
    %sub3A_2941 = vector.broadcast %slice3A_2418 : vector<512x1xf32> to vector<512x128xf32>
    %sub3A_2942 = vector.broadcast %get3A_2940 : vector<1x128xf32> to vector<512x128xf32>
    %sub3A_2943 = arith.subf %sub3A_2941, %sub3A_2942 : vector<512x128xf32>
    %mul3A_2944 = arith.mulf %sub3A_2943, %sub3A_2943 : vector<512x128xf32>
    %add3A_2945 = arith.addf %mul3A_2935, %mul3A_2944 : vector<512x128xf32>
    %get3A_2946 = arith.constant 2 : index
    %get3A_2947 = arith.constant 2 : index
    %get3A_2948 = arith.constant 1920 : index
    %get3A_2949 = vector.load %arg1[%get3A_2946, %get3A_2947, %get3A_2948] : memref<3x4x4096xf32, #tpu.memory_space<vmem>>, vector<1x1x128xf32>
    %get3A_2950 = vector.shape_cast %get3A_2949 : vector<1x1x128xf32> to vector<1x128xf32>
    %sub3A_2951 = vector.broadcast %slice3A_2419 : vector<512x1xf32> to vector<512x128xf32>
    %sub3A_2952 = vector.broadcast %get3A_2950 : vector<1x128xf32> to vector<512x128xf32>
    %sub3A_2953 = arith.subf %sub3A_2951, %sub3A_2952 : vector<512x128xf32>
    %mul3A_2954 = arith.mulf %sub3A_2953, %sub3A_2953 : vector<512x128xf32>
    %add3A_2955 = arith.addf %add3A_2945, %mul3A_2954 : vector<512x128xf32>
    %lt3A_2956 = arith.cmpf olt, %add3A_2955, %select_n3A_2923 : vector<512x128xf32>
    %select_n3A_2957 = arith.select %lt3A_2956, %add3A_2955, %select_n3A_2923 : vector<512x128xi1>, vector<512x128xf32>
    %jit3A_2958 = arith.constant 15 : i32
    %broadcast_in_dim3A_2959 = vector.broadcast %jit3A_2958 : i32 to vector<512x128xi32>
    %select_n3A_2960 = arith.select %lt3A_2956, %broadcast_in_dim3A_2959, %select_n3A_2926 : vector<512x128xi1>, vector<512x128xi32>
    %get3A_2961 = arith.constant 0 : index
    %get3A_2962 = arith.constant 2 : index
    %get3A_2963 = arith.constant 2048 : index
    %get3A_2964 = vector.load %arg1[%get3A_2961, %get3A_2962, %get3A_2963] : memref<3x4x4096xf32, #tpu.memory_space<vmem>>, vector<1x1x128xf32>
    %get3A_2965 = vector.shape_cast %get3A_2964 : vector<1x1x128xf32> to vector<1x128xf32>
    %sub3A_2966 = vector.broadcast %slice3A_2417 : vector<512x1xf32> to vector<512x128xf32>
    %sub3A_2967 = vector.broadcast %get3A_2965 : vector<1x128xf32> to vector<512x128xf32>
    %sub3A_2968 = arith.subf %sub3A_2966, %sub3A_2967 : vector<512x128xf32>
    %mul3A_2969 = arith.mulf %sub3A_2968, %sub3A_2968 : vector<512x128xf32>
    %get3A_2970 = arith.constant 1 : index
    %get3A_2971 = arith.constant 2 : index
    %get3A_2972 = arith.constant 2048 : index
    %get3A_2973 = vector.load %arg1[%get3A_2970, %get3A_2971, %get3A_2972] : memref<3x4x4096xf32, #tpu.memory_space<vmem>>, vector<1x1x128xf32>
    %get3A_2974 = vector.shape_cast %get3A_2973 : vector<1x1x128xf32> to vector<1x128xf32>
    %sub3A_2975 = vector.broadcast %slice3A_2418 : vector<512x1xf32> to vector<512x128xf32>
    %sub3A_2976 = vector.broadcast %get3A_2974 : vector<1x128xf32> to vector<512x128xf32>
    %sub3A_2977 = arith.subf %sub3A_2975, %sub3A_2976 : vector<512x128xf32>
    %mul3A_2978 = arith.mulf %sub3A_2977, %sub3A_2977 : vector<512x128xf32>
    %add3A_2979 = arith.addf %mul3A_2969, %mul3A_2978 : vector<512x128xf32>
    %get3A_2980 = arith.constant 2 : index
    %get3A_2981 = arith.constant 2 : index
    %get3A_2982 = arith.constant 2048 : index
    %get3A_2983 = vector.load %arg1[%get3A_2980, %get3A_2981, %get3A_2982] : memref<3x4x4096xf32, #tpu.memory_space<vmem>>, vector<1x1x128xf32>
    %get3A_2984 = vector.shape_cast %get3A_2983 : vector<1x1x128xf32> to vector<1x128xf32>
    %sub3A_2985 = vector.broadcast %slice3A_2419 : vector<512x1xf32> to vector<512x128xf32>
    %sub3A_2986 = vector.broadcast %get3A_2984 : vector<1x128xf32> to vector<512x128xf32>
    %sub3A_2987 = arith.subf %sub3A_2985, %sub3A_2986 : vector<512x128xf32>
    %mul3A_2988 = arith.mulf %sub3A_2987, %sub3A_2987 : vector<512x128xf32>
    %add3A_2989 = arith.addf %add3A_2979, %mul3A_2988 : vector<512x128xf32>
    %lt3A_2990 = arith.cmpf olt, %add3A_2989, %select_n3A_2957 : vector<512x128xf32>
    %select_n3A_2991 = arith.select %lt3A_2990, %add3A_2989, %select_n3A_2957 : vector<512x128xi1>, vector<512x128xf32>
    %jit3A_2992 = arith.constant 16 : i32
    %broadcast_in_dim3A_2993 = vector.broadcast %jit3A_2992 : i32 to vector<512x128xi32>
    %select_n3A_2994 = arith.select %lt3A_2990, %broadcast_in_dim3A_2993, %select_n3A_2960 : vector<512x128xi1>, vector<512x128xi32>
    %get3A_2995 = arith.constant 0 : index
    %get3A_2996 = arith.constant 2 : index
    %get3A_2997 = arith.constant 2176 : index
    %get3A_2998 = vector.load %arg1[%get3A_2995, %get3A_2996, %get3A_2997] : memref<3x4x4096xf32, #tpu.memory_space<vmem>>, vector<1x1x128xf32>
    %get3A_2999 = vector.shape_cast %get3A_2998 : vector<1x1x128xf32> to vector<1x128xf32>
    %sub3A_3000 = vector.broadcast %slice3A_2417 : vector<512x1xf32> to vector<512x128xf32>
    %sub3A_3001 = vector.broadcast %get3A_2999 : vector<1x128xf32> to vector<512x128xf32>
    %sub3A_3002 = arith.subf %sub3A_3000, %sub3A_3001 : vector<512x128xf32>
    %mul3A_3003 = arith.mulf %sub3A_3002, %sub3A_3002 : vector<512x128xf32>
    %get3A_3004 = arith.constant 1 : index
    %get3A_3005 = arith.constant 2 : index
    %get3A_3006 = arith.constant 2176 : index
    %get3A_3007 = vector.load %arg1[%get3A_3004, %get3A_3005, %get3A_3006] : memref<3x4x4096xf32, #tpu.memory_space<vmem>>, vector<1x1x128xf32>
    %get3A_3008 = vector.shape_cast %get3A_3007 : vector<1x1x128xf32> to vector<1x128xf32>
    %sub3A_3009 = vector.broadcast %slice3A_2418 : vector<512x1xf32> to vector<512x128xf32>
    %sub3A_3010 = vector.broadcast %get3A_3008 : vector<1x128xf32> to vector<512x128xf32>
    %sub3A_3011 = arith.subf %sub3A_3009, %sub3A_3010 : vector<512x128xf32>
    %mul3A_3012 = arith.mulf %sub3A_3011, %sub3A_3011 : vector<512x128xf32>
    %add3A_3013 = arith.addf %mul3A_3003, %mul3A_3012 : vector<512x128xf32>
    %get3A_3014 = arith.constant 2 : index
    %get3A_3015 = arith.constant 2 : index
    %get3A_3016 = arith.constant 2176 : index
    %get3A_3017 = vector.load %arg1[%get3A_3014, %get3A_3015, %get3A_3016] : memref<3x4x4096xf32, #tpu.memory_space<vmem>>, vector<1x1x128xf32>
    %get3A_3018 = vector.shape_cast %get3A_3017 : vector<1x1x128xf32> to vector<1x128xf32>
    %sub3A_3019 = vector.broadcast %slice3A_2419 : vector<512x1xf32> to vector<512x128xf32>
    %sub3A_3020 = vector.broadcast %get3A_3018 : vector<1x128xf32> to vector<512x128xf32>
    %sub3A_3021 = arith.subf %sub3A_3019, %sub3A_3020 : vector<512x128xf32>
    %mul3A_3022 = arith.mulf %sub3A_3021, %sub3A_3021 : vector<512x128xf32>
    %add3A_3023 = arith.addf %add3A_3013, %mul3A_3022 : vector<512x128xf32>
    %lt3A_3024 = arith.cmpf olt, %add3A_3023, %select_n3A_2991 : vector<512x128xf32>
    %select_n3A_3025 = arith.select %lt3A_3024, %add3A_3023, %select_n3A_2991 : vector<512x128xi1>, vector<512x128xf32>
    %jit3A_3026 = arith.constant 17 : i32
    %broadcast_in_dim3A_3027 = vector.broadcast %jit3A_3026 : i32 to vector<512x128xi32>
    %select_n3A_3028 = arith.select %lt3A_3024, %broadcast_in_dim3A_3027, %select_n3A_2994 : vector<512x128xi1>, vector<512x128xi32>
    %get3A_3029 = arith.constant 0 : index
    %get3A_3030 = arith.constant 2 : index
    %get3A_3031 = arith.constant 2304 : index
    %get3A_3032 = vector.load %arg1[%get3A_3029, %get3A_3030, %get3A_3031] : memref<3x4x4096xf32, #tpu.memory_space<vmem>>, vector<1x1x128xf32>
    %get3A_3033 = vector.shape_cast %get3A_3032 : vector<1x1x128xf32> to vector<1x128xf32>
    %sub3A_3034 = vector.broadcast %slice3A_2417 : vector<512x1xf32> to vector<512x128xf32>
    %sub3A_3035 = vector.broadcast %get3A_3033 : vector<1x128xf32> to vector<512x128xf32>
    %sub3A_3036 = arith.subf %sub3A_3034, %sub3A_3035 : vector<512x128xf32>
    %mul3A_3037 = arith.mulf %sub3A_3036, %sub3A_3036 : vector<512x128xf32>
    %get3A_3038 = arith.constant 1 : index
    %get3A_3039 = arith.constant 2 : index
    %get3A_3040 = arith.constant 2304 : index
    %get3A_3041 = vector.load %arg1[%get3A_3038, %get3A_3039, %get3A_3040] : memref<3x4x4096xf32, #tpu.memory_space<vmem>>, vector<1x1x128xf32>
    %get3A_3042 = vector.shape_cast %get3A_3041 : vector<1x1x128xf32> to vector<1x128xf32>
    %sub3A_3043 = vector.broadcast %slice3A_2418 : vector<512x1xf32> to vector<512x128xf32>
    %sub3A_3044 = vector.broadcast %get3A_3042 : vector<1x128xf32> to vector<512x128xf32>
    %sub3A_3045 = arith.subf %sub3A_3043, %sub3A_3044 : vector<512x128xf32>
    %mul3A_3046 = arith.mulf %sub3A_3045, %sub3A_3045 : vector<512x128xf32>
    %add3A_3047 = arith.addf %mul3A_3037, %mul3A_3046 : vector<512x128xf32>
    %get3A_3048 = arith.constant 2 : index
    %get3A_3049 = arith.constant 2 : index
    %get3A_3050 = arith.constant 2304 : index
    %get3A_3051 = vector.load %arg1[%get3A_3048, %get3A_3049, %get3A_3050] : memref<3x4x4096xf32, #tpu.memory_space<vmem>>, vector<1x1x128xf32>
    %get3A_3052 = vector.shape_cast %get3A_3051 : vector<1x1x128xf32> to vector<1x128xf32>
    %sub3A_3053 = vector.broadcast %slice3A_2419 : vector<512x1xf32> to vector<512x128xf32>
    %sub3A_3054 = vector.broadcast %get3A_3052 : vector<1x128xf32> to vector<512x128xf32>
    %sub3A_3055 = arith.subf %sub3A_3053, %sub3A_3054 : vector<512x128xf32>
    %mul3A_3056 = arith.mulf %sub3A_3055, %sub3A_3055 : vector<512x128xf32>
    %add3A_3057 = arith.addf %add3A_3047, %mul3A_3056 : vector<512x128xf32>
    %lt3A_3058 = arith.cmpf olt, %add3A_3057, %select_n3A_3025 : vector<512x128xf32>
    %select_n3A_3059 = arith.select %lt3A_3058, %add3A_3057, %select_n3A_3025 : vector<512x128xi1>, vector<512x128xf32>
    %jit3A_3060 = arith.constant 18 : i32
    %broadcast_in_dim3A_3061 = vector.broadcast %jit3A_3060 : i32 to vector<512x128xi32>
    %select_n3A_3062 = arith.select %lt3A_3058, %broadcast_in_dim3A_3061, %select_n3A_3028 : vector<512x128xi1>, vector<512x128xi32>
    %get3A_3063 = arith.constant 0 : index
    %get3A_3064 = arith.constant 2 : index
    %get3A_3065 = arith.constant 2432 : index
    %get3A_3066 = vector.load %arg1[%get3A_3063, %get3A_3064, %get3A_3065] : memref<3x4x4096xf32, #tpu.memory_space<vmem>>, vector<1x1x128xf32>
    %get3A_3067 = vector.shape_cast %get3A_3066 : vector<1x1x128xf32> to vector<1x128xf32>
    %sub3A_3068 = vector.broadcast %slice3A_2417 : vector<512x1xf32> to vector<512x128xf32>
    %sub3A_3069 = vector.broadcast %get3A_3067 : vector<1x128xf32> to vector<512x128xf32>
    %sub3A_3070 = arith.subf %sub3A_3068, %sub3A_3069 : vector<512x128xf32>
    %mul3A_3071 = arith.mulf %sub3A_3070, %sub3A_3070 : vector<512x128xf32>
    %get3A_3072 = arith.constant 1 : index
    %get3A_3073 = arith.constant 2 : index
    %get3A_3074 = arith.constant 2432 : index
    %get3A_3075 = vector.load %arg1[%get3A_3072, %get3A_3073, %get3A_3074] : memref<3x4x4096xf32, #tpu.memory_space<vmem>>, vector<1x1x128xf32>
    %get3A_3076 = vector.shape_cast %get3A_3075 : vector<1x1x128xf32> to vector<1x128xf32>
    %sub3A_3077 = vector.broadcast %slice3A_2418 : vector<512x1xf32> to vector<512x128xf32>
    %sub3A_3078 = vector.broadcast %get3A_3076 : vector<1x128xf32> to vector<512x128xf32>
    %sub3A_3079 = arith.subf %sub3A_3077, %sub3A_3078 : vector<512x128xf32>
    %mul3A_3080 = arith.mulf %sub3A_3079, %sub3A_3079 : vector<512x128xf32>
    %add3A_3081 = arith.addf %mul3A_3071, %mul3A_3080 : vector<512x128xf32>
    %get3A_3082 = arith.constant 2 : index
    %get3A_3083 = arith.constant 2 : index
    %get3A_3084 = arith.constant 2432 : index
    %get3A_3085 = vector.load %arg1[%get3A_3082, %get3A_3083, %get3A_3084] : memref<3x4x4096xf32, #tpu.memory_space<vmem>>, vector<1x1x128xf32>
    %get3A_3086 = vector.shape_cast %get3A_3085 : vector<1x1x128xf32> to vector<1x128xf32>
    %sub3A_3087 = vector.broadcast %slice3A_2419 : vector<512x1xf32> to vector<512x128xf32>
    %sub3A_3088 = vector.broadcast %get3A_3086 : vector<1x128xf32> to vector<512x128xf32>
    %sub3A_3089 = arith.subf %sub3A_3087, %sub3A_3088 : vector<512x128xf32>
    %mul3A_3090 = arith.mulf %sub3A_3089, %sub3A_3089 : vector<512x128xf32>
    %add3A_3091 = arith.addf %add3A_3081, %mul3A_3090 : vector<512x128xf32>
    %lt3A_3092 = arith.cmpf olt, %add3A_3091, %select_n3A_3059 : vector<512x128xf32>
    %select_n3A_3093 = arith.select %lt3A_3092, %add3A_3091, %select_n3A_3059 : vector<512x128xi1>, vector<512x128xf32>
    %jit3A_3094 = arith.constant 19 : i32
    %broadcast_in_dim3A_3095 = vector.broadcast %jit3A_3094 : i32 to vector<512x128xi32>
    %select_n3A_3096 = arith.select %lt3A_3092, %broadcast_in_dim3A_3095, %select_n3A_3062 : vector<512x128xi1>, vector<512x128xi32>
    %get3A_3097 = arith.constant 0 : index
    %get3A_3098 = arith.constant 2 : index
    %get3A_3099 = arith.constant 2560 : index
    %get3A_3100 = vector.load %arg1[%get3A_3097, %get3A_3098, %get3A_3099] : memref<3x4x4096xf32, #tpu.memory_space<vmem>>, vector<1x1x128xf32>
    %get3A_3101 = vector.shape_cast %get3A_3100 : vector<1x1x128xf32> to vector<1x128xf32>
    %sub3A_3102 = vector.broadcast %slice3A_2417 : vector<512x1xf32> to vector<512x128xf32>
    %sub3A_3103 = vector.broadcast %get3A_3101 : vector<1x128xf32> to vector<512x128xf32>
    %sub3A_3104 = arith.subf %sub3A_3102, %sub3A_3103 : vector<512x128xf32>
    %mul3A_3105 = arith.mulf %sub3A_3104, %sub3A_3104 : vector<512x128xf32>
    %get3A_3106 = arith.constant 1 : index
    %get3A_3107 = arith.constant 2 : index
    %get3A_3108 = arith.constant 2560 : index
    %get3A_3109 = vector.load %arg1[%get3A_3106, %get3A_3107, %get3A_3108] : memref<3x4x4096xf32, #tpu.memory_space<vmem>>, vector<1x1x128xf32>
    %get3A_3110 = vector.shape_cast %get3A_3109 : vector<1x1x128xf32> to vector<1x128xf32>
    %sub3A_3111 = vector.broadcast %slice3A_2418 : vector<512x1xf32> to vector<512x128xf32>
    %sub3A_3112 = vector.broadcast %get3A_3110 : vector<1x128xf32> to vector<512x128xf32>
    %sub3A_3113 = arith.subf %sub3A_3111, %sub3A_3112 : vector<512x128xf32>
    %mul3A_3114 = arith.mulf %sub3A_3113, %sub3A_3113 : vector<512x128xf32>
    %add3A_3115 = arith.addf %mul3A_3105, %mul3A_3114 : vector<512x128xf32>
    %get3A_3116 = arith.constant 2 : index
    %get3A_3117 = arith.constant 2 : index
    %get3A_3118 = arith.constant 2560 : index
    %get3A_3119 = vector.load %arg1[%get3A_3116, %get3A_3117, %get3A_3118] : memref<3x4x4096xf32, #tpu.memory_space<vmem>>, vector<1x1x128xf32>
    %get3A_3120 = vector.shape_cast %get3A_3119 : vector<1x1x128xf32> to vector<1x128xf32>
    %sub3A_3121 = vector.broadcast %slice3A_2419 : vector<512x1xf32> to vector<512x128xf32>
    %sub3A_3122 = vector.broadcast %get3A_3120 : vector<1x128xf32> to vector<512x128xf32>
    %sub3A_3123 = arith.subf %sub3A_3121, %sub3A_3122 : vector<512x128xf32>
    %mul3A_3124 = arith.mulf %sub3A_3123, %sub3A_3123 : vector<512x128xf32>
    %add3A_3125 = arith.addf %add3A_3115, %mul3A_3124 : vector<512x128xf32>
    %lt3A_3126 = arith.cmpf olt, %add3A_3125, %select_n3A_3093 : vector<512x128xf32>
    %select_n3A_3127 = arith.select %lt3A_3126, %add3A_3125, %select_n3A_3093 : vector<512x128xi1>, vector<512x128xf32>
    %jit3A_3128 = arith.constant 20 : i32
    %broadcast_in_dim3A_3129 = vector.broadcast %jit3A_3128 : i32 to vector<512x128xi32>
    %select_n3A_3130 = arith.select %lt3A_3126, %broadcast_in_dim3A_3129, %select_n3A_3096 : vector<512x128xi1>, vector<512x128xi32>
    %get3A_3131 = arith.constant 0 : index
    %get3A_3132 = arith.constant 2 : index
    %get3A_3133 = arith.constant 2688 : index
    %get3A_3134 = vector.load %arg1[%get3A_3131, %get3A_3132, %get3A_3133] : memref<3x4x4096xf32, #tpu.memory_space<vmem>>, vector<1x1x128xf32>
    %get3A_3135 = vector.shape_cast %get3A_3134 : vector<1x1x128xf32> to vector<1x128xf32>
    %sub3A_3136 = vector.broadcast %slice3A_2417 : vector<512x1xf32> to vector<512x128xf32>
    %sub3A_3137 = vector.broadcast %get3A_3135 : vector<1x128xf32> to vector<512x128xf32>
    %sub3A_3138 = arith.subf %sub3A_3136, %sub3A_3137 : vector<512x128xf32>
    %mul3A_3139 = arith.mulf %sub3A_3138, %sub3A_3138 : vector<512x128xf32>
    %get3A_3140 = arith.constant 1 : index
    %get3A_3141 = arith.constant 2 : index
    %get3A_3142 = arith.constant 2688 : index
    %get3A_3143 = vector.load %arg1[%get3A_3140, %get3A_3141, %get3A_3142] : memref<3x4x4096xf32, #tpu.memory_space<vmem>>, vector<1x1x128xf32>
    %get3A_3144 = vector.shape_cast %get3A_3143 : vector<1x1x128xf32> to vector<1x128xf32>
    %sub3A_3145 = vector.broadcast %slice3A_2418 : vector<512x1xf32> to vector<512x128xf32>
    %sub3A_3146 = vector.broadcast %get3A_3144 : vector<1x128xf32> to vector<512x128xf32>
    %sub3A_3147 = arith.subf %sub3A_3145, %sub3A_3146 : vector<512x128xf32>
    %mul3A_3148 = arith.mulf %sub3A_3147, %sub3A_3147 : vector<512x128xf32>
    %add3A_3149 = arith.addf %mul3A_3139, %mul3A_3148 : vector<512x128xf32>
    %get3A_3150 = arith.constant 2 : index
    %get3A_3151 = arith.constant 2 : index
    %get3A_3152 = arith.constant 2688 : index
    %get3A_3153 = vector.load %arg1[%get3A_3150, %get3A_3151, %get3A_3152] : memref<3x4x4096xf32, #tpu.memory_space<vmem>>, vector<1x1x128xf32>
    %get3A_3154 = vector.shape_cast %get3A_3153 : vector<1x1x128xf32> to vector<1x128xf32>
    %sub3A_3155 = vector.broadcast %slice3A_2419 : vector<512x1xf32> to vector<512x128xf32>
    %sub3A_3156 = vector.broadcast %get3A_3154 : vector<1x128xf32> to vector<512x128xf32>
    %sub3A_3157 = arith.subf %sub3A_3155, %sub3A_3156 : vector<512x128xf32>
    %mul3A_3158 = arith.mulf %sub3A_3157, %sub3A_3157 : vector<512x128xf32>
    %add3A_3159 = arith.addf %add3A_3149, %mul3A_3158 : vector<512x128xf32>
    %lt3A_3160 = arith.cmpf olt, %add3A_3159, %select_n3A_3127 : vector<512x128xf32>
    %select_n3A_3161 = arith.select %lt3A_3160, %add3A_3159, %select_n3A_3127 : vector<512x128xi1>, vector<512x128xf32>
    %jit3A_3162 = arith.constant 21 : i32
    %broadcast_in_dim3A_3163 = vector.broadcast %jit3A_3162 : i32 to vector<512x128xi32>
    %select_n3A_3164 = arith.select %lt3A_3160, %broadcast_in_dim3A_3163, %select_n3A_3130 : vector<512x128xi1>, vector<512x128xi32>
    %get3A_3165 = arith.constant 0 : index
    %get3A_3166 = arith.constant 2 : index
    %get3A_3167 = arith.constant 2816 : index
    %get3A_3168 = vector.load %arg1[%get3A_3165, %get3A_3166, %get3A_3167] : memref<3x4x4096xf32, #tpu.memory_space<vmem>>, vector<1x1x128xf32>
    %get3A_3169 = vector.shape_cast %get3A_3168 : vector<1x1x128xf32> to vector<1x128xf32>
    %sub3A_3170 = vector.broadcast %slice3A_2417 : vector<512x1xf32> to vector<512x128xf32>
    %sub3A_3171 = vector.broadcast %get3A_3169 : vector<1x128xf32> to vector<512x128xf32>
    %sub3A_3172 = arith.subf %sub3A_3170, %sub3A_3171 : vector<512x128xf32>
    %mul3A_3173 = arith.mulf %sub3A_3172, %sub3A_3172 : vector<512x128xf32>
    %get3A_3174 = arith.constant 1 : index
    %get3A_3175 = arith.constant 2 : index
    %get3A_3176 = arith.constant 2816 : index
    %get3A_3177 = vector.load %arg1[%get3A_3174, %get3A_3175, %get3A_3176] : memref<3x4x4096xf32, #tpu.memory_space<vmem>>, vector<1x1x128xf32>
    %get3A_3178 = vector.shape_cast %get3A_3177 : vector<1x1x128xf32> to vector<1x128xf32>
    %sub3A_3179 = vector.broadcast %slice3A_2418 : vector<512x1xf32> to vector<512x128xf32>
    %sub3A_3180 = vector.broadcast %get3A_3178 : vector<1x128xf32> to vector<512x128xf32>
    %sub3A_3181 = arith.subf %sub3A_3179, %sub3A_3180 : vector<512x128xf32>
    %mul3A_3182 = arith.mulf %sub3A_3181, %sub3A_3181 : vector<512x128xf32>
    %add3A_3183 = arith.addf %mul3A_3173, %mul3A_3182 : vector<512x128xf32>
    %get3A_3184 = arith.constant 2 : index
    %get3A_3185 = arith.constant 2 : index
    %get3A_3186 = arith.constant 2816 : index
    %get3A_3187 = vector.load %arg1[%get3A_3184, %get3A_3185, %get3A_3186] : memref<3x4x4096xf32, #tpu.memory_space<vmem>>, vector<1x1x128xf32>
    %get3A_3188 = vector.shape_cast %get3A_3187 : vector<1x1x128xf32> to vector<1x128xf32>
    %sub3A_3189 = vector.broadcast %slice3A_2419 : vector<512x1xf32> to vector<512x128xf32>
    %sub3A_3190 = vector.broadcast %get3A_3188 : vector<1x128xf32> to vector<512x128xf32>
    %sub3A_3191 = arith.subf %sub3A_3189, %sub3A_3190 : vector<512x128xf32>
    %mul3A_3192 = arith.mulf %sub3A_3191, %sub3A_3191 : vector<512x128xf32>
    %add3A_3193 = arith.addf %add3A_3183, %mul3A_3192 : vector<512x128xf32>
    %lt3A_3194 = arith.cmpf olt, %add3A_3193, %select_n3A_3161 : vector<512x128xf32>
    %select_n3A_3195 = arith.select %lt3A_3194, %add3A_3193, %select_n3A_3161 : vector<512x128xi1>, vector<512x128xf32>
    %jit3A_3196 = arith.constant 22 : i32
    %broadcast_in_dim3A_3197 = vector.broadcast %jit3A_3196 : i32 to vector<512x128xi32>
    %select_n3A_3198 = arith.select %lt3A_3194, %broadcast_in_dim3A_3197, %select_n3A_3164 : vector<512x128xi1>, vector<512x128xi32>
    %get3A_3199 = arith.constant 0 : index
    %get3A_3200 = arith.constant 2 : index
    %get3A_3201 = arith.constant 2944 : index
    %get3A_3202 = vector.load %arg1[%get3A_3199, %get3A_3200, %get3A_3201] : memref<3x4x4096xf32, #tpu.memory_space<vmem>>, vector<1x1x128xf32>
    %get3A_3203 = vector.shape_cast %get3A_3202 : vector<1x1x128xf32> to vector<1x128xf32>
    %sub3A_3204 = vector.broadcast %slice3A_2417 : vector<512x1xf32> to vector<512x128xf32>
    %sub3A_3205 = vector.broadcast %get3A_3203 : vector<1x128xf32> to vector<512x128xf32>
    %sub3A_3206 = arith.subf %sub3A_3204, %sub3A_3205 : vector<512x128xf32>
    %mul3A_3207 = arith.mulf %sub3A_3206, %sub3A_3206 : vector<512x128xf32>
    %get3A_3208 = arith.constant 1 : index
    %get3A_3209 = arith.constant 2 : index
    %get3A_3210 = arith.constant 2944 : index
    %get3A_3211 = vector.load %arg1[%get3A_3208, %get3A_3209, %get3A_3210] : memref<3x4x4096xf32, #tpu.memory_space<vmem>>, vector<1x1x128xf32>
    %get3A_3212 = vector.shape_cast %get3A_3211 : vector<1x1x128xf32> to vector<1x128xf32>
    %sub3A_3213 = vector.broadcast %slice3A_2418 : vector<512x1xf32> to vector<512x128xf32>
    %sub3A_3214 = vector.broadcast %get3A_3212 : vector<1x128xf32> to vector<512x128xf32>
    %sub3A_3215 = arith.subf %sub3A_3213, %sub3A_3214 : vector<512x128xf32>
    %mul3A_3216 = arith.mulf %sub3A_3215, %sub3A_3215 : vector<512x128xf32>
    %add3A_3217 = arith.addf %mul3A_3207, %mul3A_3216 : vector<512x128xf32>
    %get3A_3218 = arith.constant 2 : index
    %get3A_3219 = arith.constant 2 : index
    %get3A_3220 = arith.constant 2944 : index
    %get3A_3221 = vector.load %arg1[%get3A_3218, %get3A_3219, %get3A_3220] : memref<3x4x4096xf32, #tpu.memory_space<vmem>>, vector<1x1x128xf32>
    %get3A_3222 = vector.shape_cast %get3A_3221 : vector<1x1x128xf32> to vector<1x128xf32>
    %sub3A_3223 = vector.broadcast %slice3A_2419 : vector<512x1xf32> to vector<512x128xf32>
    %sub3A_3224 = vector.broadcast %get3A_3222 : vector<1x128xf32> to vector<512x128xf32>
    %sub3A_3225 = arith.subf %sub3A_3223, %sub3A_3224 : vector<512x128xf32>
    %mul3A_3226 = arith.mulf %sub3A_3225, %sub3A_3225 : vector<512x128xf32>
    %add3A_3227 = arith.addf %add3A_3217, %mul3A_3226 : vector<512x128xf32>
    %lt3A_3228 = arith.cmpf olt, %add3A_3227, %select_n3A_3195 : vector<512x128xf32>
    %select_n3A_3229 = arith.select %lt3A_3228, %add3A_3227, %select_n3A_3195 : vector<512x128xi1>, vector<512x128xf32>
    %jit3A_3230 = arith.constant 23 : i32
    %broadcast_in_dim3A_3231 = vector.broadcast %jit3A_3230 : i32 to vector<512x128xi32>
    %select_n3A_3232 = arith.select %lt3A_3228, %broadcast_in_dim3A_3231, %select_n3A_3198 : vector<512x128xi1>, vector<512x128xi32>
    %get3A_3233 = arith.constant 0 : index
    %get3A_3234 = arith.constant 2 : index
    %get3A_3235 = arith.constant 3072 : index
    %get3A_3236 = vector.load %arg1[%get3A_3233, %get3A_3234, %get3A_3235] : memref<3x4x4096xf32, #tpu.memory_space<vmem>>, vector<1x1x128xf32>
    %get3A_3237 = vector.shape_cast %get3A_3236 : vector<1x1x128xf32> to vector<1x128xf32>
    %sub3A_3238 = vector.broadcast %slice3A_2417 : vector<512x1xf32> to vector<512x128xf32>
    %sub3A_3239 = vector.broadcast %get3A_3237 : vector<1x128xf32> to vector<512x128xf32>
    %sub3A_3240 = arith.subf %sub3A_3238, %sub3A_3239 : vector<512x128xf32>
    %mul3A_3241 = arith.mulf %sub3A_3240, %sub3A_3240 : vector<512x128xf32>
    %get3A_3242 = arith.constant 1 : index
    %get3A_3243 = arith.constant 2 : index
    %get3A_3244 = arith.constant 3072 : index
    %get3A_3245 = vector.load %arg1[%get3A_3242, %get3A_3243, %get3A_3244] : memref<3x4x4096xf32, #tpu.memory_space<vmem>>, vector<1x1x128xf32>
    %get3A_3246 = vector.shape_cast %get3A_3245 : vector<1x1x128xf32> to vector<1x128xf32>
    %sub3A_3247 = vector.broadcast %slice3A_2418 : vector<512x1xf32> to vector<512x128xf32>
    %sub3A_3248 = vector.broadcast %get3A_3246 : vector<1x128xf32> to vector<512x128xf32>
    %sub3A_3249 = arith.subf %sub3A_3247, %sub3A_3248 : vector<512x128xf32>
    %mul3A_3250 = arith.mulf %sub3A_3249, %sub3A_3249 : vector<512x128xf32>
    %add3A_3251 = arith.addf %mul3A_3241, %mul3A_3250 : vector<512x128xf32>
    %get3A_3252 = arith.constant 2 : index
    %get3A_3253 = arith.constant 2 : index
    %get3A_3254 = arith.constant 3072 : index
    %get3A_3255 = vector.load %arg1[%get3A_3252, %get3A_3253, %get3A_3254] : memref<3x4x4096xf32, #tpu.memory_space<vmem>>, vector<1x1x128xf32>
    %get3A_3256 = vector.shape_cast %get3A_3255 : vector<1x1x128xf32> to vector<1x128xf32>
    %sub3A_3257 = vector.broadcast %slice3A_2419 : vector<512x1xf32> to vector<512x128xf32>
    %sub3A_3258 = vector.broadcast %get3A_3256 : vector<1x128xf32> to vector<512x128xf32>
    %sub3A_3259 = arith.subf %sub3A_3257, %sub3A_3258 : vector<512x128xf32>
    %mul3A_3260 = arith.mulf %sub3A_3259, %sub3A_3259 : vector<512x128xf32>
    %add3A_3261 = arith.addf %add3A_3251, %mul3A_3260 : vector<512x128xf32>
    %lt3A_3262 = arith.cmpf olt, %add3A_3261, %select_n3A_3229 : vector<512x128xf32>
    %select_n3A_3263 = arith.select %lt3A_3262, %add3A_3261, %select_n3A_3229 : vector<512x128xi1>, vector<512x128xf32>
    %jit3A_3264 = arith.constant 24 : i32
    %broadcast_in_dim3A_3265 = vector.broadcast %jit3A_3264 : i32 to vector<512x128xi32>
    %select_n3A_3266 = arith.select %lt3A_3262, %broadcast_in_dim3A_3265, %select_n3A_3232 : vector<512x128xi1>, vector<512x128xi32>
    %get3A_3267 = arith.constant 0 : index
    %get3A_3268 = arith.constant 2 : index
    %get3A_3269 = arith.constant 3200 : index
    %get3A_3270 = vector.load %arg1[%get3A_3267, %get3A_3268, %get3A_3269] : memref<3x4x4096xf32, #tpu.memory_space<vmem>>, vector<1x1x128xf32>
    %get3A_3271 = vector.shape_cast %get3A_3270 : vector<1x1x128xf32> to vector<1x128xf32>
    %sub3A_3272 = vector.broadcast %slice3A_2417 : vector<512x1xf32> to vector<512x128xf32>
    %sub3A_3273 = vector.broadcast %get3A_3271 : vector<1x128xf32> to vector<512x128xf32>
    %sub3A_3274 = arith.subf %sub3A_3272, %sub3A_3273 : vector<512x128xf32>
    %mul3A_3275 = arith.mulf %sub3A_3274, %sub3A_3274 : vector<512x128xf32>
    %get3A_3276 = arith.constant 1 : index
    %get3A_3277 = arith.constant 2 : index
    %get3A_3278 = arith.constant 3200 : index
    %get3A_3279 = vector.load %arg1[%get3A_3276, %get3A_3277, %get3A_3278] : memref<3x4x4096xf32, #tpu.memory_space<vmem>>, vector<1x1x128xf32>
    %get3A_3280 = vector.shape_cast %get3A_3279 : vector<1x1x128xf32> to vector<1x128xf32>
    %sub3A_3281 = vector.broadcast %slice3A_2418 : vector<512x1xf32> to vector<512x128xf32>
    %sub3A_3282 = vector.broadcast %get3A_3280 : vector<1x128xf32> to vector<512x128xf32>
    %sub3A_3283 = arith.subf %sub3A_3281, %sub3A_3282 : vector<512x128xf32>
    %mul3A_3284 = arith.mulf %sub3A_3283, %sub3A_3283 : vector<512x128xf32>
    %add3A_3285 = arith.addf %mul3A_3275, %mul3A_3284 : vector<512x128xf32>
    %get3A_3286 = arith.constant 2 : index
    %get3A_3287 = arith.constant 2 : index
    %get3A_3288 = arith.constant 3200 : index
    %get3A_3289 = vector.load %arg1[%get3A_3286, %get3A_3287, %get3A_3288] : memref<3x4x4096xf32, #tpu.memory_space<vmem>>, vector<1x1x128xf32>
    %get3A_3290 = vector.shape_cast %get3A_3289 : vector<1x1x128xf32> to vector<1x128xf32>
    %sub3A_3291 = vector.broadcast %slice3A_2419 : vector<512x1xf32> to vector<512x128xf32>
    %sub3A_3292 = vector.broadcast %get3A_3290 : vector<1x128xf32> to vector<512x128xf32>
    %sub3A_3293 = arith.subf %sub3A_3291, %sub3A_3292 : vector<512x128xf32>
    %mul3A_3294 = arith.mulf %sub3A_3293, %sub3A_3293 : vector<512x128xf32>
    %add3A_3295 = arith.addf %add3A_3285, %mul3A_3294 : vector<512x128xf32>
    %lt3A_3296 = arith.cmpf olt, %add3A_3295, %select_n3A_3263 : vector<512x128xf32>
    %select_n3A_3297 = arith.select %lt3A_3296, %add3A_3295, %select_n3A_3263 : vector<512x128xi1>, vector<512x128xf32>
    %jit3A_3298 = arith.constant 25 : i32
    %broadcast_in_dim3A_3299 = vector.broadcast %jit3A_3298 : i32 to vector<512x128xi32>
    %select_n3A_3300 = arith.select %lt3A_3296, %broadcast_in_dim3A_3299, %select_n3A_3266 : vector<512x128xi1>, vector<512x128xi32>
    %get3A_3301 = arith.constant 0 : index
    %get3A_3302 = arith.constant 2 : index
    %get3A_3303 = arith.constant 3328 : index
    %get3A_3304 = vector.load %arg1[%get3A_3301, %get3A_3302, %get3A_3303] : memref<3x4x4096xf32, #tpu.memory_space<vmem>>, vector<1x1x128xf32>
    %get3A_3305 = vector.shape_cast %get3A_3304 : vector<1x1x128xf32> to vector<1x128xf32>
    %sub3A_3306 = vector.broadcast %slice3A_2417 : vector<512x1xf32> to vector<512x128xf32>
    %sub3A_3307 = vector.broadcast %get3A_3305 : vector<1x128xf32> to vector<512x128xf32>
    %sub3A_3308 = arith.subf %sub3A_3306, %sub3A_3307 : vector<512x128xf32>
    %mul3A_3309 = arith.mulf %sub3A_3308, %sub3A_3308 : vector<512x128xf32>
    %get3A_3310 = arith.constant 1 : index
    %get3A_3311 = arith.constant 2 : index
    %get3A_3312 = arith.constant 3328 : index
    %get3A_3313 = vector.load %arg1[%get3A_3310, %get3A_3311, %get3A_3312] : memref<3x4x4096xf32, #tpu.memory_space<vmem>>, vector<1x1x128xf32>
    %get3A_3314 = vector.shape_cast %get3A_3313 : vector<1x1x128xf32> to vector<1x128xf32>
    %sub3A_3315 = vector.broadcast %slice3A_2418 : vector<512x1xf32> to vector<512x128xf32>
    %sub3A_3316 = vector.broadcast %get3A_3314 : vector<1x128xf32> to vector<512x128xf32>
    %sub3A_3317 = arith.subf %sub3A_3315, %sub3A_3316 : vector<512x128xf32>
    %mul3A_3318 = arith.mulf %sub3A_3317, %sub3A_3317 : vector<512x128xf32>
    %add3A_3319 = arith.addf %mul3A_3309, %mul3A_3318 : vector<512x128xf32>
    %get3A_3320 = arith.constant 2 : index
    %get3A_3321 = arith.constant 2 : index
    %get3A_3322 = arith.constant 3328 : index
    %get3A_3323 = vector.load %arg1[%get3A_3320, %get3A_3321, %get3A_3322] : memref<3x4x4096xf32, #tpu.memory_space<vmem>>, vector<1x1x128xf32>
    %get3A_3324 = vector.shape_cast %get3A_3323 : vector<1x1x128xf32> to vector<1x128xf32>
    %sub3A_3325 = vector.broadcast %slice3A_2419 : vector<512x1xf32> to vector<512x128xf32>
    %sub3A_3326 = vector.broadcast %get3A_3324 : vector<1x128xf32> to vector<512x128xf32>
    %sub3A_3327 = arith.subf %sub3A_3325, %sub3A_3326 : vector<512x128xf32>
    %mul3A_3328 = arith.mulf %sub3A_3327, %sub3A_3327 : vector<512x128xf32>
    %add3A_3329 = arith.addf %add3A_3319, %mul3A_3328 : vector<512x128xf32>
    %lt3A_3330 = arith.cmpf olt, %add3A_3329, %select_n3A_3297 : vector<512x128xf32>
    %select_n3A_3331 = arith.select %lt3A_3330, %add3A_3329, %select_n3A_3297 : vector<512x128xi1>, vector<512x128xf32>
    %jit3A_3332 = arith.constant 26 : i32
    %broadcast_in_dim3A_3333 = vector.broadcast %jit3A_3332 : i32 to vector<512x128xi32>
    %select_n3A_3334 = arith.select %lt3A_3330, %broadcast_in_dim3A_3333, %select_n3A_3300 : vector<512x128xi1>, vector<512x128xi32>
    %get3A_3335 = arith.constant 0 : index
    %get3A_3336 = arith.constant 2 : index
    %get3A_3337 = arith.constant 3456 : index
    %get3A_3338 = vector.load %arg1[%get3A_3335, %get3A_3336, %get3A_3337] : memref<3x4x4096xf32, #tpu.memory_space<vmem>>, vector<1x1x128xf32>
    %get3A_3339 = vector.shape_cast %get3A_3338 : vector<1x1x128xf32> to vector<1x128xf32>
    %sub3A_3340 = vector.broadcast %slice3A_2417 : vector<512x1xf32> to vector<512x128xf32>
    %sub3A_3341 = vector.broadcast %get3A_3339 : vector<1x128xf32> to vector<512x128xf32>
    %sub3A_3342 = arith.subf %sub3A_3340, %sub3A_3341 : vector<512x128xf32>
    %mul3A_3343 = arith.mulf %sub3A_3342, %sub3A_3342 : vector<512x128xf32>
    %get3A_3344 = arith.constant 1 : index
    %get3A_3345 = arith.constant 2 : index
    %get3A_3346 = arith.constant 3456 : index
    %get3A_3347 = vector.load %arg1[%get3A_3344, %get3A_3345, %get3A_3346] : memref<3x4x4096xf32, #tpu.memory_space<vmem>>, vector<1x1x128xf32>
    %get3A_3348 = vector.shape_cast %get3A_3347 : vector<1x1x128xf32> to vector<1x128xf32>
    %sub3A_3349 = vector.broadcast %slice3A_2418 : vector<512x1xf32> to vector<512x128xf32>
    %sub3A_3350 = vector.broadcast %get3A_3348 : vector<1x128xf32> to vector<512x128xf32>
    %sub3A_3351 = arith.subf %sub3A_3349, %sub3A_3350 : vector<512x128xf32>
    %mul3A_3352 = arith.mulf %sub3A_3351, %sub3A_3351 : vector<512x128xf32>
    %add3A_3353 = arith.addf %mul3A_3343, %mul3A_3352 : vector<512x128xf32>
    %get3A_3354 = arith.constant 2 : index
    %get3A_3355 = arith.constant 2 : index
    %get3A_3356 = arith.constant 3456 : index
    %get3A_3357 = vector.load %arg1[%get3A_3354, %get3A_3355, %get3A_3356] : memref<3x4x4096xf32, #tpu.memory_space<vmem>>, vector<1x1x128xf32>
    %get3A_3358 = vector.shape_cast %get3A_3357 : vector<1x1x128xf32> to vector<1x128xf32>
    %sub3A_3359 = vector.broadcast %slice3A_2419 : vector<512x1xf32> to vector<512x128xf32>
    %sub3A_3360 = vector.broadcast %get3A_3358 : vector<1x128xf32> to vector<512x128xf32>
    %sub3A_3361 = arith.subf %sub3A_3359, %sub3A_3360 : vector<512x128xf32>
    %mul3A_3362 = arith.mulf %sub3A_3361, %sub3A_3361 : vector<512x128xf32>
    %add3A_3363 = arith.addf %add3A_3353, %mul3A_3362 : vector<512x128xf32>
    %lt3A_3364 = arith.cmpf olt, %add3A_3363, %select_n3A_3331 : vector<512x128xf32>
    %select_n3A_3365 = arith.select %lt3A_3364, %add3A_3363, %select_n3A_3331 : vector<512x128xi1>, vector<512x128xf32>
    %jit3A_3366 = arith.constant 27 : i32
    %broadcast_in_dim3A_3367 = vector.broadcast %jit3A_3366 : i32 to vector<512x128xi32>
    %select_n3A_3368 = arith.select %lt3A_3364, %broadcast_in_dim3A_3367, %select_n3A_3334 : vector<512x128xi1>, vector<512x128xi32>
    %get3A_3369 = arith.constant 0 : index
    %get3A_3370 = arith.constant 2 : index
    %get3A_3371 = arith.constant 3584 : index
    %get3A_3372 = vector.load %arg1[%get3A_3369, %get3A_3370, %get3A_3371] : memref<3x4x4096xf32, #tpu.memory_space<vmem>>, vector<1x1x128xf32>
    %get3A_3373 = vector.shape_cast %get3A_3372 : vector<1x1x128xf32> to vector<1x128xf32>
    %sub3A_3374 = vector.broadcast %slice3A_2417 : vector<512x1xf32> to vector<512x128xf32>
    %sub3A_3375 = vector.broadcast %get3A_3373 : vector<1x128xf32> to vector<512x128xf32>
    %sub3A_3376 = arith.subf %sub3A_3374, %sub3A_3375 : vector<512x128xf32>
    %mul3A_3377 = arith.mulf %sub3A_3376, %sub3A_3376 : vector<512x128xf32>
    %get3A_3378 = arith.constant 1 : index
    %get3A_3379 = arith.constant 2 : index
    %get3A_3380 = arith.constant 3584 : index
    %get3A_3381 = vector.load %arg1[%get3A_3378, %get3A_3379, %get3A_3380] : memref<3x4x4096xf32, #tpu.memory_space<vmem>>, vector<1x1x128xf32>
    %get3A_3382 = vector.shape_cast %get3A_3381 : vector<1x1x128xf32> to vector<1x128xf32>
    %sub3A_3383 = vector.broadcast %slice3A_2418 : vector<512x1xf32> to vector<512x128xf32>
    %sub3A_3384 = vector.broadcast %get3A_3382 : vector<1x128xf32> to vector<512x128xf32>
    %sub3A_3385 = arith.subf %sub3A_3383, %sub3A_3384 : vector<512x128xf32>
    %mul3A_3386 = arith.mulf %sub3A_3385, %sub3A_3385 : vector<512x128xf32>
    %add3A_3387 = arith.addf %mul3A_3377, %mul3A_3386 : vector<512x128xf32>
    %get3A_3388 = arith.constant 2 : index
    %get3A_3389 = arith.constant 2 : index
    %get3A_3390 = arith.constant 3584 : index
    %get3A_3391 = vector.load %arg1[%get3A_3388, %get3A_3389, %get3A_3390] : memref<3x4x4096xf32, #tpu.memory_space<vmem>>, vector<1x1x128xf32>
    %get3A_3392 = vector.shape_cast %get3A_3391 : vector<1x1x128xf32> to vector<1x128xf32>
    %sub3A_3393 = vector.broadcast %slice3A_2419 : vector<512x1xf32> to vector<512x128xf32>
    %sub3A_3394 = vector.broadcast %get3A_3392 : vector<1x128xf32> to vector<512x128xf32>
    %sub3A_3395 = arith.subf %sub3A_3393, %sub3A_3394 : vector<512x128xf32>
    %mul3A_3396 = arith.mulf %sub3A_3395, %sub3A_3395 : vector<512x128xf32>
    %add3A_3397 = arith.addf %add3A_3387, %mul3A_3396 : vector<512x128xf32>
    %lt3A_3398 = arith.cmpf olt, %add3A_3397, %select_n3A_3365 : vector<512x128xf32>
    %select_n3A_3399 = arith.select %lt3A_3398, %add3A_3397, %select_n3A_3365 : vector<512x128xi1>, vector<512x128xf32>
    %jit3A_3400 = arith.constant 28 : i32
    %broadcast_in_dim3A_3401 = vector.broadcast %jit3A_3400 : i32 to vector<512x128xi32>
    %select_n3A_3402 = arith.select %lt3A_3398, %broadcast_in_dim3A_3401, %select_n3A_3368 : vector<512x128xi1>, vector<512x128xi32>
    %get3A_3403 = arith.constant 0 : index
    %get3A_3404 = arith.constant 2 : index
    %get3A_3405 = arith.constant 3712 : index
    %get3A_3406 = vector.load %arg1[%get3A_3403, %get3A_3404, %get3A_3405] : memref<3x4x4096xf32, #tpu.memory_space<vmem>>, vector<1x1x128xf32>
    %get3A_3407 = vector.shape_cast %get3A_3406 : vector<1x1x128xf32> to vector<1x128xf32>
    %sub3A_3408 = vector.broadcast %slice3A_2417 : vector<512x1xf32> to vector<512x128xf32>
    %sub3A_3409 = vector.broadcast %get3A_3407 : vector<1x128xf32> to vector<512x128xf32>
    %sub3A_3410 = arith.subf %sub3A_3408, %sub3A_3409 : vector<512x128xf32>
    %mul3A_3411 = arith.mulf %sub3A_3410, %sub3A_3410 : vector<512x128xf32>
    %get3A_3412 = arith.constant 1 : index
    %get3A_3413 = arith.constant 2 : index
    %get3A_3414 = arith.constant 3712 : index
    %get3A_3415 = vector.load %arg1[%get3A_3412, %get3A_3413, %get3A_3414] : memref<3x4x4096xf32, #tpu.memory_space<vmem>>, vector<1x1x128xf32>
    %get3A_3416 = vector.shape_cast %get3A_3415 : vector<1x1x128xf32> to vector<1x128xf32>
    %sub3A_3417 = vector.broadcast %slice3A_2418 : vector<512x1xf32> to vector<512x128xf32>
    %sub3A_3418 = vector.broadcast %get3A_3416 : vector<1x128xf32> to vector<512x128xf32>
    %sub3A_3419 = arith.subf %sub3A_3417, %sub3A_3418 : vector<512x128xf32>
    %mul3A_3420 = arith.mulf %sub3A_3419, %sub3A_3419 : vector<512x128xf32>
    %add3A_3421 = arith.addf %mul3A_3411, %mul3A_3420 : vector<512x128xf32>
    %get3A_3422 = arith.constant 2 : index
    %get3A_3423 = arith.constant 2 : index
    %get3A_3424 = arith.constant 3712 : index
    %get3A_3425 = vector.load %arg1[%get3A_3422, %get3A_3423, %get3A_3424] : memref<3x4x4096xf32, #tpu.memory_space<vmem>>, vector<1x1x128xf32>
    %get3A_3426 = vector.shape_cast %get3A_3425 : vector<1x1x128xf32> to vector<1x128xf32>
    %sub3A_3427 = vector.broadcast %slice3A_2419 : vector<512x1xf32> to vector<512x128xf32>
    %sub3A_3428 = vector.broadcast %get3A_3426 : vector<1x128xf32> to vector<512x128xf32>
    %sub3A_3429 = arith.subf %sub3A_3427, %sub3A_3428 : vector<512x128xf32>
    %mul3A_3430 = arith.mulf %sub3A_3429, %sub3A_3429 : vector<512x128xf32>
    %add3A_3431 = arith.addf %add3A_3421, %mul3A_3430 : vector<512x128xf32>
    %lt3A_3432 = arith.cmpf olt, %add3A_3431, %select_n3A_3399 : vector<512x128xf32>
    %select_n3A_3433 = arith.select %lt3A_3432, %add3A_3431, %select_n3A_3399 : vector<512x128xi1>, vector<512x128xf32>
    %jit3A_3434 = arith.constant 29 : i32
    %broadcast_in_dim3A_3435 = vector.broadcast %jit3A_3434 : i32 to vector<512x128xi32>
    %select_n3A_3436 = arith.select %lt3A_3432, %broadcast_in_dim3A_3435, %select_n3A_3402 : vector<512x128xi1>, vector<512x128xi32>
    %get3A_3437 = arith.constant 0 : index
    %get3A_3438 = arith.constant 2 : index
    %get3A_3439 = arith.constant 3840 : index
    %get3A_3440 = vector.load %arg1[%get3A_3437, %get3A_3438, %get3A_3439] : memref<3x4x4096xf32, #tpu.memory_space<vmem>>, vector<1x1x128xf32>
    %get3A_3441 = vector.shape_cast %get3A_3440 : vector<1x1x128xf32> to vector<1x128xf32>
    %sub3A_3442 = vector.broadcast %slice3A_2417 : vector<512x1xf32> to vector<512x128xf32>
    %sub3A_3443 = vector.broadcast %get3A_3441 : vector<1x128xf32> to vector<512x128xf32>
    %sub3A_3444 = arith.subf %sub3A_3442, %sub3A_3443 : vector<512x128xf32>
    %mul3A_3445 = arith.mulf %sub3A_3444, %sub3A_3444 : vector<512x128xf32>
    %get3A_3446 = arith.constant 1 : index
    %get3A_3447 = arith.constant 2 : index
    %get3A_3448 = arith.constant 3840 : index
    %get3A_3449 = vector.load %arg1[%get3A_3446, %get3A_3447, %get3A_3448] : memref<3x4x4096xf32, #tpu.memory_space<vmem>>, vector<1x1x128xf32>
    %get3A_3450 = vector.shape_cast %get3A_3449 : vector<1x1x128xf32> to vector<1x128xf32>
    %sub3A_3451 = vector.broadcast %slice3A_2418 : vector<512x1xf32> to vector<512x128xf32>
    %sub3A_3452 = vector.broadcast %get3A_3450 : vector<1x128xf32> to vector<512x128xf32>
    %sub3A_3453 = arith.subf %sub3A_3451, %sub3A_3452 : vector<512x128xf32>
    %mul3A_3454 = arith.mulf %sub3A_3453, %sub3A_3453 : vector<512x128xf32>
    %add3A_3455 = arith.addf %mul3A_3445, %mul3A_3454 : vector<512x128xf32>
    %get3A_3456 = arith.constant 2 : index
    %get3A_3457 = arith.constant 2 : index
    %get3A_3458 = arith.constant 3840 : index
    %get3A_3459 = vector.load %arg1[%get3A_3456, %get3A_3457, %get3A_3458] : memref<3x4x4096xf32, #tpu.memory_space<vmem>>, vector<1x1x128xf32>
    %get3A_3460 = vector.shape_cast %get3A_3459 : vector<1x1x128xf32> to vector<1x128xf32>
    %sub3A_3461 = vector.broadcast %slice3A_2419 : vector<512x1xf32> to vector<512x128xf32>
    %sub3A_3462 = vector.broadcast %get3A_3460 : vector<1x128xf32> to vector<512x128xf32>
    %sub3A_3463 = arith.subf %sub3A_3461, %sub3A_3462 : vector<512x128xf32>
    %mul3A_3464 = arith.mulf %sub3A_3463, %sub3A_3463 : vector<512x128xf32>
    %add3A_3465 = arith.addf %add3A_3455, %mul3A_3464 : vector<512x128xf32>
    %lt3A_3466 = arith.cmpf olt, %add3A_3465, %select_n3A_3433 : vector<512x128xf32>
    %select_n3A_3467 = arith.select %lt3A_3466, %add3A_3465, %select_n3A_3433 : vector<512x128xi1>, vector<512x128xf32>
    %jit3A_3468 = arith.constant 30 : i32
    %broadcast_in_dim3A_3469 = vector.broadcast %jit3A_3468 : i32 to vector<512x128xi32>
    %select_n3A_3470 = arith.select %lt3A_3466, %broadcast_in_dim3A_3469, %select_n3A_3436 : vector<512x128xi1>, vector<512x128xi32>
    %get3A_3471 = arith.constant 0 : index
    %get3A_3472 = arith.constant 2 : index
    %get3A_3473 = arith.constant 3968 : index
    %get3A_3474 = vector.load %arg1[%get3A_3471, %get3A_3472, %get3A_3473] : memref<3x4x4096xf32, #tpu.memory_space<vmem>>, vector<1x1x128xf32>
    %get3A_3475 = vector.shape_cast %get3A_3474 : vector<1x1x128xf32> to vector<1x128xf32>
    %sub3A_3476 = vector.broadcast %slice3A_2417 : vector<512x1xf32> to vector<512x128xf32>
    %sub3A_3477 = vector.broadcast %get3A_3475 : vector<1x128xf32> to vector<512x128xf32>
    %sub3A_3478 = arith.subf %sub3A_3476, %sub3A_3477 : vector<512x128xf32>
    %mul3A_3479 = arith.mulf %sub3A_3478, %sub3A_3478 : vector<512x128xf32>
    %get3A_3480 = arith.constant 1 : index
    %get3A_3481 = arith.constant 2 : index
    %get3A_3482 = arith.constant 3968 : index
    %get3A_3483 = vector.load %arg1[%get3A_3480, %get3A_3481, %get3A_3482] : memref<3x4x4096xf32, #tpu.memory_space<vmem>>, vector<1x1x128xf32>
    %get3A_3484 = vector.shape_cast %get3A_3483 : vector<1x1x128xf32> to vector<1x128xf32>
    %sub3A_3485 = vector.broadcast %slice3A_2418 : vector<512x1xf32> to vector<512x128xf32>
    %sub3A_3486 = vector.broadcast %get3A_3484 : vector<1x128xf32> to vector<512x128xf32>
    %sub3A_3487 = arith.subf %sub3A_3485, %sub3A_3486 : vector<512x128xf32>
    %mul3A_3488 = arith.mulf %sub3A_3487, %sub3A_3487 : vector<512x128xf32>
    %add3A_3489 = arith.addf %mul3A_3479, %mul3A_3488 : vector<512x128xf32>
    %get3A_3490 = arith.constant 2 : index
    %get3A_3491 = arith.constant 2 : index
    %get3A_3492 = arith.constant 3968 : index
    %get3A_3493 = vector.load %arg1[%get3A_3490, %get3A_3491, %get3A_3492] : memref<3x4x4096xf32, #tpu.memory_space<vmem>>, vector<1x1x128xf32>
    %get3A_3494 = vector.shape_cast %get3A_3493 : vector<1x1x128xf32> to vector<1x128xf32>
    %sub3A_3495 = vector.broadcast %slice3A_2419 : vector<512x1xf32> to vector<512x128xf32>
    %sub3A_3496 = vector.broadcast %get3A_3494 : vector<1x128xf32> to vector<512x128xf32>
    %sub3A_3497 = arith.subf %sub3A_3495, %sub3A_3496 : vector<512x128xf32>
    %mul3A_3498 = arith.mulf %sub3A_3497, %sub3A_3497 : vector<512x128xf32>
    %add3A_3499 = arith.addf %add3A_3489, %mul3A_3498 : vector<512x128xf32>
    %lt3A_3500 = arith.cmpf olt, %add3A_3499, %select_n3A_3467 : vector<512x128xf32>
    %select_n3A_3501 = arith.select %lt3A_3500, %add3A_3499, %select_n3A_3467 : vector<512x128xi1>, vector<512x128xf32>
    %jit3A_3502 = arith.constant 31 : i32
    %broadcast_in_dim3A_3503 = vector.broadcast %jit3A_3502 : i32 to vector<512x128xi32>
    %select_n3A_3504 = arith.select %lt3A_3500, %broadcast_in_dim3A_3503, %select_n3A_3470 : vector<512x128xi1>, vector<512x128xi32>
    %reduce_min3A_3505 = arith.constant dense<0x7F800000> : vector<512xf32>
    %reduce_min3A_3506 = vector.multi_reduction <minimumf>, %select_n3A_3501, %reduce_min3A_3505 [1] : vector<512x128xf32> to vector<512xf32>
    %broadcast_in_dim3A_3507 = vector.shape_cast %reduce_min3A_3506 : vector<512xf32> to vector<512x1xf32>
    %eq3A_3508 = vector.broadcast %broadcast_in_dim3A_3507 : vector<512x1xf32> to vector<512x128xf32>
    %eq3A_3509 = arith.cmpf oeq, %select_n3A_3501, %eq3A_3508 : vector<512x128xf32>
    %mul3A_3510 = arith.constant 128 : i32
    %mul3A_3511 = vector.broadcast %mul3A_3510 : i32 to vector<512x128xi32>
    %mul3A_3512 = arith.muli %select_n3A_3504, %mul3A_3511 : vector<512x128xi32>
    %add3A_3513 = arith.addi %mul3A_3512, %iota3A : vector<512x128xi32>
    %jit3A_3514 = arith.constant 4096 : i32
    %broadcast_in_dim3A_3515 = vector.broadcast %jit3A_3514 : i32 to vector<512x128xi32>
    %select_n3A_3516 = arith.select %eq3A_3509, %add3A_3513, %broadcast_in_dim3A_3515 : vector<512x128xi1>, vector<512x128xi32>
    %reduce_min3A_3517 = arith.constant dense<2147483647> : vector<512xi32>
    %reduce_min3A_3518 = vector.multi_reduction <minsi>, %select_n3A_3516, %reduce_min3A_3517 [1] : vector<512x128xi32> to vector<512xi32>
    %add3A_3519 = arith.constant 8192 : i32
    %add3A_3520 = vector.broadcast %add3A_3519 : i32 to vector<512xi32>
    %add3A_3521 = arith.addi %reduce_min3A_3518, %add3A_3520 : vector<512xi32>
    %swap3A_3522 = arith.constant 0 : index
    %swap3A_3523 = arith.constant 1024 : index
    %swap3A_3524 = vector.load %arg3[%swap3A_3522, %swap3A_3523] : memref<1x2048xi32, #tpu.memory_space<vmem>>, vector<1x512xi32>
    %swap3A_3525 = vector.shape_cast %swap3A_3524 : vector<1x512xi32> to vector<512xi32>
    %swap3A_3526 = vector.shape_cast %add3A_3521 : vector<512xi32> to vector<1x512xi32>
    tpu.vector_store %arg3[%swap3A_3522, %swap3A_3523], %swap3A_3526 {strides = array<i32>} : memref<1x2048xi32, #tpu.memory_space<vmem>>, vector<1x512xi32>,
    %squeeze3A_3527 = vector.shape_cast %broadcast_in_dim3A_3507 : vector<512x1xf32> to vector<512xf32>
    %sqrt3A_3528 = math.sqrt %squeeze3A_3527 : vector<512xf32>
    %swap3A_3529 = arith.constant 0 : index
    %swap3A_3530 = arith.constant 1024 : index
    %swap3A_3531 = vector.load %arg4[%swap3A_3529, %swap3A_3530] : memref<1x2048xf32, #tpu.memory_space<vmem>>, vector<1x512xf32>
    %swap3A_3532 = vector.shape_cast %swap3A_3531 : vector<1x512xf32> to vector<512xf32>
    %swap3A_3533 = vector.shape_cast %sqrt3A_3528 : vector<512xf32> to vector<1x512xf32>
    tpu.vector_store %arg4[%swap3A_3529, %swap3A_3530], %swap3A_3533 {strides = array<i32>} : memref<1x2048xf32, #tpu.memory_space<vmem>>, vector<1x512xf32>,
    %get3A_3534 = arith.constant 0 : index
    %get3A_3535 = arith.constant 2 : index
    %get3A_3536 = arith.constant 0 : index
    %get3A_3537 = vector.load %arg0[%get3A_3534, %get3A_3535, %get3A_3536] : memref<3x4x512xf32, #tpu.memory_space<vmem>>, vector<1x1x512xf32>
    %get3A_3538 = vector.shape_cast %get3A_3537 : vector<1x1x512xf32> to vector<512xf32>
    %swap3A_3539 = arith.constant 0 : index
    %swap3A_3540 = arith.constant 1024 : index
    %swap3A_3541 = vector.load %arg5[%swap3A_3539, %swap3A_3540] : memref<1x2048xf32, #tpu.memory_space<vmem>>, vector<1x512xf32>
    %swap3A_3542 = vector.shape_cast %swap3A_3541 : vector<1x512xf32> to vector<512xf32>
    %swap3A_3543 = vector.shape_cast %get3A_3538 : vector<512xf32> to vector<1x512xf32>
    tpu.vector_store %arg5[%swap3A_3539, %swap3A_3540], %swap3A_3543 {strides = array<i32>} : memref<1x2048xf32, #tpu.memory_space<vmem>>, vector<1x512xf32>,
    %get3A_3544 = arith.constant 1 : index
    %get3A_3545 = arith.constant 2 : index
    %get3A_3546 = arith.constant 0 : index
    %get3A_3547 = vector.load %arg0[%get3A_3544, %get3A_3545, %get3A_3546] : memref<3x4x512xf32, #tpu.memory_space<vmem>>, vector<1x1x512xf32>
    %get3A_3548 = vector.shape_cast %get3A_3547 : vector<1x1x512xf32> to vector<512xf32>
    %swap3A_3549 = arith.constant 0 : index
    %swap3A_3550 = arith.constant 1024 : index
    %swap3A_3551 = vector.load %arg6[%swap3A_3549, %swap3A_3550] : memref<1x2048xf32, #tpu.memory_space<vmem>>, vector<1x512xf32>
    %swap3A_3552 = vector.shape_cast %swap3A_3551 : vector<1x512xf32> to vector<512xf32>
    %swap3A_3553 = vector.shape_cast %get3A_3548 : vector<512xf32> to vector<1x512xf32>
    tpu.vector_store %arg6[%swap3A_3549, %swap3A_3550], %swap3A_3553 {strides = array<i32>} : memref<1x2048xf32, #tpu.memory_space<vmem>>, vector<1x512xf32>,
    %get3A_3554 = arith.constant 2 : index
    %get3A_3555 = arith.constant 2 : index
    %get3A_3556 = arith.constant 0 : index
    %get3A_3557 = vector.load %arg0[%get3A_3554, %get3A_3555, %get3A_3556] : memref<3x4x512xf32, #tpu.memory_space<vmem>>, vector<1x1x512xf32>
    %get3A_3558 = vector.shape_cast %get3A_3557 : vector<1x1x512xf32> to vector<512xf32>
    %swap3A_3559 = arith.constant 0 : index
    %swap3A_3560 = arith.constant 1024 : index
    %swap3A_3561 = vector.load %arg7[%swap3A_3559, %swap3A_3560] : memref<1x2048xf32, #tpu.memory_space<vmem>>, vector<1x512xf32>
    %swap3A_3562 = vector.shape_cast %swap3A_3561 : vector<1x512xf32> to vector<512xf32>
    %swap3A_3563 = vector.shape_cast %get3A_3558 : vector<512xf32> to vector<1x512xf32>
    tpu.vector_store %arg7[%swap3A_3559, %swap3A_3560], %swap3A_3563 {strides = array<i32>} : memref<1x2048xf32, #tpu.memory_space<vmem>>, vector<1x512xf32>,
    %get3A_3564 = arith.constant 0 : index
    %get3A_3565 = arith.constant 2 : index
    %get3A_3566 = arith.constant 0 : index
    %get3A_3567 = vector.load %arg1[%get3A_3564, %get3A_3565, %get3A_3566] : memref<3x4x4096xf32, #tpu.memory_space<vmem>>, vector<1x1x4096xf32>
    %get3A_3568 = vector.shape_cast %get3A_3567 : vector<1x1x4096xf32> to vector<4096xf32>
    %swap3A_3569 = arith.constant 0 : index
    %swap3A_3570 = arith.constant 8192 : index
    %swap3A_3571 = vector.load %arg8[%swap3A_3569, %swap3A_3570] : memref<1x16384xf32, #tpu.memory_space<vmem>>, vector<1x4096xf32>
    %swap3A_3572 = vector.shape_cast %swap3A_3571 : vector<1x4096xf32> to vector<4096xf32>
    %swap3A_3573 = vector.shape_cast %get3A_3568 : vector<4096xf32> to vector<1x4096xf32>
    tpu.vector_store %arg8[%swap3A_3569, %swap3A_3570], %swap3A_3573 {strides = array<i32>} : memref<1x16384xf32, #tpu.memory_space<vmem>>, vector<1x4096xf32>,
    %get3A_3574 = arith.constant 1 : index
    %get3A_3575 = arith.constant 2 : index
    %get3A_3576 = arith.constant 0 : index
    %get3A_3577 = vector.load %arg1[%get3A_3574, %get3A_3575, %get3A_3576] : memref<3x4x4096xf32, #tpu.memory_space<vmem>>, vector<1x1x4096xf32>
    %get3A_3578 = vector.shape_cast %get3A_3577 : vector<1x1x4096xf32> to vector<4096xf32>
    %swap3A_3579 = arith.constant 0 : index
    %swap3A_3580 = arith.constant 8192 : index
    %swap3A_3581 = vector.load %arg9[%swap3A_3579, %swap3A_3580] : memref<1x16384xf32, #tpu.memory_space<vmem>>, vector<1x4096xf32>
    %swap3A_3582 = vector.shape_cast %swap3A_3581 : vector<1x4096xf32> to vector<4096xf32>
    %swap3A_3583 = vector.shape_cast %get3A_3578 : vector<4096xf32> to vector<1x4096xf32>
    tpu.vector_store %arg9[%swap3A_3579, %swap3A_3580], %swap3A_3583 {strides = array<i32>} : memref<1x16384xf32, #tpu.memory_space<vmem>>, vector<1x4096xf32>,
    %get3A_3584 = arith.constant 2 : index
    %get3A_3585 = arith.constant 2 : index
    %get3A_3586 = arith.constant 0 : index
    %get3A_3587 = vector.load %arg1[%get3A_3584, %get3A_3585, %get3A_3586] : memref<3x4x4096xf32, #tpu.memory_space<vmem>>, vector<1x1x4096xf32>
    %get3A_3588 = vector.shape_cast %get3A_3587 : vector<1x1x4096xf32> to vector<4096xf32>
    %swap3A_3589 = arith.constant 0 : index
    %swap3A_3590 = arith.constant 8192 : index
    %swap3A_3591 = vector.load %arg10[%swap3A_3589, %swap3A_3590] : memref<1x16384xf32, #tpu.memory_space<vmem>>, vector<1x4096xf32>
    %swap3A_3592 = vector.shape_cast %swap3A_3591 : vector<1x4096xf32> to vector<4096xf32>
    %swap3A_3593 = vector.shape_cast %get3A_3588 : vector<4096xf32> to vector<1x4096xf32>
    tpu.vector_store %arg10[%swap3A_3589, %swap3A_3590], %swap3A_3593 {strides = array<i32>} : memref<1x16384xf32, #tpu.memory_space<vmem>>, vector<1x4096xf32>,
    %get3A_3594 = arith.constant 0 : index
    %get3A_3595 = arith.constant 2 : index
    %get3A_3596 = arith.constant 0 : index
    %get3A_3597 = vector.load %arg2[%get3A_3594, %get3A_3595, %get3A_3596] : memref<3x4x4096xf32, #tpu.memory_space<vmem>>, vector<1x1x4096xf32>
    %get3A_3598 = vector.shape_cast %get3A_3597 : vector<1x1x4096xf32> to vector<4096xf32>
    %swap3A_3599 = arith.constant 0 : index
    %swap3A_3600 = arith.constant 8192 : index
    %swap3A_3601 = vector.load %arg11[%swap3A_3599, %swap3A_3600] : memref<1x16384xf32, #tpu.memory_space<vmem>>, vector<1x4096xf32>
    %swap3A_3602 = vector.shape_cast %swap3A_3601 : vector<1x4096xf32> to vector<4096xf32>
    %swap3A_3603 = vector.shape_cast %get3A_3598 : vector<4096xf32> to vector<1x4096xf32>
    tpu.vector_store %arg11[%swap3A_3599, %swap3A_3600], %swap3A_3603 {strides = array<i32>} : memref<1x16384xf32, #tpu.memory_space<vmem>>, vector<1x4096xf32>,
    %get3A_3604 = arith.constant 1 : index
    %get3A_3605 = arith.constant 2 : index
    %get3A_3606 = arith.constant 0 : index
    %get3A_3607 = vector.load %arg2[%get3A_3604, %get3A_3605, %get3A_3606] : memref<3x4x4096xf32, #tpu.memory_space<vmem>>, vector<1x1x4096xf32>
    %get3A_3608 = vector.shape_cast %get3A_3607 : vector<1x1x4096xf32> to vector<4096xf32>
    %swap3A_3609 = arith.constant 0 : index
    %swap3A_3610 = arith.constant 8192 : index
    %swap3A_3611 = vector.load %arg12[%swap3A_3609, %swap3A_3610] : memref<1x16384xf32, #tpu.memory_space<vmem>>, vector<1x4096xf32>
    %swap3A_3612 = vector.shape_cast %swap3A_3611 : vector<1x4096xf32> to vector<4096xf32>
    %swap3A_3613 = vector.shape_cast %get3A_3608 : vector<4096xf32> to vector<1x4096xf32>
    tpu.vector_store %arg12[%swap3A_3609, %swap3A_3610], %swap3A_3613 {strides = array<i32>} : memref<1x16384xf32, #tpu.memory_space<vmem>>, vector<1x4096xf32>,
    %get3A_3614 = arith.constant 2 : index
    %get3A_3615 = arith.constant 2 : index
    %get3A_3616 = arith.constant 0 : index
    %get3A_3617 = vector.load %arg2[%get3A_3614, %get3A_3615, %get3A_3616] : memref<3x4x4096xf32, #tpu.memory_space<vmem>>, vector<1x1x4096xf32>
    %get3A_3618 = vector.shape_cast %get3A_3617 : vector<1x1x4096xf32> to vector<4096xf32>
    %swap3A_3619 = arith.constant 0 : index
    %swap3A_3620 = arith.constant 8192 : index
    %swap3A_3621 = vector.load %arg13[%swap3A_3619, %swap3A_3620] : memref<1x16384xf32, #tpu.memory_space<vmem>>, vector<1x4096xf32>
    %swap3A_3622 = vector.shape_cast %swap3A_3621 : vector<1x4096xf32> to vector<4096xf32>
    %swap3A_3623 = vector.shape_cast %get3A_3618 : vector<4096xf32> to vector<1x4096xf32>
    tpu.vector_store %arg13[%swap3A_3619, %swap3A_3620], %swap3A_3623 {strides = array<i32>} : memref<1x16384xf32, #tpu.memory_space<vmem>>, vector<1x4096xf32>,
    %get3A_3624 = arith.constant 0 : index
    %get3A_3625 = arith.constant 3 : index
    %get3A_3626 = arith.constant 0 : index
    %get3A_3627 = vector.load %arg0[%get3A_3624, %get3A_3625, %get3A_3626] : memref<3x4x512xf32, #tpu.memory_space<vmem>>, vector<3x1x512xf32>
    %get3A_3628 = vector.shape_cast %get3A_3627 : vector<3x1x512xf32> to vector<3x512xf32>
    %transpose3A_3629 = tpu.transpose %get3A_3628, [1, 0] : vector<3x512xf32> -> vector<512x3xf32>
    %slice3A_3630 = vector.extract_strided_slice %transpose3A_3629 {offsets = [0, 0], sizes = [512, 1], strides = [1, 1]} : vector<512x3xf32> to vector<512x1xf32>
    %slice3A_3631 = vector.extract_strided_slice %transpose3A_3629 {offsets = [0, 1], sizes = [512, 1], strides = [1, 1]} : vector<512x3xf32> to vector<512x1xf32>
    %slice3A_3632 = vector.extract_strided_slice %transpose3A_3629 {offsets = [0, 2], sizes = [512, 1], strides = [1, 1]} : vector<512x3xf32> to vector<512x1xf32>
    %get3A_3633 = arith.constant 0 : index
    %get3A_3634 = arith.constant 3 : index
    %get3A_3635 = arith.constant 0 : index
    %get3A_3636 = vector.load %arg1[%get3A_3633, %get3A_3634, %get3A_3635] : memref<3x4x4096xf32, #tpu.memory_space<vmem>>, vector<1x1x128xf32>
    %get3A_3637 = vector.shape_cast %get3A_3636 : vector<1x1x128xf32> to vector<1x128xf32>
    %sub3A_3638 = vector.broadcast %slice3A_3630 : vector<512x1xf32> to vector<512x128xf32>
    %sub3A_3639 = vector.broadcast %get3A_3637 : vector<1x128xf32> to vector<512x128xf32>
    %sub3A_3640 = arith.subf %sub3A_3638, %sub3A_3639 : vector<512x128xf32>
    %mul3A_3641 = arith.mulf %sub3A_3640, %sub3A_3640 : vector<512x128xf32>
    %get3A_3642 = arith.constant 1 : index
    %get3A_3643 = arith.constant 3 : index
    %get3A_3644 = arith.constant 0 : index
    %get3A_3645 = vector.load %arg1[%get3A_3642, %get3A_3643, %get3A_3644] : memref<3x4x4096xf32, #tpu.memory_space<vmem>>, vector<1x1x128xf32>
    %get3A_3646 = vector.shape_cast %get3A_3645 : vector<1x1x128xf32> to vector<1x128xf32>
    %sub3A_3647 = vector.broadcast %slice3A_3631 : vector<512x1xf32> to vector<512x128xf32>
    %sub3A_3648 = vector.broadcast %get3A_3646 : vector<1x128xf32> to vector<512x128xf32>
    %sub3A_3649 = arith.subf %sub3A_3647, %sub3A_3648 : vector<512x128xf32>
    %mul3A_3650 = arith.mulf %sub3A_3649, %sub3A_3649 : vector<512x128xf32>
    %add3A_3651 = arith.addf %mul3A_3641, %mul3A_3650 : vector<512x128xf32>
    %get3A_3652 = arith.constant 2 : index
    %get3A_3653 = arith.constant 3 : index
    %get3A_3654 = arith.constant 0 : index
    %get3A_3655 = vector.load %arg1[%get3A_3652, %get3A_3653, %get3A_3654] : memref<3x4x4096xf32, #tpu.memory_space<vmem>>, vector<1x1x128xf32>
    %get3A_3656 = vector.shape_cast %get3A_3655 : vector<1x1x128xf32> to vector<1x128xf32>
    %sub3A_3657 = vector.broadcast %slice3A_3632 : vector<512x1xf32> to vector<512x128xf32>
    %sub3A_3658 = vector.broadcast %get3A_3656 : vector<1x128xf32> to vector<512x128xf32>
    %sub3A_3659 = arith.subf %sub3A_3657, %sub3A_3658 : vector<512x128xf32>
    %mul3A_3660 = arith.mulf %sub3A_3659, %sub3A_3659 : vector<512x128xf32>
    %add3A_3661 = arith.addf %add3A_3651, %mul3A_3660 : vector<512x128xf32>
    %broadcast_in_dim3A_3662 = arith.constant 0 : i32
    %broadcast_in_dim3A_3663 = vector.broadcast %broadcast_in_dim3A_3662 : i32 to vector<512x128xi32>
    %get3A_3664 = arith.constant 0 : index
    %get3A_3665 = arith.constant 3 : index
    %get3A_3666 = arith.constant 128 : index
    %get3A_3667 = vector.load %arg1[%get3A_3664, %get3A_3665, %get3A_3666] : memref<3x4x4096xf32, #tpu.memory_space<vmem>>, vector<1x1x128xf32>
    %get3A_3668 = vector.shape_cast %get3A_3667 : vector<1x1x128xf32> to vector<1x128xf32>
    %sub3A_3669 = vector.broadcast %slice3A_3630 : vector<512x1xf32> to vector<512x128xf32>
    %sub3A_3670 = vector.broadcast %get3A_3668 : vector<1x128xf32> to vector<512x128xf32>
    %sub3A_3671 = arith.subf %sub3A_3669, %sub3A_3670 : vector<512x128xf32>
    %mul3A_3672 = arith.mulf %sub3A_3671, %sub3A_3671 : vector<512x128xf32>
    %get3A_3673 = arith.constant 1 : index
    %get3A_3674 = arith.constant 3 : index
    %get3A_3675 = arith.constant 128 : index
    %get3A_3676 = vector.load %arg1[%get3A_3673, %get3A_3674, %get3A_3675] : memref<3x4x4096xf32, #tpu.memory_space<vmem>>, vector<1x1x128xf32>
    %get3A_3677 = vector.shape_cast %get3A_3676 : vector<1x1x128xf32> to vector<1x128xf32>
    %sub3A_3678 = vector.broadcast %slice3A_3631 : vector<512x1xf32> to vector<512x128xf32>
    %sub3A_3679 = vector.broadcast %get3A_3677 : vector<1x128xf32> to vector<512x128xf32>
    %sub3A_3680 = arith.subf %sub3A_3678, %sub3A_3679 : vector<512x128xf32>
    %mul3A_3681 = arith.mulf %sub3A_3680, %sub3A_3680 : vector<512x128xf32>
    %add3A_3682 = arith.addf %mul3A_3672, %mul3A_3681 : vector<512x128xf32>
    %get3A_3683 = arith.constant 2 : index
    %get3A_3684 = arith.constant 3 : index
    %get3A_3685 = arith.constant 128 : index
    %get3A_3686 = vector.load %arg1[%get3A_3683, %get3A_3684, %get3A_3685] : memref<3x4x4096xf32, #tpu.memory_space<vmem>>, vector<1x1x128xf32>
    %get3A_3687 = vector.shape_cast %get3A_3686 : vector<1x1x128xf32> to vector<1x128xf32>
    %sub3A_3688 = vector.broadcast %slice3A_3632 : vector<512x1xf32> to vector<512x128xf32>
    %sub3A_3689 = vector.broadcast %get3A_3687 : vector<1x128xf32> to vector<512x128xf32>
    %sub3A_3690 = arith.subf %sub3A_3688, %sub3A_3689 : vector<512x128xf32>
    %mul3A_3691 = arith.mulf %sub3A_3690, %sub3A_3690 : vector<512x128xf32>
    %add3A_3692 = arith.addf %add3A_3682, %mul3A_3691 : vector<512x128xf32>
    %lt3A_3693 = arith.cmpf olt, %add3A_3692, %add3A_3661 : vector<512x128xf32>
    %select_n3A_3694 = arith.select %lt3A_3693, %add3A_3692, %add3A_3661 : vector<512x128xi1>, vector<512x128xf32>
    %jit3A_3695 = arith.constant 1 : i32
    %broadcast_in_dim3A_3696 = vector.broadcast %jit3A_3695 : i32 to vector<512x128xi32>
    %select_n3A_3697 = arith.select %lt3A_3693, %broadcast_in_dim3A_3696, %broadcast_in_dim3A_3663 : vector<512x128xi1>, vector<512x128xi32>
    %get3A_3698 = arith.constant 0 : index
    %get3A_3699 = arith.constant 3 : index
    %get3A_3700 = arith.constant 256 : index
    %get3A_3701 = vector.load %arg1[%get3A_3698, %get3A_3699, %get3A_3700] : memref<3x4x4096xf32, #tpu.memory_space<vmem>>, vector<1x1x128xf32>
    %get3A_3702 = vector.shape_cast %get3A_3701 : vector<1x1x128xf32> to vector<1x128xf32>
    %sub3A_3703 = vector.broadcast %slice3A_3630 : vector<512x1xf32> to vector<512x128xf32>
    %sub3A_3704 = vector.broadcast %get3A_3702 : vector<1x128xf32> to vector<512x128xf32>
    %sub3A_3705 = arith.subf %sub3A_3703, %sub3A_3704 : vector<512x128xf32>
    %mul3A_3706 = arith.mulf %sub3A_3705, %sub3A_3705 : vector<512x128xf32>
    %get3A_3707 = arith.constant 1 : index
    %get3A_3708 = arith.constant 3 : index
    %get3A_3709 = arith.constant 256 : index
    %get3A_3710 = vector.load %arg1[%get3A_3707, %get3A_3708, %get3A_3709] : memref<3x4x4096xf32, #tpu.memory_space<vmem>>, vector<1x1x128xf32>
    %get3A_3711 = vector.shape_cast %get3A_3710 : vector<1x1x128xf32> to vector<1x128xf32>
    %sub3A_3712 = vector.broadcast %slice3A_3631 : vector<512x1xf32> to vector<512x128xf32>
    %sub3A_3713 = vector.broadcast %get3A_3711 : vector<1x128xf32> to vector<512x128xf32>
    %sub3A_3714 = arith.subf %sub3A_3712, %sub3A_3713 : vector<512x128xf32>
    %mul3A_3715 = arith.mulf %sub3A_3714, %sub3A_3714 : vector<512x128xf32>
    %add3A_3716 = arith.addf %mul3A_3706, %mul3A_3715 : vector<512x128xf32>
    %get3A_3717 = arith.constant 2 : index
    %get3A_3718 = arith.constant 3 : index
    %get3A_3719 = arith.constant 256 : index
    %get3A_3720 = vector.load %arg1[%get3A_3717, %get3A_3718, %get3A_3719] : memref<3x4x4096xf32, #tpu.memory_space<vmem>>, vector<1x1x128xf32>
    %get3A_3721 = vector.shape_cast %get3A_3720 : vector<1x1x128xf32> to vector<1x128xf32>
    %sub3A_3722 = vector.broadcast %slice3A_3632 : vector<512x1xf32> to vector<512x128xf32>
    %sub3A_3723 = vector.broadcast %get3A_3721 : vector<1x128xf32> to vector<512x128xf32>
    %sub3A_3724 = arith.subf %sub3A_3722, %sub3A_3723 : vector<512x128xf32>
    %mul3A_3725 = arith.mulf %sub3A_3724, %sub3A_3724 : vector<512x128xf32>
    %add3A_3726 = arith.addf %add3A_3716, %mul3A_3725 : vector<512x128xf32>
    %lt3A_3727 = arith.cmpf olt, %add3A_3726, %select_n3A_3694 : vector<512x128xf32>
    %select_n3A_3728 = arith.select %lt3A_3727, %add3A_3726, %select_n3A_3694 : vector<512x128xi1>, vector<512x128xf32>
    %jit3A_3729 = arith.constant 2 : i32
    %broadcast_in_dim3A_3730 = vector.broadcast %jit3A_3729 : i32 to vector<512x128xi32>
    %select_n3A_3731 = arith.select %lt3A_3727, %broadcast_in_dim3A_3730, %select_n3A_3697 : vector<512x128xi1>, vector<512x128xi32>
    %get3A_3732 = arith.constant 0 : index
    %get3A_3733 = arith.constant 3 : index
    %get3A_3734 = arith.constant 384 : index
    %get3A_3735 = vector.load %arg1[%get3A_3732, %get3A_3733, %get3A_3734] : memref<3x4x4096xf32, #tpu.memory_space<vmem>>, vector<1x1x128xf32>
    %get3A_3736 = vector.shape_cast %get3A_3735 : vector<1x1x128xf32> to vector<1x128xf32>
    %sub3A_3737 = vector.broadcast %slice3A_3630 : vector<512x1xf32> to vector<512x128xf32>
    %sub3A_3738 = vector.broadcast %get3A_3736 : vector<1x128xf32> to vector<512x128xf32>
    %sub3A_3739 = arith.subf %sub3A_3737, %sub3A_3738 : vector<512x128xf32>
    %mul3A_3740 = arith.mulf %sub3A_3739, %sub3A_3739 : vector<512x128xf32>
    %get3A_3741 = arith.constant 1 : index
    %get3A_3742 = arith.constant 3 : index
    %get3A_3743 = arith.constant 384 : index
    %get3A_3744 = vector.load %arg1[%get3A_3741, %get3A_3742, %get3A_3743] : memref<3x4x4096xf32, #tpu.memory_space<vmem>>, vector<1x1x128xf32>
    %get3A_3745 = vector.shape_cast %get3A_3744 : vector<1x1x128xf32> to vector<1x128xf32>
    %sub3A_3746 = vector.broadcast %slice3A_3631 : vector<512x1xf32> to vector<512x128xf32>
    %sub3A_3747 = vector.broadcast %get3A_3745 : vector<1x128xf32> to vector<512x128xf32>
    %sub3A_3748 = arith.subf %sub3A_3746, %sub3A_3747 : vector<512x128xf32>
    %mul3A_3749 = arith.mulf %sub3A_3748, %sub3A_3748 : vector<512x128xf32>
    %add3A_3750 = arith.addf %mul3A_3740, %mul3A_3749 : vector<512x128xf32>
    %get3A_3751 = arith.constant 2 : index
    %get3A_3752 = arith.constant 3 : index
    %get3A_3753 = arith.constant 384 : index
    %get3A_3754 = vector.load %arg1[%get3A_3751, %get3A_3752, %get3A_3753] : memref<3x4x4096xf32, #tpu.memory_space<vmem>>, vector<1x1x128xf32>
    %get3A_3755 = vector.shape_cast %get3A_3754 : vector<1x1x128xf32> to vector<1x128xf32>
    %sub3A_3756 = vector.broadcast %slice3A_3632 : vector<512x1xf32> to vector<512x128xf32>
    %sub3A_3757 = vector.broadcast %get3A_3755 : vector<1x128xf32> to vector<512x128xf32>
    %sub3A_3758 = arith.subf %sub3A_3756, %sub3A_3757 : vector<512x128xf32>
    %mul3A_3759 = arith.mulf %sub3A_3758, %sub3A_3758 : vector<512x128xf32>
    %add3A_3760 = arith.addf %add3A_3750, %mul3A_3759 : vector<512x128xf32>
    %lt3A_3761 = arith.cmpf olt, %add3A_3760, %select_n3A_3728 : vector<512x128xf32>
    %select_n3A_3762 = arith.select %lt3A_3761, %add3A_3760, %select_n3A_3728 : vector<512x128xi1>, vector<512x128xf32>
    %jit3A_3763 = arith.constant 3 : i32
    %broadcast_in_dim3A_3764 = vector.broadcast %jit3A_3763 : i32 to vector<512x128xi32>
    %select_n3A_3765 = arith.select %lt3A_3761, %broadcast_in_dim3A_3764, %select_n3A_3731 : vector<512x128xi1>, vector<512x128xi32>
    %get3A_3766 = arith.constant 0 : index
    %get3A_3767 = arith.constant 3 : index
    %get3A_3768 = arith.constant 512 : index
    %get3A_3769 = vector.load %arg1[%get3A_3766, %get3A_3767, %get3A_3768] : memref<3x4x4096xf32, #tpu.memory_space<vmem>>, vector<1x1x128xf32>
    %get3A_3770 = vector.shape_cast %get3A_3769 : vector<1x1x128xf32> to vector<1x128xf32>
    %sub3A_3771 = vector.broadcast %slice3A_3630 : vector<512x1xf32> to vector<512x128xf32>
    %sub3A_3772 = vector.broadcast %get3A_3770 : vector<1x128xf32> to vector<512x128xf32>
    %sub3A_3773 = arith.subf %sub3A_3771, %sub3A_3772 : vector<512x128xf32>
    %mul3A_3774 = arith.mulf %sub3A_3773, %sub3A_3773 : vector<512x128xf32>
    %get3A_3775 = arith.constant 1 : index
    %get3A_3776 = arith.constant 3 : index
    %get3A_3777 = arith.constant 512 : index
    %get3A_3778 = vector.load %arg1[%get3A_3775, %get3A_3776, %get3A_3777] : memref<3x4x4096xf32, #tpu.memory_space<vmem>>, vector<1x1x128xf32>
    %get3A_3779 = vector.shape_cast %get3A_3778 : vector<1x1x128xf32> to vector<1x128xf32>
    %sub3A_3780 = vector.broadcast %slice3A_3631 : vector<512x1xf32> to vector<512x128xf32>
    %sub3A_3781 = vector.broadcast %get3A_3779 : vector<1x128xf32> to vector<512x128xf32>
    %sub3A_3782 = arith.subf %sub3A_3780, %sub3A_3781 : vector<512x128xf32>
    %mul3A_3783 = arith.mulf %sub3A_3782, %sub3A_3782 : vector<512x128xf32>
    %add3A_3784 = arith.addf %mul3A_3774, %mul3A_3783 : vector<512x128xf32>
    %get3A_3785 = arith.constant 2 : index
    %get3A_3786 = arith.constant 3 : index
    %get3A_3787 = arith.constant 512 : index
    %get3A_3788 = vector.load %arg1[%get3A_3785, %get3A_3786, %get3A_3787] : memref<3x4x4096xf32, #tpu.memory_space<vmem>>, vector<1x1x128xf32>
    %get3A_3789 = vector.shape_cast %get3A_3788 : vector<1x1x128xf32> to vector<1x128xf32>
    %sub3A_3790 = vector.broadcast %slice3A_3632 : vector<512x1xf32> to vector<512x128xf32>
    %sub3A_3791 = vector.broadcast %get3A_3789 : vector<1x128xf32> to vector<512x128xf32>
    %sub3A_3792 = arith.subf %sub3A_3790, %sub3A_3791 : vector<512x128xf32>
    %mul3A_3793 = arith.mulf %sub3A_3792, %sub3A_3792 : vector<512x128xf32>
    %add3A_3794 = arith.addf %add3A_3784, %mul3A_3793 : vector<512x128xf32>
    %lt3A_3795 = arith.cmpf olt, %add3A_3794, %select_n3A_3762 : vector<512x128xf32>
    %select_n3A_3796 = arith.select %lt3A_3795, %add3A_3794, %select_n3A_3762 : vector<512x128xi1>, vector<512x128xf32>
    %jit3A_3797 = arith.constant 4 : i32
    %broadcast_in_dim3A_3798 = vector.broadcast %jit3A_3797 : i32 to vector<512x128xi32>
    %select_n3A_3799 = arith.select %lt3A_3795, %broadcast_in_dim3A_3798, %select_n3A_3765 : vector<512x128xi1>, vector<512x128xi32>
    %get3A_3800 = arith.constant 0 : index
    %get3A_3801 = arith.constant 3 : index
    %get3A_3802 = arith.constant 640 : index
    %get3A_3803 = vector.load %arg1[%get3A_3800, %get3A_3801, %get3A_3802] : memref<3x4x4096xf32, #tpu.memory_space<vmem>>, vector<1x1x128xf32>
    %get3A_3804 = vector.shape_cast %get3A_3803 : vector<1x1x128xf32> to vector<1x128xf32>
    %sub3A_3805 = vector.broadcast %slice3A_3630 : vector<512x1xf32> to vector<512x128xf32>
    %sub3A_3806 = vector.broadcast %get3A_3804 : vector<1x128xf32> to vector<512x128xf32>
    %sub3A_3807 = arith.subf %sub3A_3805, %sub3A_3806 : vector<512x128xf32>
    %mul3A_3808 = arith.mulf %sub3A_3807, %sub3A_3807 : vector<512x128xf32>
    %get3A_3809 = arith.constant 1 : index
    %get3A_3810 = arith.constant 3 : index
    %get3A_3811 = arith.constant 640 : index
    %get3A_3812 = vector.load %arg1[%get3A_3809, %get3A_3810, %get3A_3811] : memref<3x4x4096xf32, #tpu.memory_space<vmem>>, vector<1x1x128xf32>
    %get3A_3813 = vector.shape_cast %get3A_3812 : vector<1x1x128xf32> to vector<1x128xf32>
    %sub3A_3814 = vector.broadcast %slice3A_3631 : vector<512x1xf32> to vector<512x128xf32>
    %sub3A_3815 = vector.broadcast %get3A_3813 : vector<1x128xf32> to vector<512x128xf32>
    %sub3A_3816 = arith.subf %sub3A_3814, %sub3A_3815 : vector<512x128xf32>
    %mul3A_3817 = arith.mulf %sub3A_3816, %sub3A_3816 : vector<512x128xf32>
    %add3A_3818 = arith.addf %mul3A_3808, %mul3A_3817 : vector<512x128xf32>
    %get3A_3819 = arith.constant 2 : index
    %get3A_3820 = arith.constant 3 : index
    %get3A_3821 = arith.constant 640 : index
    %get3A_3822 = vector.load %arg1[%get3A_3819, %get3A_3820, %get3A_3821] : memref<3x4x4096xf32, #tpu.memory_space<vmem>>, vector<1x1x128xf32>
    %get3A_3823 = vector.shape_cast %get3A_3822 : vector<1x1x128xf32> to vector<1x128xf32>
    %sub3A_3824 = vector.broadcast %slice3A_3632 : vector<512x1xf32> to vector<512x128xf32>
    %sub3A_3825 = vector.broadcast %get3A_3823 : vector<1x128xf32> to vector<512x128xf32>
    %sub3A_3826 = arith.subf %sub3A_3824, %sub3A_3825 : vector<512x128xf32>
    %mul3A_3827 = arith.mulf %sub3A_3826, %sub3A_3826 : vector<512x128xf32>
    %add3A_3828 = arith.addf %add3A_3818, %mul3A_3827 : vector<512x128xf32>
    %lt3A_3829 = arith.cmpf olt, %add3A_3828, %select_n3A_3796 : vector<512x128xf32>
    %select_n3A_3830 = arith.select %lt3A_3829, %add3A_3828, %select_n3A_3796 : vector<512x128xi1>, vector<512x128xf32>
    %jit3A_3831 = arith.constant 5 : i32
    %broadcast_in_dim3A_3832 = vector.broadcast %jit3A_3831 : i32 to vector<512x128xi32>
    %select_n3A_3833 = arith.select %lt3A_3829, %broadcast_in_dim3A_3832, %select_n3A_3799 : vector<512x128xi1>, vector<512x128xi32>
    %get3A_3834 = arith.constant 0 : index
    %get3A_3835 = arith.constant 3 : index
    %get3A_3836 = arith.constant 768 : index
    %get3A_3837 = vector.load %arg1[%get3A_3834, %get3A_3835, %get3A_3836] : memref<3x4x4096xf32, #tpu.memory_space<vmem>>, vector<1x1x128xf32>
    %get3A_3838 = vector.shape_cast %get3A_3837 : vector<1x1x128xf32> to vector<1x128xf32>
    %sub3A_3839 = vector.broadcast %slice3A_3630 : vector<512x1xf32> to vector<512x128xf32>
    %sub3A_3840 = vector.broadcast %get3A_3838 : vector<1x128xf32> to vector<512x128xf32>
    %sub3A_3841 = arith.subf %sub3A_3839, %sub3A_3840 : vector<512x128xf32>
    %mul3A_3842 = arith.mulf %sub3A_3841, %sub3A_3841 : vector<512x128xf32>
    %get3A_3843 = arith.constant 1 : index
    %get3A_3844 = arith.constant 3 : index
    %get3A_3845 = arith.constant 768 : index
    %get3A_3846 = vector.load %arg1[%get3A_3843, %get3A_3844, %get3A_3845] : memref<3x4x4096xf32, #tpu.memory_space<vmem>>, vector<1x1x128xf32>
    %get3A_3847 = vector.shape_cast %get3A_3846 : vector<1x1x128xf32> to vector<1x128xf32>
    %sub3A_3848 = vector.broadcast %slice3A_3631 : vector<512x1xf32> to vector<512x128xf32>
    %sub3A_3849 = vector.broadcast %get3A_3847 : vector<1x128xf32> to vector<512x128xf32>
    %sub3A_3850 = arith.subf %sub3A_3848, %sub3A_3849 : vector<512x128xf32>
    %mul3A_3851 = arith.mulf %sub3A_3850, %sub3A_3850 : vector<512x128xf32>
    %add3A_3852 = arith.addf %mul3A_3842, %mul3A_3851 : vector<512x128xf32>
    %get3A_3853 = arith.constant 2 : index
    %get3A_3854 = arith.constant 3 : index
    %get3A_3855 = arith.constant 768 : index
    %get3A_3856 = vector.load %arg1[%get3A_3853, %get3A_3854, %get3A_3855] : memref<3x4x4096xf32, #tpu.memory_space<vmem>>, vector<1x1x128xf32>
    %get3A_3857 = vector.shape_cast %get3A_3856 : vector<1x1x128xf32> to vector<1x128xf32>
    %sub3A_3858 = vector.broadcast %slice3A_3632 : vector<512x1xf32> to vector<512x128xf32>
    %sub3A_3859 = vector.broadcast %get3A_3857 : vector<1x128xf32> to vector<512x128xf32>
    %sub3A_3860 = arith.subf %sub3A_3858, %sub3A_3859 : vector<512x128xf32>
    %mul3A_3861 = arith.mulf %sub3A_3860, %sub3A_3860 : vector<512x128xf32>
    %add3A_3862 = arith.addf %add3A_3852, %mul3A_3861 : vector<512x128xf32>
    %lt3A_3863 = arith.cmpf olt, %add3A_3862, %select_n3A_3830 : vector<512x128xf32>
    %select_n3A_3864 = arith.select %lt3A_3863, %add3A_3862, %select_n3A_3830 : vector<512x128xi1>, vector<512x128xf32>
    %jit3A_3865 = arith.constant 6 : i32
    %broadcast_in_dim3A_3866 = vector.broadcast %jit3A_3865 : i32 to vector<512x128xi32>
    %select_n3A_3867 = arith.select %lt3A_3863, %broadcast_in_dim3A_3866, %select_n3A_3833 : vector<512x128xi1>, vector<512x128xi32>
    %get3A_3868 = arith.constant 0 : index
    %get3A_3869 = arith.constant 3 : index
    %get3A_3870 = arith.constant 896 : index
    %get3A_3871 = vector.load %arg1[%get3A_3868, %get3A_3869, %get3A_3870] : memref<3x4x4096xf32, #tpu.memory_space<vmem>>, vector<1x1x128xf32>
    %get3A_3872 = vector.shape_cast %get3A_3871 : vector<1x1x128xf32> to vector<1x128xf32>
    %sub3A_3873 = vector.broadcast %slice3A_3630 : vector<512x1xf32> to vector<512x128xf32>
    %sub3A_3874 = vector.broadcast %get3A_3872 : vector<1x128xf32> to vector<512x128xf32>
    %sub3A_3875 = arith.subf %sub3A_3873, %sub3A_3874 : vector<512x128xf32>
    %mul3A_3876 = arith.mulf %sub3A_3875, %sub3A_3875 : vector<512x128xf32>
    %get3A_3877 = arith.constant 1 : index
    %get3A_3878 = arith.constant 3 : index
    %get3A_3879 = arith.constant 896 : index
    %get3A_3880 = vector.load %arg1[%get3A_3877, %get3A_3878, %get3A_3879] : memref<3x4x4096xf32, #tpu.memory_space<vmem>>, vector<1x1x128xf32>
    %get3A_3881 = vector.shape_cast %get3A_3880 : vector<1x1x128xf32> to vector<1x128xf32>
    %sub3A_3882 = vector.broadcast %slice3A_3631 : vector<512x1xf32> to vector<512x128xf32>
    %sub3A_3883 = vector.broadcast %get3A_3881 : vector<1x128xf32> to vector<512x128xf32>
    %sub3A_3884 = arith.subf %sub3A_3882, %sub3A_3883 : vector<512x128xf32>
    %mul3A_3885 = arith.mulf %sub3A_3884, %sub3A_3884 : vector<512x128xf32>
    %add3A_3886 = arith.addf %mul3A_3876, %mul3A_3885 : vector<512x128xf32>
    %get3A_3887 = arith.constant 2 : index
    %get3A_3888 = arith.constant 3 : index
    %get3A_3889 = arith.constant 896 : index
    %get3A_3890 = vector.load %arg1[%get3A_3887, %get3A_3888, %get3A_3889] : memref<3x4x4096xf32, #tpu.memory_space<vmem>>, vector<1x1x128xf32>
    %get3A_3891 = vector.shape_cast %get3A_3890 : vector<1x1x128xf32> to vector<1x128xf32>
    %sub3A_3892 = vector.broadcast %slice3A_3632 : vector<512x1xf32> to vector<512x128xf32>
    %sub3A_3893 = vector.broadcast %get3A_3891 : vector<1x128xf32> to vector<512x128xf32>
    %sub3A_3894 = arith.subf %sub3A_3892, %sub3A_3893 : vector<512x128xf32>
    %mul3A_3895 = arith.mulf %sub3A_3894, %sub3A_3894 : vector<512x128xf32>
    %add3A_3896 = arith.addf %add3A_3886, %mul3A_3895 : vector<512x128xf32>
    %lt3A_3897 = arith.cmpf olt, %add3A_3896, %select_n3A_3864 : vector<512x128xf32>
    %select_n3A_3898 = arith.select %lt3A_3897, %add3A_3896, %select_n3A_3864 : vector<512x128xi1>, vector<512x128xf32>
    %jit3A_3899 = arith.constant 7 : i32
    %broadcast_in_dim3A_3900 = vector.broadcast %jit3A_3899 : i32 to vector<512x128xi32>
    %select_n3A_3901 = arith.select %lt3A_3897, %broadcast_in_dim3A_3900, %select_n3A_3867 : vector<512x128xi1>, vector<512x128xi32>
    %get3A_3902 = arith.constant 0 : index
    %get3A_3903 = arith.constant 3 : index
    %get3A_3904 = arith.constant 1024 : index
    %get3A_3905 = vector.load %arg1[%get3A_3902, %get3A_3903, %get3A_3904] : memref<3x4x4096xf32, #tpu.memory_space<vmem>>, vector<1x1x128xf32>
    %get3A_3906 = vector.shape_cast %get3A_3905 : vector<1x1x128xf32> to vector<1x128xf32>
    %sub3A_3907 = vector.broadcast %slice3A_3630 : vector<512x1xf32> to vector<512x128xf32>
    %sub3A_3908 = vector.broadcast %get3A_3906 : vector<1x128xf32> to vector<512x128xf32>
    %sub3A_3909 = arith.subf %sub3A_3907, %sub3A_3908 : vector<512x128xf32>
    %mul3A_3910 = arith.mulf %sub3A_3909, %sub3A_3909 : vector<512x128xf32>
    %get3A_3911 = arith.constant 1 : index
    %get3A_3912 = arith.constant 3 : index
    %get3A_3913 = arith.constant 1024 : index
    %get3A_3914 = vector.load %arg1[%get3A_3911, %get3A_3912, %get3A_3913] : memref<3x4x4096xf32, #tpu.memory_space<vmem>>, vector<1x1x128xf32>
    %get3A_3915 = vector.shape_cast %get3A_3914 : vector<1x1x128xf32> to vector<1x128xf32>
    %sub3A_3916 = vector.broadcast %slice3A_3631 : vector<512x1xf32> to vector<512x128xf32>
    %sub3A_3917 = vector.broadcast %get3A_3915 : vector<1x128xf32> to vector<512x128xf32>
    %sub3A_3918 = arith.subf %sub3A_3916, %sub3A_3917 : vector<512x128xf32>
    %mul3A_3919 = arith.mulf %sub3A_3918, %sub3A_3918 : vector<512x128xf32>
    %add3A_3920 = arith.addf %mul3A_3910, %mul3A_3919 : vector<512x128xf32>
    %get3A_3921 = arith.constant 2 : index
    %get3A_3922 = arith.constant 3 : index
    %get3A_3923 = arith.constant 1024 : index
    %get3A_3924 = vector.load %arg1[%get3A_3921, %get3A_3922, %get3A_3923] : memref<3x4x4096xf32, #tpu.memory_space<vmem>>, vector<1x1x128xf32>
    %get3A_3925 = vector.shape_cast %get3A_3924 : vector<1x1x128xf32> to vector<1x128xf32>
    %sub3A_3926 = vector.broadcast %slice3A_3632 : vector<512x1xf32> to vector<512x128xf32>
    %sub3A_3927 = vector.broadcast %get3A_3925 : vector<1x128xf32> to vector<512x128xf32>
    %sub3A_3928 = arith.subf %sub3A_3926, %sub3A_3927 : vector<512x128xf32>
    %mul3A_3929 = arith.mulf %sub3A_3928, %sub3A_3928 : vector<512x128xf32>
    %add3A_3930 = arith.addf %add3A_3920, %mul3A_3929 : vector<512x128xf32>
    %lt3A_3931 = arith.cmpf olt, %add3A_3930, %select_n3A_3898 : vector<512x128xf32>
    %select_n3A_3932 = arith.select %lt3A_3931, %add3A_3930, %select_n3A_3898 : vector<512x128xi1>, vector<512x128xf32>
    %jit3A_3933 = arith.constant 8 : i32
    %broadcast_in_dim3A_3934 = vector.broadcast %jit3A_3933 : i32 to vector<512x128xi32>
    %select_n3A_3935 = arith.select %lt3A_3931, %broadcast_in_dim3A_3934, %select_n3A_3901 : vector<512x128xi1>, vector<512x128xi32>
    %get3A_3936 = arith.constant 0 : index
    %get3A_3937 = arith.constant 3 : index
    %get3A_3938 = arith.constant 1152 : index
    %get3A_3939 = vector.load %arg1[%get3A_3936, %get3A_3937, %get3A_3938] : memref<3x4x4096xf32, #tpu.memory_space<vmem>>, vector<1x1x128xf32>
    %get3A_3940 = vector.shape_cast %get3A_3939 : vector<1x1x128xf32> to vector<1x128xf32>
    %sub3A_3941 = vector.broadcast %slice3A_3630 : vector<512x1xf32> to vector<512x128xf32>
    %sub3A_3942 = vector.broadcast %get3A_3940 : vector<1x128xf32> to vector<512x128xf32>
    %sub3A_3943 = arith.subf %sub3A_3941, %sub3A_3942 : vector<512x128xf32>
    %mul3A_3944 = arith.mulf %sub3A_3943, %sub3A_3943 : vector<512x128xf32>
    %get3A_3945 = arith.constant 1 : index
    %get3A_3946 = arith.constant 3 : index
    %get3A_3947 = arith.constant 1152 : index
    %get3A_3948 = vector.load %arg1[%get3A_3945, %get3A_3946, %get3A_3947] : memref<3x4x4096xf32, #tpu.memory_space<vmem>>, vector<1x1x128xf32>
    %get3A_3949 = vector.shape_cast %get3A_3948 : vector<1x1x128xf32> to vector<1x128xf32>
    %sub3A_3950 = vector.broadcast %slice3A_3631 : vector<512x1xf32> to vector<512x128xf32>
    %sub3A_3951 = vector.broadcast %get3A_3949 : vector<1x128xf32> to vector<512x128xf32>
    %sub3A_3952 = arith.subf %sub3A_3950, %sub3A_3951 : vector<512x128xf32>
    %mul3A_3953 = arith.mulf %sub3A_3952, %sub3A_3952 : vector<512x128xf32>
    %add3A_3954 = arith.addf %mul3A_3944, %mul3A_3953 : vector<512x128xf32>
    %get3A_3955 = arith.constant 2 : index
    %get3A_3956 = arith.constant 3 : index
    %get3A_3957 = arith.constant 1152 : index
    %get3A_3958 = vector.load %arg1[%get3A_3955, %get3A_3956, %get3A_3957] : memref<3x4x4096xf32, #tpu.memory_space<vmem>>, vector<1x1x128xf32>
    %get3A_3959 = vector.shape_cast %get3A_3958 : vector<1x1x128xf32> to vector<1x128xf32>
    %sub3A_3960 = vector.broadcast %slice3A_3632 : vector<512x1xf32> to vector<512x128xf32>
    %sub3A_3961 = vector.broadcast %get3A_3959 : vector<1x128xf32> to vector<512x128xf32>
    %sub3A_3962 = arith.subf %sub3A_3960, %sub3A_3961 : vector<512x128xf32>
    %mul3A_3963 = arith.mulf %sub3A_3962, %sub3A_3962 : vector<512x128xf32>
    %add3A_3964 = arith.addf %add3A_3954, %mul3A_3963 : vector<512x128xf32>
    %lt3A_3965 = arith.cmpf olt, %add3A_3964, %select_n3A_3932 : vector<512x128xf32>
    %select_n3A_3966 = arith.select %lt3A_3965, %add3A_3964, %select_n3A_3932 : vector<512x128xi1>, vector<512x128xf32>
    %jit3A_3967 = arith.constant 9 : i32
    %broadcast_in_dim3A_3968 = vector.broadcast %jit3A_3967 : i32 to vector<512x128xi32>
    %select_n3A_3969 = arith.select %lt3A_3965, %broadcast_in_dim3A_3968, %select_n3A_3935 : vector<512x128xi1>, vector<512x128xi32>
    %get3A_3970 = arith.constant 0 : index
    %get3A_3971 = arith.constant 3 : index
    %get3A_3972 = arith.constant 1280 : index
    %get3A_3973 = vector.load %arg1[%get3A_3970, %get3A_3971, %get3A_3972] : memref<3x4x4096xf32, #tpu.memory_space<vmem>>, vector<1x1x128xf32>
    %get3A_3974 = vector.shape_cast %get3A_3973 : vector<1x1x128xf32> to vector<1x128xf32>
    %sub3A_3975 = vector.broadcast %slice3A_3630 : vector<512x1xf32> to vector<512x128xf32>
    %sub3A_3976 = vector.broadcast %get3A_3974 : vector<1x128xf32> to vector<512x128xf32>
    %sub3A_3977 = arith.subf %sub3A_3975, %sub3A_3976 : vector<512x128xf32>
    %mul3A_3978 = arith.mulf %sub3A_3977, %sub3A_3977 : vector<512x128xf32>
    %get3A_3979 = arith.constant 1 : index
    %get3A_3980 = arith.constant 3 : index
    %get3A_3981 = arith.constant 1280 : index
    %get3A_3982 = vector.load %arg1[%get3A_3979, %get3A_3980, %get3A_3981] : memref<3x4x4096xf32, #tpu.memory_space<vmem>>, vector<1x1x128xf32>
    %get3A_3983 = vector.shape_cast %get3A_3982 : vector<1x1x128xf32> to vector<1x128xf32>
    %sub3A_3984 = vector.broadcast %slice3A_3631 : vector<512x1xf32> to vector<512x128xf32>
    %sub3A_3985 = vector.broadcast %get3A_3983 : vector<1x128xf32> to vector<512x128xf32>
    %sub3A_3986 = arith.subf %sub3A_3984, %sub3A_3985 : vector<512x128xf32>
    %mul3A_3987 = arith.mulf %sub3A_3986, %sub3A_3986 : vector<512x128xf32>
    %add3A_3988 = arith.addf %mul3A_3978, %mul3A_3987 : vector<512x128xf32>
    %get3A_3989 = arith.constant 2 : index
    %get3A_3990 = arith.constant 3 : index
    %get3A_3991 = arith.constant 1280 : index
    %get3A_3992 = vector.load %arg1[%get3A_3989, %get3A_3990, %get3A_3991] : memref<3x4x4096xf32, #tpu.memory_space<vmem>>, vector<1x1x128xf32>
    %get3A_3993 = vector.shape_cast %get3A_3992 : vector<1x1x128xf32> to vector<1x128xf32>
    %sub3A_3994 = vector.broadcast %slice3A_3632 : vector<512x1xf32> to vector<512x128xf32>
    %sub3A_3995 = vector.broadcast %get3A_3993 : vector<1x128xf32> to vector<512x128xf32>
    %sub3A_3996 = arith.subf %sub3A_3994, %sub3A_3995 : vector<512x128xf32>
    %mul3A_3997 = arith.mulf %sub3A_3996, %sub3A_3996 : vector<512x128xf32>
    %add3A_3998 = arith.addf %add3A_3988, %mul3A_3997 : vector<512x128xf32>
    %lt3A_3999 = arith.cmpf olt, %add3A_3998, %select_n3A_3966 : vector<512x128xf32>
    %select_n3A_4000 = arith.select %lt3A_3999, %add3A_3998, %select_n3A_3966 : vector<512x128xi1>, vector<512x128xf32>
    %jit3A_4001 = arith.constant 10 : i32
    %broadcast_in_dim3A_4002 = vector.broadcast %jit3A_4001 : i32 to vector<512x128xi32>
    %select_n3A_4003 = arith.select %lt3A_3999, %broadcast_in_dim3A_4002, %select_n3A_3969 : vector<512x128xi1>, vector<512x128xi32>
    %get3A_4004 = arith.constant 0 : index
    %get3A_4005 = arith.constant 3 : index
    %get3A_4006 = arith.constant 1408 : index
    %get3A_4007 = vector.load %arg1[%get3A_4004, %get3A_4005, %get3A_4006] : memref<3x4x4096xf32, #tpu.memory_space<vmem>>, vector<1x1x128xf32>
    %get3A_4008 = vector.shape_cast %get3A_4007 : vector<1x1x128xf32> to vector<1x128xf32>
    %sub3A_4009 = vector.broadcast %slice3A_3630 : vector<512x1xf32> to vector<512x128xf32>
    %sub3A_4010 = vector.broadcast %get3A_4008 : vector<1x128xf32> to vector<512x128xf32>
    %sub3A_4011 = arith.subf %sub3A_4009, %sub3A_4010 : vector<512x128xf32>
    %mul3A_4012 = arith.mulf %sub3A_4011, %sub3A_4011 : vector<512x128xf32>
    %get3A_4013 = arith.constant 1 : index
    %get3A_4014 = arith.constant 3 : index
    %get3A_4015 = arith.constant 1408 : index
    %get3A_4016 = vector.load %arg1[%get3A_4013, %get3A_4014, %get3A_4015] : memref<3x4x4096xf32, #tpu.memory_space<vmem>>, vector<1x1x128xf32>
    %get3A_4017 = vector.shape_cast %get3A_4016 : vector<1x1x128xf32> to vector<1x128xf32>
    %sub3A_4018 = vector.broadcast %slice3A_3631 : vector<512x1xf32> to vector<512x128xf32>
    %sub3A_4019 = vector.broadcast %get3A_4017 : vector<1x128xf32> to vector<512x128xf32>
    %sub3A_4020 = arith.subf %sub3A_4018, %sub3A_4019 : vector<512x128xf32>
    %mul3A_4021 = arith.mulf %sub3A_4020, %sub3A_4020 : vector<512x128xf32>
    %add3A_4022 = arith.addf %mul3A_4012, %mul3A_4021 : vector<512x128xf32>
    %get3A_4023 = arith.constant 2 : index
    %get3A_4024 = arith.constant 3 : index
    %get3A_4025 = arith.constant 1408 : index
    %get3A_4026 = vector.load %arg1[%get3A_4023, %get3A_4024, %get3A_4025] : memref<3x4x4096xf32, #tpu.memory_space<vmem>>, vector<1x1x128xf32>
    %get3A_4027 = vector.shape_cast %get3A_4026 : vector<1x1x128xf32> to vector<1x128xf32>
    %sub3A_4028 = vector.broadcast %slice3A_3632 : vector<512x1xf32> to vector<512x128xf32>
    %sub3A_4029 = vector.broadcast %get3A_4027 : vector<1x128xf32> to vector<512x128xf32>
    %sub3A_4030 = arith.subf %sub3A_4028, %sub3A_4029 : vector<512x128xf32>
    %mul3A_4031 = arith.mulf %sub3A_4030, %sub3A_4030 : vector<512x128xf32>
    %add3A_4032 = arith.addf %add3A_4022, %mul3A_4031 : vector<512x128xf32>
    %lt3A_4033 = arith.cmpf olt, %add3A_4032, %select_n3A_4000 : vector<512x128xf32>
    %select_n3A_4034 = arith.select %lt3A_4033, %add3A_4032, %select_n3A_4000 : vector<512x128xi1>, vector<512x128xf32>
    %jit3A_4035 = arith.constant 11 : i32
    %broadcast_in_dim3A_4036 = vector.broadcast %jit3A_4035 : i32 to vector<512x128xi32>
    %select_n3A_4037 = arith.select %lt3A_4033, %broadcast_in_dim3A_4036, %select_n3A_4003 : vector<512x128xi1>, vector<512x128xi32>
    %get3A_4038 = arith.constant 0 : index
    %get3A_4039 = arith.constant 3 : index
    %get3A_4040 = arith.constant 1536 : index
    %get3A_4041 = vector.load %arg1[%get3A_4038, %get3A_4039, %get3A_4040] : memref<3x4x4096xf32, #tpu.memory_space<vmem>>, vector<1x1x128xf32>
    %get3A_4042 = vector.shape_cast %get3A_4041 : vector<1x1x128xf32> to vector<1x128xf32>
    %sub3A_4043 = vector.broadcast %slice3A_3630 : vector<512x1xf32> to vector<512x128xf32>
    %sub3A_4044 = vector.broadcast %get3A_4042 : vector<1x128xf32> to vector<512x128xf32>
    %sub3A_4045 = arith.subf %sub3A_4043, %sub3A_4044 : vector<512x128xf32>
    %mul3A_4046 = arith.mulf %sub3A_4045, %sub3A_4045 : vector<512x128xf32>
    %get3A_4047 = arith.constant 1 : index
    %get3A_4048 = arith.constant 3 : index
    %get3A_4049 = arith.constant 1536 : index
    %get3A_4050 = vector.load %arg1[%get3A_4047, %get3A_4048, %get3A_4049] : memref<3x4x4096xf32, #tpu.memory_space<vmem>>, vector<1x1x128xf32>
    %get3A_4051 = vector.shape_cast %get3A_4050 : vector<1x1x128xf32> to vector<1x128xf32>
    %sub3A_4052 = vector.broadcast %slice3A_3631 : vector<512x1xf32> to vector<512x128xf32>
    %sub3A_4053 = vector.broadcast %get3A_4051 : vector<1x128xf32> to vector<512x128xf32>
    %sub3A_4054 = arith.subf %sub3A_4052, %sub3A_4053 : vector<512x128xf32>
    %mul3A_4055 = arith.mulf %sub3A_4054, %sub3A_4054 : vector<512x128xf32>
    %add3A_4056 = arith.addf %mul3A_4046, %mul3A_4055 : vector<512x128xf32>
    %get3A_4057 = arith.constant 2 : index
    %get3A_4058 = arith.constant 3 : index
    %get3A_4059 = arith.constant 1536 : index
    %get3A_4060 = vector.load %arg1[%get3A_4057, %get3A_4058, %get3A_4059] : memref<3x4x4096xf32, #tpu.memory_space<vmem>>, vector<1x1x128xf32>
    %get3A_4061 = vector.shape_cast %get3A_4060 : vector<1x1x128xf32> to vector<1x128xf32>
    %sub3A_4062 = vector.broadcast %slice3A_3632 : vector<512x1xf32> to vector<512x128xf32>
    %sub3A_4063 = vector.broadcast %get3A_4061 : vector<1x128xf32> to vector<512x128xf32>
    %sub3A_4064 = arith.subf %sub3A_4062, %sub3A_4063 : vector<512x128xf32>
    %mul3A_4065 = arith.mulf %sub3A_4064, %sub3A_4064 : vector<512x128xf32>
    %add3A_4066 = arith.addf %add3A_4056, %mul3A_4065 : vector<512x128xf32>
    %lt3A_4067 = arith.cmpf olt, %add3A_4066, %select_n3A_4034 : vector<512x128xf32>
    %select_n3A_4068 = arith.select %lt3A_4067, %add3A_4066, %select_n3A_4034 : vector<512x128xi1>, vector<512x128xf32>
    %jit3A_4069 = arith.constant 12 : i32
    %broadcast_in_dim3A_4070 = vector.broadcast %jit3A_4069 : i32 to vector<512x128xi32>
    %select_n3A_4071 = arith.select %lt3A_4067, %broadcast_in_dim3A_4070, %select_n3A_4037 : vector<512x128xi1>, vector<512x128xi32>
    %get3A_4072 = arith.constant 0 : index
    %get3A_4073 = arith.constant 3 : index
    %get3A_4074 = arith.constant 1664 : index
    %get3A_4075 = vector.load %arg1[%get3A_4072, %get3A_4073, %get3A_4074] : memref<3x4x4096xf32, #tpu.memory_space<vmem>>, vector<1x1x128xf32>
    %get3A_4076 = vector.shape_cast %get3A_4075 : vector<1x1x128xf32> to vector<1x128xf32>
    %sub3A_4077 = vector.broadcast %slice3A_3630 : vector<512x1xf32> to vector<512x128xf32>
    %sub3A_4078 = vector.broadcast %get3A_4076 : vector<1x128xf32> to vector<512x128xf32>
    %sub3A_4079 = arith.subf %sub3A_4077, %sub3A_4078 : vector<512x128xf32>
    %mul3A_4080 = arith.mulf %sub3A_4079, %sub3A_4079 : vector<512x128xf32>
    %get3A_4081 = arith.constant 1 : index
    %get3A_4082 = arith.constant 3 : index
    %get3A_4083 = arith.constant 1664 : index
    %get3A_4084 = vector.load %arg1[%get3A_4081, %get3A_4082, %get3A_4083] : memref<3x4x4096xf32, #tpu.memory_space<vmem>>, vector<1x1x128xf32>
    %get3A_4085 = vector.shape_cast %get3A_4084 : vector<1x1x128xf32> to vector<1x128xf32>
    %sub3A_4086 = vector.broadcast %slice3A_3631 : vector<512x1xf32> to vector<512x128xf32>
    %sub3A_4087 = vector.broadcast %get3A_4085 : vector<1x128xf32> to vector<512x128xf32>
    %sub3A_4088 = arith.subf %sub3A_4086, %sub3A_4087 : vector<512x128xf32>
    %mul3A_4089 = arith.mulf %sub3A_4088, %sub3A_4088 : vector<512x128xf32>
    %add3A_4090 = arith.addf %mul3A_4080, %mul3A_4089 : vector<512x128xf32>
    %get3A_4091 = arith.constant 2 : index
    %get3A_4092 = arith.constant 3 : index
    %get3A_4093 = arith.constant 1664 : index
    %get3A_4094 = vector.load %arg1[%get3A_4091, %get3A_4092, %get3A_4093] : memref<3x4x4096xf32, #tpu.memory_space<vmem>>, vector<1x1x128xf32>
    %get3A_4095 = vector.shape_cast %get3A_4094 : vector<1x1x128xf32> to vector<1x128xf32>
    %sub3A_4096 = vector.broadcast %slice3A_3632 : vector<512x1xf32> to vector<512x128xf32>
    %sub3A_4097 = vector.broadcast %get3A_4095 : vector<1x128xf32> to vector<512x128xf32>
    %sub3A_4098 = arith.subf %sub3A_4096, %sub3A_4097 : vector<512x128xf32>
    %mul3A_4099 = arith.mulf %sub3A_4098, %sub3A_4098 : vector<512x128xf32>
    %add3A_4100 = arith.addf %add3A_4090, %mul3A_4099 : vector<512x128xf32>
    %lt3A_4101 = arith.cmpf olt, %add3A_4100, %select_n3A_4068 : vector<512x128xf32>
    %select_n3A_4102 = arith.select %lt3A_4101, %add3A_4100, %select_n3A_4068 : vector<512x128xi1>, vector<512x128xf32>
    %jit3A_4103 = arith.constant 13 : i32
    %broadcast_in_dim3A_4104 = vector.broadcast %jit3A_4103 : i32 to vector<512x128xi32>
    %select_n3A_4105 = arith.select %lt3A_4101, %broadcast_in_dim3A_4104, %select_n3A_4071 : vector<512x128xi1>, vector<512x128xi32>
    %get3A_4106 = arith.constant 0 : index
    %get3A_4107 = arith.constant 3 : index
    %get3A_4108 = arith.constant 1792 : index
    %get3A_4109 = vector.load %arg1[%get3A_4106, %get3A_4107, %get3A_4108] : memref<3x4x4096xf32, #tpu.memory_space<vmem>>, vector<1x1x128xf32>
    %get3A_4110 = vector.shape_cast %get3A_4109 : vector<1x1x128xf32> to vector<1x128xf32>
    %sub3A_4111 = vector.broadcast %slice3A_3630 : vector<512x1xf32> to vector<512x128xf32>
    %sub3A_4112 = vector.broadcast %get3A_4110 : vector<1x128xf32> to vector<512x128xf32>
    %sub3A_4113 = arith.subf %sub3A_4111, %sub3A_4112 : vector<512x128xf32>
    %mul3A_4114 = arith.mulf %sub3A_4113, %sub3A_4113 : vector<512x128xf32>
    %get3A_4115 = arith.constant 1 : index
    %get3A_4116 = arith.constant 3 : index
    %get3A_4117 = arith.constant 1792 : index
    %get3A_4118 = vector.load %arg1[%get3A_4115, %get3A_4116, %get3A_4117] : memref<3x4x4096xf32, #tpu.memory_space<vmem>>, vector<1x1x128xf32>
    %get3A_4119 = vector.shape_cast %get3A_4118 : vector<1x1x128xf32> to vector<1x128xf32>
    %sub3A_4120 = vector.broadcast %slice3A_3631 : vector<512x1xf32> to vector<512x128xf32>
    %sub3A_4121 = vector.broadcast %get3A_4119 : vector<1x128xf32> to vector<512x128xf32>
    %sub3A_4122 = arith.subf %sub3A_4120, %sub3A_4121 : vector<512x128xf32>
    %mul3A_4123 = arith.mulf %sub3A_4122, %sub3A_4122 : vector<512x128xf32>
    %add3A_4124 = arith.addf %mul3A_4114, %mul3A_4123 : vector<512x128xf32>
    %get3A_4125 = arith.constant 2 : index
    %get3A_4126 = arith.constant 3 : index
    %get3A_4127 = arith.constant 1792 : index
    %get3A_4128 = vector.load %arg1[%get3A_4125, %get3A_4126, %get3A_4127] : memref<3x4x4096xf32, #tpu.memory_space<vmem>>, vector<1x1x128xf32>
    %get3A_4129 = vector.shape_cast %get3A_4128 : vector<1x1x128xf32> to vector<1x128xf32>
    %sub3A_4130 = vector.broadcast %slice3A_3632 : vector<512x1xf32> to vector<512x128xf32>
    %sub3A_4131 = vector.broadcast %get3A_4129 : vector<1x128xf32> to vector<512x128xf32>
    %sub3A_4132 = arith.subf %sub3A_4130, %sub3A_4131 : vector<512x128xf32>
    %mul3A_4133 = arith.mulf %sub3A_4132, %sub3A_4132 : vector<512x128xf32>
    %add3A_4134 = arith.addf %add3A_4124, %mul3A_4133 : vector<512x128xf32>
    %lt3A_4135 = arith.cmpf olt, %add3A_4134, %select_n3A_4102 : vector<512x128xf32>
    %select_n3A_4136 = arith.select %lt3A_4135, %add3A_4134, %select_n3A_4102 : vector<512x128xi1>, vector<512x128xf32>
    %jit3A_4137 = arith.constant 14 : i32
    %broadcast_in_dim3A_4138 = vector.broadcast %jit3A_4137 : i32 to vector<512x128xi32>
    %select_n3A_4139 = arith.select %lt3A_4135, %broadcast_in_dim3A_4138, %select_n3A_4105 : vector<512x128xi1>, vector<512x128xi32>
    %get3A_4140 = arith.constant 0 : index
    %get3A_4141 = arith.constant 3 : index
    %get3A_4142 = arith.constant 1920 : index
    %get3A_4143 = vector.load %arg1[%get3A_4140, %get3A_4141, %get3A_4142] : memref<3x4x4096xf32, #tpu.memory_space<vmem>>, vector<1x1x128xf32>
    %get3A_4144 = vector.shape_cast %get3A_4143 : vector<1x1x128xf32> to vector<1x128xf32>
    %sub3A_4145 = vector.broadcast %slice3A_3630 : vector<512x1xf32> to vector<512x128xf32>
    %sub3A_4146 = vector.broadcast %get3A_4144 : vector<1x128xf32> to vector<512x128xf32>
    %sub3A_4147 = arith.subf %sub3A_4145, %sub3A_4146 : vector<512x128xf32>
    %mul3A_4148 = arith.mulf %sub3A_4147, %sub3A_4147 : vector<512x128xf32>
    %get3A_4149 = arith.constant 1 : index
    %get3A_4150 = arith.constant 3 : index
    %get3A_4151 = arith.constant 1920 : index
    %get3A_4152 = vector.load %arg1[%get3A_4149, %get3A_4150, %get3A_4151] : memref<3x4x4096xf32, #tpu.memory_space<vmem>>, vector<1x1x128xf32>
    %get3A_4153 = vector.shape_cast %get3A_4152 : vector<1x1x128xf32> to vector<1x128xf32>
    %sub3A_4154 = vector.broadcast %slice3A_3631 : vector<512x1xf32> to vector<512x128xf32>
    %sub3A_4155 = vector.broadcast %get3A_4153 : vector<1x128xf32> to vector<512x128xf32>
    %sub3A_4156 = arith.subf %sub3A_4154, %sub3A_4155 : vector<512x128xf32>
    %mul3A_4157 = arith.mulf %sub3A_4156, %sub3A_4156 : vector<512x128xf32>
    %add3A_4158 = arith.addf %mul3A_4148, %mul3A_4157 : vector<512x128xf32>
    %get3A_4159 = arith.constant 2 : index
    %get3A_4160 = arith.constant 3 : index
    %get3A_4161 = arith.constant 1920 : index
    %get3A_4162 = vector.load %arg1[%get3A_4159, %get3A_4160, %get3A_4161] : memref<3x4x4096xf32, #tpu.memory_space<vmem>>, vector<1x1x128xf32>
    %get3A_4163 = vector.shape_cast %get3A_4162 : vector<1x1x128xf32> to vector<1x128xf32>
    %sub3A_4164 = vector.broadcast %slice3A_3632 : vector<512x1xf32> to vector<512x128xf32>
    %sub3A_4165 = vector.broadcast %get3A_4163 : vector<1x128xf32> to vector<512x128xf32>
    %sub3A_4166 = arith.subf %sub3A_4164, %sub3A_4165 : vector<512x128xf32>
    %mul3A_4167 = arith.mulf %sub3A_4166, %sub3A_4166 : vector<512x128xf32>
    %add3A_4168 = arith.addf %add3A_4158, %mul3A_4167 : vector<512x128xf32>
    %lt3A_4169 = arith.cmpf olt, %add3A_4168, %select_n3A_4136 : vector<512x128xf32>
    %select_n3A_4170 = arith.select %lt3A_4169, %add3A_4168, %select_n3A_4136 : vector<512x128xi1>, vector<512x128xf32>
    %jit3A_4171 = arith.constant 15 : i32
    %broadcast_in_dim3A_4172 = vector.broadcast %jit3A_4171 : i32 to vector<512x128xi32>
    %select_n3A_4173 = arith.select %lt3A_4169, %broadcast_in_dim3A_4172, %select_n3A_4139 : vector<512x128xi1>, vector<512x128xi32>
    %get3A_4174 = arith.constant 0 : index
    %get3A_4175 = arith.constant 3 : index
    %get3A_4176 = arith.constant 2048 : index
    %get3A_4177 = vector.load %arg1[%get3A_4174, %get3A_4175, %get3A_4176] : memref<3x4x4096xf32, #tpu.memory_space<vmem>>, vector<1x1x128xf32>
    %get3A_4178 = vector.shape_cast %get3A_4177 : vector<1x1x128xf32> to vector<1x128xf32>
    %sub3A_4179 = vector.broadcast %slice3A_3630 : vector<512x1xf32> to vector<512x128xf32>
    %sub3A_4180 = vector.broadcast %get3A_4178 : vector<1x128xf32> to vector<512x128xf32>
    %sub3A_4181 = arith.subf %sub3A_4179, %sub3A_4180 : vector<512x128xf32>
    %mul3A_4182 = arith.mulf %sub3A_4181, %sub3A_4181 : vector<512x128xf32>
    %get3A_4183 = arith.constant 1 : index
    %get3A_4184 = arith.constant 3 : index
    %get3A_4185 = arith.constant 2048 : index
    %get3A_4186 = vector.load %arg1[%get3A_4183, %get3A_4184, %get3A_4185] : memref<3x4x4096xf32, #tpu.memory_space<vmem>>, vector<1x1x128xf32>
    %get3A_4187 = vector.shape_cast %get3A_4186 : vector<1x1x128xf32> to vector<1x128xf32>
    %sub3A_4188 = vector.broadcast %slice3A_3631 : vector<512x1xf32> to vector<512x128xf32>
    %sub3A_4189 = vector.broadcast %get3A_4187 : vector<1x128xf32> to vector<512x128xf32>
    %sub3A_4190 = arith.subf %sub3A_4188, %sub3A_4189 : vector<512x128xf32>
    %mul3A_4191 = arith.mulf %sub3A_4190, %sub3A_4190 : vector<512x128xf32>
    %add3A_4192 = arith.addf %mul3A_4182, %mul3A_4191 : vector<512x128xf32>
    %get3A_4193 = arith.constant 2 : index
    %get3A_4194 = arith.constant 3 : index
    %get3A_4195 = arith.constant 2048 : index
    %get3A_4196 = vector.load %arg1[%get3A_4193, %get3A_4194, %get3A_4195] : memref<3x4x4096xf32, #tpu.memory_space<vmem>>, vector<1x1x128xf32>
    %get3A_4197 = vector.shape_cast %get3A_4196 : vector<1x1x128xf32> to vector<1x128xf32>
    %sub3A_4198 = vector.broadcast %slice3A_3632 : vector<512x1xf32> to vector<512x128xf32>
    %sub3A_4199 = vector.broadcast %get3A_4197 : vector<1x128xf32> to vector<512x128xf32>
    %sub3A_4200 = arith.subf %sub3A_4198, %sub3A_4199 : vector<512x128xf32>
    %mul3A_4201 = arith.mulf %sub3A_4200, %sub3A_4200 : vector<512x128xf32>
    %add3A_4202 = arith.addf %add3A_4192, %mul3A_4201 : vector<512x128xf32>
    %lt3A_4203 = arith.cmpf olt, %add3A_4202, %select_n3A_4170 : vector<512x128xf32>
    %select_n3A_4204 = arith.select %lt3A_4203, %add3A_4202, %select_n3A_4170 : vector<512x128xi1>, vector<512x128xf32>
    %jit3A_4205 = arith.constant 16 : i32
    %broadcast_in_dim3A_4206 = vector.broadcast %jit3A_4205 : i32 to vector<512x128xi32>
    %select_n3A_4207 = arith.select %lt3A_4203, %broadcast_in_dim3A_4206, %select_n3A_4173 : vector<512x128xi1>, vector<512x128xi32>
    %get3A_4208 = arith.constant 0 : index
    %get3A_4209 = arith.constant 3 : index
    %get3A_4210 = arith.constant 2176 : index
    %get3A_4211 = vector.load %arg1[%get3A_4208, %get3A_4209, %get3A_4210] : memref<3x4x4096xf32, #tpu.memory_space<vmem>>, vector<1x1x128xf32>
    %get3A_4212 = vector.shape_cast %get3A_4211 : vector<1x1x128xf32> to vector<1x128xf32>
    %sub3A_4213 = vector.broadcast %slice3A_3630 : vector<512x1xf32> to vector<512x128xf32>
    %sub3A_4214 = vector.broadcast %get3A_4212 : vector<1x128xf32> to vector<512x128xf32>
    %sub3A_4215 = arith.subf %sub3A_4213, %sub3A_4214 : vector<512x128xf32>
    %mul3A_4216 = arith.mulf %sub3A_4215, %sub3A_4215 : vector<512x128xf32>
    %get3A_4217 = arith.constant 1 : index
    %get3A_4218 = arith.constant 3 : index
    %get3A_4219 = arith.constant 2176 : index
    %get3A_4220 = vector.load %arg1[%get3A_4217, %get3A_4218, %get3A_4219] : memref<3x4x4096xf32, #tpu.memory_space<vmem>>, vector<1x1x128xf32>
    %get3A_4221 = vector.shape_cast %get3A_4220 : vector<1x1x128xf32> to vector<1x128xf32>
    %sub3A_4222 = vector.broadcast %slice3A_3631 : vector<512x1xf32> to vector<512x128xf32>
    %sub3A_4223 = vector.broadcast %get3A_4221 : vector<1x128xf32> to vector<512x128xf32>
    %sub3A_4224 = arith.subf %sub3A_4222, %sub3A_4223 : vector<512x128xf32>
    %mul3A_4225 = arith.mulf %sub3A_4224, %sub3A_4224 : vector<512x128xf32>
    %add3A_4226 = arith.addf %mul3A_4216, %mul3A_4225 : vector<512x128xf32>
    %get3A_4227 = arith.constant 2 : index
    %get3A_4228 = arith.constant 3 : index
    %get3A_4229 = arith.constant 2176 : index
    %get3A_4230 = vector.load %arg1[%get3A_4227, %get3A_4228, %get3A_4229] : memref<3x4x4096xf32, #tpu.memory_space<vmem>>, vector<1x1x128xf32>
    %get3A_4231 = vector.shape_cast %get3A_4230 : vector<1x1x128xf32> to vector<1x128xf32>
    %sub3A_4232 = vector.broadcast %slice3A_3632 : vector<512x1xf32> to vector<512x128xf32>
    %sub3A_4233 = vector.broadcast %get3A_4231 : vector<1x128xf32> to vector<512x128xf32>
    %sub3A_4234 = arith.subf %sub3A_4232, %sub3A_4233 : vector<512x128xf32>
    %mul3A_4235 = arith.mulf %sub3A_4234, %sub3A_4234 : vector<512x128xf32>
    %add3A_4236 = arith.addf %add3A_4226, %mul3A_4235 : vector<512x128xf32>
    %lt3A_4237 = arith.cmpf olt, %add3A_4236, %select_n3A_4204 : vector<512x128xf32>
    %select_n3A_4238 = arith.select %lt3A_4237, %add3A_4236, %select_n3A_4204 : vector<512x128xi1>, vector<512x128xf32>
    %jit3A_4239 = arith.constant 17 : i32
    %broadcast_in_dim3A_4240 = vector.broadcast %jit3A_4239 : i32 to vector<512x128xi32>
    %select_n3A_4241 = arith.select %lt3A_4237, %broadcast_in_dim3A_4240, %select_n3A_4207 : vector<512x128xi1>, vector<512x128xi32>
    %get3A_4242 = arith.constant 0 : index
    %get3A_4243 = arith.constant 3 : index
    %get3A_4244 = arith.constant 2304 : index
    %get3A_4245 = vector.load %arg1[%get3A_4242, %get3A_4243, %get3A_4244] : memref<3x4x4096xf32, #tpu.memory_space<vmem>>, vector<1x1x128xf32>
    %get3A_4246 = vector.shape_cast %get3A_4245 : vector<1x1x128xf32> to vector<1x128xf32>
    %sub3A_4247 = vector.broadcast %slice3A_3630 : vector<512x1xf32> to vector<512x128xf32>
    %sub3A_4248 = vector.broadcast %get3A_4246 : vector<1x128xf32> to vector<512x128xf32>
    %sub3A_4249 = arith.subf %sub3A_4247, %sub3A_4248 : vector<512x128xf32>
    %mul3A_4250 = arith.mulf %sub3A_4249, %sub3A_4249 : vector<512x128xf32>
    %get3A_4251 = arith.constant 1 : index
    %get3A_4252 = arith.constant 3 : index
    %get3A_4253 = arith.constant 2304 : index
    %get3A_4254 = vector.load %arg1[%get3A_4251, %get3A_4252, %get3A_4253] : memref<3x4x4096xf32, #tpu.memory_space<vmem>>, vector<1x1x128xf32>
    %get3A_4255 = vector.shape_cast %get3A_4254 : vector<1x1x128xf32> to vector<1x128xf32>
    %sub3A_4256 = vector.broadcast %slice3A_3631 : vector<512x1xf32> to vector<512x128xf32>
    %sub3A_4257 = vector.broadcast %get3A_4255 : vector<1x128xf32> to vector<512x128xf32>
    %sub3A_4258 = arith.subf %sub3A_4256, %sub3A_4257 : vector<512x128xf32>
    %mul3A_4259 = arith.mulf %sub3A_4258, %sub3A_4258 : vector<512x128xf32>
    %add3A_4260 = arith.addf %mul3A_4250, %mul3A_4259 : vector<512x128xf32>
    %get3A_4261 = arith.constant 2 : index
    %get3A_4262 = arith.constant 3 : index
    %get3A_4263 = arith.constant 2304 : index
    %get3A_4264 = vector.load %arg1[%get3A_4261, %get3A_4262, %get3A_4263] : memref<3x4x4096xf32, #tpu.memory_space<vmem>>, vector<1x1x128xf32>
    %get3A_4265 = vector.shape_cast %get3A_4264 : vector<1x1x128xf32> to vector<1x128xf32>
    %sub3A_4266 = vector.broadcast %slice3A_3632 : vector<512x1xf32> to vector<512x128xf32>
    %sub3A_4267 = vector.broadcast %get3A_4265 : vector<1x128xf32> to vector<512x128xf32>
    %sub3A_4268 = arith.subf %sub3A_4266, %sub3A_4267 : vector<512x128xf32>
    %mul3A_4269 = arith.mulf %sub3A_4268, %sub3A_4268 : vector<512x128xf32>
    %add3A_4270 = arith.addf %add3A_4260, %mul3A_4269 : vector<512x128xf32>
    %lt3A_4271 = arith.cmpf olt, %add3A_4270, %select_n3A_4238 : vector<512x128xf32>
    %select_n3A_4272 = arith.select %lt3A_4271, %add3A_4270, %select_n3A_4238 : vector<512x128xi1>, vector<512x128xf32>
    %jit3A_4273 = arith.constant 18 : i32
    %broadcast_in_dim3A_4274 = vector.broadcast %jit3A_4273 : i32 to vector<512x128xi32>
    %select_n3A_4275 = arith.select %lt3A_4271, %broadcast_in_dim3A_4274, %select_n3A_4241 : vector<512x128xi1>, vector<512x128xi32>
    %get3A_4276 = arith.constant 0 : index
    %get3A_4277 = arith.constant 3 : index
    %get3A_4278 = arith.constant 2432 : index
    %get3A_4279 = vector.load %arg1[%get3A_4276, %get3A_4277, %get3A_4278] : memref<3x4x4096xf32, #tpu.memory_space<vmem>>, vector<1x1x128xf32>
    %get3A_4280 = vector.shape_cast %get3A_4279 : vector<1x1x128xf32> to vector<1x128xf32>
    %sub3A_4281 = vector.broadcast %slice3A_3630 : vector<512x1xf32> to vector<512x128xf32>
    %sub3A_4282 = vector.broadcast %get3A_4280 : vector<1x128xf32> to vector<512x128xf32>
    %sub3A_4283 = arith.subf %sub3A_4281, %sub3A_4282 : vector<512x128xf32>
    %mul3A_4284 = arith.mulf %sub3A_4283, %sub3A_4283 : vector<512x128xf32>
    %get3A_4285 = arith.constant 1 : index
    %get3A_4286 = arith.constant 3 : index
    %get3A_4287 = arith.constant 2432 : index
    %get3A_4288 = vector.load %arg1[%get3A_4285, %get3A_4286, %get3A_4287] : memref<3x4x4096xf32, #tpu.memory_space<vmem>>, vector<1x1x128xf32>
    %get3A_4289 = vector.shape_cast %get3A_4288 : vector<1x1x128xf32> to vector<1x128xf32>
    %sub3A_4290 = vector.broadcast %slice3A_3631 : vector<512x1xf32> to vector<512x128xf32>
    %sub3A_4291 = vector.broadcast %get3A_4289 : vector<1x128xf32> to vector<512x128xf32>
    %sub3A_4292 = arith.subf %sub3A_4290, %sub3A_4291 : vector<512x128xf32>
    %mul3A_4293 = arith.mulf %sub3A_4292, %sub3A_4292 : vector<512x128xf32>
    %add3A_4294 = arith.addf %mul3A_4284, %mul3A_4293 : vector<512x128xf32>
    %get3A_4295 = arith.constant 2 : index
    %get3A_4296 = arith.constant 3 : index
    %get3A_4297 = arith.constant 2432 : index
    %get3A_4298 = vector.load %arg1[%get3A_4295, %get3A_4296, %get3A_4297] : memref<3x4x4096xf32, #tpu.memory_space<vmem>>, vector<1x1x128xf32>
    %get3A_4299 = vector.shape_cast %get3A_4298 : vector<1x1x128xf32> to vector<1x128xf32>
    %sub3A_4300 = vector.broadcast %slice3A_3632 : vector<512x1xf32> to vector<512x128xf32>
    %sub3A_4301 = vector.broadcast %get3A_4299 : vector<1x128xf32> to vector<512x128xf32>
    %sub3A_4302 = arith.subf %sub3A_4300, %sub3A_4301 : vector<512x128xf32>
    %mul3A_4303 = arith.mulf %sub3A_4302, %sub3A_4302 : vector<512x128xf32>
    %add3A_4304 = arith.addf %add3A_4294, %mul3A_4303 : vector<512x128xf32>
    %lt3A_4305 = arith.cmpf olt, %add3A_4304, %select_n3A_4272 : vector<512x128xf32>
    %select_n3A_4306 = arith.select %lt3A_4305, %add3A_4304, %select_n3A_4272 : vector<512x128xi1>, vector<512x128xf32>
    %jit3A_4307 = arith.constant 19 : i32
    %broadcast_in_dim3A_4308 = vector.broadcast %jit3A_4307 : i32 to vector<512x128xi32>
    %select_n3A_4309 = arith.select %lt3A_4305, %broadcast_in_dim3A_4308, %select_n3A_4275 : vector<512x128xi1>, vector<512x128xi32>
    %get3A_4310 = arith.constant 0 : index
    %get3A_4311 = arith.constant 3 : index
    %get3A_4312 = arith.constant 2560 : index
    %get3A_4313 = vector.load %arg1[%get3A_4310, %get3A_4311, %get3A_4312] : memref<3x4x4096xf32, #tpu.memory_space<vmem>>, vector<1x1x128xf32>
    %get3A_4314 = vector.shape_cast %get3A_4313 : vector<1x1x128xf32> to vector<1x128xf32>
    %sub3A_4315 = vector.broadcast %slice3A_3630 : vector<512x1xf32> to vector<512x128xf32>
    %sub3A_4316 = vector.broadcast %get3A_4314 : vector<1x128xf32> to vector<512x128xf32>
    %sub3A_4317 = arith.subf %sub3A_4315, %sub3A_4316 : vector<512x128xf32>
    %mul3A_4318 = arith.mulf %sub3A_4317, %sub3A_4317 : vector<512x128xf32>
    %get3A_4319 = arith.constant 1 : index
    %get3A_4320 = arith.constant 3 : index
    %get3A_4321 = arith.constant 2560 : index
    %get3A_4322 = vector.load %arg1[%get3A_4319, %get3A_4320, %get3A_4321] : memref<3x4x4096xf32, #tpu.memory_space<vmem>>, vector<1x1x128xf32>
    %get3A_4323 = vector.shape_cast %get3A_4322 : vector<1x1x128xf32> to vector<1x128xf32>
    %sub3A_4324 = vector.broadcast %slice3A_3631 : vector<512x1xf32> to vector<512x128xf32>
    %sub3A_4325 = vector.broadcast %get3A_4323 : vector<1x128xf32> to vector<512x128xf32>
    %sub3A_4326 = arith.subf %sub3A_4324, %sub3A_4325 : vector<512x128xf32>
    %mul3A_4327 = arith.mulf %sub3A_4326, %sub3A_4326 : vector<512x128xf32>
    %add3A_4328 = arith.addf %mul3A_4318, %mul3A_4327 : vector<512x128xf32>
    %get3A_4329 = arith.constant 2 : index
    %get3A_4330 = arith.constant 3 : index
    %get3A_4331 = arith.constant 2560 : index
    %get3A_4332 = vector.load %arg1[%get3A_4329, %get3A_4330, %get3A_4331] : memref<3x4x4096xf32, #tpu.memory_space<vmem>>, vector<1x1x128xf32>
    %get3A_4333 = vector.shape_cast %get3A_4332 : vector<1x1x128xf32> to vector<1x128xf32>
    %sub3A_4334 = vector.broadcast %slice3A_3632 : vector<512x1xf32> to vector<512x128xf32>
    %sub3A_4335 = vector.broadcast %get3A_4333 : vector<1x128xf32> to vector<512x128xf32>
    %sub3A_4336 = arith.subf %sub3A_4334, %sub3A_4335 : vector<512x128xf32>
    %mul3A_4337 = arith.mulf %sub3A_4336, %sub3A_4336 : vector<512x128xf32>
    %add3A_4338 = arith.addf %add3A_4328, %mul3A_4337 : vector<512x128xf32>
    %lt3A_4339 = arith.cmpf olt, %add3A_4338, %select_n3A_4306 : vector<512x128xf32>
    %select_n3A_4340 = arith.select %lt3A_4339, %add3A_4338, %select_n3A_4306 : vector<512x128xi1>, vector<512x128xf32>
    %jit3A_4341 = arith.constant 20 : i32
    %broadcast_in_dim3A_4342 = vector.broadcast %jit3A_4341 : i32 to vector<512x128xi32>
    %select_n3A_4343 = arith.select %lt3A_4339, %broadcast_in_dim3A_4342, %select_n3A_4309 : vector<512x128xi1>, vector<512x128xi32>
    %get3A_4344 = arith.constant 0 : index
    %get3A_4345 = arith.constant 3 : index
    %get3A_4346 = arith.constant 2688 : index
    %get3A_4347 = vector.load %arg1[%get3A_4344, %get3A_4345, %get3A_4346] : memref<3x4x4096xf32, #tpu.memory_space<vmem>>, vector<1x1x128xf32>
    %get3A_4348 = vector.shape_cast %get3A_4347 : vector<1x1x128xf32> to vector<1x128xf32>
    %sub3A_4349 = vector.broadcast %slice3A_3630 : vector<512x1xf32> to vector<512x128xf32>
    %sub3A_4350 = vector.broadcast %get3A_4348 : vector<1x128xf32> to vector<512x128xf32>
    %sub3A_4351 = arith.subf %sub3A_4349, %sub3A_4350 : vector<512x128xf32>
    %mul3A_4352 = arith.mulf %sub3A_4351, %sub3A_4351 : vector<512x128xf32>
    %get3A_4353 = arith.constant 1 : index
    %get3A_4354 = arith.constant 3 : index
    %get3A_4355 = arith.constant 2688 : index
    %get3A_4356 = vector.load %arg1[%get3A_4353, %get3A_4354, %get3A_4355] : memref<3x4x4096xf32, #tpu.memory_space<vmem>>, vector<1x1x128xf32>
    %get3A_4357 = vector.shape_cast %get3A_4356 : vector<1x1x128xf32> to vector<1x128xf32>
    %sub3A_4358 = vector.broadcast %slice3A_3631 : vector<512x1xf32> to vector<512x128xf32>
    %sub3A_4359 = vector.broadcast %get3A_4357 : vector<1x128xf32> to vector<512x128xf32>
    %sub3A_4360 = arith.subf %sub3A_4358, %sub3A_4359 : vector<512x128xf32>
    %mul3A_4361 = arith.mulf %sub3A_4360, %sub3A_4360 : vector<512x128xf32>
    %add3A_4362 = arith.addf %mul3A_4352, %mul3A_4361 : vector<512x128xf32>
    %get3A_4363 = arith.constant 2 : index
    %get3A_4364 = arith.constant 3 : index
    %get3A_4365 = arith.constant 2688 : index
    %get3A_4366 = vector.load %arg1[%get3A_4363, %get3A_4364, %get3A_4365] : memref<3x4x4096xf32, #tpu.memory_space<vmem>>, vector<1x1x128xf32>
    %get3A_4367 = vector.shape_cast %get3A_4366 : vector<1x1x128xf32> to vector<1x128xf32>
    %sub3A_4368 = vector.broadcast %slice3A_3632 : vector<512x1xf32> to vector<512x128xf32>
    %sub3A_4369 = vector.broadcast %get3A_4367 : vector<1x128xf32> to vector<512x128xf32>
    %sub3A_4370 = arith.subf %sub3A_4368, %sub3A_4369 : vector<512x128xf32>
    %mul3A_4371 = arith.mulf %sub3A_4370, %sub3A_4370 : vector<512x128xf32>
    %add3A_4372 = arith.addf %add3A_4362, %mul3A_4371 : vector<512x128xf32>
    %lt3A_4373 = arith.cmpf olt, %add3A_4372, %select_n3A_4340 : vector<512x128xf32>
    %select_n3A_4374 = arith.select %lt3A_4373, %add3A_4372, %select_n3A_4340 : vector<512x128xi1>, vector<512x128xf32>
    %jit3A_4375 = arith.constant 21 : i32
    %broadcast_in_dim3A_4376 = vector.broadcast %jit3A_4375 : i32 to vector<512x128xi32>
    %select_n3A_4377 = arith.select %lt3A_4373, %broadcast_in_dim3A_4376, %select_n3A_4343 : vector<512x128xi1>, vector<512x128xi32>
    %get3A_4378 = arith.constant 0 : index
    %get3A_4379 = arith.constant 3 : index
    %get3A_4380 = arith.constant 2816 : index
    %get3A_4381 = vector.load %arg1[%get3A_4378, %get3A_4379, %get3A_4380] : memref<3x4x4096xf32, #tpu.memory_space<vmem>>, vector<1x1x128xf32>
    %get3A_4382 = vector.shape_cast %get3A_4381 : vector<1x1x128xf32> to vector<1x128xf32>
    %sub3A_4383 = vector.broadcast %slice3A_3630 : vector<512x1xf32> to vector<512x128xf32>
    %sub3A_4384 = vector.broadcast %get3A_4382 : vector<1x128xf32> to vector<512x128xf32>
    %sub3A_4385 = arith.subf %sub3A_4383, %sub3A_4384 : vector<512x128xf32>
    %mul3A_4386 = arith.mulf %sub3A_4385, %sub3A_4385 : vector<512x128xf32>
    %get3A_4387 = arith.constant 1 : index
    %get3A_4388 = arith.constant 3 : index
    %get3A_4389 = arith.constant 2816 : index
    %get3A_4390 = vector.load %arg1[%get3A_4387, %get3A_4388, %get3A_4389] : memref<3x4x4096xf32, #tpu.memory_space<vmem>>, vector<1x1x128xf32>
    %get3A_4391 = vector.shape_cast %get3A_4390 : vector<1x1x128xf32> to vector<1x128xf32>
    %sub3A_4392 = vector.broadcast %slice3A_3631 : vector<512x1xf32> to vector<512x128xf32>
    %sub3A_4393 = vector.broadcast %get3A_4391 : vector<1x128xf32> to vector<512x128xf32>
    %sub3A_4394 = arith.subf %sub3A_4392, %sub3A_4393 : vector<512x128xf32>
    %mul3A_4395 = arith.mulf %sub3A_4394, %sub3A_4394 : vector<512x128xf32>
    %add3A_4396 = arith.addf %mul3A_4386, %mul3A_4395 : vector<512x128xf32>
    %get3A_4397 = arith.constant 2 : index
    %get3A_4398 = arith.constant 3 : index
    %get3A_4399 = arith.constant 2816 : index
    %get3A_4400 = vector.load %arg1[%get3A_4397, %get3A_4398, %get3A_4399] : memref<3x4x4096xf32, #tpu.memory_space<vmem>>, vector<1x1x128xf32>
    %get3A_4401 = vector.shape_cast %get3A_4400 : vector<1x1x128xf32> to vector<1x128xf32>
    %sub3A_4402 = vector.broadcast %slice3A_3632 : vector<512x1xf32> to vector<512x128xf32>
    %sub3A_4403 = vector.broadcast %get3A_4401 : vector<1x128xf32> to vector<512x128xf32>
    %sub3A_4404 = arith.subf %sub3A_4402, %sub3A_4403 : vector<512x128xf32>
    %mul3A_4405 = arith.mulf %sub3A_4404, %sub3A_4404 : vector<512x128xf32>
    %add3A_4406 = arith.addf %add3A_4396, %mul3A_4405 : vector<512x128xf32>
    %lt3A_4407 = arith.cmpf olt, %add3A_4406, %select_n3A_4374 : vector<512x128xf32>
    %select_n3A_4408 = arith.select %lt3A_4407, %add3A_4406, %select_n3A_4374 : vector<512x128xi1>, vector<512x128xf32>
    %jit3A_4409 = arith.constant 22 : i32
    %broadcast_in_dim3A_4410 = vector.broadcast %jit3A_4409 : i32 to vector<512x128xi32>
    %select_n3A_4411 = arith.select %lt3A_4407, %broadcast_in_dim3A_4410, %select_n3A_4377 : vector<512x128xi1>, vector<512x128xi32>
    %get3A_4412 = arith.constant 0 : index
    %get3A_4413 = arith.constant 3 : index
    %get3A_4414 = arith.constant 2944 : index
    %get3A_4415 = vector.load %arg1[%get3A_4412, %get3A_4413, %get3A_4414] : memref<3x4x4096xf32, #tpu.memory_space<vmem>>, vector<1x1x128xf32>
    %get3A_4416 = vector.shape_cast %get3A_4415 : vector<1x1x128xf32> to vector<1x128xf32>
    %sub3A_4417 = vector.broadcast %slice3A_3630 : vector<512x1xf32> to vector<512x128xf32>
    %sub3A_4418 = vector.broadcast %get3A_4416 : vector<1x128xf32> to vector<512x128xf32>
    %sub3A_4419 = arith.subf %sub3A_4417, %sub3A_4418 : vector<512x128xf32>
    %mul3A_4420 = arith.mulf %sub3A_4419, %sub3A_4419 : vector<512x128xf32>
    %get3A_4421 = arith.constant 1 : index
    %get3A_4422 = arith.constant 3 : index
    %get3A_4423 = arith.constant 2944 : index
    %get3A_4424 = vector.load %arg1[%get3A_4421, %get3A_4422, %get3A_4423] : memref<3x4x4096xf32, #tpu.memory_space<vmem>>, vector<1x1x128xf32>
    %get3A_4425 = vector.shape_cast %get3A_4424 : vector<1x1x128xf32> to vector<1x128xf32>
    %sub3A_4426 = vector.broadcast %slice3A_3631 : vector<512x1xf32> to vector<512x128xf32>
    %sub3A_4427 = vector.broadcast %get3A_4425 : vector<1x128xf32> to vector<512x128xf32>
    %sub3A_4428 = arith.subf %sub3A_4426, %sub3A_4427 : vector<512x128xf32>
    %mul3A_4429 = arith.mulf %sub3A_4428, %sub3A_4428 : vector<512x128xf32>
    %add3A_4430 = arith.addf %mul3A_4420, %mul3A_4429 : vector<512x128xf32>
    %get3A_4431 = arith.constant 2 : index
    %get3A_4432 = arith.constant 3 : index
    %get3A_4433 = arith.constant 2944 : index
    %get3A_4434 = vector.load %arg1[%get3A_4431, %get3A_4432, %get3A_4433] : memref<3x4x4096xf32, #tpu.memory_space<vmem>>, vector<1x1x128xf32>
    %get3A_4435 = vector.shape_cast %get3A_4434 : vector<1x1x128xf32> to vector<1x128xf32>
    %sub3A_4436 = vector.broadcast %slice3A_3632 : vector<512x1xf32> to vector<512x128xf32>
    %sub3A_4437 = vector.broadcast %get3A_4435 : vector<1x128xf32> to vector<512x128xf32>
    %sub3A_4438 = arith.subf %sub3A_4436, %sub3A_4437 : vector<512x128xf32>
    %mul3A_4439 = arith.mulf %sub3A_4438, %sub3A_4438 : vector<512x128xf32>
    %add3A_4440 = arith.addf %add3A_4430, %mul3A_4439 : vector<512x128xf32>
    %lt3A_4441 = arith.cmpf olt, %add3A_4440, %select_n3A_4408 : vector<512x128xf32>
    %select_n3A_4442 = arith.select %lt3A_4441, %add3A_4440, %select_n3A_4408 : vector<512x128xi1>, vector<512x128xf32>
    %jit3A_4443 = arith.constant 23 : i32
    %broadcast_in_dim3A_4444 = vector.broadcast %jit3A_4443 : i32 to vector<512x128xi32>
    %select_n3A_4445 = arith.select %lt3A_4441, %broadcast_in_dim3A_4444, %select_n3A_4411 : vector<512x128xi1>, vector<512x128xi32>
    %get3A_4446 = arith.constant 0 : index
    %get3A_4447 = arith.constant 3 : index
    %get3A_4448 = arith.constant 3072 : index
    %get3A_4449 = vector.load %arg1[%get3A_4446, %get3A_4447, %get3A_4448] : memref<3x4x4096xf32, #tpu.memory_space<vmem>>, vector<1x1x128xf32>
    %get3A_4450 = vector.shape_cast %get3A_4449 : vector<1x1x128xf32> to vector<1x128xf32>
    %sub3A_4451 = vector.broadcast %slice3A_3630 : vector<512x1xf32> to vector<512x128xf32>
    %sub3A_4452 = vector.broadcast %get3A_4450 : vector<1x128xf32> to vector<512x128xf32>
    %sub3A_4453 = arith.subf %sub3A_4451, %sub3A_4452 : vector<512x128xf32>
    %mul3A_4454 = arith.mulf %sub3A_4453, %sub3A_4453 : vector<512x128xf32>
    %get3A_4455 = arith.constant 1 : index
    %get3A_4456 = arith.constant 3 : index
    %get3A_4457 = arith.constant 3072 : index
    %get3A_4458 = vector.load %arg1[%get3A_4455, %get3A_4456, %get3A_4457] : memref<3x4x4096xf32, #tpu.memory_space<vmem>>, vector<1x1x128xf32>
    %get3A_4459 = vector.shape_cast %get3A_4458 : vector<1x1x128xf32> to vector<1x128xf32>
    %sub3A_4460 = vector.broadcast %slice3A_3631 : vector<512x1xf32> to vector<512x128xf32>
    %sub3A_4461 = vector.broadcast %get3A_4459 : vector<1x128xf32> to vector<512x128xf32>
    %sub3A_4462 = arith.subf %sub3A_4460, %sub3A_4461 : vector<512x128xf32>
    %mul3A_4463 = arith.mulf %sub3A_4462, %sub3A_4462 : vector<512x128xf32>
    %add3A_4464 = arith.addf %mul3A_4454, %mul3A_4463 : vector<512x128xf32>
    %get3A_4465 = arith.constant 2 : index
    %get3A_4466 = arith.constant 3 : index
    %get3A_4467 = arith.constant 3072 : index
    %get3A_4468 = vector.load %arg1[%get3A_4465, %get3A_4466, %get3A_4467] : memref<3x4x4096xf32, #tpu.memory_space<vmem>>, vector<1x1x128xf32>
    %get3A_4469 = vector.shape_cast %get3A_4468 : vector<1x1x128xf32> to vector<1x128xf32>
    %sub3A_4470 = vector.broadcast %slice3A_3632 : vector<512x1xf32> to vector<512x128xf32>
    %sub3A_4471 = vector.broadcast %get3A_4469 : vector<1x128xf32> to vector<512x128xf32>
    %sub3A_4472 = arith.subf %sub3A_4470, %sub3A_4471 : vector<512x128xf32>
    %mul3A_4473 = arith.mulf %sub3A_4472, %sub3A_4472 : vector<512x128xf32>
    %add3A_4474 = arith.addf %add3A_4464, %mul3A_4473 : vector<512x128xf32>
    %lt3A_4475 = arith.cmpf olt, %add3A_4474, %select_n3A_4442 : vector<512x128xf32>
    %select_n3A_4476 = arith.select %lt3A_4475, %add3A_4474, %select_n3A_4442 : vector<512x128xi1>, vector<512x128xf32>
    %jit3A_4477 = arith.constant 24 : i32
    %broadcast_in_dim3A_4478 = vector.broadcast %jit3A_4477 : i32 to vector<512x128xi32>
    %select_n3A_4479 = arith.select %lt3A_4475, %broadcast_in_dim3A_4478, %select_n3A_4445 : vector<512x128xi1>, vector<512x128xi32>
    %get3A_4480 = arith.constant 0 : index
    %get3A_4481 = arith.constant 3 : index
    %get3A_4482 = arith.constant 3200 : index
    %get3A_4483 = vector.load %arg1[%get3A_4480, %get3A_4481, %get3A_4482] : memref<3x4x4096xf32, #tpu.memory_space<vmem>>, vector<1x1x128xf32>
    %get3A_4484 = vector.shape_cast %get3A_4483 : vector<1x1x128xf32> to vector<1x128xf32>
    %sub3A_4485 = vector.broadcast %slice3A_3630 : vector<512x1xf32> to vector<512x128xf32>
    %sub3A_4486 = vector.broadcast %get3A_4484 : vector<1x128xf32> to vector<512x128xf32>
    %sub3A_4487 = arith.subf %sub3A_4485, %sub3A_4486 : vector<512x128xf32>
    %mul3A_4488 = arith.mulf %sub3A_4487, %sub3A_4487 : vector<512x128xf32>
    %get3A_4489 = arith.constant 1 : index
    %get3A_4490 = arith.constant 3 : index
    %get3A_4491 = arith.constant 3200 : index
    %get3A_4492 = vector.load %arg1[%get3A_4489, %get3A_4490, %get3A_4491] : memref<3x4x4096xf32, #tpu.memory_space<vmem>>, vector<1x1x128xf32>
    %get3A_4493 = vector.shape_cast %get3A_4492 : vector<1x1x128xf32> to vector<1x128xf32>
    %sub3A_4494 = vector.broadcast %slice3A_3631 : vector<512x1xf32> to vector<512x128xf32>
    %sub3A_4495 = vector.broadcast %get3A_4493 : vector<1x128xf32> to vector<512x128xf32>
    %sub3A_4496 = arith.subf %sub3A_4494, %sub3A_4495 : vector<512x128xf32>
    %mul3A_4497 = arith.mulf %sub3A_4496, %sub3A_4496 : vector<512x128xf32>
    %add3A_4498 = arith.addf %mul3A_4488, %mul3A_4497 : vector<512x128xf32>
    %get3A_4499 = arith.constant 2 : index
    %get3A_4500 = arith.constant 3 : index
    %get3A_4501 = arith.constant 3200 : index
    %get3A_4502 = vector.load %arg1[%get3A_4499, %get3A_4500, %get3A_4501] : memref<3x4x4096xf32, #tpu.memory_space<vmem>>, vector<1x1x128xf32>
    %get3A_4503 = vector.shape_cast %get3A_4502 : vector<1x1x128xf32> to vector<1x128xf32>
    %sub3A_4504 = vector.broadcast %slice3A_3632 : vector<512x1xf32> to vector<512x128xf32>
    %sub3A_4505 = vector.broadcast %get3A_4503 : vector<1x128xf32> to vector<512x128xf32>
    %sub3A_4506 = arith.subf %sub3A_4504, %sub3A_4505 : vector<512x128xf32>
    %mul3A_4507 = arith.mulf %sub3A_4506, %sub3A_4506 : vector<512x128xf32>
    %add3A_4508 = arith.addf %add3A_4498, %mul3A_4507 : vector<512x128xf32>
    %lt3A_4509 = arith.cmpf olt, %add3A_4508, %select_n3A_4476 : vector<512x128xf32>
    %select_n3A_4510 = arith.select %lt3A_4509, %add3A_4508, %select_n3A_4476 : vector<512x128xi1>, vector<512x128xf32>
    %jit3A_4511 = arith.constant 25 : i32
    %broadcast_in_dim3A_4512 = vector.broadcast %jit3A_4511 : i32 to vector<512x128xi32>
    %select_n3A_4513 = arith.select %lt3A_4509, %broadcast_in_dim3A_4512, %select_n3A_4479 : vector<512x128xi1>, vector<512x128xi32>
    %get3A_4514 = arith.constant 0 : index
    %get3A_4515 = arith.constant 3 : index
    %get3A_4516 = arith.constant 3328 : index
    %get3A_4517 = vector.load %arg1[%get3A_4514, %get3A_4515, %get3A_4516] : memref<3x4x4096xf32, #tpu.memory_space<vmem>>, vector<1x1x128xf32>
    %get3A_4518 = vector.shape_cast %get3A_4517 : vector<1x1x128xf32> to vector<1x128xf32>
    %sub3A_4519 = vector.broadcast %slice3A_3630 : vector<512x1xf32> to vector<512x128xf32>
    %sub3A_4520 = vector.broadcast %get3A_4518 : vector<1x128xf32> to vector<512x128xf32>
    %sub3A_4521 = arith.subf %sub3A_4519, %sub3A_4520 : vector<512x128xf32>
    %mul3A_4522 = arith.mulf %sub3A_4521, %sub3A_4521 : vector<512x128xf32>
    %get3A_4523 = arith.constant 1 : index
    %get3A_4524 = arith.constant 3 : index
    %get3A_4525 = arith.constant 3328 : index
    %get3A_4526 = vector.load %arg1[%get3A_4523, %get3A_4524, %get3A_4525] : memref<3x4x4096xf32, #tpu.memory_space<vmem>>, vector<1x1x128xf32>
    %get3A_4527 = vector.shape_cast %get3A_4526 : vector<1x1x128xf32> to vector<1x128xf32>
    %sub3A_4528 = vector.broadcast %slice3A_3631 : vector<512x1xf32> to vector<512x128xf32>
    %sub3A_4529 = vector.broadcast %get3A_4527 : vector<1x128xf32> to vector<512x128xf32>
    %sub3A_4530 = arith.subf %sub3A_4528, %sub3A_4529 : vector<512x128xf32>
    %mul3A_4531 = arith.mulf %sub3A_4530, %sub3A_4530 : vector<512x128xf32>
    %add3A_4532 = arith.addf %mul3A_4522, %mul3A_4531 : vector<512x128xf32>
    %get3A_4533 = arith.constant 2 : index
    %get3A_4534 = arith.constant 3 : index
    %get3A_4535 = arith.constant 3328 : index
    %get3A_4536 = vector.load %arg1[%get3A_4533, %get3A_4534, %get3A_4535] : memref<3x4x4096xf32, #tpu.memory_space<vmem>>, vector<1x1x128xf32>
    %get3A_4537 = vector.shape_cast %get3A_4536 : vector<1x1x128xf32> to vector<1x128xf32>
    %sub3A_4538 = vector.broadcast %slice3A_3632 : vector<512x1xf32> to vector<512x128xf32>
    %sub3A_4539 = vector.broadcast %get3A_4537 : vector<1x128xf32> to vector<512x128xf32>
    %sub3A_4540 = arith.subf %sub3A_4538, %sub3A_4539 : vector<512x128xf32>
    %mul3A_4541 = arith.mulf %sub3A_4540, %sub3A_4540 : vector<512x128xf32>
    %add3A_4542 = arith.addf %add3A_4532, %mul3A_4541 : vector<512x128xf32>
    %lt3A_4543 = arith.cmpf olt, %add3A_4542, %select_n3A_4510 : vector<512x128xf32>
    %select_n3A_4544 = arith.select %lt3A_4543, %add3A_4542, %select_n3A_4510 : vector<512x128xi1>, vector<512x128xf32>
    %jit3A_4545 = arith.constant 26 : i32
    %broadcast_in_dim3A_4546 = vector.broadcast %jit3A_4545 : i32 to vector<512x128xi32>
    %select_n3A_4547 = arith.select %lt3A_4543, %broadcast_in_dim3A_4546, %select_n3A_4513 : vector<512x128xi1>, vector<512x128xi32>
    %get3A_4548 = arith.constant 0 : index
    %get3A_4549 = arith.constant 3 : index
    %get3A_4550 = arith.constant 3456 : index
    %get3A_4551 = vector.load %arg1[%get3A_4548, %get3A_4549, %get3A_4550] : memref<3x4x4096xf32, #tpu.memory_space<vmem>>, vector<1x1x128xf32>
    %get3A_4552 = vector.shape_cast %get3A_4551 : vector<1x1x128xf32> to vector<1x128xf32>
    %sub3A_4553 = vector.broadcast %slice3A_3630 : vector<512x1xf32> to vector<512x128xf32>
    %sub3A_4554 = vector.broadcast %get3A_4552 : vector<1x128xf32> to vector<512x128xf32>
    %sub3A_4555 = arith.subf %sub3A_4553, %sub3A_4554 : vector<512x128xf32>
    %mul3A_4556 = arith.mulf %sub3A_4555, %sub3A_4555 : vector<512x128xf32>
    %get3A_4557 = arith.constant 1 : index
    %get3A_4558 = arith.constant 3 : index
    %get3A_4559 = arith.constant 3456 : index
    %get3A_4560 = vector.load %arg1[%get3A_4557, %get3A_4558, %get3A_4559] : memref<3x4x4096xf32, #tpu.memory_space<vmem>>, vector<1x1x128xf32>
    %get3A_4561 = vector.shape_cast %get3A_4560 : vector<1x1x128xf32> to vector<1x128xf32>
    %sub3A_4562 = vector.broadcast %slice3A_3631 : vector<512x1xf32> to vector<512x128xf32>
    %sub3A_4563 = vector.broadcast %get3A_4561 : vector<1x128xf32> to vector<512x128xf32>
    %sub3A_4564 = arith.subf %sub3A_4562, %sub3A_4563 : vector<512x128xf32>
    %mul3A_4565 = arith.mulf %sub3A_4564, %sub3A_4564 : vector<512x128xf32>
    %add3A_4566 = arith.addf %mul3A_4556, %mul3A_4565 : vector<512x128xf32>
    %get3A_4567 = arith.constant 2 : index
    %get3A_4568 = arith.constant 3 : index
    %get3A_4569 = arith.constant 3456 : index
    %get3A_4570 = vector.load %arg1[%get3A_4567, %get3A_4568, %get3A_4569] : memref<3x4x4096xf32, #tpu.memory_space<vmem>>, vector<1x1x128xf32>
    %get3A_4571 = vector.shape_cast %get3A_4570 : vector<1x1x128xf32> to vector<1x128xf32>
    %sub3A_4572 = vector.broadcast %slice3A_3632 : vector<512x1xf32> to vector<512x128xf32>
    %sub3A_4573 = vector.broadcast %get3A_4571 : vector<1x128xf32> to vector<512x128xf32>
    %sub3A_4574 = arith.subf %sub3A_4572, %sub3A_4573 : vector<512x128xf32>
    %mul3A_4575 = arith.mulf %sub3A_4574, %sub3A_4574 : vector<512x128xf32>
    %add3A_4576 = arith.addf %add3A_4566, %mul3A_4575 : vector<512x128xf32>
    %lt3A_4577 = arith.cmpf olt, %add3A_4576, %select_n3A_4544 : vector<512x128xf32>
    %select_n3A_4578 = arith.select %lt3A_4577, %add3A_4576, %select_n3A_4544 : vector<512x128xi1>, vector<512x128xf32>
    %jit3A_4579 = arith.constant 27 : i32
    %broadcast_in_dim3A_4580 = vector.broadcast %jit3A_4579 : i32 to vector<512x128xi32>
    %select_n3A_4581 = arith.select %lt3A_4577, %broadcast_in_dim3A_4580, %select_n3A_4547 : vector<512x128xi1>, vector<512x128xi32>
    %get3A_4582 = arith.constant 0 : index
    %get3A_4583 = arith.constant 3 : index
    %get3A_4584 = arith.constant 3584 : index
    %get3A_4585 = vector.load %arg1[%get3A_4582, %get3A_4583, %get3A_4584] : memref<3x4x4096xf32, #tpu.memory_space<vmem>>, vector<1x1x128xf32>
    %get3A_4586 = vector.shape_cast %get3A_4585 : vector<1x1x128xf32> to vector<1x128xf32>
    %sub3A_4587 = vector.broadcast %slice3A_3630 : vector<512x1xf32> to vector<512x128xf32>
    %sub3A_4588 = vector.broadcast %get3A_4586 : vector<1x128xf32> to vector<512x128xf32>
    %sub3A_4589 = arith.subf %sub3A_4587, %sub3A_4588 : vector<512x128xf32>
    %mul3A_4590 = arith.mulf %sub3A_4589, %sub3A_4589 : vector<512x128xf32>
    %get3A_4591 = arith.constant 1 : index
    %get3A_4592 = arith.constant 3 : index
    %get3A_4593 = arith.constant 3584 : index
    %get3A_4594 = vector.load %arg1[%get3A_4591, %get3A_4592, %get3A_4593] : memref<3x4x4096xf32, #tpu.memory_space<vmem>>, vector<1x1x128xf32>
    %get3A_4595 = vector.shape_cast %get3A_4594 : vector<1x1x128xf32> to vector<1x128xf32>
    %sub3A_4596 = vector.broadcast %slice3A_3631 : vector<512x1xf32> to vector<512x128xf32>
    %sub3A_4597 = vector.broadcast %get3A_4595 : vector<1x128xf32> to vector<512x128xf32>
    %sub3A_4598 = arith.subf %sub3A_4596, %sub3A_4597 : vector<512x128xf32>
    %mul3A_4599 = arith.mulf %sub3A_4598, %sub3A_4598 : vector<512x128xf32>
    %add3A_4600 = arith.addf %mul3A_4590, %mul3A_4599 : vector<512x128xf32>
    %get3A_4601 = arith.constant 2 : index
    %get3A_4602 = arith.constant 3 : index
    %get3A_4603 = arith.constant 3584 : index
    %get3A_4604 = vector.load %arg1[%get3A_4601, %get3A_4602, %get3A_4603] : memref<3x4x4096xf32, #tpu.memory_space<vmem>>, vector<1x1x128xf32>
    %get3A_4605 = vector.shape_cast %get3A_4604 : vector<1x1x128xf32> to vector<1x128xf32>
    %sub3A_4606 = vector.broadcast %slice3A_3632 : vector<512x1xf32> to vector<512x128xf32>
    %sub3A_4607 = vector.broadcast %get3A_4605 : vector<1x128xf32> to vector<512x128xf32>
    %sub3A_4608 = arith.subf %sub3A_4606, %sub3A_4607 : vector<512x128xf32>
    %mul3A_4609 = arith.mulf %sub3A_4608, %sub3A_4608 : vector<512x128xf32>
    %add3A_4610 = arith.addf %add3A_4600, %mul3A_4609 : vector<512x128xf32>
    %lt3A_4611 = arith.cmpf olt, %add3A_4610, %select_n3A_4578 : vector<512x128xf32>
    %select_n3A_4612 = arith.select %lt3A_4611, %add3A_4610, %select_n3A_4578 : vector<512x128xi1>, vector<512x128xf32>
    %jit3A_4613 = arith.constant 28 : i32
    %broadcast_in_dim3A_4614 = vector.broadcast %jit3A_4613 : i32 to vector<512x128xi32>
    %select_n3A_4615 = arith.select %lt3A_4611, %broadcast_in_dim3A_4614, %select_n3A_4581 : vector<512x128xi1>, vector<512x128xi32>
    %get3A_4616 = arith.constant 0 : index
    %get3A_4617 = arith.constant 3 : index
    %get3A_4618 = arith.constant 3712 : index
    %get3A_4619 = vector.load %arg1[%get3A_4616, %get3A_4617, %get3A_4618] : memref<3x4x4096xf32, #tpu.memory_space<vmem>>, vector<1x1x128xf32>
    %get3A_4620 = vector.shape_cast %get3A_4619 : vector<1x1x128xf32> to vector<1x128xf32>
    %sub3A_4621 = vector.broadcast %slice3A_3630 : vector<512x1xf32> to vector<512x128xf32>
    %sub3A_4622 = vector.broadcast %get3A_4620 : vector<1x128xf32> to vector<512x128xf32>
    %sub3A_4623 = arith.subf %sub3A_4621, %sub3A_4622 : vector<512x128xf32>
    %mul3A_4624 = arith.mulf %sub3A_4623, %sub3A_4623 : vector<512x128xf32>
    %get3A_4625 = arith.constant 1 : index
    %get3A_4626 = arith.constant 3 : index
    %get3A_4627 = arith.constant 3712 : index
    %get3A_4628 = vector.load %arg1[%get3A_4625, %get3A_4626, %get3A_4627] : memref<3x4x4096xf32, #tpu.memory_space<vmem>>, vector<1x1x128xf32>
    %get3A_4629 = vector.shape_cast %get3A_4628 : vector<1x1x128xf32> to vector<1x128xf32>
    %sub3A_4630 = vector.broadcast %slice3A_3631 : vector<512x1xf32> to vector<512x128xf32>
    %sub3A_4631 = vector.broadcast %get3A_4629 : vector<1x128xf32> to vector<512x128xf32>
    %sub3A_4632 = arith.subf %sub3A_4630, %sub3A_4631 : vector<512x128xf32>
    %mul3A_4633 = arith.mulf %sub3A_4632, %sub3A_4632 : vector<512x128xf32>
    %add3A_4634 = arith.addf %mul3A_4624, %mul3A_4633 : vector<512x128xf32>
    %get3A_4635 = arith.constant 2 : index
    %get3A_4636 = arith.constant 3 : index
    %get3A_4637 = arith.constant 3712 : index
    %get3A_4638 = vector.load %arg1[%get3A_4635, %get3A_4636, %get3A_4637] : memref<3x4x4096xf32, #tpu.memory_space<vmem>>, vector<1x1x128xf32>
    %get3A_4639 = vector.shape_cast %get3A_4638 : vector<1x1x128xf32> to vector<1x128xf32>
    %sub3A_4640 = vector.broadcast %slice3A_3632 : vector<512x1xf32> to vector<512x128xf32>
    %sub3A_4641 = vector.broadcast %get3A_4639 : vector<1x128xf32> to vector<512x128xf32>
    %sub3A_4642 = arith.subf %sub3A_4640, %sub3A_4641 : vector<512x128xf32>
    %mul3A_4643 = arith.mulf %sub3A_4642, %sub3A_4642 : vector<512x128xf32>
    %add3A_4644 = arith.addf %add3A_4634, %mul3A_4643 : vector<512x128xf32>
    %lt3A_4645 = arith.cmpf olt, %add3A_4644, %select_n3A_4612 : vector<512x128xf32>
    %select_n3A_4646 = arith.select %lt3A_4645, %add3A_4644, %select_n3A_4612 : vector<512x128xi1>, vector<512x128xf32>
    %jit3A_4647 = arith.constant 29 : i32
    %broadcast_in_dim3A_4648 = vector.broadcast %jit3A_4647 : i32 to vector<512x128xi32>
    %select_n3A_4649 = arith.select %lt3A_4645, %broadcast_in_dim3A_4648, %select_n3A_4615 : vector<512x128xi1>, vector<512x128xi32>
    %get3A_4650 = arith.constant 0 : index
    %get3A_4651 = arith.constant 3 : index
    %get3A_4652 = arith.constant 3840 : index
    %get3A_4653 = vector.load %arg1[%get3A_4650, %get3A_4651, %get3A_4652] : memref<3x4x4096xf32, #tpu.memory_space<vmem>>, vector<1x1x128xf32>
    %get3A_4654 = vector.shape_cast %get3A_4653 : vector<1x1x128xf32> to vector<1x128xf32>
    %sub3A_4655 = vector.broadcast %slice3A_3630 : vector<512x1xf32> to vector<512x128xf32>
    %sub3A_4656 = vector.broadcast %get3A_4654 : vector<1x128xf32> to vector<512x128xf32>
    %sub3A_4657 = arith.subf %sub3A_4655, %sub3A_4656 : vector<512x128xf32>
    %mul3A_4658 = arith.mulf %sub3A_4657, %sub3A_4657 : vector<512x128xf32>
    %get3A_4659 = arith.constant 1 : index
    %get3A_4660 = arith.constant 3 : index
    %get3A_4661 = arith.constant 3840 : index
    %get3A_4662 = vector.load %arg1[%get3A_4659, %get3A_4660, %get3A_4661] : memref<3x4x4096xf32, #tpu.memory_space<vmem>>, vector<1x1x128xf32>
    %get3A_4663 = vector.shape_cast %get3A_4662 : vector<1x1x128xf32> to vector<1x128xf32>
    %sub3A_4664 = vector.broadcast %slice3A_3631 : vector<512x1xf32> to vector<512x128xf32>
    %sub3A_4665 = vector.broadcast %get3A_4663 : vector<1x128xf32> to vector<512x128xf32>
    %sub3A_4666 = arith.subf %sub3A_4664, %sub3A_4665 : vector<512x128xf32>
    %mul3A_4667 = arith.mulf %sub3A_4666, %sub3A_4666 : vector<512x128xf32>
    %add3A_4668 = arith.addf %mul3A_4658, %mul3A_4667 : vector<512x128xf32>
    %get3A_4669 = arith.constant 2 : index
    %get3A_4670 = arith.constant 3 : index
    %get3A_4671 = arith.constant 3840 : index
    %get3A_4672 = vector.load %arg1[%get3A_4669, %get3A_4670, %get3A_4671] : memref<3x4x4096xf32, #tpu.memory_space<vmem>>, vector<1x1x128xf32>
    %get3A_4673 = vector.shape_cast %get3A_4672 : vector<1x1x128xf32> to vector<1x128xf32>
    %sub3A_4674 = vector.broadcast %slice3A_3632 : vector<512x1xf32> to vector<512x128xf32>
    %sub3A_4675 = vector.broadcast %get3A_4673 : vector<1x128xf32> to vector<512x128xf32>
    %sub3A_4676 = arith.subf %sub3A_4674, %sub3A_4675 : vector<512x128xf32>
    %mul3A_4677 = arith.mulf %sub3A_4676, %sub3A_4676 : vector<512x128xf32>
    %add3A_4678 = arith.addf %add3A_4668, %mul3A_4677 : vector<512x128xf32>
    %lt3A_4679 = arith.cmpf olt, %add3A_4678, %select_n3A_4646 : vector<512x128xf32>
    %select_n3A_4680 = arith.select %lt3A_4679, %add3A_4678, %select_n3A_4646 : vector<512x128xi1>, vector<512x128xf32>
    %jit3A_4681 = arith.constant 30 : i32
    %broadcast_in_dim3A_4682 = vector.broadcast %jit3A_4681 : i32 to vector<512x128xi32>
    %select_n3A_4683 = arith.select %lt3A_4679, %broadcast_in_dim3A_4682, %select_n3A_4649 : vector<512x128xi1>, vector<512x128xi32>
    %get3A_4684 = arith.constant 0 : index
    %get3A_4685 = arith.constant 3 : index
    %get3A_4686 = arith.constant 3968 : index
    %get3A_4687 = vector.load %arg1[%get3A_4684, %get3A_4685, %get3A_4686] : memref<3x4x4096xf32, #tpu.memory_space<vmem>>, vector<1x1x128xf32>
    %get3A_4688 = vector.shape_cast %get3A_4687 : vector<1x1x128xf32> to vector<1x128xf32>
    %sub3A_4689 = vector.broadcast %slice3A_3630 : vector<512x1xf32> to vector<512x128xf32>
    %sub3A_4690 = vector.broadcast %get3A_4688 : vector<1x128xf32> to vector<512x128xf32>
    %sub3A_4691 = arith.subf %sub3A_4689, %sub3A_4690 : vector<512x128xf32>
    %mul3A_4692 = arith.mulf %sub3A_4691, %sub3A_4691 : vector<512x128xf32>
    %get3A_4693 = arith.constant 1 : index
    %get3A_4694 = arith.constant 3 : index
    %get3A_4695 = arith.constant 3968 : index
    %get3A_4696 = vector.load %arg1[%get3A_4693, %get3A_4694, %get3A_4695] : memref<3x4x4096xf32, #tpu.memory_space<vmem>>, vector<1x1x128xf32>
    %get3A_4697 = vector.shape_cast %get3A_4696 : vector<1x1x128xf32> to vector<1x128xf32>
    %sub3A_4698 = vector.broadcast %slice3A_3631 : vector<512x1xf32> to vector<512x128xf32>
    %sub3A_4699 = vector.broadcast %get3A_4697 : vector<1x128xf32> to vector<512x128xf32>
    %sub3A_4700 = arith.subf %sub3A_4698, %sub3A_4699 : vector<512x128xf32>
    %mul3A_4701 = arith.mulf %sub3A_4700, %sub3A_4700 : vector<512x128xf32>
    %add3A_4702 = arith.addf %mul3A_4692, %mul3A_4701 : vector<512x128xf32>
    %get3A_4703 = arith.constant 2 : index
    %get3A_4704 = arith.constant 3 : index
    %get3A_4705 = arith.constant 3968 : index
    %get3A_4706 = vector.load %arg1[%get3A_4703, %get3A_4704, %get3A_4705] : memref<3x4x4096xf32, #tpu.memory_space<vmem>>, vector<1x1x128xf32>
    %get3A_4707 = vector.shape_cast %get3A_4706 : vector<1x1x128xf32> to vector<1x128xf32>
    %sub3A_4708 = vector.broadcast %slice3A_3632 : vector<512x1xf32> to vector<512x128xf32>
    %sub3A_4709 = vector.broadcast %get3A_4707 : vector<1x128xf32> to vector<512x128xf32>
    %sub3A_4710 = arith.subf %sub3A_4708, %sub3A_4709 : vector<512x128xf32>
    %mul3A_4711 = arith.mulf %sub3A_4710, %sub3A_4710 : vector<512x128xf32>
    %add3A_4712 = arith.addf %add3A_4702, %mul3A_4711 : vector<512x128xf32>
    %lt3A_4713 = arith.cmpf olt, %add3A_4712, %select_n3A_4680 : vector<512x128xf32>
    %select_n3A_4714 = arith.select %lt3A_4713, %add3A_4712, %select_n3A_4680 : vector<512x128xi1>, vector<512x128xf32>
    %jit3A_4715 = arith.constant 31 : i32
    %broadcast_in_dim3A_4716 = vector.broadcast %jit3A_4715 : i32 to vector<512x128xi32>
    %select_n3A_4717 = arith.select %lt3A_4713, %broadcast_in_dim3A_4716, %select_n3A_4683 : vector<512x128xi1>, vector<512x128xi32>
    %reduce_min3A_4718 = arith.constant dense<0x7F800000> : vector<512xf32>
    %reduce_min3A_4719 = vector.multi_reduction <minimumf>, %select_n3A_4714, %reduce_min3A_4718 [1] : vector<512x128xf32> to vector<512xf32>
    %broadcast_in_dim3A_4720 = vector.shape_cast %reduce_min3A_4719 : vector<512xf32> to vector<512x1xf32>
    %eq3A_4721 = vector.broadcast %broadcast_in_dim3A_4720 : vector<512x1xf32> to vector<512x128xf32>
    %eq3A_4722 = arith.cmpf oeq, %select_n3A_4714, %eq3A_4721 : vector<512x128xf32>
    %mul3A_4723 = arith.constant 128 : i32
    %mul3A_4724 = vector.broadcast %mul3A_4723 : i32 to vector<512x128xi32>
    %mul3A_4725 = arith.muli %select_n3A_4717, %mul3A_4724 : vector<512x128xi32>
    %add3A_4726 = arith.addi %mul3A_4725, %iota3A : vector<512x128xi32>
    %jit3A_4727 = arith.constant 4096 : i32
    %broadcast_in_dim3A_4728 = vector.broadcast %jit3A_4727 : i32 to vector<512x128xi32>
    %select_n3A_4729 = arith.select %eq3A_4722, %add3A_4726, %broadcast_in_dim3A_4728 : vector<512x128xi1>, vector<512x128xi32>
    %reduce_min3A_4730 = arith.constant dense<2147483647> : vector<512xi32>
    %reduce_min3A_4731 = vector.multi_reduction <minsi>, %select_n3A_4729, %reduce_min3A_4730 [1] : vector<512x128xi32> to vector<512xi32>
    %add3A_4732 = arith.constant 12288 : i32
    %add3A_4733 = vector.broadcast %add3A_4732 : i32 to vector<512xi32>
    %add3A_4734 = arith.addi %reduce_min3A_4731, %add3A_4733 : vector<512xi32>
    %swap3A_4735 = arith.constant 0 : index
    %swap3A_4736 = arith.constant 1536 : index
    %swap3A_4737 = vector.load %arg3[%swap3A_4735, %swap3A_4736] : memref<1x2048xi32, #tpu.memory_space<vmem>>, vector<1x512xi32>
    %swap3A_4738 = vector.shape_cast %swap3A_4737 : vector<1x512xi32> to vector<512xi32>
    %swap3A_4739 = vector.shape_cast %add3A_4734 : vector<512xi32> to vector<1x512xi32>
    tpu.vector_store %arg3[%swap3A_4735, %swap3A_4736], %swap3A_4739 {strides = array<i32>} : memref<1x2048xi32, #tpu.memory_space<vmem>>, vector<1x512xi32>,
    %squeeze3A_4740 = vector.shape_cast %broadcast_in_dim3A_4720 : vector<512x1xf32> to vector<512xf32>
    %sqrt3A_4741 = math.sqrt %squeeze3A_4740 : vector<512xf32>
    %swap3A_4742 = arith.constant 0 : index
    %swap3A_4743 = arith.constant 1536 : index
    %swap3A_4744 = vector.load %arg4[%swap3A_4742, %swap3A_4743] : memref<1x2048xf32, #tpu.memory_space<vmem>>, vector<1x512xf32>
    %swap3A_4745 = vector.shape_cast %swap3A_4744 : vector<1x512xf32> to vector<512xf32>
    %swap3A_4746 = vector.shape_cast %sqrt3A_4741 : vector<512xf32> to vector<1x512xf32>
    tpu.vector_store %arg4[%swap3A_4742, %swap3A_4743], %swap3A_4746 {strides = array<i32>} : memref<1x2048xf32, #tpu.memory_space<vmem>>, vector<1x512xf32>,
    %get3A_4747 = arith.constant 0 : index
    %get3A_4748 = arith.constant 3 : index
    %get3A_4749 = arith.constant 0 : index
    %get3A_4750 = vector.load %arg0[%get3A_4747, %get3A_4748, %get3A_4749] : memref<3x4x512xf32, #tpu.memory_space<vmem>>, vector<1x1x512xf32>
    %get3A_4751 = vector.shape_cast %get3A_4750 : vector<1x1x512xf32> to vector<512xf32>
    %swap3A_4752 = arith.constant 0 : index
    %swap3A_4753 = arith.constant 1536 : index
    %swap3A_4754 = vector.load %arg5[%swap3A_4752, %swap3A_4753] : memref<1x2048xf32, #tpu.memory_space<vmem>>, vector<1x512xf32>
    %swap3A_4755 = vector.shape_cast %swap3A_4754 : vector<1x512xf32> to vector<512xf32>
    %swap3A_4756 = vector.shape_cast %get3A_4751 : vector<512xf32> to vector<1x512xf32>
    tpu.vector_store %arg5[%swap3A_4752, %swap3A_4753], %swap3A_4756 {strides = array<i32>} : memref<1x2048xf32, #tpu.memory_space<vmem>>, vector<1x512xf32>,
    %get3A_4757 = arith.constant 1 : index
    %get3A_4758 = arith.constant 3 : index
    %get3A_4759 = arith.constant 0 : index
    %get3A_4760 = vector.load %arg0[%get3A_4757, %get3A_4758, %get3A_4759] : memref<3x4x512xf32, #tpu.memory_space<vmem>>, vector<1x1x512xf32>
    %get3A_4761 = vector.shape_cast %get3A_4760 : vector<1x1x512xf32> to vector<512xf32>
    %swap3A_4762 = arith.constant 0 : index
    %swap3A_4763 = arith.constant 1536 : index
    %swap3A_4764 = vector.load %arg6[%swap3A_4762, %swap3A_4763] : memref<1x2048xf32, #tpu.memory_space<vmem>>, vector<1x512xf32>
    %swap3A_4765 = vector.shape_cast %swap3A_4764 : vector<1x512xf32> to vector<512xf32>
    %swap3A_4766 = vector.shape_cast %get3A_4761 : vector<512xf32> to vector<1x512xf32>
    tpu.vector_store %arg6[%swap3A_4762, %swap3A_4763], %swap3A_4766 {strides = array<i32>} : memref<1x2048xf32, #tpu.memory_space<vmem>>, vector<1x512xf32>,
    %get3A_4767 = arith.constant 2 : index
    %get3A_4768 = arith.constant 3 : index
    %get3A_4769 = arith.constant 0 : index
    %get3A_4770 = vector.load %arg0[%get3A_4767, %get3A_4768, %get3A_4769] : memref<3x4x512xf32, #tpu.memory_space<vmem>>, vector<1x1x512xf32>
    %get3A_4771 = vector.shape_cast %get3A_4770 : vector<1x1x512xf32> to vector<512xf32>
    %swap3A_4772 = arith.constant 0 : index
    %swap3A_4773 = arith.constant 1536 : index
    %swap3A_4774 = vector.load %arg7[%swap3A_4772, %swap3A_4773] : memref<1x2048xf32, #tpu.memory_space<vmem>>, vector<1x512xf32>
    %swap3A_4775 = vector.shape_cast %swap3A_4774 : vector<1x512xf32> to vector<512xf32>
    %swap3A_4776 = vector.shape_cast %get3A_4771 : vector<512xf32> to vector<1x512xf32>
    tpu.vector_store %arg7[%swap3A_4772, %swap3A_4773], %swap3A_4776 {strides = array<i32>} : memref<1x2048xf32, #tpu.memory_space<vmem>>, vector<1x512xf32>,
    %get3A_4777 = arith.constant 0 : index
    %get3A_4778 = arith.constant 3 : index
    %get3A_4779 = arith.constant 0 : index
    %get3A_4780 = vector.load %arg1[%get3A_4777, %get3A_4778, %get3A_4779] : memref<3x4x4096xf32, #tpu.memory_space<vmem>>, vector<1x1x4096xf32>
    %get3A_4781 = vector.shape_cast %get3A_4780 : vector<1x1x4096xf32> to vector<4096xf32>
    %swap3A_4782 = arith.constant 0 : index
    %swap3A_4783 = arith.constant 12288 : index
    %swap3A_4784 = vector.load %arg8[%swap3A_4782, %swap3A_4783] : memref<1x16384xf32, #tpu.memory_space<vmem>>, vector<1x4096xf32>
    %swap3A_4785 = vector.shape_cast %swap3A_4784 : vector<1x4096xf32> to vector<4096xf32>
    %swap3A_4786 = vector.shape_cast %get3A_4781 : vector<4096xf32> to vector<1x4096xf32>
    tpu.vector_store %arg8[%swap3A_4782, %swap3A_4783], %swap3A_4786 {strides = array<i32>} : memref<1x16384xf32, #tpu.memory_space<vmem>>, vector<1x4096xf32>,
    %get3A_4787 = arith.constant 1 : index
    %get3A_4788 = arith.constant 3 : index
    %get3A_4789 = arith.constant 0 : index
    %get3A_4790 = vector.load %arg1[%get3A_4787, %get3A_4788, %get3A_4789] : memref<3x4x4096xf32, #tpu.memory_space<vmem>>, vector<1x1x4096xf32>
    %get3A_4791 = vector.shape_cast %get3A_4790 : vector<1x1x4096xf32> to vector<4096xf32>
    %swap3A_4792 = arith.constant 0 : index
    %swap3A_4793 = arith.constant 12288 : index
    %swap3A_4794 = vector.load %arg9[%swap3A_4792, %swap3A_4793] : memref<1x16384xf32, #tpu.memory_space<vmem>>, vector<1x4096xf32>
    %swap3A_4795 = vector.shape_cast %swap3A_4794 : vector<1x4096xf32> to vector<4096xf32>
    %swap3A_4796 = vector.shape_cast %get3A_4791 : vector<4096xf32> to vector<1x4096xf32>
    tpu.vector_store %arg9[%swap3A_4792, %swap3A_4793], %swap3A_4796 {strides = array<i32>} : memref<1x16384xf32, #tpu.memory_space<vmem>>, vector<1x4096xf32>,
    %get3A_4797 = arith.constant 2 : index
    %get3A_4798 = arith.constant 3 : index
    %get3A_4799 = arith.constant 0 : index
    %get3A_4800 = vector.load %arg1[%get3A_4797, %get3A_4798, %get3A_4799] : memref<3x4x4096xf32, #tpu.memory_space<vmem>>, vector<1x1x4096xf32>
    %get3A_4801 = vector.shape_cast %get3A_4800 : vector<1x1x4096xf32> to vector<4096xf32>
    %swap3A_4802 = arith.constant 0 : index
    %swap3A_4803 = arith.constant 12288 : index
    %swap3A_4804 = vector.load %arg10[%swap3A_4802, %swap3A_4803] : memref<1x16384xf32, #tpu.memory_space<vmem>>, vector<1x4096xf32>
    %swap3A_4805 = vector.shape_cast %swap3A_4804 : vector<1x4096xf32> to vector<4096xf32>
    %swap3A_4806 = vector.shape_cast %get3A_4801 : vector<4096xf32> to vector<1x4096xf32>
    tpu.vector_store %arg10[%swap3A_4802, %swap3A_4803], %swap3A_4806 {strides = array<i32>} : memref<1x16384xf32, #tpu.memory_space<vmem>>, vector<1x4096xf32>,
    %get3A_4807 = arith.constant 0 : index
    %get3A_4808 = arith.constant 3 : index
    %get3A_4809 = arith.constant 0 : index
    %get3A_4810 = vector.load %arg2[%get3A_4807, %get3A_4808, %get3A_4809] : memref<3x4x4096xf32, #tpu.memory_space<vmem>>, vector<1x1x4096xf32>
    %get3A_4811 = vector.shape_cast %get3A_4810 : vector<1x1x4096xf32> to vector<4096xf32>
    %swap3A_4812 = arith.constant 0 : index
    %swap3A_4813 = arith.constant 12288 : index
    %swap3A_4814 = vector.load %arg11[%swap3A_4812, %swap3A_4813] : memref<1x16384xf32, #tpu.memory_space<vmem>>, vector<1x4096xf32>
    %swap3A_4815 = vector.shape_cast %swap3A_4814 : vector<1x4096xf32> to vector<4096xf32>
    %swap3A_4816 = vector.shape_cast %get3A_4811 : vector<4096xf32> to vector<1x4096xf32>
    tpu.vector_store %arg11[%swap3A_4812, %swap3A_4813], %swap3A_4816 {strides = array<i32>} : memref<1x16384xf32, #tpu.memory_space<vmem>>, vector<1x4096xf32>,
    %get3A_4817 = arith.constant 1 : index
    %get3A_4818 = arith.constant 3 : index
    %get3A_4819 = arith.constant 0 : index
    %get3A_4820 = vector.load %arg2[%get3A_4817, %get3A_4818, %get3A_4819] : memref<3x4x4096xf32, #tpu.memory_space<vmem>>, vector<1x1x4096xf32>
    %get3A_4821 = vector.shape_cast %get3A_4820 : vector<1x1x4096xf32> to vector<4096xf32>
    %swap3A_4822 = arith.constant 0 : index
    %swap3A_4823 = arith.constant 12288 : index
    %swap3A_4824 = vector.load %arg12[%swap3A_4822, %swap3A_4823] : memref<1x16384xf32, #tpu.memory_space<vmem>>, vector<1x4096xf32>
    %swap3A_4825 = vector.shape_cast %swap3A_4824 : vector<1x4096xf32> to vector<4096xf32>
    %swap3A_4826 = vector.shape_cast %get3A_4821 : vector<4096xf32> to vector<1x4096xf32>
    tpu.vector_store %arg12[%swap3A_4822, %swap3A_4823], %swap3A_4826 {strides = array<i32>} : memref<1x16384xf32, #tpu.memory_space<vmem>>, vector<1x4096xf32>,
    %get3A_4827 = arith.constant 2 : index
    %get3A_4828 = arith.constant 3 : index
    %get3A_4829 = arith.constant 0 : index
    %get3A_4830 = vector.load %arg2[%get3A_4827, %get3A_4828, %get3A_4829] : memref<3x4x4096xf32, #tpu.memory_space<vmem>>, vector<1x1x4096xf32>
    %get3A_4831 = vector.shape_cast %get3A_4830 : vector<1x1x4096xf32> to vector<4096xf32>
    %swap3A_4832 = arith.constant 0 : index
    %swap3A_4833 = arith.constant 12288 : index
    %swap3A_4834 = vector.load %arg13[%swap3A_4832, %swap3A_4833] : memref<1x16384xf32, #tpu.memory_space<vmem>>, vector<1x4096xf32>
    %swap3A_4835 = vector.shape_cast %swap3A_4834 : vector<1x4096xf32> to vector<4096xf32>
    %swap3A_4836 = vector.shape_cast %get3A_4831 : vector<4096xf32> to vector<1x4096xf32>
    tpu.vector_store %arg13[%swap3A_4832, %swap3A_4833], %swap3A_4836 {strides = array<i32>} : memref<1x16384xf32, #tpu.memory_space<vmem>>, vector<1x4096xf32>,
    return
  }
}

</mosaic_0001>

<sc_bundles>
// kernel: kernel.4.cloned.1.call-start
scs
__scs_entry_jumppad:
0x0: {  	(pc) =	sbr.rel $0x88, $3  }
0x1: {  	(tag) =	ssettag $0x0;
	lr =	simm.s32 $0x1  }
0x2: {  	[smem:$0x3F9E] =	sst lr;
	_ =	strace $0xD0000000  }
0x3: {  	_ = 	snop  }
0x4: {  	_ = 	snop  }
0x5: {  	_ = 	snop  }
0x6: {  	_ = 	snop  }
0x7: {  	_ = 	snop  }
__scs_overlays_trampoline_lowered:
0x8: {  	[smem:$0x3FAD] =	sst s0  }
0x9: {  	[smem:$0x3FAE] =	sst s1  }
0xa: {  	[smem:$0x3FAF] =	sst s2  }
0xb: {  	[smem:$0x3FB0] =	sst s3  }
0xc: {  	[smem:$0x3FB1] =	sst s4  }
0xd: {  	[smem:$0x3FB2] =	sst s5  }
0xe: {  	[smem:$0x3FB3] =	sst s6  }
0xf: {  	[smem:$0x3FB4] =	sst s7  }
0x10: {  	[smem:$0x3FB5] =	sst s8  }
0x11: {  	[smem:$0x3FB6] =	sst s9;
	s0 =	simm.s32 @!p0 $0x0  }
0x12: {  	s1 =	sld [smem:$0x3F9C];
	s0 =	simm.s32 @p0 $0x1  }
0x13: {  	[smem:$0x3FB7] =	sst s0;
	s0 =	simm.s32 @!p1 $0x0  }
0x14: {  	s2 =	sld [smem:$0x3F9B];
	s0 =	simm.s32 @p1 $0x1  }
0x15: {  	[smem:$0x3FB8] =	sst s0;
	s0 =	simm.s32 @!p2 $0x0  }
0x16: {  	s3 =	sld [smem:$0x3FDB];
	s0 =	simm.s32 @p2 $0x1  }
0x17: {  	s4 =	simm.s32 $0x1BF5;
	[smem:$0x3FBA] =	sst s0  }
0x18: {  	s0 =	sld [smem:$0x3F9D];
	_ =	swait.ge [sflag:s4], $0x0  }
0x19: {  	s7 =	sld [smem:$0x3F9E]  }
0x1a: {  	s8 =	sadd.s32 $0xFFFFE003, lr  }
0x1b: {  	s9 =	sadd.s32 $0xFFFFFEF7, lr;
	s5 =	simm.s32 $0xFFFFFFFF;
	p2 =	slt.u32 s8, $0xFFFFF086  }
0x1c: {  	p1 =	slt.u32 s9, $0xF7A;
	s5 =	simm.s32 @!p2 $0x0  }
0x1d: {  	s5 =	simm.s32 @p1 $0x1;
	p0 =	seq.s32 s7, s2  }
0x1e: {  	s7 =	smul.u32 @!p0 $0xF7A, s2;
	p2 =	seq.s32 @!p0 s5, $0x0  }
0x1f: {  	s9 =	smul.u32 $0xF7A, s1;
	s8 =	simm.s32 @!p0 $0x1BF5;
	p2 =	por !p2, p0  }
0x20: {  	[sflag:s8] =	ssyncset.s32 @!p0 $0xFFFFF086;
	s6 =	sadd.s32 @!p0 s3, s7;
	s7 =	simm.s32 @!p0 $0x108  }
0x21: {  	s3 =	sadd.s32 s3, s9;
	s6 =	sadd.s32 @!p0 $0x88, s6;
	s7 =	simm.s32 @p2 $0x1082  }
0x22: {  	[simem:s7], [sflag:s8] =	dma.local @!p0 [hbm:s6], $0xF7A  }
0x23: {  	s9 =	sor.u32 $0xD0000000, s2;
	s6 =	simm.s32 $0x108;
	_ =	swait.ge @!p0 [sflag:s8], $0x0  }
0x24: {  	s3 =	sadd.s32 $0x88, s3;
	s6 =	simm.s32 @!p1 $0x1082;
	[sflag:s4] =	ssyncset.s32 $0xFFFFF086  }
0x25: {  	[simem:s6], [sflag:s4] =	dma.local [hbm:s3], $0xF7A  }
0x26: {  	[smem:$0x3F9E] =	sst s1;
	(tag) =	ssettag s2;
	_ =	strace s9  }
0x27: {  	s1 =	sld [smem:$0x3FAE]  }
0x28: {  	s2 =	sld [smem:$0x3FAF]  }
0x29: {  	s4 =	sld [smem:$0x3FB1]  }
0x2a: {  	p0 =	seq.s32 s5, $0x0;
	s5 =	sld [smem:$0x3FB2]  }
0x2b: {  	s6 =	sld [smem:$0x3FB3]  }
0x2c: {  	s7 =	sld [smem:$0x3FB4]  }
0x2d: {  	s3 =	simm.s32 $0x108;
	s8 =	sld [smem:$0x3FB5]  }
0x2e: {  	s3 =	simm.s32 @!p0 $0x1082;
	s9 =	sld [smem:$0x3FB6]  }
0x2f: {  	lr =	sadd.s32 s0, s3;
	s0 =	sld [smem:$0x3FAD]  }
0x30: {  	s3 =	sld [smem:$0x3FB0]  }
0x31: {  	[smem:$0x3FB9] =	sst s10  }
0x32: {  	s10 =	sld [smem:$0x3FB7];
	_ =	sdelay $0x3  }
0x33: {  	p0 =	seq.s32 s10, $0x1;
	s10 =	sld [smem:$0x3FB9];
	_ =	sdelay $0x3  }
0x34: {  	[smem:$0x3FB9] =	sst s10  }
0x35: {  	s10 =	sld [smem:$0x3FB8];
	_ =	sdelay $0x3  }
0x36: {  	p1 =	seq.s32 s10, $0x1;
	s10 =	sld [smem:$0x3FB9];
	_ =	sdelay $0x3  }
0x37: {  	[smem:$0x3FB9] =	sst s10  }
0x38: {  	s10 =	sld [smem:$0x3FBA]  }
0x39: {  	_ = 	snop;
	(pc) =	sbr.ind lr, $3  }
0x3a: {  	_ = 	snop  }
0x3b: {  	_ = 	snop  }
0x3c: {  	p2 =	seq.s32 s10, $0x1;
	s10 =	sld [smem:$0x3FB9]  }
0x3d: {  	_ =	shalt  }
0x3e: {  	_ =	shalt  }
0x3f: {  	_ =	shalt  }
0x40: {  	_ =	shalt  }
0x41: {  	_ =	shalt  }
0x42: {  	_ =	shalt  }
0x43: {  	_ =	shalt  }
0x44: {  	_ =	shalt  }
0x45: {  	_ =	shalt  }
0x46: {  	_ =	shalt  }
0x47: {  	_ =	shalt  }
0x48: {  	_ =	shalt  }
0x49: {  	_ =	shalt  }
0x4a: {  	_ =	shalt  }
0x4b: {  	_ =	shalt  }
0x4c: {  	_ =	shalt  }
0x4d: {  	_ =	shalt  }
0x4e: {  	_ =	shalt  }
0x4f: {  	_ =	shalt  }
0x50: {  	_ =	shalt  }
0x51: {  	_ =	shalt  }
0x52: {  	_ =	shalt  }
0x53: {  	_ =	shalt  }
0x54: {  	_ =	shalt  }
0x55: {  	_ =	shalt  }
0x56: {  	_ =	shalt  }
0x57: {  	_ =	shalt  }
0x58: {  	_ =	shalt  }
0x59: {  	_ =	shalt  }
0x5a: {  	_ =	shalt  }
0x5b: {  	_ =	shalt  }
0x5c: {  	_ =	shalt  }
0x5d: {  	_ =	shalt  }
0x5e: {  	_ =	shalt  }
0x5f: {  	_ =	shalt  }
0x60: {  	_ =	shalt  }
0x61: {  	_ =	shalt  }
0x62: {  	_ =	shalt  }
0x63: {  	_ =	shalt  }
0x64: {  	_ =	shalt  }
0x65: {  	_ =	shalt  }
0x66: {  	_ =	shalt  }
0x67: {  	_ =	shalt  }
0x68: {  	_ =	shalt  }
0x69: {  	_ =	shalt  }
0x6a: {  	_ =	shalt  }
0x6b: {  	_ =	shalt  }
0x6c: {  	_ =	shalt  }
0x6d: {  	_ =	shalt  }
0x6e: {  	_ =	shalt  }
0x6f: {  	_ =	shalt  }
0x70: {  	_ =	shalt  }
0x71: {  	_ =	shalt  }
0x72: {  	_ =	shalt  }
0x73: {  	_ =	shalt  }
0x74: {  	_ =	shalt  }
0x75: {  	_ =	shalt  }
0x76: {  	_ =	shalt  }
0x77: {  	_ =	shalt  }
0x78: {  	_ =	shalt  }
0x79: {  	_ =	shalt  }
0x7a: {  	_ =	shalt  }
0x7b: {  	_ =	shalt  }
0x7c: {  	_ =	shalt  }
0x7d: {  	_ =	shalt  }
0x7e: {  	_ =	shalt  }
0x7f: {  	_ =	shalt  }
0x80: {  	_ =	shalt  }
0x81: {  	_ =	shalt  }
0x82: {  	_ =	shalt  }
0x83: {  	_ =	shalt  }
0x84: {  	_ =	shalt  }
0x85: {  	_ =	shalt  }
0x86: {  	_ =	shalt  }
0x87: {  	_ =	shalt  }
.Lfunc_end0:
.L_simem_size_0:
called_computation_lowered:
.L_overlay_start_0:
0x88: {  	s2 =	sld [smem:$0x3FD9]  }
0x89: {  	s3 =	sld [smem:$0x3FFE];
	_ =	sdelay $0x1  }
0x8a: {  	s1 =	srdreg.scid  }
0x8b: {  	s0 =	sand.u32 $0x1, s1  }
0x8c: {  	s17 =	sshll.u32 s0, $0xA;
	s2 =	sadd.s32 s3, s2  }
0x8d: {  	s2 =	sadd.s32 s2, s17  }
0x8e: {  	[smem:$0x3FC5] =	sst s2  }
0x8f: {  	_ = 	snop  }
0x90: {  	s2 =	sld [smem:$0x3FD0];
	(tm) =	ssettm $0x1  }
0x91: {  	s18 =	sld [smem:$0x3FFB];
	_ =	sdelay $0x3  }
0x92: {  	_ =	strace s18  }
0x93: {  	s3 =	sld [smem:$0x3FFC];
	_ =	sdelay $0x3  }
0x94: {  	_ =	strace s3  }
0x95: {  	s3 =	sld [smem:$0x3FFD];
	_ =	sdelay $0x3  }
0x96: {  	_ =	strace s3  }
0x97: {  	_ =	strace $0x8FFFFFFF  }
0x98: {  	s19 =	sld [smem:$0x3FDB];
	_ =	sdelay $0x1  }
0x99: {  	s4 =	simm.s32 $_scs_section_size  }
0x9a: {  	s5 =	simm.s32 $_size__tile_overlayer_lowered;
	s6 =	simm.s32 $_tile_overlayer_lowered  }
0x9b: {  	s22 =	simm.s32 $0x1BFF;
	s21 =	sshll.u32 s6, $0x1;
	s3 =	sadd.s32 s4, s19  }
0x9c: {  	s7 =	simm.s32 $0x0;
	s20 =	sshll.u32 s5, $0x1;
	s5 =	sadd.s32 s21, s3  }
0x9d: {  	[timem:s7], [sflag:s22] =	dma.local [hbm:s5], s20  }
0x9e: {  	_ =	swait.ge [sflag:s22], s20  }
0x9f: {  	s4 =	ssub.s32 $0x0, s20;
	[sflag:s22] =	ssyncset.done $0x0  }
0xa0: {  	[sflag:s22] =	ssyncadd.s32 s4;
	_ =	sdelay $0x1  }
0xa1: {  	s23 =	simm.s32 $0x1B8B  }
0xa2: {  	_ =	swait.ge [sflag:s23], $0x1  }
0xa3: {  	[sflag:s23] =	ssyncset.done $0x0  }
0xa4: {  	s25 =	simm.s32 $0x1B8E;
	s24 =	sld [smem:$0x3FFE];
	[sflag:s23] =	ssyncadd.s32 $0xFFFFFFFF  }
0xa5: {  	s26 =	simm.s32 $execute0_lowered;
	[smem:$0x3FD2] =	sst s25  }
0xa6: {  	s5 =	sshll.u32 s26, $0x1;
	_ =	strace $0x80000046;
	[dreg:$0x1] =	wrdreg $0xFFFFFFFF  }
0xa7: {  	s28 =	simm.s32 $_size_execute0_lowered;
	s3 =	sadd.s32 s3, s5;
	[dreg:$0x0] =	wrdreg $0x0  }
0xa8: {  	s5 =	sshll.u32 s28, $0x1;
	[dreg:$0x2] =	wrdreg s3  }
0xa9: {  	[dreg:$0x3] =	wrdreg s5  }
0xaa: {  	[dreg:$0x4] =	wrdreg $0xC0  }
0xab: {  	_ =	task [dreg:s7], $0x5FFFF  }
0xac: {  	[dreg:$0x1] =	wrdreg $0xFFFFFFFF  }
0xad: {  	[dreg:$0x0] =	wrdreg $0x60  }
0xae: {  	[dreg:$0x2] =	wrdreg s24  }
0xaf: {  	[dreg:$0x3] =	wrdreg s2  }
0xb0: {  	[dreg:$0x4] =	wrdreg $0x9  }
0xb1: {  	_ =	task.clear_ibuf [dreg:s7], $0x5FFFF;
	_ =	strace $0x90000046  }
0xb2: {  	s29 =	simm.s32 $0x9;
	_ =	strace $0x80000048  }
0xb3: {  	_ =	swait.ge [sflag:s29], $0x1  }
0xb4: {  	[sflag:s29] =	ssyncadd.s32 $0xFFFFFFFF  }
0xb5: {  	_ =	strace $0x90000048  }
0xb6: {  	_ =	sfence  }
0xb7: {  	s30 =	sld [smem:$0x0];
	_ =	sdelay $0x2  }
0xb8: {  	s31 =	sshll.u32 s1, $0xD;
	s1 =	sshrl.u32 s1, $0x2  }
0xb9: {  	s3 =	sand.u32 $0x4000, s31;
	s1 =	sadd.s32 s1, s30  }
0xba: {  	s0 =	sor.u32 s3, s0;
	s1 =	sshll.u32 s1, $0x11  }
0xbb: {  	s0 =	sor.u32 s1, s0  }
0xbc: {  	s0 =	sadd.s32 $0x8F2B, s0  }
0xbd: {  	[sflag:s0] =	ssyncadd.remote.s32 $0x1  }
0xbe: {  	_ =	sfence.sel $0xFFFF  }
0xbf: {  	[dreg:$0x0] =	wrdreg $0xFFFFFFFF;
	(pc) =	sbr.abs _section_cstart, $3  }
0xc0: {  	[dreg:$0x1] =	wrdreg $0xFFFFFFFF  }
0xc1: {  	_ =	task.clear_ibuf [dreg:s7], $0x2FFFF;
	_ =	strace $0x9FFFFFFF  }
0xc2: {  	(tm) =	ssettm $0x7FFFFFFF  }
0xc3: {  	_ =	shalt  }
tec
execute0_lowered:
.L_overlay_start_1:
0x0: {  	(tag) =	ssettag $0x1  }
0x1: {  	s1 =	srdreg.scid  }
0x2: {  	s0 =	stileid.u32;
	s5 =	sand.u32 $0x1, s1  }
0x3: {  	s28 =	rddreg [dreg:$0x0];
	s4 =	sshll.u32 s0, $0x4;
	s6 =	sshll.u32 s5, $0x3  }
0x4: {  	s3 =	rddreg [dreg:$0x1];
	s2 =	simm.s32 $0x0;
	s4 =	sor.u32 s6, s4  }
0x5: {  	[smem:$0x7FF] =	sst s2;
	s13 =	sadd.s32 s4, s28  }
0x6: {  	s1 =	rddreg [dreg:$0x2];
	_ =	strace $0x80000047;
	s6 =	sadd.s32 $0x5800, s13  }
0x7: {  	[tilespmem:s2], [sflag:$0x2] =	stream.linear.gather [hbm4b:s6+s2], $0x40, $0x38;
	[tilespmem:$0x600] =	vst v63  }
0x8: {  	s8 =	simm.s32 $0x500;
	s7 =	sadd.s32 $0x5A00, s13  }
0x9: {  	[tilespmem:s8], [sflag:$0x1] =	stream.linear.gather [hbm4b:s7+s2], $0x40, $0x38;
	[tilespmem:$0x600] =	vst v63  }
0xa: {  	s10 =	simm.s32 $0x380;
	s9 =	sadd.s32 $0x5200, s13  }
0xb: {  	[tilespmem:s10], [sflag:$0x1] =	stream.linear.gather [hbm4b:s9+s2], $0x40, $0x38;
	[tilespmem:$0x600] =	vst v63  }
0xc: {  	s12 =	simm.s32 $0x400;
	s11 =	sadd.s32 $0x5400, s13  }
0xd: {  	[tilespmem:s12], [sflag:$0x1] =	stream.linear.gather [hbm4b:s11+s2], $0x40, $0x38;
	[tilespmem:$0x600] =	vst v63  }
0xe: {  	s14 =	simm.s32 $0x480;
	s15 =	simm.s32 $0x2;
	s13 =	sadd.s32 $0x5600, s13  }
0xf: {  	[tilespmem:s14], [sflag:$0x1] =	stream.linear.gather [hbm4b:s13+s2], $0x40, $0x38;
	[tilespmem:$0x600] =	vst v63  }
0x10: {  	_ =	swait.ge [sflag:s15], $0x40  }
0x11: {  	s17 =	simm.s32 $0x40;
	[sflag:s15] =	ssyncset.done $0x0  }
0x12: {  	s18 =	simm.s32 $0x80;
	s16 =	sadd.s32 $0x2200, s28;
	[sflag:s15] =	ssyncadd.s32 $0xFFFFFFC0  }
0x13: {  	[tilespmem:s18], [sflag:$0x1] =	stream.indirect.gather [hbm4b:s16+s17], $0x1, s2, s17, $0xb8;
	[tilespmem:$0x600] =	vst v63  }
0x14: {  	s20 =	simm.s32 $0x100;
	s19 =	sadd.s32 $0x2A00, s28  }
0x15: {  	[tilespmem:s20], [sflag:$0x1] =	stream.indirect.gather [hbm4b:s19+s17], $0x1, s2, s17, $0xb8;
	[tilespmem:$0x600] =	vst v63  }
0x16: {  	s22 =	simm.s32 $0x180;
	s21 =	sadd.s32 $0x3200, s28  }
0x17: {  	[tilespmem:s22], [sflag:$0x1] =	stream.indirect.gather [hbm4b:s21+s17], $0x1, s2, s17, $0xb8;
	[tilespmem:$0x600] =	vst v63  }
0x18: {  	s24 =	simm.s32 $0x200;
	s23 =	sadd.s32 $0x3A00, s28  }
0x19: {  	[tilespmem:s24], [sflag:$0x1] =	stream.indirect.gather [hbm4b:s23+s17], $0x1, s2, s17, $0xb8;
	[tilespmem:$0x600] =	vst v63  }
0x1a: {  	s26 =	simm.s32 $0x280;
	s25 =	sadd.s32 $0x4200, s28  }
0x1b: {  	[tilespmem:s26], [sflag:$0x1] =	stream.indirect.gather [hbm4b:s25+s17], $0x1, s2, s17, $0xb8;
	[tilespmem:$0x600] =	vst v63  }
0x1c: {  	s29 =	simm.s32 $0x300;
	s30 =	simm.s32 $0x1;
	s28 =	sadd.s32 $0x4A00, s28  }
0x1d: {  	[tilespmem:s29], [sflag:$0x1] =	stream.indirect.gather [hbm4b:s28+s17], $0x1, s2, s17, $0xb8;
	[tilespmem:$0x600] =	vst v63  }
0x1e: {  	_ =	swait.ge [sflag:s30], $0x40  }
0x1f: {  	[sflag:s30] =	ssyncset.done $0x0  }
0x20: {  	[sflag:s30] =	ssyncadd.s32 $0xFFFFFFC0  }
0x21: {  	_ =	swait.ge [sflag:s30], $0x40  }
0x22: {  	[sflag:s30] =	ssyncset.done $0x0  }
0x23: {  	[sflag:s30] =	ssyncadd.s32 $0xFFFFFFC0  }
0x24: {  	_ =	swait.ge [sflag:s30], $0x40  }
0x25: {  	[sflag:s30] =	ssyncset.done $0x0  }
0x26: {  	[sflag:s30] =	ssyncadd.s32 $0xFFFFFFC0  }
0x27: {  	_ =	swait.ge [sflag:s30], $0x40  }
0x28: {  	[sflag:s30] =	ssyncset.done $0x0  }
0x29: {  	[sflag:s30] =	ssyncadd.s32 $0xFFFFFFC0  }
0x2a: {  	_ =	swait.ge [sflag:s30], $0x40  }
0x2b: {  	[sflag:s30] =	ssyncset.done $0x0  }
0x2c: {  	[sflag:s30] =	ssyncadd.s32 $0xFFFFFFC0  }
0x2d: {  	_ =	swait.ge [sflag:s30], $0x40  }
0x2e: {  	[sflag:s30] =	ssyncset.done $0x0  }
0x2f: {  	[sflag:s30] =	ssyncadd.s32 $0xFFFFFFC0  }
0x30: {  	_ =	swait.ge [sflag:s30], $0x40  }
0x31: {  	[sflag:s30] =	ssyncset.done $0x0  }
0x32: {  	[sflag:s30] =	ssyncadd.s32 $0xFFFFFFC0  }
0x33: {  	_ =	swait.ge [sflag:s30], $0x40  }
0x34: {  	[sflag:s30] =	ssyncset.done $0x0  }
0x35: {  	[sflag:s30] =	ssyncadd.s32 $0xFFFFFFC0  }
0x36: {  	_ =	swait.ge [sflag:s30], $0x40  }
0x37: {  	[sflag:s30] =	ssyncset.done $0x0  }
0x38: {  	[sflag:s30] =	ssyncadd.s32 $0xFFFFFFC0  }
0x39: {  	_ =	swait.ge [sflag:s30], $0x40  }
0x3a: {  	[sflag:s30] =	ssyncset.done $0x0  }
0x3b: {  	[sflag:s30] =	ssyncadd.s32 $0xFFFFFFC0  }
0x3c: {  	v1 =	vld [tilespmem:$0x1B0]  }
0x3d: {  	s5 =	ssub.s32 $0x2, s5;
	v6 =	vld [tilespmem:$0x3B0]  }
0x3e: {  	s31 =	sshrl.u32 s5, $0x1;
	v5 =	vld [tilespmem:$0x3A0]  }
0x3f: {  	s5 =	ssub.s32 s5, s31;
	v2 =	vld [tilespmem:$0x380]  }
0x40: {  	s5 =	smax.u32 s5, $0x1;
	v9 =	vld [tilespmem:$0x400]  }
0x41: {  	p0 =	sne.s32 s5, $0x1;
	v0 =	vld [tilespmem:$0x4A0]  }
.Ltmp0:
0x42: {  	v4 =	vld [tilespmem:$0x390];
	(pc) =	sbr.rel @!p0 .LBB2_2-.Ltmp0, $4  }
0x43: {  	v3 =	vld [tilespmem:$0x410]  }
0x44: {  	v7 =	vld [tilespmem:$0x90]  }
0x45: {  	s3 =	sadd.s32 s3, s4;
	v10 =	vld [tilespmem:$0x100]  }
0x46: {  	s4 =	simm.s32 $0x3;
	s31 =	sadd.s32 $0xFFFFFFFF, s5;
	s5 =	simm.s32 $0x580;
	v8 =	vld [tilespmem:$0x110]  }
.LBB2_1:
0x47: {  	p0 =	sne.s32 s31, $0x1;
	s31 =	sadd.s32 $0xFFFFFFFF, s31;
	v11 =	vld [tilespmem:$0x520]  }
0x48: {  	v12 =	vld [tilespmem:$0x4B0]  }
0x49: {  	v13 =	vld [tilespmem:$0xB0]  }
0x4a: {  	v9 =	vsub.f32 v9, v10;
	v10 =	vld [tilespmem:$0x120]  }
0x4b: {  	v14 =	vld [tilespmem:$0x420]  }
0x4c: {  	v15 =	vld [tilespmem:$0x80];
	v11 =	vadd.f32 $1.000000010e-07, v11  }
0x4d: {  	v16 =	vld [tilespmem:$0x500]  }
0x4e: {  	v1 =	vsub.f32 v12, v1;
	v17 =	vld [tilespmem:$0xA0];
	v6 =	vsub.f32 v6, v13;
	(erf) = vrcp.f32 v11  }
0x4f: {  	v3 =	vsub.f32 v3, v8;
	v8 =	vld [tilespmem:$0x2A0]  }
0x50: {  	v4 =	vsub.f32 v4, v7;
	v11 =	vld [tilespmem:$0x510];
	v7 =	vsub.f32 v14, v10  }
0x51: {  	v2 =	vsub.f32 v2, v15;
	v10 =	vld [tilespmem:$0x530]  }
0x52: {  	v12 =	vadd.f32 $1.000000010e-07, v16;
	v13 =	vld [tilespmem:$0x1A0]  }
0x53: {  	v14 =	vld [tilespmem:$0x180];
	v5 =	vsub.f32 v5, v17  }
0x54: {  	v15 =	vld [tilespmem:$0x480];
	(erf) = vrcp.f32 v12  }
0x55: {  	v18 =	vadd.f32 $1.000000010e-07, v11;
	v12 =	vld [tilespmem:$0x220]  }
0x56: {  	v16 =	vld [tilespmem:$0x190];
	v10 =	vadd.f32 $1.000000010e-07, v10  }
0x57: {  	v17 =	vld [tilespmem:$0x490];
	v0 =	vsub.f32 v0, v13;
	(erf) = vrcp.f32 v18;
	v11 =	vpop (erf)  }
0x58: {  	v13 =	vld [tilespmem:$0x320];
	v5 =	vmul.f32 v11, v5;
	(erf) = vrcp.f32 v10  }
0x59: {  	v7 =	vmul.f32 v7, v11;
	v10 =	vsub.f32 v15, v14;
	v0 =	vmul.f32 v0, v11;
	v11 =	vld [tilespmem:$0x130]  }
0x5a: {  	v5 =	vmul.f32 v5, v12;
	v12 =	vld [tilespmem:$0x230]  }
0x5b: {  	v18 =	vmul.f32 v7, v8;
	v14 =	vld [tilespmem:$0x200]  }
0x5c: {  	v8 =	vsub.f32 v17, v16;
	v15 =	vld [tilespmem:$0x430]  }
0x5d: {  	v5 =	vadd.f32 v18, v5;
	v16 =	vld [tilespmem:$0x300];
	v0 =	vmul.f32 v0, v13;
	v7 =	vpop (erf)  }
0x5e: {  	v13 =	vld [tilespmem:$0x280];
	v2 =	vmul.f32 v7, v2;
	v10 =	vmul.f32 v10, v7  }
0x5f: {  	v7 =	vmul.f32 v9, v7;
	v9 =	vld [tilespmem:$0x210];
	v0 =	vadd.f32 v0, v5  }
0x60: {  	v2 =	vmul.f32 v2, v14;
	v5 =	vld [tilespmem:$0x2B0];
	v14 =	vpop (erf)  }
0x61: {  	v17 =	vld [tilespmem:$0x310];
	v4 =	vmul.f32 v14, v4;
	v8 =	vmul.f32 v8, v14;
	v11 =	vsub.f32 v15, v11;
	v15 =	vpop (erf)  }
0x62: {  	v10 =	vmul.f32 v10, v16;
	v16 =	vld [tilespmem:$0x290];
	v1 =	vmul.f32 v1, v15  }
0x63: {  	v7 =	vmul.f32 v7, v13;
	v13 =	vld [tilespmem:$0x330];
	v11 =	vmul.f32 v11, v15  }
0x64: {  	v3 =	vmul.f32 v3, v14;
	v4 =	vmul.f32 v4, v9  }
0x65: {  	v6 =	vmul.f32 v15, v6;
	v2 =	vadd.f32 v7, v2;
	v5 =	vmul.f32 v11, v5  }
0x66: {  	v0 =	vmul.f32 v0, v0;
	v7 =	vmul.f32 v8, v17  }
0x67: {  	v6 =	vmul.f32 v6, v12;
	v2 =	vadd.f32 v10, v2;
	v3 =	vmul.f32 v3, v16  }
0x68: {  	[tilespmem:$0x5A0] =	vst v0;
	v0 =	vmul.f32 v1, v13  }
0x69: {  	v1 =	vmul.f32 v2, v2;
	v2 =	vadd.f32 v3, v4;
	v3 =	vadd.f32 v5, v6;
	_ =	sdelay $0x1  }
0x6a: {  	[tilespmem:$0x580] =	vst v1;
	v1 =	vadd.f32 v7, v2;
	v0 =	vadd.f32 v0, v3;
	_ =	sdelay $0x1  }
0x6b: {  	v1 =	vmul.f32 v1, v1;
	v0 =	vmul.f32 v0, v0;
	_ =	sdelay $0x1  }
0x6c: {  	[tilespmem:$0x590] =	vst v1  }
0x6d: {  	[tilespmem:$0x5B0] =	vst v0  }
0x6e: {  	[hbm4b:s3+s2] =	stream.linear.scatter [tilespmem:s5], [sflag:$0x3], $0x40, $0x38;
	[tilespmem:$0x600] =	vst v63  }
0x6f: {  	_ =	swait.ge [sflag:s4], $0x40  }
0x70: {  	[sflag:s4] =	ssyncset.done $0x0  }
0x71: {  	[sflag:s4] =	ssyncadd.s32 $0xFFFFFFC0  }
0x72: {  	[tilespmem:s2], [sflag:$0x2] =	stream.linear.gather [hbm4b:s6+s2], $0x40, $0x38;
	[tilespmem:$0x600] =	vst v63  }
0x73: {  	_ = 	snop  }
0x74: {  	[tilespmem:s8], [sflag:$0x1] =	stream.linear.gather [hbm4b:s7+s2], $0x40, $0x38;
	[tilespmem:$0x600] =	vst v63  }
0x75: {  	_ = 	snop  }
0x76: {  	[tilespmem:s10], [sflag:$0x1] =	stream.linear.gather [hbm4b:s9+s2], $0x40, $0x38;
	[tilespmem:$0x600] =	vst v63  }
0x77: {  	_ = 	snop  }
0x78: {  	[tilespmem:s12], [sflag:$0x1] =	stream.linear.gather [hbm4b:s11+s2], $0x40, $0x38;
	[tilespmem:$0x600] =	vst v63  }
0x79: {  	_ = 	snop  }
0x7a: {  	[tilespmem:s14], [sflag:$0x1] =	stream.linear.gather [hbm4b:s13+s2], $0x40, $0x38;
	[tilespmem:$0x600] =	vst v63  }
0x7b: {  	_ =	swait.ge [sflag:s15], $0x40  }
0x7c: {  	[sflag:s15] =	ssyncset.done $0x0  }
0x7d: {  	[sflag:s15] =	ssyncadd.s32 $0xFFFFFFC0  }
0x7e: {  	[tilespmem:s18], [sflag:$0x1] =	stream.indirect.gather [hbm4b:s16+s17], $0x1, s2, s17, $0xb8;
	[tilespmem:$0x600] =	vst v63  }
0x7f: {  	_ = 	snop  }
0x80: {  	[tilespmem:s20], [sflag:$0x1] =	stream.indirect.gather [hbm4b:s19+s17], $0x1, s2, s17, $0xb8;
	[tilespmem:$0x600] =	vst v63  }
0x81: {  	_ = 	snop  }
0x82: {  	[tilespmem:s22], [sflag:$0x1] =	stream.indirect.gather [hbm4b:s21+s17], $0x1, s2, s17, $0xb8;
	[tilespmem:$0x600] =	vst v63  }
0x83: {  	_ = 	snop  }
0x84: {  	[tilespmem:s24], [sflag:$0x1] =	stream.indirect.gather [hbm4b:s23+s17], $0x1, s2, s17, $0xb8;
	[tilespmem:$0x600] =	vst v63  }
0x85: {  	_ = 	snop  }
0x86: {  	[tilespmem:s26], [sflag:$0x1] =	stream.indirect.gather [hbm4b:s25+s17], $0x1, s2, s17, $0xb8;
	[tilespmem:$0x600] =	vst v63  }
0x87: {  	_ = 	snop  }
0x88: {  	[tilespmem:s29], [sflag:$0x1] =	stream.indirect.gather [hbm4b:s28+s17], $0x1, s2, s17, $0xb8;
	[tilespmem:$0x600] =	vst v63  }
0x89: {  	_ =	swait.ge [sflag:s30], $0x40  }
0x8a: {  	[sflag:s30] =	ssyncset.done $0x0  }
0x8b: {  	[sflag:s30] =	ssyncadd.s32 $0xFFFFFFC0  }
0x8c: {  	_ =	swait.ge [sflag:s30], $0x40  }
0x8d: {  	[sflag:s30] =	ssyncset.done $0x0  }
0x8e: {  	[sflag:s30] =	ssyncadd.s32 $0xFFFFFFC0  }
0x8f: {  	_ =	swait.ge [sflag:s30], $0x40  }
0x90: {  	[sflag:s30] =	ssyncset.done $0x0  }
0x91: {  	[sflag:s30] =	ssyncadd.s32 $0xFFFFFFC0  }
0x92: {  	_ =	swait.ge [sflag:s30], $0x40  }
0x93: {  	[sflag:s30] =	ssyncset.done $0x0  }
0x94: {  	[sflag:s30] =	ssyncadd.s32 $0xFFFFFFC0  }
0x95: {  	_ =	swait.ge [sflag:s30], $0x40  }
0x96: {  	[sflag:s30] =	ssyncset.done $0x0  }
0x97: {  	[sflag:s30] =	ssyncadd.s32 $0xFFFFFFC0  }
0x98: {  	_ =	swait.ge [sflag:s30], $0x40  }
0x99: {  	[sflag:s30] =	ssyncset.done $0x0  }
0x9a: {  	[sflag:s30] =	ssyncadd.s32 $0xFFFFFFC0  }
0x9b: {  	_ =	swait.ge [sflag:s30], $0x40  }
0x9c: {  	[sflag:s30] =	ssyncset.done $0x0  }
0x9d: {  	[sflag:s30] =	ssyncadd.s32 $0xFFFFFFC0  }
0x9e: {  	_ =	swait.ge [sflag:s30], $0x40  }
0x9f: {  	[sflag:s30] =	ssyncset.done $0x0  }
0xa0: {  	[sflag:s30] =	ssyncadd.s32 $0xFFFFFFC0  }
0xa1: {  	_ =	swait.ge [sflag:s30], $0x40  }
0xa2: {  	[sflag:s30] =	ssyncset.done $0x0  }
0xa3: {  	[sflag:s30] =	ssyncadd.s32 $0xFFFFFFC0  }
0xa4: {  	_ =	swait.ge [sflag:s30], $0x40  }
0xa5: {  	[sflag:s30] =	ssyncset.done $0x0  }
0xa6: {  	[sflag:s30] =	ssyncadd.s32 $0xFFFFFFC0  }
0xa7: {  	v1 =	vld [tilespmem:$0x1B0]  }
0xa8: {  	v6 =	vld [tilespmem:$0x3B0]  }
0xa9: {  	v5 =	vld [tilespmem:$0x3A0]  }
0xaa: {  	v2 =	vld [tilespmem:$0x380]  }
0xab: {  	v9 =	vld [tilespmem:$0x400]  }
0xac: {  	v0 =	vld [tilespmem:$0x4A0]  }
.Ltmp1:
0xad: {  	v4 =	vld [tilespmem:$0x390];
	(pc) =	sbr.rel @p0 .LBB2_1-.Ltmp1, $4  }
0xae: {  	v3 =	vld [tilespmem:$0x410]  }
0xaf: {  	v7 =	vld [tilespmem:$0x90]  }
0xb0: {  	v10 =	vld [tilespmem:$0x100]  }
0xb1: {  	v8 =	vld [tilespmem:$0x110]  }
.LBB2_2:
0xb2: {  	v11 =	vld [tilespmem:$0x520]  }
0xb3: {  	v12 =	vld [tilespmem:$0x4B0]  }
0xb4: {  	v13 =	vld [tilespmem:$0xB0]  }
0xb5: {  	v14 =	vld [tilespmem:$0x120]  }
0xb6: {  	v15 =	vld [tilespmem:$0x420]  }
0xb7: {  	v17 =	vld [tilespmem:$0x500]  }
0xb8: {  	v16 =	vld [tilespmem:$0x80]  }
0xb9: {  	v18 =	vld [tilespmem:$0xA0]  }
0xba: {  	v20 =	vld [tilespmem:$0x510]  }
0xbb: {  	v19 =	vld [tilespmem:$0x2A0];
	v11 =	vadd.f32 $1.000000010e-07, v11  }
0xbc: {  	v36 =	vld [tilespmem:$0x530];
	v17 =	vadd.f32 $1.000000010e-07, v17  }
0xbd: {  	v21 =	vld [tilespmem:$0x1A0];
	(erf) = vrcp.f32 v11  }
0xbe: {  	v22 =	vld [tilespmem:$0x180];
	(erf) = vrcp.f32 v17  }
0xbf: {  	v23 =	vld [tilespmem:$0x480];
	v37 =	vadd.f32 $1.000000010e-07, v20  }
0xc0: {  	v38 =	vld [tilespmem:$0x220]  }
0xc1: {  	v24 =	vld [tilespmem:$0x190];
	(erf) = vrcp.f32 v37  }
0xc2: {  	v25 =	vld [tilespmem:$0x490];
	v11 =	vadd.f32 $1.000000010e-07, v36  }
0xc3: {  	v39 =	vld [tilespmem:$0x320]  }
0xc4: {  	v40 =	vld [tilespmem:$0x130];
	v9 =	vsub.f32 v9, v10;
	(erf) = vrcp.f32 v11  }
0xc5: {  	v42 =	vld [tilespmem:$0x200];
	v5 =	vsub.f32 v5, v18;
	v14 =	vsub.f32 v15, v14  }
0xc6: {  	v43 =	vld [tilespmem:$0x430];
	v0 =	vsub.f32 v0, v21;
	v2 =	vsub.f32 v2, v16;
	v41 =	vpop (erf)  }
0xc7: {  	v45 =	vld [tilespmem:$0x300];
	v46 =	vsub.f32 v23, v22;
	v5 =	vmul.f32 v41, v5;
	v44 =	vmul.f32 v14, v41;
	v47 =	vpop (erf)  }
0xc8: {  	v48 =	vld [tilespmem:$0x280];
	v4 =	vsub.f32 v4, v7;
	v0 =	vmul.f32 v0, v41;
	v2 =	vmul.f32 v47, v2  }
0xc9: {  	v50 =	vld [tilespmem:$0x230];
	v3 =	vsub.f32 v3, v8;
	v51 =	vmul.f32 v46, v47;
	v9 =	vmul.f32 v9, v47  }
0xca: {  	v52 =	vld [tilespmem:$0x210];
	v53 =	vsub.f32 v25, v24;
	v54 =	vpop (erf);
	v5 =	vmul.f32 v5, v38;
	v49 =	vmul.f32 v44, v19  }
0xcb: {  	v55 =	vld [tilespmem:$0x290];
	v6 =	vsub.f32 v6, v13;
	v0 =	vmul.f32 v0, v39;
	v4 =	vmul.f32 v54, v4  }
0xcc: {  	v56 =	vld [tilespmem:$0x2B0];
	v1 =	vsub.f32 v12, v1;
	v58 =	vmul.f32 v53, v54;
	v3 =	vmul.f32 v3, v54  }
0xcd: {  	v57 =	vld [tilespmem:$0x310];
	v10 =	vsub.f32 v43, v40;
	v59 =	vpop (erf);
	v2 =	vmul.f32 v2, v42;
	v7 =	vmul.f32 v51, v45  }
0xce: {  	v60 =	vld [tilespmem:$0x330];
	v9 =	vmul.f32 v9, v48;
	v1 =	vmul.f32 v1, v59  }
0xcf: {  	v10 =	vmul.f32 v10, v59;
	v6 =	vmul.f32 v59, v6  }
0xd0: {  	v5 =	vadd.f32 v49, v5;
	v4 =	vmul.f32 v4, v52;
	v3 =	vmul.f32 v3, v55  }
0xd1: {  	v2 =	vadd.f32 v9, v2;
	v8 =	vmul.f32 v10, v56;
	v6 =	vmul.f32 v6, v50  }
0xd2: {  	v61 =	vmul.f32 v58, v57;
	v0 =	vadd.f32 v0, v5;
	v3 =	vadd.f32 v3, v4  }
0xd3: {  	v1 =	vmul.f32 v1, v60;
	v2 =	vadd.f32 v7, v2;
	v62 =	vadd.f32 v8, v6  }
0xd4: {  	v0 =	vmul.f32 v0, v0;
	v3 =	vadd.f32 v61, v3  }
0xd5: {  	v2 =	vmul.f32 v2, v2;
	v1 =	vadd.f32 v1, v62  }
0xd6: {  	[tilespmem:$0x5A0] =	vst v0;
	v63 =	vmul.f32 v3, v3  }
0xd7: {  	[tilespmem:$0x580] =	vst v2;
	v1 =	vmul.f32 v1, v1  }
0xd8: {  	[tilespmem:$0x590] =	vst v63  }
0xd9: {  	[tilespmem:$0x5B0] =	vst v1  }
0xda: {  	[hbm4b:s3+s2] =	stream.linear.scatter [tilespmem:s5], [sflag:$0x3], $0x40, $0x38;
	[tilespmem:$0x600] =	vst v63  }
0xdb: {  	_ =	swait.ge [sflag:s4], $0x40  }
0xdc: {  	[sflag:s4] =	ssyncset.done $0x0  }
0xdd: {  	[sflag:s4] =	ssyncadd.s32 $0xFFFFFFC0  }
0xde: {  	_ =	sfence.sel $0x180000  }
0xdf: {  	[bflag:$0x0] =	sbarrier.arrive $0xFFFF  }
0xe0: {  	p0 =	sne.s32 s0, $0x0;
	_ =	strace $0x90000047  }
0xe1: {  	s0 =	sadd.s32 @!p0 $0x100000, s1;
	[bflag:$0x2] =	sbarrier.arrive $0xFFFF  }
0xe2: {  	[sflag:s0] =	ssyncadd.tile.s32 @!p0 $0x1;
	_ =	shalt  }
.Lfunc_end2:
_tile_overlayer_lowered:
.L_overlay_start_2:
0xe3: {  	(tag) =	ssettag $0x2  }
0xe4: {  	s0 =	rddreg [dreg:$0x0];
	s2 =	stileid.u32  }
0xe5: {  	s1 =	rddreg [dreg:$0x1];
	p0 =	sne.s32 s2, $0x0  }
0xe6: {  	s3 =	rddreg [dreg:$0x2];
	[bflag:$0x3] =	sbarrier.arrive $0xFFFF;
	s2 =	simm.s32 @!p0 $0x1C03  }
0xe7: {  	[timem:s3], [sflag:s2] =	dma.local @!p0 [hbm:s0], s1  }
0xe8: {  	s0 =	simm.s32 @!p0 $0x3  }
0xe9: {  	_ =	swait.ge @!p0 [sflag:s0], s1  }
0xea: {  	s1 =	ssub.s32 @!p0 $0x0, s1;
	[sflag:s0] =	ssyncset.done @!p0 $0x0  }
0xeb: {  	[sflag:s0] =	ssyncadd.s32 @!p0 s1  }
0xec: {  	[bflag:$0x3] =	sbarrier.arrive $0xFFFF  }
0xed: {  	_ =	shalt  }

</sc_bundles>
